<compile_context>
chip_gen: v7x
topology: tpu7x:2x2x1
jax: 0.10.2.dev20260603
libtpu: 0.0.44.dev20260713+nightly
codegen_flags: <defaults>
</compile_context>

<pallas_src>
import functools
import jax
import jax.numpy as jnp
from jax import lax
from jax.experimental import pallas as pl
from jax.experimental.pallas import tpu as pltpu
from jax.experimental.pallas import tpu_sc as plsc

N = 100000
E = 3200000
BLK = 1024
CHUNK = 128
NCHUNK = BLK // CHUNK
E_PAD = 3211264
EP_TILE = E_PAD // 16
NB = EP_TILE // BLK
EP_DEG = E_PAD // 32
NB_DEG = EP_DEG // BLK
NS = 102400
RPT = NS // 16
_ZCHUNKS = tuple((k * BLK, BLK) for k in range(6)) + ((6 * BLK, 256),)

ROWS = 800
NT = N // ROWS
NST = NS // ROWS



def _deg_body(dst_hbm, out_hbm, ones_v, zero_v, dst_v, acc_sh):
    c = lax.axis_index("c")
    tid = lax.axis_index("s")
    row0 = tid * RPT

    def init(k, carry):
        ones_v[pl.ds(k * 16, 16)] = jnp.ones((16,), jnp.float32)
        zero_v[pl.ds(k * 16, 16)] = jnp.zeros((16,), jnp.float32)
        return carry
    lax.fori_loop(0, BLK // 16, init, 0)

    for k0, sz in _ZCHUNKS:
        pltpu.sync_copy(zero_v.at[pl.ds(0, sz)], acc_sh.at[pl.ds(row0 + k0, sz)])
    plsc.subcore_barrier()

    def block(i, carry):
        dbase = (c * 16 + tid) * (EP_DEG // CHUNK) + i * NCHUNK
        pltpu.sync_copy(dst_hbm.at[pl.ds(dbase, NCHUNK)], dst_v)
        for j in range(NCHUNK):
            pltpu.sync_copy(ones_v.at[pl.ds(j * CHUNK, CHUNK)],
                            acc_sh.at[dst_v.at[j]], add=True)
        return carry
    lax.fori_loop(0, NB_DEG, block, 0)
    plsc.subcore_barrier()

    for k0, sz in _ZCHUNKS:
        pltpu.sync_copy(acc_sh.at[pl.ds(row0 + k0, sz)],
                        out_hbm.at[pl.ds(c * NS + row0 + k0, sz)])


def _sc_degree(dst2d):
    kern = pl.kernel(
        _deg_body,
        out_type=jax.ShapeDtypeStruct((2 * NS,), jnp.float32),
        mesh=plsc.VectorSubcoreMesh(core_axis_name="c", subcore_axis_name="s"),
        scratch_types=[
            pltpu.VMEM((BLK,), jnp.float32),
            pltpu.VMEM((BLK,), jnp.float32),
            pltpu.VMEM((NCHUNK, CHUNK), jnp.int32),
            pltpu.VMEM_SHARED((NS,), jnp.float32),
        ],
        compiler_params=pltpu.CompilerParams(use_tc_tiling_on_sc=False),
    )
    return kern(dst2d)


def _spmm_body(spc, g_hbm, src_hbm, dst_hbm, out_hbm,
               src_v, dst_v, rows_v, acc_sh, gsem):
    c = lax.axis_index("c")
    tid = lax.axis_index("s")
    row0 = tid * RPT
    nsl = 2 * spc

    for sl in range(spc):
        slice_id = c * spc + sl

        def zb(k, carry):
            rows_v[k, :] = jnp.zeros((16,), jnp.float32)
            return carry
        lax.fori_loop(0, BLK, zb, 0)
        for k0, sz in _ZCHUNKS:
            pltpu.sync_copy(rows_v.at[pl.ds(0, sz)], acc_sh.at[pl.ds(row0 + k0, sz)])
        plsc.subcore_barrier()

        def block(i, carry):
            base = tid * EP_TILE + i * BLK
            dbase = tid * (EP_TILE // CHUNK) + i * NCHUNK
            pltpu.sync_copy(src_hbm.at[pl.ds(base, BLK)], src_v)
            pltpu.sync_copy(dst_hbm.at[pl.ds(dbase, NCHUNK)], dst_v)
            offv = jnp.full((16,), slice_id, jnp.int32)
            mulv = jnp.full((16,), nsl, jnp.int32)

            def addoff(k, cc):
                src_v[pl.ds(k * 16, 16)] = src_v[pl.ds(k * 16, 16)] * mulv + offv
                return cc
            lax.fori_loop(0, BLK // 16, addoff, 0)

            handles = []
            for j in range(NCHUNK):
                handles.append(pltpu.async_copy(
                    g_hbm.at[src_v.at[pl.ds(j * CHUNK, CHUNK)]],
                    rows_v.at[pl.ds(j * CHUNK, CHUNK)], gsem))
            for h in handles:
                h.wait()
            for j in range(NCHUNK):
                pltpu.sync_copy(rows_v.at[pl.ds(j * CHUNK, CHUNK)],
                                acc_sh.at[dst_v.at[j]], add=True)
            return carry
        lax.fori_loop(0, NB, block, 0)
        plsc.subcore_barrier()

        out_base = slice_id * NS + row0
        for k0, sz in _ZCHUNKS:
            pltpu.sync_copy(acc_sh.at[pl.ds(row0 + k0, sz)],
                            out_hbm.at[pl.ds(out_base + k0, sz)])
        if sl + 1 < spc:
            plsc.subcore_barrier()


def _sc_spmm(g_blocked, srcp, dst2d, n_slices):
    spc = n_slices // 2
    kern = pl.kernel(
        functools.partial(_spmm_body, spc),
        out_type=jax.ShapeDtypeStruct((n_slices * NS, 16), jnp.float32),
        mesh=plsc.VectorSubcoreMesh(core_axis_name="c", subcore_axis_name="s"),
        scratch_types=[
            pltpu.VMEM((BLK,), jnp.int32),
            pltpu.VMEM((NCHUNK, CHUNK), jnp.int32),
            pltpu.VMEM((BLK, 16), jnp.float32),
            pltpu.VMEM_SHARED((NS, 16), jnp.float32),
            pltpu.SemaphoreType.DMA,
        ],
        compiler_params=pltpu.CompilerParams(use_tc_tiling_on_sc=False),
    )
    return kern(g_blocked, srcp, dst2d)


def _tgt_body(z_hbm, t_hbm, out_hbm, idx_v, rows_v, sem):
    c = lax.axis_index("c")
    tid = lax.axis_index("s")
    base = (c * 16 + tid) * BLK
    pltpu.sync_copy(t_hbm.at[pl.ds(base, BLK)], idx_v)
    handles = []
    for j in range(NCHUNK):
        handles.append(pltpu.async_copy(
            z_hbm.at[idx_v.at[pl.ds(j * CHUNK, CHUNK)]],
            rows_v.at[pl.ds(j * CHUNK, CHUNK)], sem))
    for h in handles:
        h.wait()
    pltpu.sync_copy(rows_v, out_hbm.at[pl.ds(base, BLK)])


def _sc_gather_targets(z, tflat):
    kern = pl.kernel(
        _tgt_body,
        out_type=jax.ShapeDtypeStruct((32768, 32), jnp.float32),
        mesh=plsc.VectorSubcoreMesh(core_axis_name="c", subcore_axis_name="s"),
        scratch_types=[
            pltpu.VMEM((BLK,), jnp.int32),
            pltpu.VMEM((BLK, 32), jnp.float32),
            pltpu.SemaphoreType.DMA,
        ],
        compiler_params=pltpu.CompilerParams(use_tc_tiling_on_sc=False),
    )
    return kern(z, tflat)



def _k2_body(x_ref, w_ref, d0_ref, d1_ref, g_ref, dinv_ref):
    dinv = lax.rsqrt(d0_ref[...] + d1_ref[...] + 1.0)
    g_ref[...] = jnp.dot(x_ref[...], w_ref[...],
                         preferred_element_type=jnp.float32) * dinv
    dinv_ref[...] = dinv


def _tc_scale_l1(x, W1, degpart):
    return pl.pallas_call(
        _k2_body,
        grid=(NT,),
        in_specs=[
            pl.BlockSpec((ROWS, 18), lambda t: (t, 0)),
            pl.BlockSpec((18, 64), lambda t: (0, 0)),
            pl.BlockSpec((ROWS, 1), lambda t: (t, 0)),
            pl.BlockSpec((ROWS, 1), lambda t: (NST + t, 0)),
        ],
        out_specs=[
            pl.BlockSpec((ROWS, 64), lambda t: (t, 0)),
            pl.BlockSpec((ROWS, 1), lambda t: (t, 0)),
        ],
        out_shape=[
            jax.ShapeDtypeStruct((N, 64), jnp.float32),
            jax.ShapeDtypeStruct((N, 1), jnp.float32),
        ],
    )(x, W1, degpart, degpart)


def _k4_body(a0, a1, a2, a3, g_ref, dinv_ref, b1_ref, w_ref, out_ref):
    dinv = dinv_ref[...]
    acc = jnp.concatenate([a[...] for a in (a0, a1, a2, a3)], axis=1)
    h = jax.nn.relu(dinv * (acc + g_ref[...]) + b1_ref[...])
    out_ref[...] = jnp.dot(h, w_ref[...], preferred_element_type=jnp.float32) * dinv


def _tc_layer2_tables(acc1, g1flat, dinv, b1, W2):
    in_acc = [pl.BlockSpec((ROWS, 16), functools.partial(
        lambda s, t: (s * NST + t, 0), s)) for s in range(4)]
    return pl.pallas_call(
        _k4_body,
        grid=(NT,),
        in_specs=in_acc + [
            pl.BlockSpec((ROWS, 64), lambda t: (t, 0)),
            pl.BlockSpec((ROWS, 1), lambda t: (t, 0)),
            pl.BlockSpec((1, 64), lambda t: (0, 0)),
            pl.BlockSpec((64, 32), lambda t: (0, 0)),
        ],
        out_specs=pl.BlockSpec((ROWS, 32), lambda t: (t, 0)),
        out_shape=jax.ShapeDtypeStruct((N, 32), jnp.float32),
    )(acc1, acc1, acc1, acc1, g1flat, dinv, b1.reshape(1, 64), W2)


def _k6_body(a0, a1, g_ref, dinv_ref, b2_ref, z_ref):
    dinv = dinv_ref[...]
    acc = jnp.concatenate([a[...] for a in (a0, a1)], axis=1)
    z_ref[...] = dinv * (acc + g_ref[...]) + b2_ref[...]


def _tc_assemble_z(acc2, g2flat, dinv, b2):
    in_acc = [pl.BlockSpec((ROWS, 16), functools.partial(
        lambda s, t: (s * NST + t, 0), s)) for s in range(2)]
    return pl.pallas_call(
        _k6_body,
        grid=(NT,),
        in_specs=in_acc + [
            pl.BlockSpec((ROWS, 32), lambda t: (t, 0)),
            pl.BlockSpec((ROWS, 1), lambda t: (t, 0)),
            pl.BlockSpec((1, 32), lambda t: (0, 0)),
        ],
        out_specs=pl.BlockSpec((ROWS, 32), lambda t: (t, 0)),
        out_shape=jax.ShapeDtypeStruct((N, 32), jnp.float32),
    )(acc2, acc2, g2flat, dinv, b2.reshape(1, 32))


def _k8_body(s_ref, d_ref, w_ref, bout_ref, o_ref):
    prod = s_ref[...] * d_ref[...] * w_ref[...]
    o_ref[...] = jnp.sum(prod, axis=1, keepdims=True) + bout_ref[...]


def _tc_score(pairs, Wout, bout):
    return pl.pallas_call(
        _k8_body,
        grid=(8,),
        in_specs=[
            pl.BlockSpec((2048, 32), lambda t: (t, 0)),
            pl.BlockSpec((2048, 32), lambda t: (8 + t, 0)),
            pl.BlockSpec((1, 32), lambda t: (0, 0)),
            pl.BlockSpec((1, 1), lambda t: (0, 0)),
        ],
        out_specs=pl.BlockSpec((2048, 1), lambda t: (t, 0)),
        out_shape=jax.ShapeDtypeStruct((16384, 1), jnp.float32),
    )(pairs, pairs, Wout.reshape(1, 32), bout.reshape(1, 1))



@jax.jit
def kernel(x, ei, targets, W1, b1, W2, b2, Wout, bout):
    src, dst = ei[0], ei[1]
    pad = E_PAD - E
    srcp = jnp.concatenate([src, jnp.zeros((pad,), jnp.int32)])
    dstp = jnp.concatenate([dst, jnp.full((pad,), N, jnp.int32)])
    dst2d = dstp.reshape(E_PAD // CHUNK, CHUNK)

    degpart = _sc_degree(dst2d).reshape(2 * NS, 1)

    g1flat, dinv = _tc_scale_l1(x, W1, degpart)
    acc1 = _sc_spmm(g1flat.reshape(4 * N, 16), srcp, dst2d, 4)
    g2flat = _tc_layer2_tables(acc1, g1flat, dinv, b1, W2)
    acc2 = _sc_spmm(g2flat.reshape(2 * N, 16), srcp, dst2d, 2)
    z = _tc_assemble_z(acc2, g2flat, dinv, b2)
    pairs = _sc_gather_targets(z, targets.reshape(-1))
    return _tc_score(pairs, Wout, bout)

# --- scband reference (transcript-rebuilt; emitter-appended) ---
"""Pipeline reference for scband-seal-31198642438218 (READ-ONLY COPY).

The authoritative reference and input builder live on the scoring server;
editing this copy changes nothing except your own understanding.
"""

import jax, jax.numpy as jnp
import numpy as np

N = 100000
E = 3200000
B = 16384
ENC = 18   # drnl_idx(khops*2, khops*2) + 1 for khops=2
HID = 64
EMB = 32


def setup_inputs(seed: int = 0) -> dict:
    key = jax.random.key(seed)
    ks = jax.random.split(key, 9)
    x = jax.random.uniform(ks[0], (N, ENC), dtype=jnp.float32)
    ei = jax.random.randint(ks[1], (2, E), 0, N, dtype=jnp.int32)
    targets = jax.random.randint(ks[2], (2, B), 0, N, dtype=jnp.int32)
    W1 = jax.random.normal(ks[3], (ENC, HID), dtype=jnp.float32) * (1.0 / np.sqrt(ENC))
    b1 = jnp.zeros((HID,), dtype=jnp.float32)
    W2 = jax.random.normal(ks[4], (HID, EMB), dtype=jnp.float32) * (1.0 / np.sqrt(HID))
    b2 = jnp.zeros((EMB,), dtype=jnp.float32)
    Wout = jax.random.normal(ks[5], (EMB, 1), dtype=jnp.float32) * (1.0 / np.sqrt(EMB))
    bout = jnp.zeros((1,), dtype=jnp.float32)
    return {"x": x, "ei": ei, "targets": targets, "W1": W1, "b1": b1,
            "W2": W2, "b2": b2, "Wout": Wout, "bout": bout}


def _gcn_conv(x, W, b, src, dst):
    # GCNConv with add_self_loops=True, symmetric normalization.
    n = x.shape[0]
    h = x @ W
    # degree includes the self-loop weight (+1 per node)
    deg = jnp.zeros((n,), dtype=h.dtype).at[dst].add(1.0) + 1.0
    dinv = jax.lax.rsqrt(deg)
    norm = dinv[src] * dinv[dst]
    msgs = h[src] * norm[:, None]
    out = jnp.zeros_like(h).at[dst].add(msgs)
    # self-loop contribution: norm_ii = dinv[i]^2
    out = out + h * (dinv * dinv)[:, None]
    return out + b


def reference(x, ei, targets, W1, b1, W2, b2, Wout, bout):
    src, dst = ei[0], ei[1]
    # GCN with num_layers = khops = 2, out_channels = embed_size
    h = _gcn_conv(x, W1, b1, src, dst)
    h = jax.nn.relu(h)
    z = _gcn_conv(h, W2, b2, src, dst)
    # dropout=0.1 is identity in eval mode
    s = z[targets[0]]
    d = z[targets[1]]
    return (s * d) @ Wout + bout

if __name__ == "__main__":
    import jax
    _d = setup_inputs()
    print(jax.jit(kernel)(*tuple(_d.values())))

</pallas_src>

<mosaic_0001>
#map = affine_map<(d0, d1) -> (0, 0)>
#map1 = affine_map<(d0, d1) -> (0)>
module attributes {stable_mosaic.version = 14 : i64} {
  func.func @_spmm_body(%arg0: i32, %arg1: i32, %arg2: memref<400000x16xf32, #tpu.memory_space<hbm>>, %arg3: memref<3211264xi32, #tpu.memory_space<hbm>>, %arg4: memref<25088x128xi32, #tpu.memory_space<hbm>>, %arg5: memref<409600x16xf32, #tpu.memory_space<hbm>>, %arg6: memref<1024xi32, #tpu.memory_space<vmem>>, %arg7: memref<8x128xi32, #tpu.memory_space<vmem>>, %arg8: memref<1024x16xf32, #tpu.memory_space<vmem>>, %arg9: memref<102400x16xf32, #tpu.memory_space<vmem_shared>>, %arg10: memref<!tpu.dma_semaphore, #tpu.memory_space<semaphore_mem>>) attributes {dimension_semantics = [#tpu.dimension_semantics<core_parallel>, #tpu.dimension_semantics<subcore_parallel>], iteration_bounds = array<i64: 2, 16>, scalar_prefetch = 0 : i64, scratch_operands = 5 : i64, tpu.core_type = #tpu.core_type<sc_vector_subcore>, window_params = [{transform_indices = #map}, {transform_indices = #map1}, {transform_indices = #map}, {transform_indices = #map}]} {
    %mul3A = arith.constant 6400 : i32
    %mul3A_0 = arith.muli %arg1, %mul3A : i32
    %mul3A_1 = arith.constant 2 : i32
    %mul3A_2 = arith.muli %arg0, %mul3A_1 : i32
    %add3A = arith.constant 0 : i32
    %add3A_3 = arith.addi %mul3A_2, %add3A : i32
    %scan3A = arith.constant 0 : i32
    %scan3A_4 = arith.constant 0 : i32
    %scan3A_5 = arith.constant 1024 : i32
    %scan3A_6 = arith.addi %scan3A_4, %scan3A_5 : i32
    %scan3A_7 = arith.constant 1 : i32
    scf.for %scan3A_125 = %scan3A_4 to %scan3A_6 step %scan3A_7  : i32 {
      %broadcast_in_dim3A = arith.constant 0.000000e+00 : f32
      %broadcast_in_dim3A_126 = vector.broadcast %broadcast_in_dim3A : f32 to vector<16xf32>
      %swap3A = arith.index_cast %scan3A_125 : i32 to index
      %swap3A_127 = arith.constant 0 : index
      %swap3A_128 = tpu.vector_load %arg8[%swap3A, %swap3A_127] {strides = array<i32>} : memref<1024x16xf32, #tpu.memory_space<vmem>>, vector<1x16xf32>,
      %swap3A_129 = vector.shape_cast %swap3A_128 : vector<1x16xf32> to vector<16xf32>
      %swap3A_130 = vector.shape_cast %broadcast_in_dim3A_126 : vector<16xf32> to vector<1x16xf32>
      tpu.vector_store %arg8[%swap3A, %swap3A_127], %swap3A_130 {strides = array<i32>} : memref<1024x16xf32, #tpu.memory_space<vmem>>, vector<1x16xf32>,
    }
    %scan3A_8 = arith.constant 1024 : i32
    %add3A_9 = arith.constant 0 : i32
    %add3A_10 = arith.addi %mul3A_0, %add3A_9 : i32
    "tpu.region"() ({
      %run_scoped3A = tpu.sem_alloc : memref<!tpu.dma_semaphore, #tpu.memory_space<semaphore_mem>>
      %dma_start3A = arith.constant 0 : i32
      %dma_start3A_125 = arith.constant 0 : i32
      %dma_start3A_126 = tpu.memref_slice %arg8[%dma_start3A, %dma_start3A_125] : memref<1024x16xf32, #tpu.memory_space<vmem>> -> memref<1024x16xf32, #tpu.memory_space<vmem>>
      %dma_start3A_127 = arith.constant 0 : i32
      %dma_start3A_128 = tpu.memref_slice %arg9[%add3A_10, %dma_start3A_127] : memref<102400x16xf32, #tpu.memory_space<vmem_shared>> -> memref<1024x16xf32, #tpu.memory_space<vmem_shared>>
      %dma_start3A_129 = arith.constant 0 : i32
      %dma_start3A_130 = tpu.memref_slice %arg9[%add3A_10, %dma_start3A_129] : memref<102400x16xf32, #tpu.memory_space<vmem_shared>> -> memref<1024x16xf32, #tpu.memory_space<vmem_shared>>
      %dma_start3A_131 = arith.constant 0 : i32
      %dma_start3A_132 = arith.constant 0 : i32
      %dma_start3A_133 = tpu.memref_slice %arg8[%dma_start3A_131, %dma_start3A_132] : memref<1024x16xf32, #tpu.memory_space<vmem>> -> memref<1024x16xf32, #tpu.memory_space<vmem>>
      tpu.enqueue_dma source(%dma_start3A_133 : memref<1024x16xf32, #tpu.memory_space<vmem>>) target(%dma_start3A_130 : memref<1024x16xf32, #tpu.memory_space<vmem_shared>>) target_semaphore(%run_scoped3A : memref<!tpu.dma_semaphore, #tpu.memory_space<semaphore_mem>>)
      %dma_wait3A = arith.constant 0 : i32
      %dma_wait3A_134 = arith.constant 0 : i32
      %dma_wait3A_135 = tpu.memref_slice %arg8[%dma_wait3A, %dma_wait3A_134] : memref<1024x16xf32, #tpu.memory_space<vmem>> -> memref<1024x16xf32, #tpu.memory_space<vmem>>
      %dma_wait3A_136 = arith.constant 0 : i32
      %dma_wait3A_137 = tpu.memref_slice %arg9[%add3A_10, %dma_wait3A_136] : memref<102400x16xf32, #tpu.memory_space<vmem_shared>> -> memref<1024x16xf32, #tpu.memory_space<vmem_shared>>
      %dma_wait3A_138 = arith.constant 0 : i32
      %dma_wait3A_139 = tpu.memref_slice %arg9[%add3A_10, %dma_wait3A_138] : memref<102400x16xf32, #tpu.memory_space<vmem_shared>> -> memref<1024x16xf32, #tpu.memory_space<vmem_shared>>
      %dma_wait3A_140 = arith.constant 0 : i32
      %dma_wait3A_141 = arith.constant 0 : i32
      %dma_wait3A_142 = tpu.memref_slice %arg8[%dma_wait3A_140, %dma_wait3A_141] : memref<1024x16xf32, #tpu.memory_space<vmem>> -> memref<1024x16xf32, #tpu.memory_space<vmem>>
      tpu.wait_dma2 semaphore(%run_scoped3A : memref<!tpu.dma_semaphore, #tpu.memory_space<semaphore_mem>>) src(%dma_wait3A_142 : memref<1024x16xf32, #tpu.memory_space<vmem>>) dst(%dma_wait3A_139 : memref<1024x16xf32, #tpu.memory_space<vmem_shared>>)
      tpu.yield
    }) : () -> ()
    %add3A_11 = arith.constant 1024 : i32
    %add3A_12 = arith.addi %mul3A_0, %add3A_11 : i32
    "tpu.region"() ({
      %run_scoped3A = tpu.sem_alloc : memref<!tpu.dma_semaphore, #tpu.memory_space<semaphore_mem>>
      %dma_start3A = arith.constant 0 : i32
      %dma_start3A_125 = arith.constant 0 : i32
      %dma_start3A_126 = tpu.memref_slice %arg8[%dma_start3A, %dma_start3A_125] : memref<1024x16xf32, #tpu.memory_space<vmem>> -> memref<1024x16xf32, #tpu.memory_space<vmem>>
      %dma_start3A_127 = arith.constant 0 : i32
      %dma_start3A_128 = tpu.memref_slice %arg9[%add3A_12, %dma_start3A_127] : memref<102400x16xf32, #tpu.memory_space<vmem_shared>> -> memref<1024x16xf32, #tpu.memory_space<vmem_shared>>
      %dma_start3A_129 = arith.constant 0 : i32
      %dma_start3A_130 = tpu.memref_slice %arg9[%add3A_12, %dma_start3A_129] : memref<102400x16xf32, #tpu.memory_space<vmem_shared>> -> memref<1024x16xf32, #tpu.memory_space<vmem_shared>>
      %dma_start3A_131 = arith.constant 0 : i32
      %dma_start3A_132 = arith.constant 0 : i32
      %dma_start3A_133 = tpu.memref_slice %arg8[%dma_start3A_131, %dma_start3A_132] : memref<1024x16xf32, #tpu.memory_space<vmem>> -> memref<1024x16xf32, #tpu.memory_space<vmem>>
      tpu.enqueue_dma source(%dma_start3A_133 : memref<1024x16xf32, #tpu.memory_space<vmem>>) target(%dma_start3A_130 : memref<1024x16xf32, #tpu.memory_space<vmem_shared>>) target_semaphore(%run_scoped3A : memref<!tpu.dma_semaphore, #tpu.memory_space<semaphore_mem>>)
      %dma_wait3A = arith.constant 0 : i32
      %dma_wait3A_134 = arith.constant 0 : i32
      %dma_wait3A_135 = tpu.memref_slice %arg8[%dma_wait3A, %dma_wait3A_134] : memref<1024x16xf32, #tpu.memory_space<vmem>> -> memref<1024x16xf32, #tpu.memory_space<vmem>>
      %dma_wait3A_136 = arith.constant 0 : i32
      %dma_wait3A_137 = tpu.memref_slice %arg9[%add3A_12, %dma_wait3A_136] : memref<102400x16xf32, #tpu.memory_space<vmem_shared>> -> memref<1024x16xf32, #tpu.memory_space<vmem_shared>>
      %dma_wait3A_138 = arith.constant 0 : i32
      %dma_wait3A_139 = tpu.memref_slice %arg9[%add3A_12, %dma_wait3A_138] : memref<102400x16xf32, #tpu.memory_space<vmem_shared>> -> memref<1024x16xf32, #tpu.memory_space<vmem_shared>>
      %dma_wait3A_140 = arith.constant 0 : i32
      %dma_wait3A_141 = arith.constant 0 : i32
      %dma_wait3A_142 = tpu.memref_slice %arg8[%dma_wait3A_140, %dma_wait3A_141] : memref<1024x16xf32, #tpu.memory_space<vmem>> -> memref<1024x16xf32, #tpu.memory_space<vmem>>
      tpu.wait_dma2 semaphore(%run_scoped3A : memref<!tpu.dma_semaphore, #tpu.memory_space<semaphore_mem>>) src(%dma_wait3A_142 : memref<1024x16xf32, #tpu.memory_space<vmem>>) dst(%dma_wait3A_139 : memref<1024x16xf32, #tpu.memory_space<vmem_shared>>)
      tpu.yield
    }) : () -> ()
    %add3A_13 = arith.constant 2048 : i32
    %add3A_14 = arith.addi %mul3A_0, %add3A_13 : i32
    "tpu.region"() ({
      %run_scoped3A = tpu.sem_alloc : memref<!tpu.dma_semaphore, #tpu.memory_space<semaphore_mem>>
      %dma_start3A = arith.constant 0 : i32
      %dma_start3A_125 = arith.constant 0 : i32
      %dma_start3A_126 = tpu.memref_slice %arg8[%dma_start3A, %dma_start3A_125] : memref<1024x16xf32, #tpu.memory_space<vmem>> -> memref<1024x16xf32, #tpu.memory_space<vmem>>
      %dma_start3A_127 = arith.constant 0 : i32
      %dma_start3A_128 = tpu.memref_slice %arg9[%add3A_14, %dma_start3A_127] : memref<102400x16xf32, #tpu.memory_space<vmem_shared>> -> memref<1024x16xf32, #tpu.memory_space<vmem_shared>>
      %dma_start3A_129 = arith.constant 0 : i32
      %dma_start3A_130 = tpu.memref_slice %arg9[%add3A_14, %dma_start3A_129] : memref<102400x16xf32, #tpu.memory_space<vmem_shared>> -> memref<1024x16xf32, #tpu.memory_space<vmem_shared>>
      %dma_start3A_131 = arith.constant 0 : i32
      %dma_start3A_132 = arith.constant 0 : i32
      %dma_start3A_133 = tpu.memref_slice %arg8[%dma_start3A_131, %dma_start3A_132] : memref<1024x16xf32, #tpu.memory_space<vmem>> -> memref<1024x16xf32, #tpu.memory_space<vmem>>
      tpu.enqueue_dma source(%dma_start3A_133 : memref<1024x16xf32, #tpu.memory_space<vmem>>) target(%dma_start3A_130 : memref<1024x16xf32, #tpu.memory_space<vmem_shared>>) target_semaphore(%run_scoped3A : memref<!tpu.dma_semaphore, #tpu.memory_space<semaphore_mem>>)
      %dma_wait3A = arith.constant 0 : i32
      %dma_wait3A_134 = arith.constant 0 : i32
      %dma_wait3A_135 = tpu.memref_slice %arg8[%dma_wait3A, %dma_wait3A_134] : memref<1024x16xf32, #tpu.memory_space<vmem>> -> memref<1024x16xf32, #tpu.memory_space<vmem>>
      %dma_wait3A_136 = arith.constant 0 : i32
      %dma_wait3A_137 = tpu.memref_slice %arg9[%add3A_14, %dma_wait3A_136] : memref<102400x16xf32, #tpu.memory_space<vmem_shared>> -> memref<1024x16xf32, #tpu.memory_space<vmem_shared>>
      %dma_wait3A_138 = arith.constant 0 : i32
      %dma_wait3A_139 = tpu.memref_slice %arg9[%add3A_14, %dma_wait3A_138] : memref<102400x16xf32, #tpu.memory_space<vmem_shared>> -> memref<1024x16xf32, #tpu.memory_space<vmem_shared>>
      %dma_wait3A_140 = arith.constant 0 : i32
      %dma_wait3A_141 = arith.constant 0 : i32
      %dma_wait3A_142 = tpu.memref_slice %arg8[%dma_wait3A_140, %dma_wait3A_141] : memref<1024x16xf32, #tpu.memory_space<vmem>> -> memref<1024x16xf32, #tpu.memory_space<vmem>>
      tpu.wait_dma2 semaphore(%run_scoped3A : memref<!tpu.dma_semaphore, #tpu.memory_space<semaphore_mem>>) src(%dma_wait3A_142 : memref<1024x16xf32, #tpu.memory_space<vmem>>) dst(%dma_wait3A_139 : memref<1024x16xf32, #tpu.memory_space<vmem_shared>>)
      tpu.yield
    }) : () -> ()
    %add3A_15 = arith.constant 3072 : i32
    %add3A_16 = arith.addi %mul3A_0, %add3A_15 : i32
    "tpu.region"() ({
      %run_scoped3A = tpu.sem_alloc : memref<!tpu.dma_semaphore, #tpu.memory_space<semaphore_mem>>
      %dma_start3A = arith.constant 0 : i32
      %dma_start3A_125 = arith.constant 0 : i32
      %dma_start3A_126 = tpu.memref_slice %arg8[%dma_start3A, %dma_start3A_125] : memref<1024x16xf32, #tpu.memory_space<vmem>> -> memref<1024x16xf32, #tpu.memory_space<vmem>>
      %dma_start3A_127 = arith.constant 0 : i32
      %dma_start3A_128 = tpu.memref_slice %arg9[%add3A_16, %dma_start3A_127] : memref<102400x16xf32, #tpu.memory_space<vmem_shared>> -> memref<1024x16xf32, #tpu.memory_space<vmem_shared>>
      %dma_start3A_129 = arith.constant 0 : i32
      %dma_start3A_130 = tpu.memref_slice %arg9[%add3A_16, %dma_start3A_129] : memref<102400x16xf32, #tpu.memory_space<vmem_shared>> -> memref<1024x16xf32, #tpu.memory_space<vmem_shared>>
      %dma_start3A_131 = arith.constant 0 : i32
      %dma_start3A_132 = arith.constant 0 : i32
      %dma_start3A_133 = tpu.memref_slice %arg8[%dma_start3A_131, %dma_start3A_132] : memref<1024x16xf32, #tpu.memory_space<vmem>> -> memref<1024x16xf32, #tpu.memory_space<vmem>>
      tpu.enqueue_dma source(%dma_start3A_133 : memref<1024x16xf32, #tpu.memory_space<vmem>>) target(%dma_start3A_130 : memref<1024x16xf32, #tpu.memory_space<vmem_shared>>) target_semaphore(%run_scoped3A : memref<!tpu.dma_semaphore, #tpu.memory_space<semaphore_mem>>)
      %dma_wait3A = arith.constant 0 : i32
      %dma_wait3A_134 = arith.constant 0 : i32
      %dma_wait3A_135 = tpu.memref_slice %arg8[%dma_wait3A, %dma_wait3A_134] : memref<1024x16xf32, #tpu.memory_space<vmem>> -> memref<1024x16xf32, #tpu.memory_space<vmem>>
      %dma_wait3A_136 = arith.constant 0 : i32
      %dma_wait3A_137 = tpu.memref_slice %arg9[%add3A_16, %dma_wait3A_136] : memref<102400x16xf32, #tpu.memory_space<vmem_shared>> -> memref<1024x16xf32, #tpu.memory_space<vmem_shared>>
      %dma_wait3A_138 = arith.constant 0 : i32
      %dma_wait3A_139 = tpu.memref_slice %arg9[%add3A_16, %dma_wait3A_138] : memref<102400x16xf32, #tpu.memory_space<vmem_shared>> -> memref<1024x16xf32, #tpu.memory_space<vmem_shared>>
      %dma_wait3A_140 = arith.constant 0 : i32
      %dma_wait3A_141 = arith.constant 0 : i32
      %dma_wait3A_142 = tpu.memref_slice %arg8[%dma_wait3A_140, %dma_wait3A_141] : memref<1024x16xf32, #tpu.memory_space<vmem>> -> memref<1024x16xf32, #tpu.memory_space<vmem>>
      tpu.wait_dma2 semaphore(%run_scoped3A : memref<!tpu.dma_semaphore, #tpu.memory_space<semaphore_mem>>) src(%dma_wait3A_142 : memref<1024x16xf32, #tpu.memory_space<vmem>>) dst(%dma_wait3A_139 : memref<1024x16xf32, #tpu.memory_space<vmem_shared>>)
      tpu.yield
    }) : () -> ()
    %add3A_17 = arith.constant 4096 : i32
    %add3A_18 = arith.addi %mul3A_0, %add3A_17 : i32
    "tpu.region"() ({
      %run_scoped3A = tpu.sem_alloc : memref<!tpu.dma_semaphore, #tpu.memory_space<semaphore_mem>>
      %dma_start3A = arith.constant 0 : i32
      %dma_start3A_125 = arith.constant 0 : i32
      %dma_start3A_126 = tpu.memref_slice %arg8[%dma_start3A, %dma_start3A_125] : memref<1024x16xf32, #tpu.memory_space<vmem>> -> memref<1024x16xf32, #tpu.memory_space<vmem>>
      %dma_start3A_127 = arith.constant 0 : i32
      %dma_start3A_128 = tpu.memref_slice %arg9[%add3A_18, %dma_start3A_127] : memref<102400x16xf32, #tpu.memory_space<vmem_shared>> -> memref<1024x16xf32, #tpu.memory_space<vmem_shared>>
      %dma_start3A_129 = arith.constant 0 : i32
      %dma_start3A_130 = tpu.memref_slice %arg9[%add3A_18, %dma_start3A_129] : memref<102400x16xf32, #tpu.memory_space<vmem_shared>> -> memref<1024x16xf32, #tpu.memory_space<vmem_shared>>
      %dma_start3A_131 = arith.constant 0 : i32
      %dma_start3A_132 = arith.constant 0 : i32
      %dma_start3A_133 = tpu.memref_slice %arg8[%dma_start3A_131, %dma_start3A_132] : memref<1024x16xf32, #tpu.memory_space<vmem>> -> memref<1024x16xf32, #tpu.memory_space<vmem>>
      tpu.enqueue_dma source(%dma_start3A_133 : memref<1024x16xf32, #tpu.memory_space<vmem>>) target(%dma_start3A_130 : memref<1024x16xf32, #tpu.memory_space<vmem_shared>>) target_semaphore(%run_scoped3A : memref<!tpu.dma_semaphore, #tpu.memory_space<semaphore_mem>>)
      %dma_wait3A = arith.constant 0 : i32
      %dma_wait3A_134 = arith.constant 0 : i32
      %dma_wait3A_135 = tpu.memref_slice %arg8[%dma_wait3A, %dma_wait3A_134] : memref<1024x16xf32, #tpu.memory_space<vmem>> -> memref<1024x16xf32, #tpu.memory_space<vmem>>
      %dma_wait3A_136 = arith.constant 0 : i32
      %dma_wait3A_137 = tpu.memref_slice %arg9[%add3A_18, %dma_wait3A_136] : memref<102400x16xf32, #tpu.memory_space<vmem_shared>> -> memref<1024x16xf32, #tpu.memory_space<vmem_shared>>
      %dma_wait3A_138 = arith.constant 0 : i32
      %dma_wait3A_139 = tpu.memref_slice %arg9[%add3A_18, %dma_wait3A_138] : memref<102400x16xf32, #tpu.memory_space<vmem_shared>> -> memref<1024x16xf32, #tpu.memory_space<vmem_shared>>
      %dma_wait3A_140 = arith.constant 0 : i32
      %dma_wait3A_141 = arith.constant 0 : i32
      %dma_wait3A_142 = tpu.memref_slice %arg8[%dma_wait3A_140, %dma_wait3A_141] : memref<1024x16xf32, #tpu.memory_space<vmem>> -> memref<1024x16xf32, #tpu.memory_space<vmem>>
      tpu.wait_dma2 semaphore(%run_scoped3A : memref<!tpu.dma_semaphore, #tpu.memory_space<semaphore_mem>>) src(%dma_wait3A_142 : memref<1024x16xf32, #tpu.memory_space<vmem>>) dst(%dma_wait3A_139 : memref<1024x16xf32, #tpu.memory_space<vmem_shared>>)
      tpu.yield
    }) : () -> ()
    %add3A_19 = arith.constant 5120 : i32
    %add3A_20 = arith.addi %mul3A_0, %add3A_19 : i32
    "tpu.region"() ({
      %run_scoped3A = tpu.sem_alloc : memref<!tpu.dma_semaphore, #tpu.memory_space<semaphore_mem>>
      %dma_start3A = arith.constant 0 : i32
      %dma_start3A_125 = arith.constant 0 : i32
      %dma_start3A_126 = tpu.memref_slice %arg8[%dma_start3A, %dma_start3A_125] : memref<1024x16xf32, #tpu.memory_space<vmem>> -> memref<1024x16xf32, #tpu.memory_space<vmem>>
      %dma_start3A_127 = arith.constant 0 : i32
      %dma_start3A_128 = tpu.memref_slice %arg9[%add3A_20, %dma_start3A_127] : memref<102400x16xf32, #tpu.memory_space<vmem_shared>> -> memref<1024x16xf32, #tpu.memory_space<vmem_shared>>
      %dma_start3A_129 = arith.constant 0 : i32
      %dma_start3A_130 = tpu.memref_slice %arg9[%add3A_20, %dma_start3A_129] : memref<102400x16xf32, #tpu.memory_space<vmem_shared>> -> memref<1024x16xf32, #tpu.memory_space<vmem_shared>>
      %dma_start3A_131 = arith.constant 0 : i32
      %dma_start3A_132 = arith.constant 0 : i32
      %dma_start3A_133 = tpu.memref_slice %arg8[%dma_start3A_131, %dma_start3A_132] : memref<1024x16xf32, #tpu.memory_space<vmem>> -> memref<1024x16xf32, #tpu.memory_space<vmem>>
      tpu.enqueue_dma source(%dma_start3A_133 : memref<1024x16xf32, #tpu.memory_space<vmem>>) target(%dma_start3A_130 : memref<1024x16xf32, #tpu.memory_space<vmem_shared>>) target_semaphore(%run_scoped3A : memref<!tpu.dma_semaphore, #tpu.memory_space<semaphore_mem>>)
      %dma_wait3A = arith.constant 0 : i32
      %dma_wait3A_134 = arith.constant 0 : i32
      %dma_wait3A_135 = tpu.memref_slice %arg8[%dma_wait3A, %dma_wait3A_134] : memref<1024x16xf32, #tpu.memory_space<vmem>> -> memref<1024x16xf32, #tpu.memory_space<vmem>>
      %dma_wait3A_136 = arith.constant 0 : i32
      %dma_wait3A_137 = tpu.memref_slice %arg9[%add3A_20, %dma_wait3A_136] : memref<102400x16xf32, #tpu.memory_space<vmem_shared>> -> memref<1024x16xf32, #tpu.memory_space<vmem_shared>>
      %dma_wait3A_138 = arith.constant 0 : i32
      %dma_wait3A_139 = tpu.memref_slice %arg9[%add3A_20, %dma_wait3A_138] : memref<102400x16xf32, #tpu.memory_space<vmem_shared>> -> memref<1024x16xf32, #tpu.memory_space<vmem_shared>>
      %dma_wait3A_140 = arith.constant 0 : i32
      %dma_wait3A_141 = arith.constant 0 : i32
      %dma_wait3A_142 = tpu.memref_slice %arg8[%dma_wait3A_140, %dma_wait3A_141] : memref<1024x16xf32, #tpu.memory_space<vmem>> -> memref<1024x16xf32, #tpu.memory_space<vmem>>
      tpu.wait_dma2 semaphore(%run_scoped3A : memref<!tpu.dma_semaphore, #tpu.memory_space<semaphore_mem>>) src(%dma_wait3A_142 : memref<1024x16xf32, #tpu.memory_space<vmem>>) dst(%dma_wait3A_139 : memref<1024x16xf32, #tpu.memory_space<vmem_shared>>)
      tpu.yield
    }) : () -> ()
    %add3A_21 = arith.constant 6144 : i32
    %add3A_22 = arith.addi %mul3A_0, %add3A_21 : i32
    "tpu.region"() ({
      %run_scoped3A = tpu.sem_alloc : memref<!tpu.dma_semaphore, #tpu.memory_space<semaphore_mem>>
      %dma_start3A = arith.constant 0 : i32
      %dma_start3A_125 = arith.constant 0 : i32
      %dma_start3A_126 = tpu.memref_slice %arg8[%dma_start3A, %dma_start3A_125] : memref<1024x16xf32, #tpu.memory_space<vmem>> -> memref<256x16xf32, #tpu.memory_space<vmem>>
      %dma_start3A_127 = arith.constant 0 : i32
      %dma_start3A_128 = tpu.memref_slice %arg9[%add3A_22, %dma_start3A_127] : memref<102400x16xf32, #tpu.memory_space<vmem_shared>> -> memref<256x16xf32, #tpu.memory_space<vmem_shared>>
      %dma_start3A_129 = arith.constant 0 : i32
      %dma_start3A_130 = tpu.memref_slice %arg9[%add3A_22, %dma_start3A_129] : memref<102400x16xf32, #tpu.memory_space<vmem_shared>> -> memref<256x16xf32, #tpu.memory_space<vmem_shared>>
      %dma_start3A_131 = arith.constant 0 : i32
      %dma_start3A_132 = arith.constant 0 : i32
      %dma_start3A_133 = tpu.memref_slice %arg8[%dma_start3A_131, %dma_start3A_132] : memref<1024x16xf32, #tpu.memory_space<vmem>> -> memref<256x16xf32, #tpu.memory_space<vmem>>
      tpu.enqueue_dma source(%dma_start3A_133 : memref<256x16xf32, #tpu.memory_space<vmem>>) target(%dma_start3A_130 : memref<256x16xf32, #tpu.memory_space<vmem_shared>>) target_semaphore(%run_scoped3A : memref<!tpu.dma_semaphore, #tpu.memory_space<semaphore_mem>>)
      %dma_wait3A = arith.constant 0 : i32
      %dma_wait3A_134 = arith.constant 0 : i32
      %dma_wait3A_135 = tpu.memref_slice %arg8[%dma_wait3A, %dma_wait3A_134] : memref<1024x16xf32, #tpu.memory_space<vmem>> -> memref<256x16xf32, #tpu.memory_space<vmem>>
      %dma_wait3A_136 = arith.constant 0 : i32
      %dma_wait3A_137 = tpu.memref_slice %arg9[%add3A_22, %dma_wait3A_136] : memref<102400x16xf32, #tpu.memory_space<vmem_shared>> -> memref<256x16xf32, #tpu.memory_space<vmem_shared>>
      %dma_wait3A_138 = arith.constant 0 : i32
      %dma_wait3A_139 = tpu.memref_slice %arg9[%add3A_22, %dma_wait3A_138] : memref<102400x16xf32, #tpu.memory_space<vmem_shared>> -> memref<256x16xf32, #tpu.memory_space<vmem_shared>>
      %dma_wait3A_140 = arith.constant 0 : i32
      %dma_wait3A_141 = arith.constant 0 : i32
      %dma_wait3A_142 = tpu.memref_slice %arg8[%dma_wait3A_140, %dma_wait3A_141] : memref<1024x16xf32, #tpu.memory_space<vmem>> -> memref<256x16xf32, #tpu.memory_space<vmem>>
      tpu.wait_dma2 semaphore(%run_scoped3A : memref<!tpu.dma_semaphore, #tpu.memory_space<semaphore_mem>>) src(%dma_wait3A_142 : memref<256x16xf32, #tpu.memory_space<vmem>>) dst(%dma_wait3A_139 : memref<256x16xf32, #tpu.memory_space<vmem_shared>>)
      tpu.yield
    }) : () -> ()
    %barrier3A = arith.constant 0 : index
    tpu.barrier barrier_id(%barrier3A)
    %scan3A_23 = arith.constant 0 : i32
    %scan3A_24 = arith.constant 0 : i32
    %scan3A_25 = arith.constant 196 : i32
    %scan3A_26 = arith.addi %scan3A_24, %scan3A_25 : i32
    %scan3A_27 = arith.constant 1 : i32
    scf.for %scan3A_125 = %scan3A_24 to %scan3A_26 step %scan3A_27  : i32 {
      %mul3A_126 = arith.constant 200704 : i32
      %mul3A_127 = arith.muli %arg1, %mul3A_126 : i32
      %mul3A_128 = arith.constant 1024 : i32
      %mul3A_129 = arith.muli %scan3A_125, %mul3A_128 : i32
      %add3A_130 = arith.addi %mul3A_127, %mul3A_129 : i32
      %mul3A_131 = arith.constant 1568 : i32
      %mul3A_132 = arith.muli %arg1, %mul3A_131 : i32
      %mul3A_133 = arith.constant 8 : i32
      %mul3A_134 = arith.muli %scan3A_125, %mul3A_133 : i32
      %add3A_135 = arith.addi %mul3A_132, %mul3A_134 : i32
      "tpu.region"() ({
        %run_scoped3A_277 = tpu.sem_alloc : memref<!tpu.dma_semaphore, #tpu.memory_space<semaphore_mem>>
        %dma_start3A_278 = tpu.memref_slice %arg3[%add3A_130] : memref<3211264xi32, #tpu.memory_space<hbm>> -> memref<1024xi32, #tpu.memory_space<hbm>>
        %dma_start3A_279 = tpu.memref_slice %arg3[%add3A_130] : memref<3211264xi32, #tpu.memory_space<hbm>> -> memref<1024xi32, #tpu.memory_space<hbm>>
        tpu.enqueue_dma source(%dma_start3A_279 : memref<1024xi32, #tpu.memory_space<hbm>>) target(%arg6 : memref<1024xi32, #tpu.memory_space<vmem>>) target_semaphore(%run_scoped3A_277 : memref<!tpu.dma_semaphore, #tpu.memory_space<semaphore_mem>>)
        %dma_wait3A_280 = tpu.memref_slice %arg3[%add3A_130] : memref<3211264xi32, #tpu.memory_space<hbm>> -> memref<1024xi32, #tpu.memory_space<hbm>>
        %dma_wait3A_281 = tpu.memref_slice %arg3[%add3A_130] : memref<3211264xi32, #tpu.memory_space<hbm>> -> memref<1024xi32, #tpu.memory_space<hbm>>
        tpu.wait_dma2 semaphore(%run_scoped3A_277 : memref<!tpu.dma_semaphore, #tpu.memory_space<semaphore_mem>>) src(%dma_wait3A_281 : memref<1024xi32, #tpu.memory_space<hbm>>) dst(%arg6 : memref<1024xi32, #tpu.memory_space<vmem>>)
        tpu.yield
      }) : () -> ()
      "tpu.region"() ({
        %run_scoped3A_277 = tpu.sem_alloc : memref<!tpu.dma_semaphore, #tpu.memory_space<semaphore_mem>>
        %dma_start3A_278 = arith.constant 0 : i32
        %dma_start3A_279 = tpu.memref_slice %arg4[%add3A_135, %dma_start3A_278] : memref<25088x128xi32, #tpu.memory_space<hbm>> -> memref<8x128xi32, #tpu.memory_space<hbm>>
        %dma_start3A_280 = arith.constant 0 : i32
        %dma_start3A_281 = tpu.memref_slice %arg4[%add3A_135, %dma_start3A_280] : memref<25088x128xi32, #tpu.memory_space<hbm>> -> memref<8x128xi32, #tpu.memory_space<hbm>>
        tpu.enqueue_dma source(%dma_start3A_281 : memref<8x128xi32, #tpu.memory_space<hbm>>) target(%arg7 : memref<8x128xi32, #tpu.memory_space<vmem>>) target_semaphore(%run_scoped3A_277 : memref<!tpu.dma_semaphore, #tpu.memory_space<semaphore_mem>>)
        %dma_wait3A_282 = arith.constant 0 : i32
        %dma_wait3A_283 = tpu.memref_slice %arg4[%add3A_135, %dma_wait3A_282] : memref<25088x128xi32, #tpu.memory_space<hbm>> -> memref<8x128xi32, #tpu.memory_space<hbm>>
        %dma_wait3A_284 = arith.constant 0 : i32
        %dma_wait3A_285 = tpu.memref_slice %arg4[%add3A_135, %dma_wait3A_284] : memref<25088x128xi32, #tpu.memory_space<hbm>> -> memref<8x128xi32, #tpu.memory_space<hbm>>
        tpu.wait_dma2 semaphore(%run_scoped3A_277 : memref<!tpu.dma_semaphore, #tpu.memory_space<semaphore_mem>>) src(%dma_wait3A_285 : memref<8x128xi32, #tpu.memory_space<hbm>>) dst(%arg7 : memref<8x128xi32, #tpu.memory_space<vmem>>)
        tpu.yield
      }) : () -> ()
      %broadcast_in_dim3A = vector.broadcast %add3A_3 : i32 to vector<16xi32>
      %broadcast_in_dim3A_136 = arith.constant 4 : i32
      %broadcast_in_dim3A_137 = vector.broadcast %broadcast_in_dim3A_136 : i32 to vector<16xi32>
      %scan3A_138 = arith.constant 0 : i32
      %scan3A_139 = arith.constant 0 : i32
      %scan3A_140 = arith.constant 64 : i32
      %scan3A_141 = arith.addi %scan3A_139, %scan3A_140 : i32
      %scan3A_142 = arith.constant 1 : i32
      scf.for %scan3A_277 = %scan3A_139 to %scan3A_141 step %scan3A_142  : i32 {
        %mul3A_278 = arith.constant 16 : i32
        %mul3A_279 = arith.muli %scan3A_277, %mul3A_278 : i32
        %get3A = arith.index_cast %mul3A_279 : i32 to index
        %get3A_280 = tpu.vector_load %arg6[%get3A] {strides = array<i32>} : memref<1024xi32, #tpu.memory_space<vmem>>, vector<16xi32>,
        %get3A_281 = vector.shape_cast %get3A_280 : vector<16xi32> to vector<16xi32>
        %mul3A_282 = arith.muli %get3A_281, %broadcast_in_dim3A_137 : vector<16xi32>
        %add3A_283 = arith.addi %mul3A_282, %broadcast_in_dim3A : vector<16xi32>
        %mul3A_284 = arith.constant 16 : i32
        %mul3A_285 = arith.muli %scan3A_277, %mul3A_284 : i32
        %swap3A = arith.index_cast %mul3A_285 : i32 to index
        %swap3A_286 = tpu.vector_load %arg6[%swap3A] {strides = array<i32>} : memref<1024xi32, #tpu.memory_space<vmem>>, vector<16xi32>,
        %swap3A_287 = vector.shape_cast %swap3A_286 : vector<16xi32> to vector<16xi32>
        %swap3A_288 = vector.shape_cast %add3A_283 : vector<16xi32> to vector<16xi32>
        tpu.vector_store %arg6[%swap3A], %swap3A_288 {strides = array<i32>} : memref<1024xi32, #tpu.memory_space<vmem>>, vector<16xi32>,
      }
      %scan3A_143 = arith.constant 64 : i32
      %dma_start3A = arith.constant 0 : i32
      %dma_start3A_144 = arith.constant 0 : i32
      %dma_start3A_145 = tpu.memref_slice %arg8[%dma_start3A, %dma_start3A_144] : memref<1024x16xf32, #tpu.memory_space<vmem>> -> memref<128x16xf32, #tpu.memory_space<vmem>>
      %dma_start3A_146 = arith.constant 0 : i32
      %dma_start3A_147 = tpu.memref_slice %arg6[%dma_start3A_146] : memref<1024xi32, #tpu.memory_space<vmem>> -> memref<128xi32, #tpu.memory_space<vmem>>
      %dma_start3A_148 = arith.constant 0 : i32
      %dma_start3A_149 = arith.constant 0 : i32
      %dma_start3A_150 = tpu.memref_slice %arg2[%dma_start3A_148, %dma_start3A_149] : memref<400000x16xf32, #tpu.memory_space<hbm>> -> memref<400000x16xf32, #tpu.memory_space<hbm>>
      tpu.enqueue_indirect_dma source(%dma_start3A_150 : memref<400000x16xf32, #tpu.memory_space<hbm>>) target(%dma_start3A_145 : memref<128x16xf32, #tpu.memory_space<vmem>>) offsets(%dma_start3A_147 : memref<128xi32, #tpu.memory_space<vmem>>) semaphore(%arg10 : memref<!tpu.dma_semaphore, #tpu.memory_space<semaphore_mem>>)
      %dma_start3A_151 = arith.constant 128 : i32
      %dma_start3A_152 = arith.constant 0 : i32
      %dma_start3A_153 = tpu.memref_slice %arg8[%dma_start3A_151, %dma_start3A_152] : memref<1024x16xf32, #tpu.memory_space<vmem>> -> memref<128x16xf32, #tpu.memory_space<vmem>>
      %dma_start3A_154 = arith.constant 128 : i32
      %dma_start3A_155 = tpu.memref_slice %arg6[%dma_start3A_154] : memref<1024xi32, #tpu.memory_space<vmem>> -> memref<128xi32, #tpu.memory_space<vmem>>
      %dma_start3A_156 = arith.constant 0 : i32
      %dma_start3A_157 = arith.constant 0 : i32
      %dma_start3A_158 = tpu.memref_slice %arg2[%dma_start3A_156, %dma_start3A_157] : memref<400000x16xf32, #tpu.memory_space<hbm>> -> memref<400000x16xf32, #tpu.memory_space<hbm>>
      tpu.enqueue_indirect_dma source(%dma_start3A_158 : memref<400000x16xf32, #tpu.memory_space<hbm>>) target(%dma_start3A_153 : memref<128x16xf32, #tpu.memory_space<vmem>>) offsets(%dma_start3A_155 : memref<128xi32, #tpu.memory_space<vmem>>) semaphore(%arg10 : memref<!tpu.dma_semaphore, #tpu.memory_space<semaphore_mem>>)
      %dma_start3A_159 = arith.constant 256 : i32
      %dma_start3A_160 = arith.constant 0 : i32
      %dma_start3A_161 = tpu.memref_slice %arg8[%dma_start3A_159, %dma_start3A_160] : memref<1024x16xf32, #tpu.memory_space<vmem>> -> memref<128x16xf32, #tpu.memory_space<vmem>>
      %dma_start3A_162 = arith.constant 256 : i32
      %dma_start3A_163 = tpu.memref_slice %arg6[%dma_start3A_162] : memref<1024xi32, #tpu.memory_space<vmem>> -> memref<128xi32, #tpu.memory_space<vmem>>
      %dma_start3A_164 = arith.constant 0 : i32
      %dma_start3A_165 = arith.constant 0 : i32
      %dma_start3A_166 = tpu.memref_slice %arg2[%dma_start3A_164, %dma_start3A_165] : memref<400000x16xf32, #tpu.memory_space<hbm>> -> memref<400000x16xf32, #tpu.memory_space<hbm>>
      tpu.enqueue_indirect_dma source(%dma_start3A_166 : memref<400000x16xf32, #tpu.memory_space<hbm>>) target(%dma_start3A_161 : memref<128x16xf32, #tpu.memory_space<vmem>>) offsets(%dma_start3A_163 : memref<128xi32, #tpu.memory_space<vmem>>) semaphore(%arg10 : memref<!tpu.dma_semaphore, #tpu.memory_space<semaphore_mem>>)
      %dma_start3A_167 = arith.constant 384 : i32
      %dma_start3A_168 = arith.constant 0 : i32
      %dma_start3A_169 = tpu.memref_slice %arg8[%dma_start3A_167, %dma_start3A_168] : memref<1024x16xf32, #tpu.memory_space<vmem>> -> memref<128x16xf32, #tpu.memory_space<vmem>>
      %dma_start3A_170 = arith.constant 384 : i32
      %dma_start3A_171 = tpu.memref_slice %arg6[%dma_start3A_170] : memref<1024xi32, #tpu.memory_space<vmem>> -> memref<128xi32, #tpu.memory_space<vmem>>
      %dma_start3A_172 = arith.constant 0 : i32
      %dma_start3A_173 = arith.constant 0 : i32
      %dma_start3A_174 = tpu.memref_slice %arg2[%dma_start3A_172, %dma_start3A_173] : memref<400000x16xf32, #tpu.memory_space<hbm>> -> memref<400000x16xf32, #tpu.memory_space<hbm>>
      tpu.enqueue_indirect_dma source(%dma_start3A_174 : memref<400000x16xf32, #tpu.memory_space<hbm>>) target(%dma_start3A_169 : memref<128x16xf32, #tpu.memory_space<vmem>>) offsets(%dma_start3A_171 : memref<128xi32, #tpu.memory_space<vmem>>) semaphore(%arg10 : memref<!tpu.dma_semaphore, #tpu.memory_space<semaphore_mem>>)
      %dma_start3A_175 = arith.constant 512 : i32
      %dma_start3A_176 = arith.constant 0 : i32
      %dma_start3A_177 = tpu.memref_slice %arg8[%dma_start3A_175, %dma_start3A_176] : memref<1024x16xf32, #tpu.memory_space<vmem>> -> memref<128x16xf32, #tpu.memory_space<vmem>>
      %dma_start3A_178 = arith.constant 512 : i32
      %dma_start3A_179 = tpu.memref_slice %arg6[%dma_start3A_178] : memref<1024xi32, #tpu.memory_space<vmem>> -> memref<128xi32, #tpu.memory_space<vmem>>
      %dma_start3A_180 = arith.constant 0 : i32
      %dma_start3A_181 = arith.constant 0 : i32
      %dma_start3A_182 = tpu.memref_slice %arg2[%dma_start3A_180, %dma_start3A_181] : memref<400000x16xf32, #tpu.memory_space<hbm>> -> memref<400000x16xf32, #tpu.memory_space<hbm>>
      tpu.enqueue_indirect_dma source(%dma_start3A_182 : memref<400000x16xf32, #tpu.memory_space<hbm>>) target(%dma_start3A_177 : memref<128x16xf32, #tpu.memory_space<vmem>>) offsets(%dma_start3A_179 : memref<128xi32, #tpu.memory_space<vmem>>) semaphore(%arg10 : memref<!tpu.dma_semaphore, #tpu.memory_space<semaphore_mem>>)
      %dma_start3A_183 = arith.constant 640 : i32
      %dma_start3A_184 = arith.constant 0 : i32
      %dma_start3A_185 = tpu.memref_slice %arg8[%dma_start3A_183, %dma_start3A_184] : memref<1024x16xf32, #tpu.memory_space<vmem>> -> memref<128x16xf32, #tpu.memory_space<vmem>>
      %dma_start3A_186 = arith.constant 640 : i32
      %dma_start3A_187 = tpu.memref_slice %arg6[%dma_start3A_186] : memref<1024xi32, #tpu.memory_space<vmem>> -> memref<128xi32, #tpu.memory_space<vmem>>
      %dma_start3A_188 = arith.constant 0 : i32
      %dma_start3A_189 = arith.constant 0 : i32
      %dma_start3A_190 = tpu.memref_slice %arg2[%dma_start3A_188, %dma_start3A_189] : memref<400000x16xf32, #tpu.memory_space<hbm>> -> memref<400000x16xf32, #tpu.memory_space<hbm>>
      tpu.enqueue_indirect_dma source(%dma_start3A_190 : memref<400000x16xf32, #tpu.memory_space<hbm>>) target(%dma_start3A_185 : memref<128x16xf32, #tpu.memory_space<vmem>>) offsets(%dma_start3A_187 : memref<128xi32, #tpu.memory_space<vmem>>) semaphore(%arg10 : memref<!tpu.dma_semaphore, #tpu.memory_space<semaphore_mem>>)
      %dma_start3A_191 = arith.constant 768 : i32
      %dma_start3A_192 = arith.constant 0 : i32
      %dma_start3A_193 = tpu.memref_slice %arg8[%dma_start3A_191, %dma_start3A_192] : memref<1024x16xf32, #tpu.memory_space<vmem>> -> memref<128x16xf32, #tpu.memory_space<vmem>>
      %dma_start3A_194 = arith.constant 768 : i32
      %dma_start3A_195 = tpu.memref_slice %arg6[%dma_start3A_194] : memref<1024xi32, #tpu.memory_space<vmem>> -> memref<128xi32, #tpu.memory_space<vmem>>
      %dma_start3A_196 = arith.constant 0 : i32
      %dma_start3A_197 = arith.constant 0 : i32
      %dma_start3A_198 = tpu.memref_slice %arg2[%dma_start3A_196, %dma_start3A_197] : memref<400000x16xf32, #tpu.memory_space<hbm>> -> memref<400000x16xf32, #tpu.memory_space<hbm>>
      tpu.enqueue_indirect_dma source(%dma_start3A_198 : memref<400000x16xf32, #tpu.memory_space<hbm>>) target(%dma_start3A_193 : memref<128x16xf32, #tpu.memory_space<vmem>>) offsets(%dma_start3A_195 : memref<128xi32, #tpu.memory_space<vmem>>) semaphore(%arg10 : memref<!tpu.dma_semaphore, #tpu.memory_space<semaphore_mem>>)
      %dma_start3A_199 = arith.constant 896 : i32
      %dma_start3A_200 = arith.constant 0 : i32
      %dma_start3A_201 = tpu.memref_slice %arg8[%dma_start3A_199, %dma_start3A_200] : memref<1024x16xf32, #tpu.memory_space<vmem>> -> memref<128x16xf32, #tpu.memory_space<vmem>>
      %dma_start3A_202 = arith.constant 896 : i32
      %dma_start3A_203 = tpu.memref_slice %arg6[%dma_start3A_202] : memref<1024xi32, #tpu.memory_space<vmem>> -> memref<128xi32, #tpu.memory_space<vmem>>
      %dma_start3A_204 = arith.constant 0 : i32
      %dma_start3A_205 = arith.constant 0 : i32
      %dma_start3A_206 = tpu.memref_slice %arg2[%dma_start3A_204, %dma_start3A_205] : memref<400000x16xf32, #tpu.memory_space<hbm>> -> memref<400000x16xf32, #tpu.memory_space<hbm>>
      tpu.enqueue_indirect_dma source(%dma_start3A_206 : memref<400000x16xf32, #tpu.memory_space<hbm>>) target(%dma_start3A_201 : memref<128x16xf32, #tpu.memory_space<vmem>>) offsets(%dma_start3A_203 : memref<128xi32, #tpu.memory_space<vmem>>) semaphore(%arg10 : memref<!tpu.dma_semaphore, #tpu.memory_space<semaphore_mem>>)
      %dma_wait3A = arith.constant 0 : i32
      %dma_wait3A_207 = arith.constant 0 : i32
      %dma_wait3A_208 = tpu.memref_slice %arg8[%dma_wait3A, %dma_wait3A_207] : memref<1024x16xf32, #tpu.memory_space<vmem>> -> memref<128x16xf32, #tpu.memory_space<vmem>>
      %dma_wait3A_209 = arith.constant 0 : i32
      %dma_wait3A_210 = tpu.memref_slice %arg6[%dma_wait3A_209] : memref<1024xi32, #tpu.memory_space<vmem>> -> memref<128xi32, #tpu.memory_space<vmem>>
      %dma_wait3A_211 = arith.constant 0 : i32
      %dma_wait3A_212 = arith.constant 0 : i32
      %dma_wait3A_213 = tpu.memref_slice %arg2[%dma_wait3A_211, %dma_wait3A_212] : memref<400000x16xf32, #tpu.memory_space<hbm>> -> memref<400000x16xf32, #tpu.memory_space<hbm>>
      tpu.wait_indirect_dma semaphore(%arg10 : memref<!tpu.dma_semaphore, #tpu.memory_space<semaphore_mem>>) src(%dma_wait3A_213 : memref<400000x16xf32, #tpu.memory_space<hbm>>) dst(%dma_wait3A_208 : memref<128x16xf32, #tpu.memory_space<vmem>>)
      %dma_wait3A_214 = arith.constant 128 : i32
      %dma_wait3A_215 = arith.constant 0 : i32
      %dma_wait3A_216 = tpu.memref_slice %arg8[%dma_wait3A_214, %dma_wait3A_215] : memref<1024x16xf32, #tpu.memory_space<vmem>> -> memref<128x16xf32, #tpu.memory_space<vmem>>
      %dma_wait3A_217 = arith.constant 128 : i32
      %dma_wait3A_218 = tpu.memref_slice %arg6[%dma_wait3A_217] : memref<1024xi32, #tpu.memory_space<vmem>> -> memref<128xi32, #tpu.memory_space<vmem>>
      %dma_wait3A_219 = arith.constant 0 : i32
      %dma_wait3A_220 = arith.constant 0 : i32
      %dma_wait3A_221 = tpu.memref_slice %arg2[%dma_wait3A_219, %dma_wait3A_220] : memref<400000x16xf32, #tpu.memory_space<hbm>> -> memref<400000x16xf32, #tpu.memory_space<hbm>>
      tpu.wait_indirect_dma semaphore(%arg10 : memref<!tpu.dma_semaphore, #tpu.memory_space<semaphore_mem>>) src(%dma_wait3A_221 : memref<400000x16xf32, #tpu.memory_space<hbm>>) dst(%dma_wait3A_216 : memref<128x16xf32, #tpu.memory_space<vmem>>)
      %dma_wait3A_222 = arith.constant 256 : i32
      %dma_wait3A_223 = arith.constant 0 : i32
      %dma_wait3A_224 = tpu.memref_slice %arg8[%dma_wait3A_222, %dma_wait3A_223] : memref<1024x16xf32, #tpu.memory_space<vmem>> -> memref<128x16xf32, #tpu.memory_space<vmem>>
      %dma_wait3A_225 = arith.constant 256 : i32
      %dma_wait3A_226 = tpu.memref_slice %arg6[%dma_wait3A_225] : memref<1024xi32, #tpu.memory_space<vmem>> -> memref<128xi32, #tpu.memory_space<vmem>>
      %dma_wait3A_227 = arith.constant 0 : i32
      %dma_wait3A_228 = arith.constant 0 : i32
      %dma_wait3A_229 = tpu.memref_slice %arg2[%dma_wait3A_227, %dma_wait3A_228] : memref<400000x16xf32, #tpu.memory_space<hbm>> -> memref<400000x16xf32, #tpu.memory_space<hbm>>
      tpu.wait_indirect_dma semaphore(%arg10 : memref<!tpu.dma_semaphore, #tpu.memory_space<semaphore_mem>>) src(%dma_wait3A_229 : memref<400000x16xf32, #tpu.memory_space<hbm>>) dst(%dma_wait3A_224 : memref<128x16xf32, #tpu.memory_space<vmem>>)
      %dma_wait3A_230 = arith.constant 384 : i32
      %dma_wait3A_231 = arith.constant 0 : i32
      %dma_wait3A_232 = tpu.memref_slice %arg8[%dma_wait3A_230, %dma_wait3A_231] : memref<1024x16xf32, #tpu.memory_space<vmem>> -> memref<128x16xf32, #tpu.memory_space<vmem>>
      %dma_wait3A_233 = arith.constant 384 : i32
      %dma_wait3A_234 = tpu.memref_slice %arg6[%dma_wait3A_233] : memref<1024xi32, #tpu.memory_space<vmem>> -> memref<128xi32, #tpu.memory_space<vmem>>
      %dma_wait3A_235 = arith.constant 0 : i32
      %dma_wait3A_236 = arith.constant 0 : i32
      %dma_wait3A_237 = tpu.memref_slice %arg2[%dma_wait3A_235, %dma_wait3A_236] : memref<400000x16xf32, #tpu.memory_space<hbm>> -> memref<400000x16xf32, #tpu.memory_space<hbm>>
      tpu.wait_indirect_dma semaphore(%arg10 : memref<!tpu.dma_semaphore, #tpu.memory_space<semaphore_mem>>) src(%dma_wait3A_237 : memref<400000x16xf32, #tpu.memory_space<hbm>>) dst(%dma_wait3A_232 : memref<128x16xf32, #tpu.memory_space<vmem>>)
      %dma_wait3A_238 = arith.constant 512 : i32
      %dma_wait3A_239 = arith.constant 0 : i32
      %dma_wait3A_240 = tpu.memref_slice %arg8[%dma_wait3A_238, %dma_wait3A_239] : memref<1024x16xf32, #tpu.memory_space<vmem>> -> memref<128x16xf32, #tpu.memory_space<vmem>>
      %dma_wait3A_241 = arith.constant 512 : i32
      %dma_wait3A_242 = tpu.memref_slice %arg6[%dma_wait3A_241] : memref<1024xi32, #tpu.memory_space<vmem>> -> memref<128xi32, #tpu.memory_space<vmem>>
      %dma_wait3A_243 = arith.constant 0 : i32
      %dma_wait3A_244 = arith.constant 0 : i32
      %dma_wait3A_245 = tpu.memref_slice %arg2[%dma_wait3A_243, %dma_wait3A_244] : memref<400000x16xf32, #tpu.memory_space<hbm>> -> memref<400000x16xf32, #tpu.memory_space<hbm>>
      tpu.wait_indirect_dma semaphore(%arg10 : memref<!tpu.dma_semaphore, #tpu.memory_space<semaphore_mem>>) src(%dma_wait3A_245 : memref<400000x16xf32, #tpu.memory_space<hbm>>) dst(%dma_wait3A_240 : memref<128x16xf32, #tpu.memory_space<vmem>>)
      %dma_wait3A_246 = arith.constant 640 : i32
      %dma_wait3A_247 = arith.constant 0 : i32
      %dma_wait3A_248 = tpu.memref_slice %arg8[%dma_wait3A_246, %dma_wait3A_247] : memref<1024x16xf32, #tpu.memory_space<vmem>> -> memref<128x16xf32, #tpu.memory_space<vmem>>
      %dma_wait3A_249 = arith.constant 640 : i32
      %dma_wait3A_250 = tpu.memref_slice %arg6[%dma_wait3A_249] : memref<1024xi32, #tpu.memory_space<vmem>> -> memref<128xi32, #tpu.memory_space<vmem>>
      %dma_wait3A_251 = arith.constant 0 : i32
      %dma_wait3A_252 = arith.constant 0 : i32
      %dma_wait3A_253 = tpu.memref_slice %arg2[%dma_wait3A_251, %dma_wait3A_252] : memref<400000x16xf32, #tpu.memory_space<hbm>> -> memref<400000x16xf32, #tpu.memory_space<hbm>>
      tpu.wait_indirect_dma semaphore(%arg10 : memref<!tpu.dma_semaphore, #tpu.memory_space<semaphore_mem>>) src(%dma_wait3A_253 : memref<400000x16xf32, #tpu.memory_space<hbm>>) dst(%dma_wait3A_248 : memref<128x16xf32, #tpu.memory_space<vmem>>)
      %dma_wait3A_254 = arith.constant 768 : i32
      %dma_wait3A_255 = arith.constant 0 : i32
      %dma_wait3A_256 = tpu.memref_slice %arg8[%dma_wait3A_254, %dma_wait3A_255] : memref<1024x16xf32, #tpu.memory_space<vmem>> -> memref<128x16xf32, #tpu.memory_space<vmem>>
      %dma_wait3A_257 = arith.constant 768 : i32
      %dma_wait3A_258 = tpu.memref_slice %arg6[%dma_wait3A_257] : memref<1024xi32, #tpu.memory_space<vmem>> -> memref<128xi32, #tpu.memory_space<vmem>>
      %dma_wait3A_259 = arith.constant 0 : i32
      %dma_wait3A_260 = arith.constant 0 : i32
      %dma_wait3A_261 = tpu.memref_slice %arg2[%dma_wait3A_259, %dma_wait3A_260] : memref<400000x16xf32, #tpu.memory_space<hbm>> -> memref<400000x16xf32, #tpu.memory_space<hbm>>
      tpu.wait_indirect_dma semaphore(%arg10 : memref<!tpu.dma_semaphore, #tpu.memory_space<semaphore_mem>>) src(%dma_wait3A_261 : memref<400000x16xf32, #tpu.memory_space<hbm>>) dst(%dma_wait3A_256 : memref<128x16xf32, #tpu.memory_space<vmem>>)
      %dma_wait3A_262 = arith.constant 896 : i32
      %dma_wait3A_263 = arith.constant 0 : i32
      %dma_wait3A_264 = tpu.memref_slice %arg8[%dma_wait3A_262, %dma_wait3A_263] : memref<1024x16xf32, #tpu.memory_space<vmem>> -> memref<128x16xf32, #tpu.memory_space<vmem>>
      %dma_wait3A_265 = arith.constant 896 : i32
      %dma_wait3A_266 = tpu.memref_slice %arg6[%dma_wait3A_265] : memref<1024xi32, #tpu.memory_space<vmem>> -> memref<128xi32, #tpu.memory_space<vmem>>
      %dma_wait3A_267 = arith.constant 0 : i32
      %dma_wait3A_268 = arith.constant 0 : i32
      %dma_wait3A_269 = tpu.memref_slice %arg2[%dma_wait3A_267, %dma_wait3A_268] : memref<400000x16xf32, #tpu.memory_space<hbm>> -> memref<400000x16xf32, #tpu.memory_space<hbm>>
      tpu.wait_indirect_dma semaphore(%arg10 : memref<!tpu.dma_semaphore, #tpu.memory_space<semaphore_mem>>) src(%dma_wait3A_269 : memref<400000x16xf32, #tpu.memory_space<hbm>>) dst(%dma_wait3A_264 : memref<128x16xf32, #tpu.memory_space<vmem>>)
      %run_scoped3A = arith.constant 0 : i32
      "tpu.region"() ({
        %run_scoped3A_277 = tpu.sem_alloc : memref<!tpu.dma_semaphore, #tpu.memory_space<semaphore_mem>>
        %dma_start3A_278 = arith.constant 0 : i32
        %dma_start3A_279 = arith.constant 0 : i32
        %dma_start3A_280 = tpu.memref_slice %arg8[%dma_start3A_278, %dma_start3A_279] : memref<1024x16xf32, #tpu.memory_space<vmem>> -> memref<128x16xf32, #tpu.memory_space<vmem>>
        %dma_start3A_281 = arith.constant 0 : i32
        %dma_start3A_282 = tpu.memref_slice %arg7[%run_scoped3A, %dma_start3A_281] : memref<8x128xi32, #tpu.memory_space<vmem>> -> memref<1x128xi32, #tpu.memory_space<vmem>>
        %dma_start3A_283 = tpu.memref_squeeze %dma_start3A_282 : memref<1x128xi32, #tpu.memory_space<vmem>> -> memref<128xi32, #tpu.memory_space<vmem>>
        %dma_start3A_284 = arith.constant 0 : i32
        %dma_start3A_285 = arith.constant 0 : i32
        %dma_start3A_286 = tpu.memref_slice %arg9[%dma_start3A_284, %dma_start3A_285] : memref<102400x16xf32, #tpu.memory_space<vmem_shared>> -> memref<102400x16xf32, #tpu.memory_space<vmem_shared>>
        tpu.enqueue_indirect_dma source(%dma_start3A_280 : memref<128x16xf32, #tpu.memory_space<vmem>>) target(%dma_start3A_286 : memref<102400x16xf32, #tpu.memory_space<vmem_shared>>) offsets(%dma_start3A_283 : memref<128xi32, #tpu.memory_space<vmem>>) semaphore(%run_scoped3A_277 : memref<!tpu.dma_semaphore, #tpu.memory_space<semaphore_mem>>) {add = true}
        %dma_wait3A_287 = arith.constant 0 : i32
        %dma_wait3A_288 = arith.constant 0 : i32
        %dma_wait3A_289 = tpu.memref_slice %arg8[%dma_wait3A_287, %dma_wait3A_288] : memref<1024x16xf32, #tpu.memory_space<vmem>> -> memref<128x16xf32, #tpu.memory_space<vmem>>
        %dma_wait3A_290 = arith.constant 0 : i32
        %dma_wait3A_291 = tpu.memref_slice %arg7[%run_scoped3A, %dma_wait3A_290] : memref<8x128xi32, #tpu.memory_space<vmem>> -> memref<1x128xi32, #tpu.memory_space<vmem>>
        %dma_wait3A_292 = tpu.memref_squeeze %dma_wait3A_291 : memref<1x128xi32, #tpu.memory_space<vmem>> -> memref<128xi32, #tpu.memory_space<vmem>>
        %dma_wait3A_293 = arith.constant 0 : i32
        %dma_wait3A_294 = arith.constant 0 : i32
        %dma_wait3A_295 = tpu.memref_slice %arg9[%dma_wait3A_293, %dma_wait3A_294] : memref<102400x16xf32, #tpu.memory_space<vmem_shared>> -> memref<102400x16xf32, #tpu.memory_space<vmem_shared>>
        tpu.wait_indirect_dma semaphore(%run_scoped3A_277 : memref<!tpu.dma_semaphore, #tpu.memory_space<semaphore_mem>>) src(%dma_wait3A_289 : memref<128x16xf32, #tpu.memory_space<vmem>>) dst(%dma_wait3A_295 : memref<102400x16xf32, #tpu.memory_space<vmem_shared>>)
        tpu.yield
      }) : () -> ()
      %run_scoped3A_270 = arith.constant 1 : i32
      "tpu.region"() ({
        %run_scoped3A_277 = tpu.sem_alloc : memref<!tpu.dma_semaphore, #tpu.memory_space<semaphore_mem>>
        %dma_start3A_278 = arith.constant 128 : i32
        %dma_start3A_279 = arith.constant 0 : i32
        %dma_start3A_280 = tpu.memref_slice %arg8[%dma_start3A_278, %dma_start3A_279] : memref<1024x16xf32, #tpu.memory_space<vmem>> -> memref<128x16xf32, #tpu.memory_space<vmem>>
        %dma_start3A_281 = arith.constant 0 : i32
        %dma_start3A_282 = tpu.memref_slice %arg7[%run_scoped3A_270, %dma_start3A_281] : memref<8x128xi32, #tpu.memory_space<vmem>> -> memref<1x128xi32, #tpu.memory_space<vmem>>
        %dma_start3A_283 = tpu.memref_squeeze %dma_start3A_282 : memref<1x128xi32, #tpu.memory_space<vmem>> -> memref<128xi32, #tpu.memory_space<vmem>>
        %dma_start3A_284 = arith.constant 0 : i32
        %dma_start3A_285 = arith.constant 0 : i32
        %dma_start3A_286 = tpu.memref_slice %arg9[%dma_start3A_284, %dma_start3A_285] : memref<102400x16xf32, #tpu.memory_space<vmem_shared>> -> memref<102400x16xf32, #tpu.memory_space<vmem_shared>>
        tpu.enqueue_indirect_dma source(%dma_start3A_280 : memref<128x16xf32, #tpu.memory_space<vmem>>) target(%dma_start3A_286 : memref<102400x16xf32, #tpu.memory_space<vmem_shared>>) offsets(%dma_start3A_283 : memref<128xi32, #tpu.memory_space<vmem>>) semaphore(%run_scoped3A_277 : memref<!tpu.dma_semaphore, #tpu.memory_space<semaphore_mem>>) {add = true}
        %dma_wait3A_287 = arith.constant 128 : i32
        %dma_wait3A_288 = arith.constant 0 : i32
        %dma_wait3A_289 = tpu.memref_slice %arg8[%dma_wait3A_287, %dma_wait3A_288] : memref<1024x16xf32, #tpu.memory_space<vmem>> -> memref<128x16xf32, #tpu.memory_space<vmem>>
        %dma_wait3A_290 = arith.constant 0 : i32
        %dma_wait3A_291 = tpu.memref_slice %arg7[%run_scoped3A_270, %dma_wait3A_290] : memref<8x128xi32, #tpu.memory_space<vmem>> -> memref<1x128xi32, #tpu.memory_space<vmem>>
        %dma_wait3A_292 = tpu.memref_squeeze %dma_wait3A_291 : memref<1x128xi32, #tpu.memory_space<vmem>> -> memref<128xi32, #tpu.memory_space<vmem>>
        %dma_wait3A_293 = arith.constant 0 : i32
        %dma_wait3A_294 = arith.constant 0 : i32
        %dma_wait3A_295 = tpu.memref_slice %arg9[%dma_wait3A_293, %dma_wait3A_294] : memref<102400x16xf32, #tpu.memory_space<vmem_shared>> -> memref<102400x16xf32, #tpu.memory_space<vmem_shared>>
        tpu.wait_indirect_dma semaphore(%run_scoped3A_277 : memref<!tpu.dma_semaphore, #tpu.memory_space<semaphore_mem>>) src(%dma_wait3A_289 : memref<128x16xf32, #tpu.memory_space<vmem>>) dst(%dma_wait3A_295 : memref<102400x16xf32, #tpu.memory_space<vmem_shared>>)
        tpu.yield
      }) : () -> ()
      %run_scoped3A_271 = arith.constant 2 : i32
      "tpu.region"() ({
        %run_scoped3A_277 = tpu.sem_alloc : memref<!tpu.dma_semaphore, #tpu.memory_space<semaphore_mem>>
        %dma_start3A_278 = arith.constant 256 : i32
        %dma_start3A_279 = arith.constant 0 : i32
        %dma_start3A_280 = tpu.memref_slice %arg8[%dma_start3A_278, %dma_start3A_279] : memref<1024x16xf32, #tpu.memory_space<vmem>> -> memref<128x16xf32, #tpu.memory_space<vmem>>
        %dma_start3A_281 = arith.constant 0 : i32
        %dma_start3A_282 = tpu.memref_slice %arg7[%run_scoped3A_271, %dma_start3A_281] : memref<8x128xi32, #tpu.memory_space<vmem>> -> memref<1x128xi32, #tpu.memory_space<vmem>>
        %dma_start3A_283 = tpu.memref_squeeze %dma_start3A_282 : memref<1x128xi32, #tpu.memory_space<vmem>> -> memref<128xi32, #tpu.memory_space<vmem>>
        %dma_start3A_284 = arith.constant 0 : i32
        %dma_start3A_285 = arith.constant 0 : i32
        %dma_start3A_286 = tpu.memref_slice %arg9[%dma_start3A_284, %dma_start3A_285] : memref<102400x16xf32, #tpu.memory_space<vmem_shared>> -> memref<102400x16xf32, #tpu.memory_space<vmem_shared>>
        tpu.enqueue_indirect_dma source(%dma_start3A_280 : memref<128x16xf32, #tpu.memory_space<vmem>>) target(%dma_start3A_286 : memref<102400x16xf32, #tpu.memory_space<vmem_shared>>) offsets(%dma_start3A_283 : memref<128xi32, #tpu.memory_space<vmem>>) semaphore(%run_scoped3A_277 : memref<!tpu.dma_semaphore, #tpu.memory_space<semaphore_mem>>) {add = true}
        %dma_wait3A_287 = arith.constant 256 : i32
        %dma_wait3A_288 = arith.constant 0 : i32
        %dma_wait3A_289 = tpu.memref_slice %arg8[%dma_wait3A_287, %dma_wait3A_288] : memref<1024x16xf32, #tpu.memory_space<vmem>> -> memref<128x16xf32, #tpu.memory_space<vmem>>
        %dma_wait3A_290 = arith.constant 0 : i32
        %dma_wait3A_291 = tpu.memref_slice %arg7[%run_scoped3A_271, %dma_wait3A_290] : memref<8x128xi32, #tpu.memory_space<vmem>> -> memref<1x128xi32, #tpu.memory_space<vmem>>
        %dma_wait3A_292 = tpu.memref_squeeze %dma_wait3A_291 : memref<1x128xi32, #tpu.memory_space<vmem>> -> memref<128xi32, #tpu.memory_space<vmem>>
        %dma_wait3A_293 = arith.constant 0 : i32
        %dma_wait3A_294 = arith.constant 0 : i32
        %dma_wait3A_295 = tpu.memref_slice %arg9[%dma_wait3A_293, %dma_wait3A_294] : memref<102400x16xf32, #tpu.memory_space<vmem_shared>> -> memref<102400x16xf32, #tpu.memory_space<vmem_shared>>
        tpu.wait_indirect_dma semaphore(%run_scoped3A_277 : memref<!tpu.dma_semaphore, #tpu.memory_space<semaphore_mem>>) src(%dma_wait3A_289 : memref<128x16xf32, #tpu.memory_space<vmem>>) dst(%dma_wait3A_295 : memref<102400x16xf32, #tpu.memory_space<vmem_shared>>)
        tpu.yield
      }) : () -> ()
      %run_scoped3A_272 = arith.constant 3 : i32
      "tpu.region"() ({
        %run_scoped3A_277 = tpu.sem_alloc : memref<!tpu.dma_semaphore, #tpu.memory_space<semaphore_mem>>
        %dma_start3A_278 = arith.constant 384 : i32
        %dma_start3A_279 = arith.constant 0 : i32
        %dma_start3A_280 = tpu.memref_slice %arg8[%dma_start3A_278, %dma_start3A_279] : memref<1024x16xf32, #tpu.memory_space<vmem>> -> memref<128x16xf32, #tpu.memory_space<vmem>>
        %dma_start3A_281 = arith.constant 0 : i32
        %dma_start3A_282 = tpu.memref_slice %arg7[%run_scoped3A_272, %dma_start3A_281] : memref<8x128xi32, #tpu.memory_space<vmem>> -> memref<1x128xi32, #tpu.memory_space<vmem>>
        %dma_start3A_283 = tpu.memref_squeeze %dma_start3A_282 : memref<1x128xi32, #tpu.memory_space<vmem>> -> memref<128xi32, #tpu.memory_space<vmem>>
        %dma_start3A_284 = arith.constant 0 : i32
        %dma_start3A_285 = arith.constant 0 : i32
        %dma_start3A_286 = tpu.memref_slice %arg9[%dma_start3A_284, %dma_start3A_285] : memref<102400x16xf32, #tpu.memory_space<vmem_shared>> -> memref<102400x16xf32, #tpu.memory_space<vmem_shared>>
        tpu.enqueue_indirect_dma source(%dma_start3A_280 : memref<128x16xf32, #tpu.memory_space<vmem>>) target(%dma_start3A_286 : memref<102400x16xf32, #tpu.memory_space<vmem_shared>>) offsets(%dma_start3A_283 : memref<128xi32, #tpu.memory_space<vmem>>) semaphore(%run_scoped3A_277 : memref<!tpu.dma_semaphore, #tpu.memory_space<semaphore_mem>>) {add = true}
        %dma_wait3A_287 = arith.constant 384 : i32
        %dma_wait3A_288 = arith.constant 0 : i32
        %dma_wait3A_289 = tpu.memref_slice %arg8[%dma_wait3A_287, %dma_wait3A_288] : memref<1024x16xf32, #tpu.memory_space<vmem>> -> memref<128x16xf32, #tpu.memory_space<vmem>>
        %dma_wait3A_290 = arith.constant 0 : i32
        %dma_wait3A_291 = tpu.memref_slice %arg7[%run_scoped3A_272, %dma_wait3A_290] : memref<8x128xi32, #tpu.memory_space<vmem>> -> memref<1x128xi32, #tpu.memory_space<vmem>>
        %dma_wait3A_292 = tpu.memref_squeeze %dma_wait3A_291 : memref<1x128xi32, #tpu.memory_space<vmem>> -> memref<128xi32, #tpu.memory_space<vmem>>
        %dma_wait3A_293 = arith.constant 0 : i32
        %dma_wait3A_294 = arith.constant 0 : i32
        %dma_wait3A_295 = tpu.memref_slice %arg9[%dma_wait3A_293, %dma_wait3A_294] : memref<102400x16xf32, #tpu.memory_space<vmem_shared>> -> memref<102400x16xf32, #tpu.memory_space<vmem_shared>>
        tpu.wait_indirect_dma semaphore(%run_scoped3A_277 : memref<!tpu.dma_semaphore, #tpu.memory_space<semaphore_mem>>) src(%dma_wait3A_289 : memref<128x16xf32, #tpu.memory_space<vmem>>) dst(%dma_wait3A_295 : memref<102400x16xf32, #tpu.memory_space<vmem_shared>>)
        tpu.yield
      }) : () -> ()
      %run_scoped3A_273 = arith.constant 4 : i32
      "tpu.region"() ({
        %run_scoped3A_277 = tpu.sem_alloc : memref<!tpu.dma_semaphore, #tpu.memory_space<semaphore_mem>>
        %dma_start3A_278 = arith.constant 512 : i32
        %dma_start3A_279 = arith.constant 0 : i32
        %dma_start3A_280 = tpu.memref_slice %arg8[%dma_start3A_278, %dma_start3A_279] : memref<1024x16xf32, #tpu.memory_space<vmem>> -> memref<128x16xf32, #tpu.memory_space<vmem>>
        %dma_start3A_281 = arith.constant 0 : i32
        %dma_start3A_282 = tpu.memref_slice %arg7[%run_scoped3A_273, %dma_start3A_281] : memref<8x128xi32, #tpu.memory_space<vmem>> -> memref<1x128xi32, #tpu.memory_space<vmem>>
        %dma_start3A_283 = tpu.memref_squeeze %dma_start3A_282 : memref<1x128xi32, #tpu.memory_space<vmem>> -> memref<128xi32, #tpu.memory_space<vmem>>
        %dma_start3A_284 = arith.constant 0 : i32
        %dma_start3A_285 = arith.constant 0 : i32
        %dma_start3A_286 = tpu.memref_slice %arg9[%dma_start3A_284, %dma_start3A_285] : memref<102400x16xf32, #tpu.memory_space<vmem_shared>> -> memref<102400x16xf32, #tpu.memory_space<vmem_shared>>
        tpu.enqueue_indirect_dma source(%dma_start3A_280 : memref<128x16xf32, #tpu.memory_space<vmem>>) target(%dma_start3A_286 : memref<102400x16xf32, #tpu.memory_space<vmem_shared>>) offsets(%dma_start3A_283 : memref<128xi32, #tpu.memory_space<vmem>>) semaphore(%run_scoped3A_277 : memref<!tpu.dma_semaphore, #tpu.memory_space<semaphore_mem>>) {add = true}
        %dma_wait3A_287 = arith.constant 512 : i32
        %dma_wait3A_288 = arith.constant 0 : i32
        %dma_wait3A_289 = tpu.memref_slice %arg8[%dma_wait3A_287, %dma_wait3A_288] : memref<1024x16xf32, #tpu.memory_space<vmem>> -> memref<128x16xf32, #tpu.memory_space<vmem>>
        %dma_wait3A_290 = arith.constant 0 : i32
        %dma_wait3A_291 = tpu.memref_slice %arg7[%run_scoped3A_273, %dma_wait3A_290] : memref<8x128xi32, #tpu.memory_space<vmem>> -> memref<1x128xi32, #tpu.memory_space<vmem>>
        %dma_wait3A_292 = tpu.memref_squeeze %dma_wait3A_291 : memref<1x128xi32, #tpu.memory_space<vmem>> -> memref<128xi32, #tpu.memory_space<vmem>>
        %dma_wait3A_293 = arith.constant 0 : i32
        %dma_wait3A_294 = arith.constant 0 : i32
        %dma_wait3A_295 = tpu.memref_slice %arg9[%dma_wait3A_293, %dma_wait3A_294] : memref<102400x16xf32, #tpu.memory_space<vmem_shared>> -> memref<102400x16xf32, #tpu.memory_space<vmem_shared>>
        tpu.wait_indirect_dma semaphore(%run_scoped3A_277 : memref<!tpu.dma_semaphore, #tpu.memory_space<semaphore_mem>>) src(%dma_wait3A_289 : memref<128x16xf32, #tpu.memory_space<vmem>>) dst(%dma_wait3A_295 : memref<102400x16xf32, #tpu.memory_space<vmem_shared>>)
        tpu.yield
      }) : () -> ()
      %run_scoped3A_274 = arith.constant 5 : i32
      "tpu.region"() ({
        %run_scoped3A_277 = tpu.sem_alloc : memref<!tpu.dma_semaphore, #tpu.memory_space<semaphore_mem>>
        %dma_start3A_278 = arith.constant 640 : i32
        %dma_start3A_279 = arith.constant 0 : i32
        %dma_start3A_280 = tpu.memref_slice %arg8[%dma_start3A_278, %dma_start3A_279] : memref<1024x16xf32, #tpu.memory_space<vmem>> -> memref<128x16xf32, #tpu.memory_space<vmem>>
        %dma_start3A_281 = arith.constant 0 : i32
        %dma_start3A_282 = tpu.memref_slice %arg7[%run_scoped3A_274, %dma_start3A_281] : memref<8x128xi32, #tpu.memory_space<vmem>> -> memref<1x128xi32, #tpu.memory_space<vmem>>
        %dma_start3A_283 = tpu.memref_squeeze %dma_start3A_282 : memref<1x128xi32, #tpu.memory_space<vmem>> -> memref<128xi32, #tpu.memory_space<vmem>>
        %dma_start3A_284 = arith.constant 0 : i32
        %dma_start3A_285 = arith.constant 0 : i32
        %dma_start3A_286 = tpu.memref_slice %arg9[%dma_start3A_284, %dma_start3A_285] : memref<102400x16xf32, #tpu.memory_space<vmem_shared>> -> memref<102400x16xf32, #tpu.memory_space<vmem_shared>>
        tpu.enqueue_indirect_dma source(%dma_start3A_280 : memref<128x16xf32, #tpu.memory_space<vmem>>) target(%dma_start3A_286 : memref<102400x16xf32, #tpu.memory_space<vmem_shared>>) offsets(%dma_start3A_283 : memref<128xi32, #tpu.memory_space<vmem>>) semaphore(%run_scoped3A_277 : memref<!tpu.dma_semaphore, #tpu.memory_space<semaphore_mem>>) {add = true}
        %dma_wait3A_287 = arith.constant 640 : i32
        %dma_wait3A_288 = arith.constant 0 : i32
        %dma_wait3A_289 = tpu.memref_slice %arg8[%dma_wait3A_287, %dma_wait3A_288] : memref<1024x16xf32, #tpu.memory_space<vmem>> -> memref<128x16xf32, #tpu.memory_space<vmem>>
        %dma_wait3A_290 = arith.constant 0 : i32
        %dma_wait3A_291 = tpu.memref_slice %arg7[%run_scoped3A_274, %dma_wait3A_290] : memref<8x128xi32, #tpu.memory_space<vmem>> -> memref<1x128xi32, #tpu.memory_space<vmem>>
        %dma_wait3A_292 = tpu.memref_squeeze %dma_wait3A_291 : memref<1x128xi32, #tpu.memory_space<vmem>> -> memref<128xi32, #tpu.memory_space<vmem>>
        %dma_wait3A_293 = arith.constant 0 : i32
        %dma_wait3A_294 = arith.constant 0 : i32
        %dma_wait3A_295 = tpu.memref_slice %arg9[%dma_wait3A_293, %dma_wait3A_294] : memref<102400x16xf32, #tpu.memory_space<vmem_shared>> -> memref<102400x16xf32, #tpu.memory_space<vmem_shared>>
        tpu.wait_indirect_dma semaphore(%run_scoped3A_277 : memref<!tpu.dma_semaphore, #tpu.memory_space<semaphore_mem>>) src(%dma_wait3A_289 : memref<128x16xf32, #tpu.memory_space<vmem>>) dst(%dma_wait3A_295 : memref<102400x16xf32, #tpu.memory_space<vmem_shared>>)
        tpu.yield
      }) : () -> ()
      %run_scoped3A_275 = arith.constant 6 : i32
      "tpu.region"() ({
        %run_scoped3A_277 = tpu.sem_alloc : memref<!tpu.dma_semaphore, #tpu.memory_space<semaphore_mem>>
        %dma_start3A_278 = arith.constant 768 : i32
        %dma_start3A_279 = arith.constant 0 : i32
        %dma_start3A_280 = tpu.memref_slice %arg8[%dma_start3A_278, %dma_start3A_279] : memref<1024x16xf32, #tpu.memory_space<vmem>> -> memref<128x16xf32, #tpu.memory_space<vmem>>
        %dma_start3A_281 = arith.constant 0 : i32
        %dma_start3A_282 = tpu.memref_slice %arg7[%run_scoped3A_275, %dma_start3A_281] : memref<8x128xi32, #tpu.memory_space<vmem>> -> memref<1x128xi32, #tpu.memory_space<vmem>>
        %dma_start3A_283 = tpu.memref_squeeze %dma_start3A_282 : memref<1x128xi32, #tpu.memory_space<vmem>> -> memref<128xi32, #tpu.memory_space<vmem>>
        %dma_start3A_284 = arith.constant 0 : i32
        %dma_start3A_285 = arith.constant 0 : i32
        %dma_start3A_286 = tpu.memref_slice %arg9[%dma_start3A_284, %dma_start3A_285] : memref<102400x16xf32, #tpu.memory_space<vmem_shared>> -> memref<102400x16xf32, #tpu.memory_space<vmem_shared>>
        tpu.enqueue_indirect_dma source(%dma_start3A_280 : memref<128x16xf32, #tpu.memory_space<vmem>>) target(%dma_start3A_286 : memref<102400x16xf32, #tpu.memory_space<vmem_shared>>) offsets(%dma_start3A_283 : memref<128xi32, #tpu.memory_space<vmem>>) semaphore(%run_scoped3A_277 : memref<!tpu.dma_semaphore, #tpu.memory_space<semaphore_mem>>) {add = true}
        %dma_wait3A_287 = arith.constant 768 : i32
        %dma_wait3A_288 = arith.constant 0 : i32
        %dma_wait3A_289 = tpu.memref_slice %arg8[%dma_wait3A_287, %dma_wait3A_288] : memref<1024x16xf32, #tpu.memory_space<vmem>> -> memref<128x16xf32, #tpu.memory_space<vmem>>
        %dma_wait3A_290 = arith.constant 0 : i32
        %dma_wait3A_291 = tpu.memref_slice %arg7[%run_scoped3A_275, %dma_wait3A_290] : memref<8x128xi32, #tpu.memory_space<vmem>> -> memref<1x128xi32, #tpu.memory_space<vmem>>
        %dma_wait3A_292 = tpu.memref_squeeze %dma_wait3A_291 : memref<1x128xi32, #tpu.memory_space<vmem>> -> memref<128xi32, #tpu.memory_space<vmem>>
        %dma_wait3A_293 = arith.constant 0 : i32
        %dma_wait3A_294 = arith.constant 0 : i32
        %dma_wait3A_295 = tpu.memref_slice %arg9[%dma_wait3A_293, %dma_wait3A_294] : memref<102400x16xf32, #tpu.memory_space<vmem_shared>> -> memref<102400x16xf32, #tpu.memory_space<vmem_shared>>
        tpu.wait_indirect_dma semaphore(%run_scoped3A_277 : memref<!tpu.dma_semaphore, #tpu.memory_space<semaphore_mem>>) src(%dma_wait3A_289 : memref<128x16xf32, #tpu.memory_space<vmem>>) dst(%dma_wait3A_295 : memref<102400x16xf32, #tpu.memory_space<vmem_shared>>)
        tpu.yield
      }) : () -> ()
      %run_scoped3A_276 = arith.constant 7 : i32
      "tpu.region"() ({
        %run_scoped3A_277 = tpu.sem_alloc : memref<!tpu.dma_semaphore, #tpu.memory_space<semaphore_mem>>
        %dma_start3A_278 = arith.constant 896 : i32
        %dma_start3A_279 = arith.constant 0 : i32
        %dma_start3A_280 = tpu.memref_slice %arg8[%dma_start3A_278, %dma_start3A_279] : memref<1024x16xf32, #tpu.memory_space<vmem>> -> memref<128x16xf32, #tpu.memory_space<vmem>>
        %dma_start3A_281 = arith.constant 0 : i32
        %dma_start3A_282 = tpu.memref_slice %arg7[%run_scoped3A_276, %dma_start3A_281] : memref<8x128xi32, #tpu.memory_space<vmem>> -> memref<1x128xi32, #tpu.memory_space<vmem>>
        %dma_start3A_283 = tpu.memref_squeeze %dma_start3A_282 : memref<1x128xi32, #tpu.memory_space<vmem>> -> memref<128xi32, #tpu.memory_space<vmem>>
        %dma_start3A_284 = arith.constant 0 : i32
        %dma_start3A_285 = arith.constant 0 : i32
        %dma_start3A_286 = tpu.memref_slice %arg9[%dma_start3A_284, %dma_start3A_285] : memref<102400x16xf32, #tpu.memory_space<vmem_shared>> -> memref<102400x16xf32, #tpu.memory_space<vmem_shared>>
        tpu.enqueue_indirect_dma source(%dma_start3A_280 : memref<128x16xf32, #tpu.memory_space<vmem>>) target(%dma_start3A_286 : memref<102400x16xf32, #tpu.memory_space<vmem_shared>>) offsets(%dma_start3A_283 : memref<128xi32, #tpu.memory_space<vmem>>) semaphore(%run_scoped3A_277 : memref<!tpu.dma_semaphore, #tpu.memory_space<semaphore_mem>>) {add = true}
        %dma_wait3A_287 = arith.constant 896 : i32
        %dma_wait3A_288 = arith.constant 0 : i32
        %dma_wait3A_289 = tpu.memref_slice %arg8[%dma_wait3A_287, %dma_wait3A_288] : memref<1024x16xf32, #tpu.memory_space<vmem>> -> memref<128x16xf32, #tpu.memory_space<vmem>>
        %dma_wait3A_290 = arith.constant 0 : i32
        %dma_wait3A_291 = tpu.memref_slice %arg7[%run_scoped3A_276, %dma_wait3A_290] : memref<8x128xi32, #tpu.memory_space<vmem>> -> memref<1x128xi32, #tpu.memory_space<vmem>>
        %dma_wait3A_292 = tpu.memref_squeeze %dma_wait3A_291 : memref<1x128xi32, #tpu.memory_space<vmem>> -> memref<128xi32, #tpu.memory_space<vmem>>
        %dma_wait3A_293 = arith.constant 0 : i32
        %dma_wait3A_294 = arith.constant 0 : i32
        %dma_wait3A_295 = tpu.memref_slice %arg9[%dma_wait3A_293, %dma_wait3A_294] : memref<102400x16xf32, #tpu.memory_space<vmem_shared>> -> memref<102400x16xf32, #tpu.memory_space<vmem_shared>>
        tpu.wait_indirect_dma semaphore(%run_scoped3A_277 : memref<!tpu.dma_semaphore, #tpu.memory_space<semaphore_mem>>) src(%dma_wait3A_289 : memref<128x16xf32, #tpu.memory_space<vmem>>) dst(%dma_wait3A_295 : memref<102400x16xf32, #tpu.memory_space<vmem_shared>>)
        tpu.yield
      }) : () -> ()
    }
    %scan3A_28 = arith.constant 196 : i32
    %barrier3A_29 = arith.constant 0 : index
    tpu.barrier barrier_id(%barrier3A_29)
    %mul3A_30 = arith.constant 102400 : i32
    %mul3A_31 = arith.muli %add3A_3, %mul3A_30 : i32
    %add3A_32 = arith.addi %mul3A_31, %mul3A_0 : i32
    %add3A_33 = arith.constant 0 : i32
    %add3A_34 = arith.addi %mul3A_0, %add3A_33 : i32
    %add3A_35 = arith.constant 0 : i32
    %add3A_36 = arith.addi %add3A_32, %add3A_35 : i32
    "tpu.region"() ({
      %run_scoped3A = tpu.sem_alloc : memref<!tpu.dma_semaphore, #tpu.memory_space<semaphore_mem>>
      %dma_start3A = arith.constant 0 : i32
      %dma_start3A_125 = tpu.memref_slice %arg5[%add3A_36, %dma_start3A] : memref<409600x16xf32, #tpu.memory_space<hbm>> -> memref<1024x16xf32, #tpu.memory_space<hbm>>
      %dma_start3A_126 = arith.constant 0 : i32
      %dma_start3A_127 = tpu.memref_slice %arg9[%add3A_34, %dma_start3A_126] : memref<102400x16xf32, #tpu.memory_space<vmem_shared>> -> memref<1024x16xf32, #tpu.memory_space<vmem_shared>>
      tpu.enqueue_dma source(%dma_start3A_127 : memref<1024x16xf32, #tpu.memory_space<vmem_shared>>) target(%dma_start3A_125 : memref<1024x16xf32, #tpu.memory_space<hbm>>) target_semaphore(%run_scoped3A : memref<!tpu.dma_semaphore, #tpu.memory_space<semaphore_mem>>)
      %dma_wait3A = arith.constant 0 : i32
      %dma_wait3A_128 = tpu.memref_slice %arg5[%add3A_36, %dma_wait3A] : memref<409600x16xf32, #tpu.memory_space<hbm>> -> memref<1024x16xf32, #tpu.memory_space<hbm>>
      %dma_wait3A_129 = arith.constant 0 : i32
      %dma_wait3A_130 = tpu.memref_slice %arg9[%add3A_34, %dma_wait3A_129] : memref<102400x16xf32, #tpu.memory_space<vmem_shared>> -> memref<1024x16xf32, #tpu.memory_space<vmem_shared>>
      tpu.wait_dma2 semaphore(%run_scoped3A : memref<!tpu.dma_semaphore, #tpu.memory_space<semaphore_mem>>) src(%dma_wait3A_130 : memref<1024x16xf32, #tpu.memory_space<vmem_shared>>) dst(%dma_wait3A_128 : memref<1024x16xf32, #tpu.memory_space<hbm>>)
      tpu.yield
    }) : () -> ()
    %add3A_37 = arith.constant 1024 : i32
    %add3A_38 = arith.addi %mul3A_0, %add3A_37 : i32
    %add3A_39 = arith.constant 1024 : i32
    %add3A_40 = arith.addi %add3A_32, %add3A_39 : i32
    "tpu.region"() ({
      %run_scoped3A = tpu.sem_alloc : memref<!tpu.dma_semaphore, #tpu.memory_space<semaphore_mem>>
      %dma_start3A = arith.constant 0 : i32
      %dma_start3A_125 = tpu.memref_slice %arg5[%add3A_40, %dma_start3A] : memref<409600x16xf32, #tpu.memory_space<hbm>> -> memref<1024x16xf32, #tpu.memory_space<hbm>>
      %dma_start3A_126 = arith.constant 0 : i32
      %dma_start3A_127 = tpu.memref_slice %arg9[%add3A_38, %dma_start3A_126] : memref<102400x16xf32, #tpu.memory_space<vmem_shared>> -> memref<1024x16xf32, #tpu.memory_space<vmem_shared>>
      tpu.enqueue_dma source(%dma_start3A_127 : memref<1024x16xf32, #tpu.memory_space<vmem_shared>>) target(%dma_start3A_125 : memref<1024x16xf32, #tpu.memory_space<hbm>>) target_semaphore(%run_scoped3A : memref<!tpu.dma_semaphore, #tpu.memory_space<semaphore_mem>>)
      %dma_wait3A = arith.constant 0 : i32
      %dma_wait3A_128 = tpu.memref_slice %arg5[%add3A_40, %dma_wait3A] : memref<409600x16xf32, #tpu.memory_space<hbm>> -> memref<1024x16xf32, #tpu.memory_space<hbm>>
      %dma_wait3A_129 = arith.constant 0 : i32
      %dma_wait3A_130 = tpu.memref_slice %arg9[%add3A_38, %dma_wait3A_129] : memref<102400x16xf32, #tpu.memory_space<vmem_shared>> -> memref<1024x16xf32, #tpu.memory_space<vmem_shared>>
      tpu.wait_dma2 semaphore(%run_scoped3A : memref<!tpu.dma_semaphore, #tpu.memory_space<semaphore_mem>>) src(%dma_wait3A_130 : memref<1024x16xf32, #tpu.memory_space<vmem_shared>>) dst(%dma_wait3A_128 : memref<1024x16xf32, #tpu.memory_space<hbm>>)
      tpu.yield
    }) : () -> ()
    %add3A_41 = arith.constant 2048 : i32
    %add3A_42 = arith.addi %mul3A_0, %add3A_41 : i32
    %add3A_43 = arith.constant 2048 : i32
    %add3A_44 = arith.addi %add3A_32, %add3A_43 : i32
    "tpu.region"() ({
      %run_scoped3A = tpu.sem_alloc : memref<!tpu.dma_semaphore, #tpu.memory_space<semaphore_mem>>
      %dma_start3A = arith.constant 0 : i32
      %dma_start3A_125 = tpu.memref_slice %arg5[%add3A_44, %dma_start3A] : memref<409600x16xf32, #tpu.memory_space<hbm>> -> memref<1024x16xf32, #tpu.memory_space<hbm>>
      %dma_start3A_126 = arith.constant 0 : i32
      %dma_start3A_127 = tpu.memref_slice %arg9[%add3A_42, %dma_start3A_126] : memref<102400x16xf32, #tpu.memory_space<vmem_shared>> -> memref<1024x16xf32, #tpu.memory_space<vmem_shared>>
      tpu.enqueue_dma source(%dma_start3A_127 : memref<1024x16xf32, #tpu.memory_space<vmem_shared>>) target(%dma_start3A_125 : memref<1024x16xf32, #tpu.memory_space<hbm>>) target_semaphore(%run_scoped3A : memref<!tpu.dma_semaphore, #tpu.memory_space<semaphore_mem>>)
      %dma_wait3A = arith.constant 0 : i32
      %dma_wait3A_128 = tpu.memref_slice %arg5[%add3A_44, %dma_wait3A] : memref<409600x16xf32, #tpu.memory_space<hbm>> -> memref<1024x16xf32, #tpu.memory_space<hbm>>
      %dma_wait3A_129 = arith.constant 0 : i32
      %dma_wait3A_130 = tpu.memref_slice %arg9[%add3A_42, %dma_wait3A_129] : memref<102400x16xf32, #tpu.memory_space<vmem_shared>> -> memref<1024x16xf32, #tpu.memory_space<vmem_shared>>
      tpu.wait_dma2 semaphore(%run_scoped3A : memref<!tpu.dma_semaphore, #tpu.memory_space<semaphore_mem>>) src(%dma_wait3A_130 : memref<1024x16xf32, #tpu.memory_space<vmem_shared>>) dst(%dma_wait3A_128 : memref<1024x16xf32, #tpu.memory_space<hbm>>)
      tpu.yield
    }) : () -> ()
    %add3A_45 = arith.constant 3072 : i32
    %add3A_46 = arith.addi %mul3A_0, %add3A_45 : i32
    %add3A_47 = arith.constant 3072 : i32
    %add3A_48 = arith.addi %add3A_32, %add3A_47 : i32
    "tpu.region"() ({
      %run_scoped3A = tpu.sem_alloc : memref<!tpu.dma_semaphore, #tpu.memory_space<semaphore_mem>>
      %dma_start3A = arith.constant 0 : i32
      %dma_start3A_125 = tpu.memref_slice %arg5[%add3A_48, %dma_start3A] : memref<409600x16xf32, #tpu.memory_space<hbm>> -> memref<1024x16xf32, #tpu.memory_space<hbm>>
      %dma_start3A_126 = arith.constant 0 : i32
      %dma_start3A_127 = tpu.memref_slice %arg9[%add3A_46, %dma_start3A_126] : memref<102400x16xf32, #tpu.memory_space<vmem_shared>> -> memref<1024x16xf32, #tpu.memory_space<vmem_shared>>
      tpu.enqueue_dma source(%dma_start3A_127 : memref<1024x16xf32, #tpu.memory_space<vmem_shared>>) target(%dma_start3A_125 : memref<1024x16xf32, #tpu.memory_space<hbm>>) target_semaphore(%run_scoped3A : memref<!tpu.dma_semaphore, #tpu.memory_space<semaphore_mem>>)
      %dma_wait3A = arith.constant 0 : i32
      %dma_wait3A_128 = tpu.memref_slice %arg5[%add3A_48, %dma_wait3A] : memref<409600x16xf32, #tpu.memory_space<hbm>> -> memref<1024x16xf32, #tpu.memory_space<hbm>>
      %dma_wait3A_129 = arith.constant 0 : i32
      %dma_wait3A_130 = tpu.memref_slice %arg9[%add3A_46, %dma_wait3A_129] : memref<102400x16xf32, #tpu.memory_space<vmem_shared>> -> memref<1024x16xf32, #tpu.memory_space<vmem_shared>>
      tpu.wait_dma2 semaphore(%run_scoped3A : memref<!tpu.dma_semaphore, #tpu.memory_space<semaphore_mem>>) src(%dma_wait3A_130 : memref<1024x16xf32, #tpu.memory_space<vmem_shared>>) dst(%dma_wait3A_128 : memref<1024x16xf32, #tpu.memory_space<hbm>>)
      tpu.yield
    }) : () -> ()
    %add3A_49 = arith.constant 4096 : i32
    %add3A_50 = arith.addi %mul3A_0, %add3A_49 : i32
    %add3A_51 = arith.constant 4096 : i32
    %add3A_52 = arith.addi %add3A_32, %add3A_51 : i32
    "tpu.region"() ({
      %run_scoped3A = tpu.sem_alloc : memref<!tpu.dma_semaphore, #tpu.memory_space<semaphore_mem>>
      %dma_start3A = arith.constant 0 : i32
      %dma_start3A_125 = tpu.memref_slice %arg5[%add3A_52, %dma_start3A] : memref<409600x16xf32, #tpu.memory_space<hbm>> -> memref<1024x16xf32, #tpu.memory_space<hbm>>
      %dma_start3A_126 = arith.constant 0 : i32
      %dma_start3A_127 = tpu.memref_slice %arg9[%add3A_50, %dma_start3A_126] : memref<102400x16xf32, #tpu.memory_space<vmem_shared>> -> memref<1024x16xf32, #tpu.memory_space<vmem_shared>>
      tpu.enqueue_dma source(%dma_start3A_127 : memref<1024x16xf32, #tpu.memory_space<vmem_shared>>) target(%dma_start3A_125 : memref<1024x16xf32, #tpu.memory_space<hbm>>) target_semaphore(%run_scoped3A : memref<!tpu.dma_semaphore, #tpu.memory_space<semaphore_mem>>)
      %dma_wait3A = arith.constant 0 : i32
      %dma_wait3A_128 = tpu.memref_slice %arg5[%add3A_52, %dma_wait3A] : memref<409600x16xf32, #tpu.memory_space<hbm>> -> memref<1024x16xf32, #tpu.memory_space<hbm>>
      %dma_wait3A_129 = arith.constant 0 : i32
      %dma_wait3A_130 = tpu.memref_slice %arg9[%add3A_50, %dma_wait3A_129] : memref<102400x16xf32, #tpu.memory_space<vmem_shared>> -> memref<1024x16xf32, #tpu.memory_space<vmem_shared>>
      tpu.wait_dma2 semaphore(%run_scoped3A : memref<!tpu.dma_semaphore, #tpu.memory_space<semaphore_mem>>) src(%dma_wait3A_130 : memref<1024x16xf32, #tpu.memory_space<vmem_shared>>) dst(%dma_wait3A_128 : memref<1024x16xf32, #tpu.memory_space<hbm>>)
      tpu.yield
    }) : () -> ()
    %add3A_53 = arith.constant 5120 : i32
    %add3A_54 = arith.addi %mul3A_0, %add3A_53 : i32
    %add3A_55 = arith.constant 5120 : i32
    %add3A_56 = arith.addi %add3A_32, %add3A_55 : i32
    "tpu.region"() ({
      %run_scoped3A = tpu.sem_alloc : memref<!tpu.dma_semaphore, #tpu.memory_space<semaphore_mem>>
      %dma_start3A = arith.constant 0 : i32
      %dma_start3A_125 = tpu.memref_slice %arg5[%add3A_56, %dma_start3A] : memref<409600x16xf32, #tpu.memory_space<hbm>> -> memref<1024x16xf32, #tpu.memory_space<hbm>>
      %dma_start3A_126 = arith.constant 0 : i32
      %dma_start3A_127 = tpu.memref_slice %arg9[%add3A_54, %dma_start3A_126] : memref<102400x16xf32, #tpu.memory_space<vmem_shared>> -> memref<1024x16xf32, #tpu.memory_space<vmem_shared>>
      tpu.enqueue_dma source(%dma_start3A_127 : memref<1024x16xf32, #tpu.memory_space<vmem_shared>>) target(%dma_start3A_125 : memref<1024x16xf32, #tpu.memory_space<hbm>>) target_semaphore(%run_scoped3A : memref<!tpu.dma_semaphore, #tpu.memory_space<semaphore_mem>>)
      %dma_wait3A = arith.constant 0 : i32
      %dma_wait3A_128 = tpu.memref_slice %arg5[%add3A_56, %dma_wait3A] : memref<409600x16xf32, #tpu.memory_space<hbm>> -> memref<1024x16xf32, #tpu.memory_space<hbm>>
      %dma_wait3A_129 = arith.constant 0 : i32
      %dma_wait3A_130 = tpu.memref_slice %arg9[%add3A_54, %dma_wait3A_129] : memref<102400x16xf32, #tpu.memory_space<vmem_shared>> -> memref<1024x16xf32, #tpu.memory_space<vmem_shared>>
      tpu.wait_dma2 semaphore(%run_scoped3A : memref<!tpu.dma_semaphore, #tpu.memory_space<semaphore_mem>>) src(%dma_wait3A_130 : memref<1024x16xf32, #tpu.memory_space<vmem_shared>>) dst(%dma_wait3A_128 : memref<1024x16xf32, #tpu.memory_space<hbm>>)
      tpu.yield
    }) : () -> ()
    %add3A_57 = arith.constant 6144 : i32
    %add3A_58 = arith.addi %mul3A_0, %add3A_57 : i32
    %add3A_59 = arith.constant 6144 : i32
    %add3A_60 = arith.addi %add3A_32, %add3A_59 : i32
    "tpu.region"() ({
      %run_scoped3A = tpu.sem_alloc : memref<!tpu.dma_semaphore, #tpu.memory_space<semaphore_mem>>
      %dma_start3A = arith.constant 0 : i32
      %dma_start3A_125 = tpu.memref_slice %arg5[%add3A_60, %dma_start3A] : memref<409600x16xf32, #tpu.memory_space<hbm>> -> memref<256x16xf32, #tpu.memory_space<hbm>>
      %dma_start3A_126 = arith.constant 0 : i32
      %dma_start3A_127 = tpu.memref_slice %arg9[%add3A_58, %dma_start3A_126] : memref<102400x16xf32, #tpu.memory_space<vmem_shared>> -> memref<256x16xf32, #tpu.memory_space<vmem_shared>>
      tpu.enqueue_dma source(%dma_start3A_127 : memref<256x16xf32, #tpu.memory_space<vmem_shared>>) target(%dma_start3A_125 : memref<256x16xf32, #tpu.memory_space<hbm>>) target_semaphore(%run_scoped3A : memref<!tpu.dma_semaphore, #tpu.memory_space<semaphore_mem>>)
      %dma_wait3A = arith.constant 0 : i32
      %dma_wait3A_128 = tpu.memref_slice %arg5[%add3A_60, %dma_wait3A] : memref<409600x16xf32, #tpu.memory_space<hbm>> -> memref<256x16xf32, #tpu.memory_space<hbm>>
      %dma_wait3A_129 = arith.constant 0 : i32
      %dma_wait3A_130 = tpu.memref_slice %arg9[%add3A_58, %dma_wait3A_129] : memref<102400x16xf32, #tpu.memory_space<vmem_shared>> -> memref<256x16xf32, #tpu.memory_space<vmem_shared>>
      tpu.wait_dma2 semaphore(%run_scoped3A : memref<!tpu.dma_semaphore, #tpu.memory_space<semaphore_mem>>) src(%dma_wait3A_130 : memref<256x16xf32, #tpu.memory_space<vmem_shared>>) dst(%dma_wait3A_128 : memref<256x16xf32, #tpu.memory_space<hbm>>)
      tpu.yield
    }) : () -> ()
    %barrier3A_61 = arith.constant 0 : index
    tpu.barrier barrier_id(%barrier3A_61)
    %mul3A_62 = arith.constant 2 : i32
    %mul3A_63 = arith.muli %arg0, %mul3A_62 : i32
    %add3A_64 = arith.constant 1 : i32
    %add3A_65 = arith.addi %mul3A_63, %add3A_64 : i32
    %scan3A_66 = arith.constant 0 : i32
    %scan3A_67 = arith.constant 0 : i32
    %scan3A_68 = arith.constant 1024 : i32
    %scan3A_69 = arith.addi %scan3A_67, %scan3A_68 : i32
    %scan3A_70 = arith.constant 1 : i32
    scf.for %scan3A_125 = %scan3A_67 to %scan3A_69 step %scan3A_70  : i32 {
      %broadcast_in_dim3A = arith.constant 0.000000e+00 : f32
      %broadcast_in_dim3A_126 = vector.broadcast %broadcast_in_dim3A : f32 to vector<16xf32>
      %swap3A = arith.index_cast %scan3A_125 : i32 to index
      %swap3A_127 = arith.constant 0 : index
      %swap3A_128 = tpu.vector_load %arg8[%swap3A, %swap3A_127] {strides = array<i32>} : memref<1024x16xf32, #tpu.memory_space<vmem>>, vector<1x16xf32>,
      %swap3A_129 = vector.shape_cast %swap3A_128 : vector<1x16xf32> to vector<16xf32>
      %swap3A_130 = vector.shape_cast %broadcast_in_dim3A_126 : vector<16xf32> to vector<1x16xf32>
      tpu.vector_store %arg8[%swap3A, %swap3A_127], %swap3A_130 {strides = array<i32>} : memref<1024x16xf32, #tpu.memory_space<vmem>>, vector<1x16xf32>,
    }
    %scan3A_71 = arith.constant 1024 : i32
    %add3A_72 = arith.constant 0 : i32
    %add3A_73 = arith.addi %mul3A_0, %add3A_72 : i32
    "tpu.region"() ({
      %run_scoped3A = tpu.sem_alloc : memref<!tpu.dma_semaphore, #tpu.memory_space<semaphore_mem>>
      %dma_start3A = arith.constant 0 : i32
      %dma_start3A_125 = arith.constant 0 : i32
      %dma_start3A_126 = tpu.memref_slice %arg8[%dma_start3A, %dma_start3A_125] : memref<1024x16xf32, #tpu.memory_space<vmem>> -> memref<1024x16xf32, #tpu.memory_space<vmem>>
      %dma_start3A_127 = arith.constant 0 : i32
      %dma_start3A_128 = tpu.memref_slice %arg9[%add3A_73, %dma_start3A_127] : memref<102400x16xf32, #tpu.memory_space<vmem_shared>> -> memref<1024x16xf32, #tpu.memory_space<vmem_shared>>
      %dma_start3A_129 = arith.constant 0 : i32
      %dma_start3A_130 = tpu.memref_slice %arg9[%add3A_73, %dma_start3A_129] : memref<102400x16xf32, #tpu.memory_space<vmem_shared>> -> memref<1024x16xf32, #tpu.memory_space<vmem_shared>>
      %dma_start3A_131 = arith.constant 0 : i32
      %dma_start3A_132 = arith.constant 0 : i32
      %dma_start3A_133 = tpu.memref_slice %arg8[%dma_start3A_131, %dma_start3A_132] : memref<1024x16xf32, #tpu.memory_space<vmem>> -> memref<1024x16xf32, #tpu.memory_space<vmem>>
      tpu.enqueue_dma source(%dma_start3A_133 : memref<1024x16xf32, #tpu.memory_space<vmem>>) target(%dma_start3A_130 : memref<1024x16xf32, #tpu.memory_space<vmem_shared>>) target_semaphore(%run_scoped3A : memref<!tpu.dma_semaphore, #tpu.memory_space<semaphore_mem>>)
      %dma_wait3A = arith.constant 0 : i32
      %dma_wait3A_134 = arith.constant 0 : i32
      %dma_wait3A_135 = tpu.memref_slice %arg8[%dma_wait3A, %dma_wait3A_134] : memref<1024x16xf32, #tpu.memory_space<vmem>> -> memref<1024x16xf32, #tpu.memory_space<vmem>>
      %dma_wait3A_136 = arith.constant 0 : i32
      %dma_wait3A_137 = tpu.memref_slice %arg9[%add3A_73, %dma_wait3A_136] : memref<102400x16xf32, #tpu.memory_space<vmem_shared>> -> memref<1024x16xf32, #tpu.memory_space<vmem_shared>>
      %dma_wait3A_138 = arith.constant 0 : i32
      %dma_wait3A_139 = tpu.memref_slice %arg9[%add3A_73, %dma_wait3A_138] : memref<102400x16xf32, #tpu.memory_space<vmem_shared>> -> memref<1024x16xf32, #tpu.memory_space<vmem_shared>>
      %dma_wait3A_140 = arith.constant 0 : i32
      %dma_wait3A_141 = arith.constant 0 : i32
      %dma_wait3A_142 = tpu.memref_slice %arg8[%dma_wait3A_140, %dma_wait3A_141] : memref<1024x16xf32, #tpu.memory_space<vmem>> -> memref<1024x16xf32, #tpu.memory_space<vmem>>
      tpu.wait_dma2 semaphore(%run_scoped3A : memref<!tpu.dma_semaphore, #tpu.memory_space<semaphore_mem>>) src(%dma_wait3A_142 : memref<1024x16xf32, #tpu.memory_space<vmem>>) dst(%dma_wait3A_139 : memref<1024x16xf32, #tpu.memory_space<vmem_shared>>)
      tpu.yield
    }) : () -> ()
    %add3A_74 = arith.constant 1024 : i32
    %add3A_75 = arith.addi %mul3A_0, %add3A_74 : i32
    "tpu.region"() ({
      %run_scoped3A = tpu.sem_alloc : memref<!tpu.dma_semaphore, #tpu.memory_space<semaphore_mem>>
      %dma_start3A = arith.constant 0 : i32
      %dma_start3A_125 = arith.constant 0 : i32
      %dma_start3A_126 = tpu.memref_slice %arg8[%dma_start3A, %dma_start3A_125] : memref<1024x16xf32, #tpu.memory_space<vmem>> -> memref<1024x16xf32, #tpu.memory_space<vmem>>
      %dma_start3A_127 = arith.constant 0 : i32
      %dma_start3A_128 = tpu.memref_slice %arg9[%add3A_75, %dma_start3A_127] : memref<102400x16xf32, #tpu.memory_space<vmem_shared>> -> memref<1024x16xf32, #tpu.memory_space<vmem_shared>>
      %dma_start3A_129 = arith.constant 0 : i32
      %dma_start3A_130 = tpu.memref_slice %arg9[%add3A_75, %dma_start3A_129] : memref<102400x16xf32, #tpu.memory_space<vmem_shared>> -> memref<1024x16xf32, #tpu.memory_space<vmem_shared>>
      %dma_start3A_131 = arith.constant 0 : i32
      %dma_start3A_132 = arith.constant 0 : i32
      %dma_start3A_133 = tpu.memref_slice %arg8[%dma_start3A_131, %dma_start3A_132] : memref<1024x16xf32, #tpu.memory_space<vmem>> -> memref<1024x16xf32, #tpu.memory_space<vmem>>
      tpu.enqueue_dma source(%dma_start3A_133 : memref<1024x16xf32, #tpu.memory_space<vmem>>) target(%dma_start3A_130 : memref<1024x16xf32, #tpu.memory_space<vmem_shared>>) target_semaphore(%run_scoped3A : memref<!tpu.dma_semaphore, #tpu.memory_space<semaphore_mem>>)
      %dma_wait3A = arith.constant 0 : i32
      %dma_wait3A_134 = arith.constant 0 : i32
      %dma_wait3A_135 = tpu.memref_slice %arg8[%dma_wait3A, %dma_wait3A_134] : memref<1024x16xf32, #tpu.memory_space<vmem>> -> memref<1024x16xf32, #tpu.memory_space<vmem>>
      %dma_wait3A_136 = arith.constant 0 : i32
      %dma_wait3A_137 = tpu.memref_slice %arg9[%add3A_75, %dma_wait3A_136] : memref<102400x16xf32, #tpu.memory_space<vmem_shared>> -> memref<1024x16xf32, #tpu.memory_space<vmem_shared>>
      %dma_wait3A_138 = arith.constant 0 : i32
      %dma_wait3A_139 = tpu.memref_slice %arg9[%add3A_75, %dma_wait3A_138] : memref<102400x16xf32, #tpu.memory_space<vmem_shared>> -> memref<1024x16xf32, #tpu.memory_space<vmem_shared>>
      %dma_wait3A_140 = arith.constant 0 : i32
      %dma_wait3A_141 = arith.constant 0 : i32
      %dma_wait3A_142 = tpu.memref_slice %arg8[%dma_wait3A_140, %dma_wait3A_141] : memref<1024x16xf32, #tpu.memory_space<vmem>> -> memref<1024x16xf32, #tpu.memory_space<vmem>>
      tpu.wait_dma2 semaphore(%run_scoped3A : memref<!tpu.dma_semaphore, #tpu.memory_space<semaphore_mem>>) src(%dma_wait3A_142 : memref<1024x16xf32, #tpu.memory_space<vmem>>) dst(%dma_wait3A_139 : memref<1024x16xf32, #tpu.memory_space<vmem_shared>>)
      tpu.yield
    }) : () -> ()
    %add3A_76 = arith.constant 2048 : i32
    %add3A_77 = arith.addi %mul3A_0, %add3A_76 : i32
    "tpu.region"() ({
      %run_scoped3A = tpu.sem_alloc : memref<!tpu.dma_semaphore, #tpu.memory_space<semaphore_mem>>
      %dma_start3A = arith.constant 0 : i32
      %dma_start3A_125 = arith.constant 0 : i32
      %dma_start3A_126 = tpu.memref_slice %arg8[%dma_start3A, %dma_start3A_125] : memref<1024x16xf32, #tpu.memory_space<vmem>> -> memref<1024x16xf32, #tpu.memory_space<vmem>>
      %dma_start3A_127 = arith.constant 0 : i32
      %dma_start3A_128 = tpu.memref_slice %arg9[%add3A_77, %dma_start3A_127] : memref<102400x16xf32, #tpu.memory_space<vmem_shared>> -> memref<1024x16xf32, #tpu.memory_space<vmem_shared>>
      %dma_start3A_129 = arith.constant 0 : i32
      %dma_start3A_130 = tpu.memref_slice %arg9[%add3A_77, %dma_start3A_129] : memref<102400x16xf32, #tpu.memory_space<vmem_shared>> -> memref<1024x16xf32, #tpu.memory_space<vmem_shared>>
      %dma_start3A_131 = arith.constant 0 : i32
      %dma_start3A_132 = arith.constant 0 : i32
      %dma_start3A_133 = tpu.memref_slice %arg8[%dma_start3A_131, %dma_start3A_132] : memref<1024x16xf32, #tpu.memory_space<vmem>> -> memref<1024x16xf32, #tpu.memory_space<vmem>>
      tpu.enqueue_dma source(%dma_start3A_133 : memref<1024x16xf32, #tpu.memory_space<vmem>>) target(%dma_start3A_130 : memref<1024x16xf32, #tpu.memory_space<vmem_shared>>) target_semaphore(%run_scoped3A : memref<!tpu.dma_semaphore, #tpu.memory_space<semaphore_mem>>)
      %dma_wait3A = arith.constant 0 : i32
      %dma_wait3A_134 = arith.constant 0 : i32
      %dma_wait3A_135 = tpu.memref_slice %arg8[%dma_wait3A, %dma_wait3A_134] : memref<1024x16xf32, #tpu.memory_space<vmem>> -> memref<1024x16xf32, #tpu.memory_space<vmem>>
      %dma_wait3A_136 = arith.constant 0 : i32
      %dma_wait3A_137 = tpu.memref_slice %arg9[%add3A_77, %dma_wait3A_136] : memref<102400x16xf32, #tpu.memory_space<vmem_shared>> -> memref<1024x16xf32, #tpu.memory_space<vmem_shared>>
      %dma_wait3A_138 = arith.constant 0 : i32
      %dma_wait3A_139 = tpu.memref_slice %arg9[%add3A_77, %dma_wait3A_138] : memref<102400x16xf32, #tpu.memory_space<vmem_shared>> -> memref<1024x16xf32, #tpu.memory_space<vmem_shared>>
      %dma_wait3A_140 = arith.constant 0 : i32
      %dma_wait3A_141 = arith.constant 0 : i32
      %dma_wait3A_142 = tpu.memref_slice %arg8[%dma_wait3A_140, %dma_wait3A_141] : memref<1024x16xf32, #tpu.memory_space<vmem>> -> memref<1024x16xf32, #tpu.memory_space<vmem>>
      tpu.wait_dma2 semaphore(%run_scoped3A : memref<!tpu.dma_semaphore, #tpu.memory_space<semaphore_mem>>) src(%dma_wait3A_142 : memref<1024x16xf32, #tpu.memory_space<vmem>>) dst(%dma_wait3A_139 : memref<1024x16xf32, #tpu.memory_space<vmem_shared>>)
      tpu.yield
    }) : () -> ()
    %add3A_78 = arith.constant 3072 : i32
    %add3A_79 = arith.addi %mul3A_0, %add3A_78 : i32
    "tpu.region"() ({
      %run_scoped3A = tpu.sem_alloc : memref<!tpu.dma_semaphore, #tpu.memory_space<semaphore_mem>>
      %dma_start3A = arith.constant 0 : i32
      %dma_start3A_125 = arith.constant 0 : i32
      %dma_start3A_126 = tpu.memref_slice %arg8[%dma_start3A, %dma_start3A_125] : memref<1024x16xf32, #tpu.memory_space<vmem>> -> memref<1024x16xf32, #tpu.memory_space<vmem>>
      %dma_start3A_127 = arith.constant 0 : i32
      %dma_start3A_128 = tpu.memref_slice %arg9[%add3A_79, %dma_start3A_127] : memref<102400x16xf32, #tpu.memory_space<vmem_shared>> -> memref<1024x16xf32, #tpu.memory_space<vmem_shared>>
      %dma_start3A_129 = arith.constant 0 : i32
      %dma_start3A_130 = tpu.memref_slice %arg9[%add3A_79, %dma_start3A_129] : memref<102400x16xf32, #tpu.memory_space<vmem_shared>> -> memref<1024x16xf32, #tpu.memory_space<vmem_shared>>
      %dma_start3A_131 = arith.constant 0 : i32
      %dma_start3A_132 = arith.constant 0 : i32
      %dma_start3A_133 = tpu.memref_slice %arg8[%dma_start3A_131, %dma_start3A_132] : memref<1024x16xf32, #tpu.memory_space<vmem>> -> memref<1024x16xf32, #tpu.memory_space<vmem>>
      tpu.enqueue_dma source(%dma_start3A_133 : memref<1024x16xf32, #tpu.memory_space<vmem>>) target(%dma_start3A_130 : memref<1024x16xf32, #tpu.memory_space<vmem_shared>>) target_semaphore(%run_scoped3A : memref<!tpu.dma_semaphore, #tpu.memory_space<semaphore_mem>>)
      %dma_wait3A = arith.constant 0 : i32
      %dma_wait3A_134 = arith.constant 0 : i32
      %dma_wait3A_135 = tpu.memref_slice %arg8[%dma_wait3A, %dma_wait3A_134] : memref<1024x16xf32, #tpu.memory_space<vmem>> -> memref<1024x16xf32, #tpu.memory_space<vmem>>
      %dma_wait3A_136 = arith.constant 0 : i32
      %dma_wait3A_137 = tpu.memref_slice %arg9[%add3A_79, %dma_wait3A_136] : memref<102400x16xf32, #tpu.memory_space<vmem_shared>> -> memref<1024x16xf32, #tpu.memory_space<vmem_shared>>
      %dma_wait3A_138 = arith.constant 0 : i32
      %dma_wait3A_139 = tpu.memref_slice %arg9[%add3A_79, %dma_wait3A_138] : memref<102400x16xf32, #tpu.memory_space<vmem_shared>> -> memref<1024x16xf32, #tpu.memory_space<vmem_shared>>
      %dma_wait3A_140 = arith.constant 0 : i32
      %dma_wait3A_141 = arith.constant 0 : i32
      %dma_wait3A_142 = tpu.memref_slice %arg8[%dma_wait3A_140, %dma_wait3A_141] : memref<1024x16xf32, #tpu.memory_space<vmem>> -> memref<1024x16xf32, #tpu.memory_space<vmem>>
      tpu.wait_dma2 semaphore(%run_scoped3A : memref<!tpu.dma_semaphore, #tpu.memory_space<semaphore_mem>>) src(%dma_wait3A_142 : memref<1024x16xf32, #tpu.memory_space<vmem>>) dst(%dma_wait3A_139 : memref<1024x16xf32, #tpu.memory_space<vmem_shared>>)
      tpu.yield
    }) : () -> ()
    %add3A_80 = arith.constant 4096 : i32
    %add3A_81 = arith.addi %mul3A_0, %add3A_80 : i32
    "tpu.region"() ({
      %run_scoped3A = tpu.sem_alloc : memref<!tpu.dma_semaphore, #tpu.memory_space<semaphore_mem>>
      %dma_start3A = arith.constant 0 : i32
      %dma_start3A_125 = arith.constant 0 : i32
      %dma_start3A_126 = tpu.memref_slice %arg8[%dma_start3A, %dma_start3A_125] : memref<1024x16xf32, #tpu.memory_space<vmem>> -> memref<1024x16xf32, #tpu.memory_space<vmem>>
      %dma_start3A_127 = arith.constant 0 : i32
      %dma_start3A_128 = tpu.memref_slice %arg9[%add3A_81, %dma_start3A_127] : memref<102400x16xf32, #tpu.memory_space<vmem_shared>> -> memref<1024x16xf32, #tpu.memory_space<vmem_shared>>
      %dma_start3A_129 = arith.constant 0 : i32
      %dma_start3A_130 = tpu.memref_slice %arg9[%add3A_81, %dma_start3A_129] : memref<102400x16xf32, #tpu.memory_space<vmem_shared>> -> memref<1024x16xf32, #tpu.memory_space<vmem_shared>>
      %dma_start3A_131 = arith.constant 0 : i32
      %dma_start3A_132 = arith.constant 0 : i32
      %dma_start3A_133 = tpu.memref_slice %arg8[%dma_start3A_131, %dma_start3A_132] : memref<1024x16xf32, #tpu.memory_space<vmem>> -> memref<1024x16xf32, #tpu.memory_space<vmem>>
      tpu.enqueue_dma source(%dma_start3A_133 : memref<1024x16xf32, #tpu.memory_space<vmem>>) target(%dma_start3A_130 : memref<1024x16xf32, #tpu.memory_space<vmem_shared>>) target_semaphore(%run_scoped3A : memref<!tpu.dma_semaphore, #tpu.memory_space<semaphore_mem>>)
      %dma_wait3A = arith.constant 0 : i32
      %dma_wait3A_134 = arith.constant 0 : i32
      %dma_wait3A_135 = tpu.memref_slice %arg8[%dma_wait3A, %dma_wait3A_134] : memref<1024x16xf32, #tpu.memory_space<vmem>> -> memref<1024x16xf32, #tpu.memory_space<vmem>>
      %dma_wait3A_136 = arith.constant 0 : i32
      %dma_wait3A_137 = tpu.memref_slice %arg9[%add3A_81, %dma_wait3A_136] : memref<102400x16xf32, #tpu.memory_space<vmem_shared>> -> memref<1024x16xf32, #tpu.memory_space<vmem_shared>>
      %dma_wait3A_138 = arith.constant 0 : i32
      %dma_wait3A_139 = tpu.memref_slice %arg9[%add3A_81, %dma_wait3A_138] : memref<102400x16xf32, #tpu.memory_space<vmem_shared>> -> memref<1024x16xf32, #tpu.memory_space<vmem_shared>>
      %dma_wait3A_140 = arith.constant 0 : i32
      %dma_wait3A_141 = arith.constant 0 : i32
      %dma_wait3A_142 = tpu.memref_slice %arg8[%dma_wait3A_140, %dma_wait3A_141] : memref<1024x16xf32, #tpu.memory_space<vmem>> -> memref<1024x16xf32, #tpu.memory_space<vmem>>
      tpu.wait_dma2 semaphore(%run_scoped3A : memref<!tpu.dma_semaphore, #tpu.memory_space<semaphore_mem>>) src(%dma_wait3A_142 : memref<1024x16xf32, #tpu.memory_space<vmem>>) dst(%dma_wait3A_139 : memref<1024x16xf32, #tpu.memory_space<vmem_shared>>)
      tpu.yield
    }) : () -> ()
    %add3A_82 = arith.constant 5120 : i32
    %add3A_83 = arith.addi %mul3A_0, %add3A_82 : i32
    "tpu.region"() ({
      %run_scoped3A = tpu.sem_alloc : memref<!tpu.dma_semaphore, #tpu.memory_space<semaphore_mem>>
      %dma_start3A = arith.constant 0 : i32
      %dma_start3A_125 = arith.constant 0 : i32
      %dma_start3A_126 = tpu.memref_slice %arg8[%dma_start3A, %dma_start3A_125] : memref<1024x16xf32, #tpu.memory_space<vmem>> -> memref<1024x16xf32, #tpu.memory_space<vmem>>
      %dma_start3A_127 = arith.constant 0 : i32
      %dma_start3A_128 = tpu.memref_slice %arg9[%add3A_83, %dma_start3A_127] : memref<102400x16xf32, #tpu.memory_space<vmem_shared>> -> memref<1024x16xf32, #tpu.memory_space<vmem_shared>>
      %dma_start3A_129 = arith.constant 0 : i32
      %dma_start3A_130 = tpu.memref_slice %arg9[%add3A_83, %dma_start3A_129] : memref<102400x16xf32, #tpu.memory_space<vmem_shared>> -> memref<1024x16xf32, #tpu.memory_space<vmem_shared>>
      %dma_start3A_131 = arith.constant 0 : i32
      %dma_start3A_132 = arith.constant 0 : i32
      %dma_start3A_133 = tpu.memref_slice %arg8[%dma_start3A_131, %dma_start3A_132] : memref<1024x16xf32, #tpu.memory_space<vmem>> -> memref<1024x16xf32, #tpu.memory_space<vmem>>
      tpu.enqueue_dma source(%dma_start3A_133 : memref<1024x16xf32, #tpu.memory_space<vmem>>) target(%dma_start3A_130 : memref<1024x16xf32, #tpu.memory_space<vmem_shared>>) target_semaphore(%run_scoped3A : memref<!tpu.dma_semaphore, #tpu.memory_space<semaphore_mem>>)
      %dma_wait3A = arith.constant 0 : i32
      %dma_wait3A_134 = arith.constant 0 : i32
      %dma_wait3A_135 = tpu.memref_slice %arg8[%dma_wait3A, %dma_wait3A_134] : memref<1024x16xf32, #tpu.memory_space<vmem>> -> memref<1024x16xf32, #tpu.memory_space<vmem>>
      %dma_wait3A_136 = arith.constant 0 : i32
      %dma_wait3A_137 = tpu.memref_slice %arg9[%add3A_83, %dma_wait3A_136] : memref<102400x16xf32, #tpu.memory_space<vmem_shared>> -> memref<1024x16xf32, #tpu.memory_space<vmem_shared>>
      %dma_wait3A_138 = arith.constant 0 : i32
      %dma_wait3A_139 = tpu.memref_slice %arg9[%add3A_83, %dma_wait3A_138] : memref<102400x16xf32, #tpu.memory_space<vmem_shared>> -> memref<1024x16xf32, #tpu.memory_space<vmem_shared>>
      %dma_wait3A_140 = arith.constant 0 : i32
      %dma_wait3A_141 = arith.constant 0 : i32
      %dma_wait3A_142 = tpu.memref_slice %arg8[%dma_wait3A_140, %dma_wait3A_141] : memref<1024x16xf32, #tpu.memory_space<vmem>> -> memref<1024x16xf32, #tpu.memory_space<vmem>>
      tpu.wait_dma2 semaphore(%run_scoped3A : memref<!tpu.dma_semaphore, #tpu.memory_space<semaphore_mem>>) src(%dma_wait3A_142 : memref<1024x16xf32, #tpu.memory_space<vmem>>) dst(%dma_wait3A_139 : memref<1024x16xf32, #tpu.memory_space<vmem_shared>>)
      tpu.yield
    }) : () -> ()
    %add3A_84 = arith.constant 6144 : i32
    %add3A_85 = arith.addi %mul3A_0, %add3A_84 : i32
    "tpu.region"() ({
      %run_scoped3A = tpu.sem_alloc : memref<!tpu.dma_semaphore, #tpu.memory_space<semaphore_mem>>
      %dma_start3A = arith.constant 0 : i32
      %dma_start3A_125 = arith.constant 0 : i32
      %dma_start3A_126 = tpu.memref_slice %arg8[%dma_start3A, %dma_start3A_125] : memref<1024x16xf32, #tpu.memory_space<vmem>> -> memref<256x16xf32, #tpu.memory_space<vmem>>
      %dma_start3A_127 = arith.constant 0 : i32
      %dma_start3A_128 = tpu.memref_slice %arg9[%add3A_85, %dma_start3A_127] : memref<102400x16xf32, #tpu.memory_space<vmem_shared>> -> memref<256x16xf32, #tpu.memory_space<vmem_shared>>
      %dma_start3A_129 = arith.constant 0 : i32
      %dma_start3A_130 = tpu.memref_slice %arg9[%add3A_85, %dma_start3A_129] : memref<102400x16xf32, #tpu.memory_space<vmem_shared>> -> memref<256x16xf32, #tpu.memory_space<vmem_shared>>
      %dma_start3A_131 = arith.constant 0 : i32
      %dma_start3A_132 = arith.constant 0 : i32
      %dma_start3A_133 = tpu.memref_slice %arg8[%dma_start3A_131, %dma_start3A_132] : memref<1024x16xf32, #tpu.memory_space<vmem>> -> memref<256x16xf32, #tpu.memory_space<vmem>>
      tpu.enqueue_dma source(%dma_start3A_133 : memref<256x16xf32, #tpu.memory_space<vmem>>) target(%dma_start3A_130 : memref<256x16xf32, #tpu.memory_space<vmem_shared>>) target_semaphore(%run_scoped3A : memref<!tpu.dma_semaphore, #tpu.memory_space<semaphore_mem>>)
      %dma_wait3A = arith.constant 0 : i32
      %dma_wait3A_134 = arith.constant 0 : i32
      %dma_wait3A_135 = tpu.memref_slice %arg8[%dma_wait3A, %dma_wait3A_134] : memref<1024x16xf32, #tpu.memory_space<vmem>> -> memref<256x16xf32, #tpu.memory_space<vmem>>
      %dma_wait3A_136 = arith.constant 0 : i32
      %dma_wait3A_137 = tpu.memref_slice %arg9[%add3A_85, %dma_wait3A_136] : memref<102400x16xf32, #tpu.memory_space<vmem_shared>> -> memref<256x16xf32, #tpu.memory_space<vmem_shared>>
      %dma_wait3A_138 = arith.constant 0 : i32
      %dma_wait3A_139 = tpu.memref_slice %arg9[%add3A_85, %dma_wait3A_138] : memref<102400x16xf32, #tpu.memory_space<vmem_shared>> -> memref<256x16xf32, #tpu.memory_space<vmem_shared>>
      %dma_wait3A_140 = arith.constant 0 : i32
      %dma_wait3A_141 = arith.constant 0 : i32
      %dma_wait3A_142 = tpu.memref_slice %arg8[%dma_wait3A_140, %dma_wait3A_141] : memref<1024x16xf32, #tpu.memory_space<vmem>> -> memref<256x16xf32, #tpu.memory_space<vmem>>
      tpu.wait_dma2 semaphore(%run_scoped3A : memref<!tpu.dma_semaphore, #tpu.memory_space<semaphore_mem>>) src(%dma_wait3A_142 : memref<256x16xf32, #tpu.memory_space<vmem>>) dst(%dma_wait3A_139 : memref<256x16xf32, #tpu.memory_space<vmem_shared>>)
      tpu.yield
    }) : () -> ()
    %barrier3A_86 = arith.constant 0 : index
    tpu.barrier barrier_id(%barrier3A_86)
    %scan3A_87 = arith.constant 0 : i32
    %scan3A_88 = arith.constant 0 : i32
    %scan3A_89 = arith.constant 196 : i32
    %scan3A_90 = arith.addi %scan3A_88, %scan3A_89 : i32
    %scan3A_91 = arith.constant 1 : i32
    scf.for %scan3A_125 = %scan3A_88 to %scan3A_90 step %scan3A_91  : i32 {
      %mul3A_126 = arith.constant 200704 : i32
      %mul3A_127 = arith.muli %arg1, %mul3A_126 : i32
      %mul3A_128 = arith.constant 1024 : i32
      %mul3A_129 = arith.muli %scan3A_125, %mul3A_128 : i32
      %add3A_130 = arith.addi %mul3A_127, %mul3A_129 : i32
      %mul3A_131 = arith.constant 1568 : i32
      %mul3A_132 = arith.muli %arg1, %mul3A_131 : i32
      %mul3A_133 = arith.constant 8 : i32
      %mul3A_134 = arith.muli %scan3A_125, %mul3A_133 : i32
      %add3A_135 = arith.addi %mul3A_132, %mul3A_134 : i32
      "tpu.region"() ({
        %run_scoped3A_277 = tpu.sem_alloc : memref<!tpu.dma_semaphore, #tpu.memory_space<semaphore_mem>>
        %dma_start3A_278 = tpu.memref_slice %arg3[%add3A_130] : memref<3211264xi32, #tpu.memory_space<hbm>> -> memref<1024xi32, #tpu.memory_space<hbm>>
        %dma_start3A_279 = tpu.memref_slice %arg3[%add3A_130] : memref<3211264xi32, #tpu.memory_space<hbm>> -> memref<1024xi32, #tpu.memory_space<hbm>>
        tpu.enqueue_dma source(%dma_start3A_279 : memref<1024xi32, #tpu.memory_space<hbm>>) target(%arg6 : memref<1024xi32, #tpu.memory_space<vmem>>) target_semaphore(%run_scoped3A_277 : memref<!tpu.dma_semaphore, #tpu.memory_space<semaphore_mem>>)
        %dma_wait3A_280 = tpu.memref_slice %arg3[%add3A_130] : memref<3211264xi32, #tpu.memory_space<hbm>> -> memref<1024xi32, #tpu.memory_space<hbm>>
        %dma_wait3A_281 = tpu.memref_slice %arg3[%add3A_130] : memref<3211264xi32, #tpu.memory_space<hbm>> -> memref<1024xi32, #tpu.memory_space<hbm>>
        tpu.wait_dma2 semaphore(%run_scoped3A_277 : memref<!tpu.dma_semaphore, #tpu.memory_space<semaphore_mem>>) src(%dma_wait3A_281 : memref<1024xi32, #tpu.memory_space<hbm>>) dst(%arg6 : memref<1024xi32, #tpu.memory_space<vmem>>)
        tpu.yield
      }) : () -> ()
      "tpu.region"() ({
        %run_scoped3A_277 = tpu.sem_alloc : memref<!tpu.dma_semaphore, #tpu.memory_space<semaphore_mem>>
        %dma_start3A_278 = arith.constant 0 : i32
        %dma_start3A_279 = tpu.memref_slice %arg4[%add3A_135, %dma_start3A_278] : memref<25088x128xi32, #tpu.memory_space<hbm>> -> memref<8x128xi32, #tpu.memory_space<hbm>>
        %dma_start3A_280 = arith.constant 0 : i32
        %dma_start3A_281 = tpu.memref_slice %arg4[%add3A_135, %dma_start3A_280] : memref<25088x128xi32, #tpu.memory_space<hbm>> -> memref<8x128xi32, #tpu.memory_space<hbm>>
        tpu.enqueue_dma source(%dma_start3A_281 : memref<8x128xi32, #tpu.memory_space<hbm>>) target(%arg7 : memref<8x128xi32, #tpu.memory_space<vmem>>) target_semaphore(%run_scoped3A_277 : memref<!tpu.dma_semaphore, #tpu.memory_space<semaphore_mem>>)
        %dma_wait3A_282 = arith.constant 0 : i32
        %dma_wait3A_283 = tpu.memref_slice %arg4[%add3A_135, %dma_wait3A_282] : memref<25088x128xi32, #tpu.memory_space<hbm>> -> memref<8x128xi32, #tpu.memory_space<hbm>>
        %dma_wait3A_284 = arith.constant 0 : i32
        %dma_wait3A_285 = tpu.memref_slice %arg4[%add3A_135, %dma_wait3A_284] : memref<25088x128xi32, #tpu.memory_space<hbm>> -> memref<8x128xi32, #tpu.memory_space<hbm>>
        tpu.wait_dma2 semaphore(%run_scoped3A_277 : memref<!tpu.dma_semaphore, #tpu.memory_space<semaphore_mem>>) src(%dma_wait3A_285 : memref<8x128xi32, #tpu.memory_space<hbm>>) dst(%arg7 : memref<8x128xi32, #tpu.memory_space<vmem>>)
        tpu.yield
      }) : () -> ()
      %broadcast_in_dim3A = vector.broadcast %add3A_65 : i32 to vector<16xi32>
      %broadcast_in_dim3A_136 = arith.constant 4 : i32
      %broadcast_in_dim3A_137 = vector.broadcast %broadcast_in_dim3A_136 : i32 to vector<16xi32>
      %scan3A_138 = arith.constant 0 : i32
      %scan3A_139 = arith.constant 0 : i32
      %scan3A_140 = arith.constant 64 : i32
      %scan3A_141 = arith.addi %scan3A_139, %scan3A_140 : i32
      %scan3A_142 = arith.constant 1 : i32
      scf.for %scan3A_277 = %scan3A_139 to %scan3A_141 step %scan3A_142  : i32 {
        %mul3A_278 = arith.constant 16 : i32
        %mul3A_279 = arith.muli %scan3A_277, %mul3A_278 : i32
        %get3A = arith.index_cast %mul3A_279 : i32 to index
        %get3A_280 = tpu.vector_load %arg6[%get3A] {strides = array<i32>} : memref<1024xi32, #tpu.memory_space<vmem>>, vector<16xi32>,
        %get3A_281 = vector.shape_cast %get3A_280 : vector<16xi32> to vector<16xi32>
        %mul3A_282 = arith.muli %get3A_281, %broadcast_in_dim3A_137 : vector<16xi32>
        %add3A_283 = arith.addi %mul3A_282, %broadcast_in_dim3A : vector<16xi32>
        %mul3A_284 = arith.constant 16 : i32
        %mul3A_285 = arith.muli %scan3A_277, %mul3A_284 : i32
        %swap3A = arith.index_cast %mul3A_285 : i32 to index
        %swap3A_286 = tpu.vector_load %arg6[%swap3A] {strides = array<i32>} : memref<1024xi32, #tpu.memory_space<vmem>>, vector<16xi32>,
        %swap3A_287 = vector.shape_cast %swap3A_286 : vector<16xi32> to vector<16xi32>
        %swap3A_288 = vector.shape_cast %add3A_283 : vector<16xi32> to vector<16xi32>
        tpu.vector_store %arg6[%swap3A], %swap3A_288 {strides = array<i32>} : memref<1024xi32, #tpu.memory_space<vmem>>, vector<16xi32>,
      }
      %scan3A_143 = arith.constant 64 : i32
      %dma_start3A = arith.constant 0 : i32
      %dma_start3A_144 = arith.constant 0 : i32
      %dma_start3A_145 = tpu.memref_slice %arg8[%dma_start3A, %dma_start3A_144] : memref<1024x16xf32, #tpu.memory_space<vmem>> -> memref<128x16xf32, #tpu.memory_space<vmem>>
      %dma_start3A_146 = arith.constant 0 : i32
      %dma_start3A_147 = tpu.memref_slice %arg6[%dma_start3A_146] : memref<1024xi32, #tpu.memory_space<vmem>> -> memref<128xi32, #tpu.memory_space<vmem>>
      %dma_start3A_148 = arith.constant 0 : i32
      %dma_start3A_149 = arith.constant 0 : i32
      %dma_start3A_150 = tpu.memref_slice %arg2[%dma_start3A_148, %dma_start3A_149] : memref<400000x16xf32, #tpu.memory_space<hbm>> -> memref<400000x16xf32, #tpu.memory_space<hbm>>
      tpu.enqueue_indirect_dma source(%dma_start3A_150 : memref<400000x16xf32, #tpu.memory_space<hbm>>) target(%dma_start3A_145 : memref<128x16xf32, #tpu.memory_space<vmem>>) offsets(%dma_start3A_147 : memref<128xi32, #tpu.memory_space<vmem>>) semaphore(%arg10 : memref<!tpu.dma_semaphore, #tpu.memory_space<semaphore_mem>>)
      %dma_start3A_151 = arith.constant 128 : i32
      %dma_start3A_152 = arith.constant 0 : i32
      %dma_start3A_153 = tpu.memref_slice %arg8[%dma_start3A_151, %dma_start3A_152] : memref<1024x16xf32, #tpu.memory_space<vmem>> -> memref<128x16xf32, #tpu.memory_space<vmem>>
      %dma_start3A_154 = arith.constant 128 : i32
      %dma_start3A_155 = tpu.memref_slice %arg6[%dma_start3A_154] : memref<1024xi32, #tpu.memory_space<vmem>> -> memref<128xi32, #tpu.memory_space<vmem>>
      %dma_start3A_156 = arith.constant 0 : i32
      %dma_start3A_157 = arith.constant 0 : i32
      %dma_start3A_158 = tpu.memref_slice %arg2[%dma_start3A_156, %dma_start3A_157] : memref<400000x16xf32, #tpu.memory_space<hbm>> -> memref<400000x16xf32, #tpu.memory_space<hbm>>
      tpu.enqueue_indirect_dma source(%dma_start3A_158 : memref<400000x16xf32, #tpu.memory_space<hbm>>) target(%dma_start3A_153 : memref<128x16xf32, #tpu.memory_space<vmem>>) offsets(%dma_start3A_155 : memref<128xi32, #tpu.memory_space<vmem>>) semaphore(%arg10 : memref<!tpu.dma_semaphore, #tpu.memory_space<semaphore_mem>>)
      %dma_start3A_159 = arith.constant 256 : i32
      %dma_start3A_160 = arith.constant 0 : i32
      %dma_start3A_161 = tpu.memref_slice %arg8[%dma_start3A_159, %dma_start3A_160] : memref<1024x16xf32, #tpu.memory_space<vmem>> -> memref<128x16xf32, #tpu.memory_space<vmem>>
      %dma_start3A_162 = arith.constant 256 : i32
      %dma_start3A_163 = tpu.memref_slice %arg6[%dma_start3A_162] : memref<1024xi32, #tpu.memory_space<vmem>> -> memref<128xi32, #tpu.memory_space<vmem>>
      %dma_start3A_164 = arith.constant 0 : i32
      %dma_start3A_165 = arith.constant 0 : i32
      %dma_start3A_166 = tpu.memref_slice %arg2[%dma_start3A_164, %dma_start3A_165] : memref<400000x16xf32, #tpu.memory_space<hbm>> -> memref<400000x16xf32, #tpu.memory_space<hbm>>
      tpu.enqueue_indirect_dma source(%dma_start3A_166 : memref<400000x16xf32, #tpu.memory_space<hbm>>) target(%dma_start3A_161 : memref<128x16xf32, #tpu.memory_space<vmem>>) offsets(%dma_start3A_163 : memref<128xi32, #tpu.memory_space<vmem>>) semaphore(%arg10 : memref<!tpu.dma_semaphore, #tpu.memory_space<semaphore_mem>>)
      %dma_start3A_167 = arith.constant 384 : i32
      %dma_start3A_168 = arith.constant 0 : i32
      %dma_start3A_169 = tpu.memref_slice %arg8[%dma_start3A_167, %dma_start3A_168] : memref<1024x16xf32, #tpu.memory_space<vmem>> -> memref<128x16xf32, #tpu.memory_space<vmem>>
      %dma_start3A_170 = arith.constant 384 : i32
      %dma_start3A_171 = tpu.memref_slice %arg6[%dma_start3A_170] : memref<1024xi32, #tpu.memory_space<vmem>> -> memref<128xi32, #tpu.memory_space<vmem>>
      %dma_start3A_172 = arith.constant 0 : i32
      %dma_start3A_173 = arith.constant 0 : i32
      %dma_start3A_174 = tpu.memref_slice %arg2[%dma_start3A_172, %dma_start3A_173] : memref<400000x16xf32, #tpu.memory_space<hbm>> -> memref<400000x16xf32, #tpu.memory_space<hbm>>
      tpu.enqueue_indirect_dma source(%dma_start3A_174 : memref<400000x16xf32, #tpu.memory_space<hbm>>) target(%dma_start3A_169 : memref<128x16xf32, #tpu.memory_space<vmem>>) offsets(%dma_start3A_171 : memref<128xi32, #tpu.memory_space<vmem>>) semaphore(%arg10 : memref<!tpu.dma_semaphore, #tpu.memory_space<semaphore_mem>>)
      %dma_start3A_175 = arith.constant 512 : i32
      %dma_start3A_176 = arith.constant 0 : i32
      %dma_start3A_177 = tpu.memref_slice %arg8[%dma_start3A_175, %dma_start3A_176] : memref<1024x16xf32, #tpu.memory_space<vmem>> -> memref<128x16xf32, #tpu.memory_space<vmem>>
      %dma_start3A_178 = arith.constant 512 : i32
      %dma_start3A_179 = tpu.memref_slice %arg6[%dma_start3A_178] : memref<1024xi32, #tpu.memory_space<vmem>> -> memref<128xi32, #tpu.memory_space<vmem>>
      %dma_start3A_180 = arith.constant 0 : i32
      %dma_start3A_181 = arith.constant 0 : i32
      %dma_start3A_182 = tpu.memref_slice %arg2[%dma_start3A_180, %dma_start3A_181] : memref<400000x16xf32, #tpu.memory_space<hbm>> -> memref<400000x16xf32, #tpu.memory_space<hbm>>
      tpu.enqueue_indirect_dma source(%dma_start3A_182 : memref<400000x16xf32, #tpu.memory_space<hbm>>) target(%dma_start3A_177 : memref<128x16xf32, #tpu.memory_space<vmem>>) offsets(%dma_start3A_179 : memref<128xi32, #tpu.memory_space<vmem>>) semaphore(%arg10 : memref<!tpu.dma_semaphore, #tpu.memory_space<semaphore_mem>>)
      %dma_start3A_183 = arith.constant 640 : i32
      %dma_start3A_184 = arith.constant 0 : i32
      %dma_start3A_185 = tpu.memref_slice %arg8[%dma_start3A_183, %dma_start3A_184] : memref<1024x16xf32, #tpu.memory_space<vmem>> -> memref<128x16xf32, #tpu.memory_space<vmem>>
      %dma_start3A_186 = arith.constant 640 : i32
      %dma_start3A_187 = tpu.memref_slice %arg6[%dma_start3A_186] : memref<1024xi32, #tpu.memory_space<vmem>> -> memref<128xi32, #tpu.memory_space<vmem>>
      %dma_start3A_188 = arith.constant 0 : i32
      %dma_start3A_189 = arith.constant 0 : i32
      %dma_start3A_190 = tpu.memref_slice %arg2[%dma_start3A_188, %dma_start3A_189] : memref<400000x16xf32, #tpu.memory_space<hbm>> -> memref<400000x16xf32, #tpu.memory_space<hbm>>
      tpu.enqueue_indirect_dma source(%dma_start3A_190 : memref<400000x16xf32, #tpu.memory_space<hbm>>) target(%dma_start3A_185 : memref<128x16xf32, #tpu.memory_space<vmem>>) offsets(%dma_start3A_187 : memref<128xi32, #tpu.memory_space<vmem>>) semaphore(%arg10 : memref<!tpu.dma_semaphore, #tpu.memory_space<semaphore_mem>>)
      %dma_start3A_191 = arith.constant 768 : i32
      %dma_start3A_192 = arith.constant 0 : i32
      %dma_start3A_193 = tpu.memref_slice %arg8[%dma_start3A_191, %dma_start3A_192] : memref<1024x16xf32, #tpu.memory_space<vmem>> -> memref<128x16xf32, #tpu.memory_space<vmem>>
      %dma_start3A_194 = arith.constant 768 : i32
      %dma_start3A_195 = tpu.memref_slice %arg6[%dma_start3A_194] : memref<1024xi32, #tpu.memory_space<vmem>> -> memref<128xi32, #tpu.memory_space<vmem>>
      %dma_start3A_196 = arith.constant 0 : i32
      %dma_start3A_197 = arith.constant 0 : i32
      %dma_start3A_198 = tpu.memref_slice %arg2[%dma_start3A_196, %dma_start3A_197] : memref<400000x16xf32, #tpu.memory_space<hbm>> -> memref<400000x16xf32, #tpu.memory_space<hbm>>
      tpu.enqueue_indirect_dma source(%dma_start3A_198 : memref<400000x16xf32, #tpu.memory_space<hbm>>) target(%dma_start3A_193 : memref<128x16xf32, #tpu.memory_space<vmem>>) offsets(%dma_start3A_195 : memref<128xi32, #tpu.memory_space<vmem>>) semaphore(%arg10 : memref<!tpu.dma_semaphore, #tpu.memory_space<semaphore_mem>>)
      %dma_start3A_199 = arith.constant 896 : i32
      %dma_start3A_200 = arith.constant 0 : i32
      %dma_start3A_201 = tpu.memref_slice %arg8[%dma_start3A_199, %dma_start3A_200] : memref<1024x16xf32, #tpu.memory_space<vmem>> -> memref<128x16xf32, #tpu.memory_space<vmem>>
      %dma_start3A_202 = arith.constant 896 : i32
      %dma_start3A_203 = tpu.memref_slice %arg6[%dma_start3A_202] : memref<1024xi32, #tpu.memory_space<vmem>> -> memref<128xi32, #tpu.memory_space<vmem>>
      %dma_start3A_204 = arith.constant 0 : i32
      %dma_start3A_205 = arith.constant 0 : i32
      %dma_start3A_206 = tpu.memref_slice %arg2[%dma_start3A_204, %dma_start3A_205] : memref<400000x16xf32, #tpu.memory_space<hbm>> -> memref<400000x16xf32, #tpu.memory_space<hbm>>
      tpu.enqueue_indirect_dma source(%dma_start3A_206 : memref<400000x16xf32, #tpu.memory_space<hbm>>) target(%dma_start3A_201 : memref<128x16xf32, #tpu.memory_space<vmem>>) offsets(%dma_start3A_203 : memref<128xi32, #tpu.memory_space<vmem>>) semaphore(%arg10 : memref<!tpu.dma_semaphore, #tpu.memory_space<semaphore_mem>>)
      %dma_wait3A = arith.constant 0 : i32
      %dma_wait3A_207 = arith.constant 0 : i32
      %dma_wait3A_208 = tpu.memref_slice %arg8[%dma_wait3A, %dma_wait3A_207] : memref<1024x16xf32, #tpu.memory_space<vmem>> -> memref<128x16xf32, #tpu.memory_space<vmem>>
      %dma_wait3A_209 = arith.constant 0 : i32
      %dma_wait3A_210 = tpu.memref_slice %arg6[%dma_wait3A_209] : memref<1024xi32, #tpu.memory_space<vmem>> -> memref<128xi32, #tpu.memory_space<vmem>>
      %dma_wait3A_211 = arith.constant 0 : i32
      %dma_wait3A_212 = arith.constant 0 : i32
      %dma_wait3A_213 = tpu.memref_slice %arg2[%dma_wait3A_211, %dma_wait3A_212] : memref<400000x16xf32, #tpu.memory_space<hbm>> -> memref<400000x16xf32, #tpu.memory_space<hbm>>
      tpu.wait_indirect_dma semaphore(%arg10 : memref<!tpu.dma_semaphore, #tpu.memory_space<semaphore_mem>>) src(%dma_wait3A_213 : memref<400000x16xf32, #tpu.memory_space<hbm>>) dst(%dma_wait3A_208 : memref<128x16xf32, #tpu.memory_space<vmem>>)
      %dma_wait3A_214 = arith.constant 128 : i32
      %dma_wait3A_215 = arith.constant 0 : i32
      %dma_wait3A_216 = tpu.memref_slice %arg8[%dma_wait3A_214, %dma_wait3A_215] : memref<1024x16xf32, #tpu.memory_space<vmem>> -> memref<128x16xf32, #tpu.memory_space<vmem>>
      %dma_wait3A_217 = arith.constant 128 : i32
      %dma_wait3A_218 = tpu.memref_slice %arg6[%dma_wait3A_217] : memref<1024xi32, #tpu.memory_space<vmem>> -> memref<128xi32, #tpu.memory_space<vmem>>
      %dma_wait3A_219 = arith.constant 0 : i32
      %dma_wait3A_220 = arith.constant 0 : i32
      %dma_wait3A_221 = tpu.memref_slice %arg2[%dma_wait3A_219, %dma_wait3A_220] : memref<400000x16xf32, #tpu.memory_space<hbm>> -> memref<400000x16xf32, #tpu.memory_space<hbm>>
      tpu.wait_indirect_dma semaphore(%arg10 : memref<!tpu.dma_semaphore, #tpu.memory_space<semaphore_mem>>) src(%dma_wait3A_221 : memref<400000x16xf32, #tpu.memory_space<hbm>>) dst(%dma_wait3A_216 : memref<128x16xf32, #tpu.memory_space<vmem>>)
      %dma_wait3A_222 = arith.constant 256 : i32
      %dma_wait3A_223 = arith.constant 0 : i32
      %dma_wait3A_224 = tpu.memref_slice %arg8[%dma_wait3A_222, %dma_wait3A_223] : memref<1024x16xf32, #tpu.memory_space<vmem>> -> memref<128x16xf32, #tpu.memory_space<vmem>>
      %dma_wait3A_225 = arith.constant 256 : i32
      %dma_wait3A_226 = tpu.memref_slice %arg6[%dma_wait3A_225] : memref<1024xi32, #tpu.memory_space<vmem>> -> memref<128xi32, #tpu.memory_space<vmem>>
      %dma_wait3A_227 = arith.constant 0 : i32
      %dma_wait3A_228 = arith.constant 0 : i32
      %dma_wait3A_229 = tpu.memref_slice %arg2[%dma_wait3A_227, %dma_wait3A_228] : memref<400000x16xf32, #tpu.memory_space<hbm>> -> memref<400000x16xf32, #tpu.memory_space<hbm>>
      tpu.wait_indirect_dma semaphore(%arg10 : memref<!tpu.dma_semaphore, #tpu.memory_space<semaphore_mem>>) src(%dma_wait3A_229 : memref<400000x16xf32, #tpu.memory_space<hbm>>) dst(%dma_wait3A_224 : memref<128x16xf32, #tpu.memory_space<vmem>>)
      %dma_wait3A_230 = arith.constant 384 : i32
      %dma_wait3A_231 = arith.constant 0 : i32
      %dma_wait3A_232 = tpu.memref_slice %arg8[%dma_wait3A_230, %dma_wait3A_231] : memref<1024x16xf32, #tpu.memory_space<vmem>> -> memref<128x16xf32, #tpu.memory_space<vmem>>
      %dma_wait3A_233 = arith.constant 384 : i32
      %dma_wait3A_234 = tpu.memref_slice %arg6[%dma_wait3A_233] : memref<1024xi32, #tpu.memory_space<vmem>> -> memref<128xi32, #tpu.memory_space<vmem>>
      %dma_wait3A_235 = arith.constant 0 : i32
      %dma_wait3A_236 = arith.constant 0 : i32
      %dma_wait3A_237 = tpu.memref_slice %arg2[%dma_wait3A_235, %dma_wait3A_236] : memref<400000x16xf32, #tpu.memory_space<hbm>> -> memref<400000x16xf32, #tpu.memory_space<hbm>>
      tpu.wait_indirect_dma semaphore(%arg10 : memref<!tpu.dma_semaphore, #tpu.memory_space<semaphore_mem>>) src(%dma_wait3A_237 : memref<400000x16xf32, #tpu.memory_space<hbm>>) dst(%dma_wait3A_232 : memref<128x16xf32, #tpu.memory_space<vmem>>)
      %dma_wait3A_238 = arith.constant 512 : i32
      %dma_wait3A_239 = arith.constant 0 : i32
      %dma_wait3A_240 = tpu.memref_slice %arg8[%dma_wait3A_238, %dma_wait3A_239] : memref<1024x16xf32, #tpu.memory_space<vmem>> -> memref<128x16xf32, #tpu.memory_space<vmem>>
      %dma_wait3A_241 = arith.constant 512 : i32
      %dma_wait3A_242 = tpu.memref_slice %arg6[%dma_wait3A_241] : memref<1024xi32, #tpu.memory_space<vmem>> -> memref<128xi32, #tpu.memory_space<vmem>>
      %dma_wait3A_243 = arith.constant 0 : i32
      %dma_wait3A_244 = arith.constant 0 : i32
      %dma_wait3A_245 = tpu.memref_slice %arg2[%dma_wait3A_243, %dma_wait3A_244] : memref<400000x16xf32, #tpu.memory_space<hbm>> -> memref<400000x16xf32, #tpu.memory_space<hbm>>
      tpu.wait_indirect_dma semaphore(%arg10 : memref<!tpu.dma_semaphore, #tpu.memory_space<semaphore_mem>>) src(%dma_wait3A_245 : memref<400000x16xf32, #tpu.memory_space<hbm>>) dst(%dma_wait3A_240 : memref<128x16xf32, #tpu.memory_space<vmem>>)
      %dma_wait3A_246 = arith.constant 640 : i32
      %dma_wait3A_247 = arith.constant 0 : i32
      %dma_wait3A_248 = tpu.memref_slice %arg8[%dma_wait3A_246, %dma_wait3A_247] : memref<1024x16xf32, #tpu.memory_space<vmem>> -> memref<128x16xf32, #tpu.memory_space<vmem>>
      %dma_wait3A_249 = arith.constant 640 : i32
      %dma_wait3A_250 = tpu.memref_slice %arg6[%dma_wait3A_249] : memref<1024xi32, #tpu.memory_space<vmem>> -> memref<128xi32, #tpu.memory_space<vmem>>
      %dma_wait3A_251 = arith.constant 0 : i32
      %dma_wait3A_252 = arith.constant 0 : i32
      %dma_wait3A_253 = tpu.memref_slice %arg2[%dma_wait3A_251, %dma_wait3A_252] : memref<400000x16xf32, #tpu.memory_space<hbm>> -> memref<400000x16xf32, #tpu.memory_space<hbm>>
      tpu.wait_indirect_dma semaphore(%arg10 : memref<!tpu.dma_semaphore, #tpu.memory_space<semaphore_mem>>) src(%dma_wait3A_253 : memref<400000x16xf32, #tpu.memory_space<hbm>>) dst(%dma_wait3A_248 : memref<128x16xf32, #tpu.memory_space<vmem>>)
      %dma_wait3A_254 = arith.constant 768 : i32
      %dma_wait3A_255 = arith.constant 0 : i32
      %dma_wait3A_256 = tpu.memref_slice %arg8[%dma_wait3A_254, %dma_wait3A_255] : memref<1024x16xf32, #tpu.memory_space<vmem>> -> memref<128x16xf32, #tpu.memory_space<vmem>>
      %dma_wait3A_257 = arith.constant 768 : i32
      %dma_wait3A_258 = tpu.memref_slice %arg6[%dma_wait3A_257] : memref<1024xi32, #tpu.memory_space<vmem>> -> memref<128xi32, #tpu.memory_space<vmem>>
      %dma_wait3A_259 = arith.constant 0 : i32
      %dma_wait3A_260 = arith.constant 0 : i32
      %dma_wait3A_261 = tpu.memref_slice %arg2[%dma_wait3A_259, %dma_wait3A_260] : memref<400000x16xf32, #tpu.memory_space<hbm>> -> memref<400000x16xf32, #tpu.memory_space<hbm>>
      tpu.wait_indirect_dma semaphore(%arg10 : memref<!tpu.dma_semaphore, #tpu.memory_space<semaphore_mem>>) src(%dma_wait3A_261 : memref<400000x16xf32, #tpu.memory_space<hbm>>) dst(%dma_wait3A_256 : memref<128x16xf32, #tpu.memory_space<vmem>>)
      %dma_wait3A_262 = arith.constant 896 : i32
      %dma_wait3A_263 = arith.constant 0 : i32
      %dma_wait3A_264 = tpu.memref_slice %arg8[%dma_wait3A_262, %dma_wait3A_263] : memref<1024x16xf32, #tpu.memory_space<vmem>> -> memref<128x16xf32, #tpu.memory_space<vmem>>
      %dma_wait3A_265 = arith.constant 896 : i32
      %dma_wait3A_266 = tpu.memref_slice %arg6[%dma_wait3A_265] : memref<1024xi32, #tpu.memory_space<vmem>> -> memref<128xi32, #tpu.memory_space<vmem>>
      %dma_wait3A_267 = arith.constant 0 : i32
      %dma_wait3A_268 = arith.constant 0 : i32
      %dma_wait3A_269 = tpu.memref_slice %arg2[%dma_wait3A_267, %dma_wait3A_268] : memref<400000x16xf32, #tpu.memory_space<hbm>> -> memref<400000x16xf32, #tpu.memory_space<hbm>>
      tpu.wait_indirect_dma semaphore(%arg10 : memref<!tpu.dma_semaphore, #tpu.memory_space<semaphore_mem>>) src(%dma_wait3A_269 : memref<400000x16xf32, #tpu.memory_space<hbm>>) dst(%dma_wait3A_264 : memref<128x16xf32, #tpu.memory_space<vmem>>)
      %run_scoped3A = arith.constant 0 : i32
      "tpu.region"() ({
        %run_scoped3A_277 = tpu.sem_alloc : memref<!tpu.dma_semaphore, #tpu.memory_space<semaphore_mem>>
        %dma_start3A_278 = arith.constant 0 : i32
        %dma_start3A_279 = arith.constant 0 : i32
        %dma_start3A_280 = tpu.memref_slice %arg8[%dma_start3A_278, %dma_start3A_279] : memref<1024x16xf32, #tpu.memory_space<vmem>> -> memref<128x16xf32, #tpu.memory_space<vmem>>
        %dma_start3A_281 = arith.constant 0 : i32
        %dma_start3A_282 = tpu.memref_slice %arg7[%run_scoped3A, %dma_start3A_281] : memref<8x128xi32, #tpu.memory_space<vmem>> -> memref<1x128xi32, #tpu.memory_space<vmem>>
        %dma_start3A_283 = tpu.memref_squeeze %dma_start3A_282 : memref<1x128xi32, #tpu.memory_space<vmem>> -> memref<128xi32, #tpu.memory_space<vmem>>
        %dma_start3A_284 = arith.constant 0 : i32
        %dma_start3A_285 = arith.constant 0 : i32
        %dma_start3A_286 = tpu.memref_slice %arg9[%dma_start3A_284, %dma_start3A_285] : memref<102400x16xf32, #tpu.memory_space<vmem_shared>> -> memref<102400x16xf32, #tpu.memory_space<vmem_shared>>
        tpu.enqueue_indirect_dma source(%dma_start3A_280 : memref<128x16xf32, #tpu.memory_space<vmem>>) target(%dma_start3A_286 : memref<102400x16xf32, #tpu.memory_space<vmem_shared>>) offsets(%dma_start3A_283 : memref<128xi32, #tpu.memory_space<vmem>>) semaphore(%run_scoped3A_277 : memref<!tpu.dma_semaphore, #tpu.memory_space<semaphore_mem>>) {add = true}
        %dma_wait3A_287 = arith.constant 0 : i32
        %dma_wait3A_288 = arith.constant 0 : i32
        %dma_wait3A_289 = tpu.memref_slice %arg8[%dma_wait3A_287, %dma_wait3A_288] : memref<1024x16xf32, #tpu.memory_space<vmem>> -> memref<128x16xf32, #tpu.memory_space<vmem>>
        %dma_wait3A_290 = arith.constant 0 : i32
        %dma_wait3A_291 = tpu.memref_slice %arg7[%run_scoped3A, %dma_wait3A_290] : memref<8x128xi32, #tpu.memory_space<vmem>> -> memref<1x128xi32, #tpu.memory_space<vmem>>
        %dma_wait3A_292 = tpu.memref_squeeze %dma_wait3A_291 : memref<1x128xi32, #tpu.memory_space<vmem>> -> memref<128xi32, #tpu.memory_space<vmem>>
        %dma_wait3A_293 = arith.constant 0 : i32
        %dma_wait3A_294 = arith.constant 0 : i32
        %dma_wait3A_295 = tpu.memref_slice %arg9[%dma_wait3A_293, %dma_wait3A_294] : memref<102400x16xf32, #tpu.memory_space<vmem_shared>> -> memref<102400x16xf32, #tpu.memory_space<vmem_shared>>
        tpu.wait_indirect_dma semaphore(%run_scoped3A_277 : memref<!tpu.dma_semaphore, #tpu.memory_space<semaphore_mem>>) src(%dma_wait3A_289 : memref<128x16xf32, #tpu.memory_space<vmem>>) dst(%dma_wait3A_295 : memref<102400x16xf32, #tpu.memory_space<vmem_shared>>)
        tpu.yield
      }) : () -> ()
      %run_scoped3A_270 = arith.constant 1 : i32
      "tpu.region"() ({
        %run_scoped3A_277 = tpu.sem_alloc : memref<!tpu.dma_semaphore, #tpu.memory_space<semaphore_mem>>
        %dma_start3A_278 = arith.constant 128 : i32
        %dma_start3A_279 = arith.constant 0 : i32
        %dma_start3A_280 = tpu.memref_slice %arg8[%dma_start3A_278, %dma_start3A_279] : memref<1024x16xf32, #tpu.memory_space<vmem>> -> memref<128x16xf32, #tpu.memory_space<vmem>>
        %dma_start3A_281 = arith.constant 0 : i32
        %dma_start3A_282 = tpu.memref_slice %arg7[%run_scoped3A_270, %dma_start3A_281] : memref<8x128xi32, #tpu.memory_space<vmem>> -> memref<1x128xi32, #tpu.memory_space<vmem>>
        %dma_start3A_283 = tpu.memref_squeeze %dma_start3A_282 : memref<1x128xi32, #tpu.memory_space<vmem>> -> memref<128xi32, #tpu.memory_space<vmem>>
        %dma_start3A_284 = arith.constant 0 : i32
        %dma_start3A_285 = arith.constant 0 : i32
        %dma_start3A_286 = tpu.memref_slice %arg9[%dma_start3A_284, %dma_start3A_285] : memref<102400x16xf32, #tpu.memory_space<vmem_shared>> -> memref<102400x16xf32, #tpu.memory_space<vmem_shared>>
        tpu.enqueue_indirect_dma source(%dma_start3A_280 : memref<128x16xf32, #tpu.memory_space<vmem>>) target(%dma_start3A_286 : memref<102400x16xf32, #tpu.memory_space<vmem_shared>>) offsets(%dma_start3A_283 : memref<128xi32, #tpu.memory_space<vmem>>) semaphore(%run_scoped3A_277 : memref<!tpu.dma_semaphore, #tpu.memory_space<semaphore_mem>>) {add = true}
        %dma_wait3A_287 = arith.constant 128 : i32
        %dma_wait3A_288 = arith.constant 0 : i32
        %dma_wait3A_289 = tpu.memref_slice %arg8[%dma_wait3A_287, %dma_wait3A_288] : memref<1024x16xf32, #tpu.memory_space<vmem>> -> memref<128x16xf32, #tpu.memory_space<vmem>>
        %dma_wait3A_290 = arith.constant 0 : i32
        %dma_wait3A_291 = tpu.memref_slice %arg7[%run_scoped3A_270, %dma_wait3A_290] : memref<8x128xi32, #tpu.memory_space<vmem>> -> memref<1x128xi32, #tpu.memory_space<vmem>>
        %dma_wait3A_292 = tpu.memref_squeeze %dma_wait3A_291 : memref<1x128xi32, #tpu.memory_space<vmem>> -> memref<128xi32, #tpu.memory_space<vmem>>
        %dma_wait3A_293 = arith.constant 0 : i32
        %dma_wait3A_294 = arith.constant 0 : i32
        %dma_wait3A_295 = tpu.memref_slice %arg9[%dma_wait3A_293, %dma_wait3A_294] : memref<102400x16xf32, #tpu.memory_space<vmem_shared>> -> memref<102400x16xf32, #tpu.memory_space<vmem_shared>>
        tpu.wait_indirect_dma semaphore(%run_scoped3A_277 : memref<!tpu.dma_semaphore, #tpu.memory_space<semaphore_mem>>) src(%dma_wait3A_289 : memref<128x16xf32, #tpu.memory_space<vmem>>) dst(%dma_wait3A_295 : memref<102400x16xf32, #tpu.memory_space<vmem_shared>>)
        tpu.yield
      }) : () -> ()
      %run_scoped3A_271 = arith.constant 2 : i32
      "tpu.region"() ({
        %run_scoped3A_277 = tpu.sem_alloc : memref<!tpu.dma_semaphore, #tpu.memory_space<semaphore_mem>>
        %dma_start3A_278 = arith.constant 256 : i32
        %dma_start3A_279 = arith.constant 0 : i32
        %dma_start3A_280 = tpu.memref_slice %arg8[%dma_start3A_278, %dma_start3A_279] : memref<1024x16xf32, #tpu.memory_space<vmem>> -> memref<128x16xf32, #tpu.memory_space<vmem>>
        %dma_start3A_281 = arith.constant 0 : i32
        %dma_start3A_282 = tpu.memref_slice %arg7[%run_scoped3A_271, %dma_start3A_281] : memref<8x128xi32, #tpu.memory_space<vmem>> -> memref<1x128xi32, #tpu.memory_space<vmem>>
        %dma_start3A_283 = tpu.memref_squeeze %dma_start3A_282 : memref<1x128xi32, #tpu.memory_space<vmem>> -> memref<128xi32, #tpu.memory_space<vmem>>
        %dma_start3A_284 = arith.constant 0 : i32
        %dma_start3A_285 = arith.constant 0 : i32
        %dma_start3A_286 = tpu.memref_slice %arg9[%dma_start3A_284, %dma_start3A_285] : memref<102400x16xf32, #tpu.memory_space<vmem_shared>> -> memref<102400x16xf32, #tpu.memory_space<vmem_shared>>
        tpu.enqueue_indirect_dma source(%dma_start3A_280 : memref<128x16xf32, #tpu.memory_space<vmem>>) target(%dma_start3A_286 : memref<102400x16xf32, #tpu.memory_space<vmem_shared>>) offsets(%dma_start3A_283 : memref<128xi32, #tpu.memory_space<vmem>>) semaphore(%run_scoped3A_277 : memref<!tpu.dma_semaphore, #tpu.memory_space<semaphore_mem>>) {add = true}
        %dma_wait3A_287 = arith.constant 256 : i32
        %dma_wait3A_288 = arith.constant 0 : i32
        %dma_wait3A_289 = tpu.memref_slice %arg8[%dma_wait3A_287, %dma_wait3A_288] : memref<1024x16xf32, #tpu.memory_space<vmem>> -> memref<128x16xf32, #tpu.memory_space<vmem>>
        %dma_wait3A_290 = arith.constant 0 : i32
        %dma_wait3A_291 = tpu.memref_slice %arg7[%run_scoped3A_271, %dma_wait3A_290] : memref<8x128xi32, #tpu.memory_space<vmem>> -> memref<1x128xi32, #tpu.memory_space<vmem>>
        %dma_wait3A_292 = tpu.memref_squeeze %dma_wait3A_291 : memref<1x128xi32, #tpu.memory_space<vmem>> -> memref<128xi32, #tpu.memory_space<vmem>>
        %dma_wait3A_293 = arith.constant 0 : i32
        %dma_wait3A_294 = arith.constant 0 : i32
        %dma_wait3A_295 = tpu.memref_slice %arg9[%dma_wait3A_293, %dma_wait3A_294] : memref<102400x16xf32, #tpu.memory_space<vmem_shared>> -> memref<102400x16xf32, #tpu.memory_space<vmem_shared>>
        tpu.wait_indirect_dma semaphore(%run_scoped3A_277 : memref<!tpu.dma_semaphore, #tpu.memory_space<semaphore_mem>>) src(%dma_wait3A_289 : memref<128x16xf32, #tpu.memory_space<vmem>>) dst(%dma_wait3A_295 : memref<102400x16xf32, #tpu.memory_space<vmem_shared>>)
        tpu.yield
      }) : () -> ()
      %run_scoped3A_272 = arith.constant 3 : i32
      "tpu.region"() ({
        %run_scoped3A_277 = tpu.sem_alloc : memref<!tpu.dma_semaphore, #tpu.memory_space<semaphore_mem>>
        %dma_start3A_278 = arith.constant 384 : i32
        %dma_start3A_279 = arith.constant 0 : i32
        %dma_start3A_280 = tpu.memref_slice %arg8[%dma_start3A_278, %dma_start3A_279] : memref<1024x16xf32, #tpu.memory_space<vmem>> -> memref<128x16xf32, #tpu.memory_space<vmem>>
        %dma_start3A_281 = arith.constant 0 : i32
        %dma_start3A_282 = tpu.memref_slice %arg7[%run_scoped3A_272, %dma_start3A_281] : memref<8x128xi32, #tpu.memory_space<vmem>> -> memref<1x128xi32, #tpu.memory_space<vmem>>
        %dma_start3A_283 = tpu.memref_squeeze %dma_start3A_282 : memref<1x128xi32, #tpu.memory_space<vmem>> -> memref<128xi32, #tpu.memory_space<vmem>>
        %dma_start3A_284 = arith.constant 0 : i32
        %dma_start3A_285 = arith.constant 0 : i32
        %dma_start3A_286 = tpu.memref_slice %arg9[%dma_start3A_284, %dma_start3A_285] : memref<102400x16xf32, #tpu.memory_space<vmem_shared>> -> memref<102400x16xf32, #tpu.memory_space<vmem_shared>>
        tpu.enqueue_indirect_dma source(%dma_start3A_280 : memref<128x16xf32, #tpu.memory_space<vmem>>) target(%dma_start3A_286 : memref<102400x16xf32, #tpu.memory_space<vmem_shared>>) offsets(%dma_start3A_283 : memref<128xi32, #tpu.memory_space<vmem>>) semaphore(%run_scoped3A_277 : memref<!tpu.dma_semaphore, #tpu.memory_space<semaphore_mem>>) {add = true}
        %dma_wait3A_287 = arith.constant 384 : i32
        %dma_wait3A_288 = arith.constant 0 : i32
        %dma_wait3A_289 = tpu.memref_slice %arg8[%dma_wait3A_287, %dma_wait3A_288] : memref<1024x16xf32, #tpu.memory_space<vmem>> -> memref<128x16xf32, #tpu.memory_space<vmem>>
        %dma_wait3A_290 = arith.constant 0 : i32
        %dma_wait3A_291 = tpu.memref_slice %arg7[%run_scoped3A_272, %dma_wait3A_290] : memref<8x128xi32, #tpu.memory_space<vmem>> -> memref<1x128xi32, #tpu.memory_space<vmem>>
        %dma_wait3A_292 = tpu.memref_squeeze %dma_wait3A_291 : memref<1x128xi32, #tpu.memory_space<vmem>> -> memref<128xi32, #tpu.memory_space<vmem>>
        %dma_wait3A_293 = arith.constant 0 : i32
        %dma_wait3A_294 = arith.constant 0 : i32
        %dma_wait3A_295 = tpu.memref_slice %arg9[%dma_wait3A_293, %dma_wait3A_294] : memref<102400x16xf32, #tpu.memory_space<vmem_shared>> -> memref<102400x16xf32, #tpu.memory_space<vmem_shared>>
        tpu.wait_indirect_dma semaphore(%run_scoped3A_277 : memref<!tpu.dma_semaphore, #tpu.memory_space<semaphore_mem>>) src(%dma_wait3A_289 : memref<128x16xf32, #tpu.memory_space<vmem>>) dst(%dma_wait3A_295 : memref<102400x16xf32, #tpu.memory_space<vmem_shared>>)
        tpu.yield
      }) : () -> ()
      %run_scoped3A_273 = arith.constant 4 : i32
      "tpu.region"() ({
        %run_scoped3A_277 = tpu.sem_alloc : memref<!tpu.dma_semaphore, #tpu.memory_space<semaphore_mem>>
        %dma_start3A_278 = arith.constant 512 : i32
        %dma_start3A_279 = arith.constant 0 : i32
        %dma_start3A_280 = tpu.memref_slice %arg8[%dma_start3A_278, %dma_start3A_279] : memref<1024x16xf32, #tpu.memory_space<vmem>> -> memref<128x16xf32, #tpu.memory_space<vmem>>
        %dma_start3A_281 = arith.constant 0 : i32
        %dma_start3A_282 = tpu.memref_slice %arg7[%run_scoped3A_273, %dma_start3A_281] : memref<8x128xi32, #tpu.memory_space<vmem>> -> memref<1x128xi32, #tpu.memory_space<vmem>>
        %dma_start3A_283 = tpu.memref_squeeze %dma_start3A_282 : memref<1x128xi32, #tpu.memory_space<vmem>> -> memref<128xi32, #tpu.memory_space<vmem>>
        %dma_start3A_284 = arith.constant 0 : i32
        %dma_start3A_285 = arith.constant 0 : i32
        %dma_start3A_286 = tpu.memref_slice %arg9[%dma_start3A_284, %dma_start3A_285] : memref<102400x16xf32, #tpu.memory_space<vmem_shared>> -> memref<102400x16xf32, #tpu.memory_space<vmem_shared>>
        tpu.enqueue_indirect_dma source(%dma_start3A_280 : memref<128x16xf32, #tpu.memory_space<vmem>>) target(%dma_start3A_286 : memref<102400x16xf32, #tpu.memory_space<vmem_shared>>) offsets(%dma_start3A_283 : memref<128xi32, #tpu.memory_space<vmem>>) semaphore(%run_scoped3A_277 : memref<!tpu.dma_semaphore, #tpu.memory_space<semaphore_mem>>) {add = true}
        %dma_wait3A_287 = arith.constant 512 : i32
        %dma_wait3A_288 = arith.constant 0 : i32
        %dma_wait3A_289 = tpu.memref_slice %arg8[%dma_wait3A_287, %dma_wait3A_288] : memref<1024x16xf32, #tpu.memory_space<vmem>> -> memref<128x16xf32, #tpu.memory_space<vmem>>
        %dma_wait3A_290 = arith.constant 0 : i32
        %dma_wait3A_291 = tpu.memref_slice %arg7[%run_scoped3A_273, %dma_wait3A_290] : memref<8x128xi32, #tpu.memory_space<vmem>> -> memref<1x128xi32, #tpu.memory_space<vmem>>
        %dma_wait3A_292 = tpu.memref_squeeze %dma_wait3A_291 : memref<1x128xi32, #tpu.memory_space<vmem>> -> memref<128xi32, #tpu.memory_space<vmem>>
        %dma_wait3A_293 = arith.constant 0 : i32
        %dma_wait3A_294 = arith.constant 0 : i32
        %dma_wait3A_295 = tpu.memref_slice %arg9[%dma_wait3A_293, %dma_wait3A_294] : memref<102400x16xf32, #tpu.memory_space<vmem_shared>> -> memref<102400x16xf32, #tpu.memory_space<vmem_shared>>
        tpu.wait_indirect_dma semaphore(%run_scoped3A_277 : memref<!tpu.dma_semaphore, #tpu.memory_space<semaphore_mem>>) src(%dma_wait3A_289 : memref<128x16xf32, #tpu.memory_space<vmem>>) dst(%dma_wait3A_295 : memref<102400x16xf32, #tpu.memory_space<vmem_shared>>)
        tpu.yield
      }) : () -> ()
      %run_scoped3A_274 = arith.constant 5 : i32
      "tpu.region"() ({
        %run_scoped3A_277 = tpu.sem_alloc : memref<!tpu.dma_semaphore, #tpu.memory_space<semaphore_mem>>
        %dma_start3A_278 = arith.constant 640 : i32
        %dma_start3A_279 = arith.constant 0 : i32
        %dma_start3A_280 = tpu.memref_slice %arg8[%dma_start3A_278, %dma_start3A_279] : memref<1024x16xf32, #tpu.memory_space<vmem>> -> memref<128x16xf32, #tpu.memory_space<vmem>>
        %dma_start3A_281 = arith.constant 0 : i32
        %dma_start3A_282 = tpu.memref_slice %arg7[%run_scoped3A_274, %dma_start3A_281] : memref<8x128xi32, #tpu.memory_space<vmem>> -> memref<1x128xi32, #tpu.memory_space<vmem>>
        %dma_start3A_283 = tpu.memref_squeeze %dma_start3A_282 : memref<1x128xi32, #tpu.memory_space<vmem>> -> memref<128xi32, #tpu.memory_space<vmem>>
        %dma_start3A_284 = arith.constant 0 : i32
        %dma_start3A_285 = arith.constant 0 : i32
        %dma_start3A_286 = tpu.memref_slice %arg9[%dma_start3A_284, %dma_start3A_285] : memref<102400x16xf32, #tpu.memory_space<vmem_shared>> -> memref<102400x16xf32, #tpu.memory_space<vmem_shared>>
        tpu.enqueue_indirect_dma source(%dma_start3A_280 : memref<128x16xf32, #tpu.memory_space<vmem>>) target(%dma_start3A_286 : memref<102400x16xf32, #tpu.memory_space<vmem_shared>>) offsets(%dma_start3A_283 : memref<128xi32, #tpu.memory_space<vmem>>) semaphore(%run_scoped3A_277 : memref<!tpu.dma_semaphore, #tpu.memory_space<semaphore_mem>>) {add = true}
        %dma_wait3A_287 = arith.constant 640 : i32
        %dma_wait3A_288 = arith.constant 0 : i32
        %dma_wait3A_289 = tpu.memref_slice %arg8[%dma_wait3A_287, %dma_wait3A_288] : memref<1024x16xf32, #tpu.memory_space<vmem>> -> memref<128x16xf32, #tpu.memory_space<vmem>>
        %dma_wait3A_290 = arith.constant 0 : i32
        %dma_wait3A_291 = tpu.memref_slice %arg7[%run_scoped3A_274, %dma_wait3A_290] : memref<8x128xi32, #tpu.memory_space<vmem>> -> memref<1x128xi32, #tpu.memory_space<vmem>>
        %dma_wait3A_292 = tpu.memref_squeeze %dma_wait3A_291 : memref<1x128xi32, #tpu.memory_space<vmem>> -> memref<128xi32, #tpu.memory_space<vmem>>
        %dma_wait3A_293 = arith.constant 0 : i32
        %dma_wait3A_294 = arith.constant 0 : i32
        %dma_wait3A_295 = tpu.memref_slice %arg9[%dma_wait3A_293, %dma_wait3A_294] : memref<102400x16xf32, #tpu.memory_space<vmem_shared>> -> memref<102400x16xf32, #tpu.memory_space<vmem_shared>>
        tpu.wait_indirect_dma semaphore(%run_scoped3A_277 : memref<!tpu.dma_semaphore, #tpu.memory_space<semaphore_mem>>) src(%dma_wait3A_289 : memref<128x16xf32, #tpu.memory_space<vmem>>) dst(%dma_wait3A_295 : memref<102400x16xf32, #tpu.memory_space<vmem_shared>>)
        tpu.yield
      }) : () -> ()
      %run_scoped3A_275 = arith.constant 6 : i32
      "tpu.region"() ({
        %run_scoped3A_277 = tpu.sem_alloc : memref<!tpu.dma_semaphore, #tpu.memory_space<semaphore_mem>>
        %dma_start3A_278 = arith.constant 768 : i32
        %dma_start3A_279 = arith.constant 0 : i32
        %dma_start3A_280 = tpu.memref_slice %arg8[%dma_start3A_278, %dma_start3A_279] : memref<1024x16xf32, #tpu.memory_space<vmem>> -> memref<128x16xf32, #tpu.memory_space<vmem>>
        %dma_start3A_281 = arith.constant 0 : i32
        %dma_start3A_282 = tpu.memref_slice %arg7[%run_scoped3A_275, %dma_start3A_281] : memref<8x128xi32, #tpu.memory_space<vmem>> -> memref<1x128xi32, #tpu.memory_space<vmem>>
        %dma_start3A_283 = tpu.memref_squeeze %dma_start3A_282 : memref<1x128xi32, #tpu.memory_space<vmem>> -> memref<128xi32, #tpu.memory_space<vmem>>
        %dma_start3A_284 = arith.constant 0 : i32
        %dma_start3A_285 = arith.constant 0 : i32
        %dma_start3A_286 = tpu.memref_slice %arg9[%dma_start3A_284, %dma_start3A_285] : memref<102400x16xf32, #tpu.memory_space<vmem_shared>> -> memref<102400x16xf32, #tpu.memory_space<vmem_shared>>
        tpu.enqueue_indirect_dma source(%dma_start3A_280 : memref<128x16xf32, #tpu.memory_space<vmem>>) target(%dma_start3A_286 : memref<102400x16xf32, #tpu.memory_space<vmem_shared>>) offsets(%dma_start3A_283 : memref<128xi32, #tpu.memory_space<vmem>>) semaphore(%run_scoped3A_277 : memref<!tpu.dma_semaphore, #tpu.memory_space<semaphore_mem>>) {add = true}
        %dma_wait3A_287 = arith.constant 768 : i32
        %dma_wait3A_288 = arith.constant 0 : i32
        %dma_wait3A_289 = tpu.memref_slice %arg8[%dma_wait3A_287, %dma_wait3A_288] : memref<1024x16xf32, #tpu.memory_space<vmem>> -> memref<128x16xf32, #tpu.memory_space<vmem>>
        %dma_wait3A_290 = arith.constant 0 : i32
        %dma_wait3A_291 = tpu.memref_slice %arg7[%run_scoped3A_275, %dma_wait3A_290] : memref<8x128xi32, #tpu.memory_space<vmem>> -> memref<1x128xi32, #tpu.memory_space<vmem>>
        %dma_wait3A_292 = tpu.memref_squeeze %dma_wait3A_291 : memref<1x128xi32, #tpu.memory_space<vmem>> -> memref<128xi32, #tpu.memory_space<vmem>>
        %dma_wait3A_293 = arith.constant 0 : i32
        %dma_wait3A_294 = arith.constant 0 : i32
        %dma_wait3A_295 = tpu.memref_slice %arg9[%dma_wait3A_293, %dma_wait3A_294] : memref<102400x16xf32, #tpu.memory_space<vmem_shared>> -> memref<102400x16xf32, #tpu.memory_space<vmem_shared>>
        tpu.wait_indirect_dma semaphore(%run_scoped3A_277 : memref<!tpu.dma_semaphore, #tpu.memory_space<semaphore_mem>>) src(%dma_wait3A_289 : memref<128x16xf32, #tpu.memory_space<vmem>>) dst(%dma_wait3A_295 : memref<102400x16xf32, #tpu.memory_space<vmem_shared>>)
        tpu.yield
      }) : () -> ()
      %run_scoped3A_276 = arith.constant 7 : i32
      "tpu.region"() ({
        %run_scoped3A_277 = tpu.sem_alloc : memref<!tpu.dma_semaphore, #tpu.memory_space<semaphore_mem>>
        %dma_start3A_278 = arith.constant 896 : i32
        %dma_start3A_279 = arith.constant 0 : i32
        %dma_start3A_280 = tpu.memref_slice %arg8[%dma_start3A_278, %dma_start3A_279] : memref<1024x16xf32, #tpu.memory_space<vmem>> -> memref<128x16xf32, #tpu.memory_space<vmem>>
        %dma_start3A_281 = arith.constant 0 : i32
        %dma_start3A_282 = tpu.memref_slice %arg7[%run_scoped3A_276, %dma_start3A_281] : memref<8x128xi32, #tpu.memory_space<vmem>> -> memref<1x128xi32, #tpu.memory_space<vmem>>
        %dma_start3A_283 = tpu.memref_squeeze %dma_start3A_282 : memref<1x128xi32, #tpu.memory_space<vmem>> -> memref<128xi32, #tpu.memory_space<vmem>>
        %dma_start3A_284 = arith.constant 0 : i32
        %dma_start3A_285 = arith.constant 0 : i32
        %dma_start3A_286 = tpu.memref_slice %arg9[%dma_start3A_284, %dma_start3A_285] : memref<102400x16xf32, #tpu.memory_space<vmem_shared>> -> memref<102400x16xf32, #tpu.memory_space<vmem_shared>>
        tpu.enqueue_indirect_dma source(%dma_start3A_280 : memref<128x16xf32, #tpu.memory_space<vmem>>) target(%dma_start3A_286 : memref<102400x16xf32, #tpu.memory_space<vmem_shared>>) offsets(%dma_start3A_283 : memref<128xi32, #tpu.memory_space<vmem>>) semaphore(%run_scoped3A_277 : memref<!tpu.dma_semaphore, #tpu.memory_space<semaphore_mem>>) {add = true}
        %dma_wait3A_287 = arith.constant 896 : i32
        %dma_wait3A_288 = arith.constant 0 : i32
        %dma_wait3A_289 = tpu.memref_slice %arg8[%dma_wait3A_287, %dma_wait3A_288] : memref<1024x16xf32, #tpu.memory_space<vmem>> -> memref<128x16xf32, #tpu.memory_space<vmem>>
        %dma_wait3A_290 = arith.constant 0 : i32
        %dma_wait3A_291 = tpu.memref_slice %arg7[%run_scoped3A_276, %dma_wait3A_290] : memref<8x128xi32, #tpu.memory_space<vmem>> -> memref<1x128xi32, #tpu.memory_space<vmem>>
        %dma_wait3A_292 = tpu.memref_squeeze %dma_wait3A_291 : memref<1x128xi32, #tpu.memory_space<vmem>> -> memref<128xi32, #tpu.memory_space<vmem>>
        %dma_wait3A_293 = arith.constant 0 : i32
        %dma_wait3A_294 = arith.constant 0 : i32
        %dma_wait3A_295 = tpu.memref_slice %arg9[%dma_wait3A_293, %dma_wait3A_294] : memref<102400x16xf32, #tpu.memory_space<vmem_shared>> -> memref<102400x16xf32, #tpu.memory_space<vmem_shared>>
        tpu.wait_indirect_dma semaphore(%run_scoped3A_277 : memref<!tpu.dma_semaphore, #tpu.memory_space<semaphore_mem>>) src(%dma_wait3A_289 : memref<128x16xf32, #tpu.memory_space<vmem>>) dst(%dma_wait3A_295 : memref<102400x16xf32, #tpu.memory_space<vmem_shared>>)
        tpu.yield
      }) : () -> ()
    }
    %scan3A_92 = arith.constant 196 : i32
    %barrier3A_93 = arith.constant 0 : index
    tpu.barrier barrier_id(%barrier3A_93)
    %mul3A_94 = arith.constant 102400 : i32
    %mul3A_95 = arith.muli %add3A_65, %mul3A_94 : i32
    %add3A_96 = arith.addi %mul3A_95, %mul3A_0 : i32
    %add3A_97 = arith.constant 0 : i32
    %add3A_98 = arith.addi %mul3A_0, %add3A_97 : i32
    %add3A_99 = arith.constant 0 : i32
    %add3A_100 = arith.addi %add3A_96, %add3A_99 : i32
    "tpu.region"() ({
      %run_scoped3A = tpu.sem_alloc : memref<!tpu.dma_semaphore, #tpu.memory_space<semaphore_mem>>
      %dma_start3A = arith.constant 0 : i32
      %dma_start3A_125 = tpu.memref_slice %arg5[%add3A_100, %dma_start3A] : memref<409600x16xf32, #tpu.memory_space<hbm>> -> memref<1024x16xf32, #tpu.memory_space<hbm>>
      %dma_start3A_126 = arith.constant 0 : i32
      %dma_start3A_127 = tpu.memref_slice %arg9[%add3A_98, %dma_start3A_126] : memref<102400x16xf32, #tpu.memory_space<vmem_shared>> -> memref<1024x16xf32, #tpu.memory_space<vmem_shared>>
      tpu.enqueue_dma source(%dma_start3A_127 : memref<1024x16xf32, #tpu.memory_space<vmem_shared>>) target(%dma_start3A_125 : memref<1024x16xf32, #tpu.memory_space<hbm>>) target_semaphore(%run_scoped3A : memref<!tpu.dma_semaphore, #tpu.memory_space<semaphore_mem>>)
      %dma_wait3A = arith.constant 0 : i32
      %dma_wait3A_128 = tpu.memref_slice %arg5[%add3A_100, %dma_wait3A] : memref<409600x16xf32, #tpu.memory_space<hbm>> -> memref<1024x16xf32, #tpu.memory_space<hbm>>
      %dma_wait3A_129 = arith.constant 0 : i32
      %dma_wait3A_130 = tpu.memref_slice %arg9[%add3A_98, %dma_wait3A_129] : memref<102400x16xf32, #tpu.memory_space<vmem_shared>> -> memref<1024x16xf32, #tpu.memory_space<vmem_shared>>
      tpu.wait_dma2 semaphore(%run_scoped3A : memref<!tpu.dma_semaphore, #tpu.memory_space<semaphore_mem>>) src(%dma_wait3A_130 : memref<1024x16xf32, #tpu.memory_space<vmem_shared>>) dst(%dma_wait3A_128 : memref<1024x16xf32, #tpu.memory_space<hbm>>)
      tpu.yield
    }) : () -> ()
    %add3A_101 = arith.constant 1024 : i32
    %add3A_102 = arith.addi %mul3A_0, %add3A_101 : i32
    %add3A_103 = arith.constant 1024 : i32
    %add3A_104 = arith.addi %add3A_96, %add3A_103 : i32
    "tpu.region"() ({
      %run_scoped3A = tpu.sem_alloc : memref<!tpu.dma_semaphore, #tpu.memory_space<semaphore_mem>>
      %dma_start3A = arith.constant 0 : i32
      %dma_start3A_125 = tpu.memref_slice %arg5[%add3A_104, %dma_start3A] : memref<409600x16xf32, #tpu.memory_space<hbm>> -> memref<1024x16xf32, #tpu.memory_space<hbm>>
      %dma_start3A_126 = arith.constant 0 : i32
      %dma_start3A_127 = tpu.memref_slice %arg9[%add3A_102, %dma_start3A_126] : memref<102400x16xf32, #tpu.memory_space<vmem_shared>> -> memref<1024x16xf32, #tpu.memory_space<vmem_shared>>
      tpu.enqueue_dma source(%dma_start3A_127 : memref<1024x16xf32, #tpu.memory_space<vmem_shared>>) target(%dma_start3A_125 : memref<1024x16xf32, #tpu.memory_space<hbm>>) target_semaphore(%run_scoped3A : memref<!tpu.dma_semaphore, #tpu.memory_space<semaphore_mem>>)
      %dma_wait3A = arith.constant 0 : i32
      %dma_wait3A_128 = tpu.memref_slice %arg5[%add3A_104, %dma_wait3A] : memref<409600x16xf32, #tpu.memory_space<hbm>> -> memref<1024x16xf32, #tpu.memory_space<hbm>>
      %dma_wait3A_129 = arith.constant 0 : i32
      %dma_wait3A_130 = tpu.memref_slice %arg9[%add3A_102, %dma_wait3A_129] : memref<102400x16xf32, #tpu.memory_space<vmem_shared>> -> memref<1024x16xf32, #tpu.memory_space<vmem_shared>>
      tpu.wait_dma2 semaphore(%run_scoped3A : memref<!tpu.dma_semaphore, #tpu.memory_space<semaphore_mem>>) src(%dma_wait3A_130 : memref<1024x16xf32, #tpu.memory_space<vmem_shared>>) dst(%dma_wait3A_128 : memref<1024x16xf32, #tpu.memory_space<hbm>>)
      tpu.yield
    }) : () -> ()
    %add3A_105 = arith.constant 2048 : i32
    %add3A_106 = arith.addi %mul3A_0, %add3A_105 : i32
    %add3A_107 = arith.constant 2048 : i32
    %add3A_108 = arith.addi %add3A_96, %add3A_107 : i32
    "tpu.region"() ({
      %run_scoped3A = tpu.sem_alloc : memref<!tpu.dma_semaphore, #tpu.memory_space<semaphore_mem>>
      %dma_start3A = arith.constant 0 : i32
      %dma_start3A_125 = tpu.memref_slice %arg5[%add3A_108, %dma_start3A] : memref<409600x16xf32, #tpu.memory_space<hbm>> -> memref<1024x16xf32, #tpu.memory_space<hbm>>
      %dma_start3A_126 = arith.constant 0 : i32
      %dma_start3A_127 = tpu.memref_slice %arg9[%add3A_106, %dma_start3A_126] : memref<102400x16xf32, #tpu.memory_space<vmem_shared>> -> memref<1024x16xf32, #tpu.memory_space<vmem_shared>>
      tpu.enqueue_dma source(%dma_start3A_127 : memref<1024x16xf32, #tpu.memory_space<vmem_shared>>) target(%dma_start3A_125 : memref<1024x16xf32, #tpu.memory_space<hbm>>) target_semaphore(%run_scoped3A : memref<!tpu.dma_semaphore, #tpu.memory_space<semaphore_mem>>)
      %dma_wait3A = arith.constant 0 : i32
      %dma_wait3A_128 = tpu.memref_slice %arg5[%add3A_108, %dma_wait3A] : memref<409600x16xf32, #tpu.memory_space<hbm>> -> memref<1024x16xf32, #tpu.memory_space<hbm>>
      %dma_wait3A_129 = arith.constant 0 : i32
      %dma_wait3A_130 = tpu.memref_slice %arg9[%add3A_106, %dma_wait3A_129] : memref<102400x16xf32, #tpu.memory_space<vmem_shared>> -> memref<1024x16xf32, #tpu.memory_space<vmem_shared>>
      tpu.wait_dma2 semaphore(%run_scoped3A : memref<!tpu.dma_semaphore, #tpu.memory_space<semaphore_mem>>) src(%dma_wait3A_130 : memref<1024x16xf32, #tpu.memory_space<vmem_shared>>) dst(%dma_wait3A_128 : memref<1024x16xf32, #tpu.memory_space<hbm>>)
      tpu.yield
    }) : () -> ()
    %add3A_109 = arith.constant 3072 : i32
    %add3A_110 = arith.addi %mul3A_0, %add3A_109 : i32
    %add3A_111 = arith.constant 3072 : i32
    %add3A_112 = arith.addi %add3A_96, %add3A_111 : i32
    "tpu.region"() ({
      %run_scoped3A = tpu.sem_alloc : memref<!tpu.dma_semaphore, #tpu.memory_space<semaphore_mem>>
      %dma_start3A = arith.constant 0 : i32
      %dma_start3A_125 = tpu.memref_slice %arg5[%add3A_112, %dma_start3A] : memref<409600x16xf32, #tpu.memory_space<hbm>> -> memref<1024x16xf32, #tpu.memory_space<hbm>>
      %dma_start3A_126 = arith.constant 0 : i32
      %dma_start3A_127 = tpu.memref_slice %arg9[%add3A_110, %dma_start3A_126] : memref<102400x16xf32, #tpu.memory_space<vmem_shared>> -> memref<1024x16xf32, #tpu.memory_space<vmem_shared>>
      tpu.enqueue_dma source(%dma_start3A_127 : memref<1024x16xf32, #tpu.memory_space<vmem_shared>>) target(%dma_start3A_125 : memref<1024x16xf32, #tpu.memory_space<hbm>>) target_semaphore(%run_scoped3A : memref<!tpu.dma_semaphore, #tpu.memory_space<semaphore_mem>>)
      %dma_wait3A = arith.constant 0 : i32
      %dma_wait3A_128 = tpu.memref_slice %arg5[%add3A_112, %dma_wait3A] : memref<409600x16xf32, #tpu.memory_space<hbm>> -> memref<1024x16xf32, #tpu.memory_space<hbm>>
      %dma_wait3A_129 = arith.constant 0 : i32
      %dma_wait3A_130 = tpu.memref_slice %arg9[%add3A_110, %dma_wait3A_129] : memref<102400x16xf32, #tpu.memory_space<vmem_shared>> -> memref<1024x16xf32, #tpu.memory_space<vmem_shared>>
      tpu.wait_dma2 semaphore(%run_scoped3A : memref<!tpu.dma_semaphore, #tpu.memory_space<semaphore_mem>>) src(%dma_wait3A_130 : memref<1024x16xf32, #tpu.memory_space<vmem_shared>>) dst(%dma_wait3A_128 : memref<1024x16xf32, #tpu.memory_space<hbm>>)
      tpu.yield
    }) : () -> ()
    %add3A_113 = arith.constant 4096 : i32
    %add3A_114 = arith.addi %mul3A_0, %add3A_113 : i32
    %add3A_115 = arith.constant 4096 : i32
    %add3A_116 = arith.addi %add3A_96, %add3A_115 : i32
    "tpu.region"() ({
      %run_scoped3A = tpu.sem_alloc : memref<!tpu.dma_semaphore, #tpu.memory_space<semaphore_mem>>
      %dma_start3A = arith.constant 0 : i32
      %dma_start3A_125 = tpu.memref_slice %arg5[%add3A_116, %dma_start3A] : memref<409600x16xf32, #tpu.memory_space<hbm>> -> memref<1024x16xf32, #tpu.memory_space<hbm>>
      %dma_start3A_126 = arith.constant 0 : i32
      %dma_start3A_127 = tpu.memref_slice %arg9[%add3A_114, %dma_start3A_126] : memref<102400x16xf32, #tpu.memory_space<vmem_shared>> -> memref<1024x16xf32, #tpu.memory_space<vmem_shared>>
      tpu.enqueue_dma source(%dma_start3A_127 : memref<1024x16xf32, #tpu.memory_space<vmem_shared>>) target(%dma_start3A_125 : memref<1024x16xf32, #tpu.memory_space<hbm>>) target_semaphore(%run_scoped3A : memref<!tpu.dma_semaphore, #tpu.memory_space<semaphore_mem>>)
      %dma_wait3A = arith.constant 0 : i32
      %dma_wait3A_128 = tpu.memref_slice %arg5[%add3A_116, %dma_wait3A] : memref<409600x16xf32, #tpu.memory_space<hbm>> -> memref<1024x16xf32, #tpu.memory_space<hbm>>
      %dma_wait3A_129 = arith.constant 0 : i32
      %dma_wait3A_130 = tpu.memref_slice %arg9[%add3A_114, %dma_wait3A_129] : memref<102400x16xf32, #tpu.memory_space<vmem_shared>> -> memref<1024x16xf32, #tpu.memory_space<vmem_shared>>
      tpu.wait_dma2 semaphore(%run_scoped3A : memref<!tpu.dma_semaphore, #tpu.memory_space<semaphore_mem>>) src(%dma_wait3A_130 : memref<1024x16xf32, #tpu.memory_space<vmem_shared>>) dst(%dma_wait3A_128 : memref<1024x16xf32, #tpu.memory_space<hbm>>)
      tpu.yield
    }) : () -> ()
    %add3A_117 = arith.constant 5120 : i32
    %add3A_118 = arith.addi %mul3A_0, %add3A_117 : i32
    %add3A_119 = arith.constant 5120 : i32
    %add3A_120 = arith.addi %add3A_96, %add3A_119 : i32
    "tpu.region"() ({
      %run_scoped3A = tpu.sem_alloc : memref<!tpu.dma_semaphore, #tpu.memory_space<semaphore_mem>>
      %dma_start3A = arith.constant 0 : i32
      %dma_start3A_125 = tpu.memref_slice %arg5[%add3A_120, %dma_start3A] : memref<409600x16xf32, #tpu.memory_space<hbm>> -> memref<1024x16xf32, #tpu.memory_space<hbm>>
      %dma_start3A_126 = arith.constant 0 : i32
      %dma_start3A_127 = tpu.memref_slice %arg9[%add3A_118, %dma_start3A_126] : memref<102400x16xf32, #tpu.memory_space<vmem_shared>> -> memref<1024x16xf32, #tpu.memory_space<vmem_shared>>
      tpu.enqueue_dma source(%dma_start3A_127 : memref<1024x16xf32, #tpu.memory_space<vmem_shared>>) target(%dma_start3A_125 : memref<1024x16xf32, #tpu.memory_space<hbm>>) target_semaphore(%run_scoped3A : memref<!tpu.dma_semaphore, #tpu.memory_space<semaphore_mem>>)
      %dma_wait3A = arith.constant 0 : i32
      %dma_wait3A_128 = tpu.memref_slice %arg5[%add3A_120, %dma_wait3A] : memref<409600x16xf32, #tpu.memory_space<hbm>> -> memref<1024x16xf32, #tpu.memory_space<hbm>>
      %dma_wait3A_129 = arith.constant 0 : i32
      %dma_wait3A_130 = tpu.memref_slice %arg9[%add3A_118, %dma_wait3A_129] : memref<102400x16xf32, #tpu.memory_space<vmem_shared>> -> memref<1024x16xf32, #tpu.memory_space<vmem_shared>>
      tpu.wait_dma2 semaphore(%run_scoped3A : memref<!tpu.dma_semaphore, #tpu.memory_space<semaphore_mem>>) src(%dma_wait3A_130 : memref<1024x16xf32, #tpu.memory_space<vmem_shared>>) dst(%dma_wait3A_128 : memref<1024x16xf32, #tpu.memory_space<hbm>>)
      tpu.yield
    }) : () -> ()
    %add3A_121 = arith.constant 6144 : i32
    %add3A_122 = arith.addi %mul3A_0, %add3A_121 : i32
    %add3A_123 = arith.constant 6144 : i32
    %add3A_124 = arith.addi %add3A_96, %add3A_123 : i32
    "tpu.region"() ({
      %run_scoped3A = tpu.sem_alloc : memref<!tpu.dma_semaphore, #tpu.memory_space<semaphore_mem>>
      %dma_start3A = arith.constant 0 : i32
      %dma_start3A_125 = tpu.memref_slice %arg5[%add3A_124, %dma_start3A] : memref<409600x16xf32, #tpu.memory_space<hbm>> -> memref<256x16xf32, #tpu.memory_space<hbm>>
      %dma_start3A_126 = arith.constant 0 : i32
      %dma_start3A_127 = tpu.memref_slice %arg9[%add3A_122, %dma_start3A_126] : memref<102400x16xf32, #tpu.memory_space<vmem_shared>> -> memref<256x16xf32, #tpu.memory_space<vmem_shared>>
      tpu.enqueue_dma source(%dma_start3A_127 : memref<256x16xf32, #tpu.memory_space<vmem_shared>>) target(%dma_start3A_125 : memref<256x16xf32, #tpu.memory_space<hbm>>) target_semaphore(%run_scoped3A : memref<!tpu.dma_semaphore, #tpu.memory_space<semaphore_mem>>)
      %dma_wait3A = arith.constant 0 : i32
      %dma_wait3A_128 = tpu.memref_slice %arg5[%add3A_124, %dma_wait3A] : memref<409600x16xf32, #tpu.memory_space<hbm>> -> memref<256x16xf32, #tpu.memory_space<hbm>>
      %dma_wait3A_129 = arith.constant 0 : i32
      %dma_wait3A_130 = tpu.memref_slice %arg9[%add3A_122, %dma_wait3A_129] : memref<102400x16xf32, #tpu.memory_space<vmem_shared>> -> memref<256x16xf32, #tpu.memory_space<vmem_shared>>
      tpu.wait_dma2 semaphore(%run_scoped3A : memref<!tpu.dma_semaphore, #tpu.memory_space<semaphore_mem>>) src(%dma_wait3A_130 : memref<256x16xf32, #tpu.memory_space<vmem_shared>>) dst(%dma_wait3A_128 : memref<256x16xf32, #tpu.memory_space<hbm>>)
      tpu.yield
    }) : () -> ()
    return
  }
}

#map = affine_map<(d0, d1) -> (0, 0)>
#map1 = affine_map<(d0, d1) -> (0)>
module attributes {stable_mosaic.version = 14 : i64} {
  func.func @_tgt_body(%arg0: i32, %arg1: i32, %arg2: memref<100000x32xf32, #tpu.memory_space<hbm>>, %arg3: memref<32768xi32, #tpu.memory_space<hbm>>, %arg4: memref<32768x32xf32, #tpu.memory_space<hbm>>, %arg5: memref<1024xi32, #tpu.memory_space<vmem>>, %arg6: memref<1024x32xf32, #tpu.memory_space<vmem>>, %arg7: memref<!tpu.dma_semaphore, #tpu.memory_space<semaphore_mem>>) attributes {dimension_semantics = [#tpu.dimension_semantics<core_parallel>, #tpu.dimension_semantics<subcore_parallel>], iteration_bounds = array<i64: 2, 16>, scalar_prefetch = 0 : i64, scratch_operands = 3 : i64, tpu.core_type = #tpu.core_type<sc_vector_subcore>, window_params = [{transform_indices = #map}, {transform_indices = #map1}, {transform_indices = #map}]} {
    %mul3A = arith.constant 16 : i32
    %mul3A_0 = arith.muli %arg0, %mul3A : i32
    %add3A = arith.addi %mul3A_0, %arg1 : i32
    %mul3A_1 = arith.constant 1024 : i32
    %mul3A_2 = arith.muli %add3A, %mul3A_1 : i32
    "tpu.region"() ({
      %run_scoped3A = tpu.sem_alloc : memref<!tpu.dma_semaphore, #tpu.memory_space<semaphore_mem>>
      %dma_start3A_129 = tpu.memref_slice %arg3[%mul3A_2] : memref<32768xi32, #tpu.memory_space<hbm>> -> memref<1024xi32, #tpu.memory_space<hbm>>
      %dma_start3A_130 = tpu.memref_slice %arg3[%mul3A_2] : memref<32768xi32, #tpu.memory_space<hbm>> -> memref<1024xi32, #tpu.memory_space<hbm>>
      tpu.enqueue_dma source(%dma_start3A_130 : memref<1024xi32, #tpu.memory_space<hbm>>) target(%arg5 : memref<1024xi32, #tpu.memory_space<vmem>>) target_semaphore(%run_scoped3A : memref<!tpu.dma_semaphore, #tpu.memory_space<semaphore_mem>>)
      %dma_wait3A_131 = tpu.memref_slice %arg3[%mul3A_2] : memref<32768xi32, #tpu.memory_space<hbm>> -> memref<1024xi32, #tpu.memory_space<hbm>>
      %dma_wait3A_132 = tpu.memref_slice %arg3[%mul3A_2] : memref<32768xi32, #tpu.memory_space<hbm>> -> memref<1024xi32, #tpu.memory_space<hbm>>
      tpu.wait_dma2 semaphore(%run_scoped3A : memref<!tpu.dma_semaphore, #tpu.memory_space<semaphore_mem>>) src(%dma_wait3A_132 : memref<1024xi32, #tpu.memory_space<hbm>>) dst(%arg5 : memref<1024xi32, #tpu.memory_space<vmem>>)
      tpu.yield
    }) : () -> ()
    %dma_start3A = arith.constant 0 : i32
    %dma_start3A_3 = arith.constant 0 : i32
    %dma_start3A_4 = tpu.memref_slice %arg6[%dma_start3A, %dma_start3A_3] : memref<1024x32xf32, #tpu.memory_space<vmem>> -> memref<128x32xf32, #tpu.memory_space<vmem>>
    %dma_start3A_5 = arith.constant 0 : i32
    %dma_start3A_6 = tpu.memref_slice %arg5[%dma_start3A_5] : memref<1024xi32, #tpu.memory_space<vmem>> -> memref<128xi32, #tpu.memory_space<vmem>>
    %dma_start3A_7 = arith.constant 0 : i32
    %dma_start3A_8 = arith.constant 0 : i32
    %dma_start3A_9 = tpu.memref_slice %arg2[%dma_start3A_7, %dma_start3A_8] : memref<100000x32xf32, #tpu.memory_space<hbm>> -> memref<100000x32xf32, #tpu.memory_space<hbm>>
    tpu.enqueue_indirect_dma source(%dma_start3A_9 : memref<100000x32xf32, #tpu.memory_space<hbm>>) target(%dma_start3A_4 : memref<128x32xf32, #tpu.memory_space<vmem>>) offsets(%dma_start3A_6 : memref<128xi32, #tpu.memory_space<vmem>>) semaphore(%arg7 : memref<!tpu.dma_semaphore, #tpu.memory_space<semaphore_mem>>)
    %dma_start3A_10 = arith.constant 128 : i32
    %dma_start3A_11 = arith.constant 0 : i32
    %dma_start3A_12 = tpu.memref_slice %arg6[%dma_start3A_10, %dma_start3A_11] : memref<1024x32xf32, #tpu.memory_space<vmem>> -> memref<128x32xf32, #tpu.memory_space<vmem>>
    %dma_start3A_13 = arith.constant 128 : i32
    %dma_start3A_14 = tpu.memref_slice %arg5[%dma_start3A_13] : memref<1024xi32, #tpu.memory_space<vmem>> -> memref<128xi32, #tpu.memory_space<vmem>>
    %dma_start3A_15 = arith.constant 0 : i32
    %dma_start3A_16 = arith.constant 0 : i32
    %dma_start3A_17 = tpu.memref_slice %arg2[%dma_start3A_15, %dma_start3A_16] : memref<100000x32xf32, #tpu.memory_space<hbm>> -> memref<100000x32xf32, #tpu.memory_space<hbm>>
    tpu.enqueue_indirect_dma source(%dma_start3A_17 : memref<100000x32xf32, #tpu.memory_space<hbm>>) target(%dma_start3A_12 : memref<128x32xf32, #tpu.memory_space<vmem>>) offsets(%dma_start3A_14 : memref<128xi32, #tpu.memory_space<vmem>>) semaphore(%arg7 : memref<!tpu.dma_semaphore, #tpu.memory_space<semaphore_mem>>)
    %dma_start3A_18 = arith.constant 256 : i32
    %dma_start3A_19 = arith.constant 0 : i32
    %dma_start3A_20 = tpu.memref_slice %arg6[%dma_start3A_18, %dma_start3A_19] : memref<1024x32xf32, #tpu.memory_space<vmem>> -> memref<128x32xf32, #tpu.memory_space<vmem>>
    %dma_start3A_21 = arith.constant 256 : i32
    %dma_start3A_22 = tpu.memref_slice %arg5[%dma_start3A_21] : memref<1024xi32, #tpu.memory_space<vmem>> -> memref<128xi32, #tpu.memory_space<vmem>>
    %dma_start3A_23 = arith.constant 0 : i32
    %dma_start3A_24 = arith.constant 0 : i32
    %dma_start3A_25 = tpu.memref_slice %arg2[%dma_start3A_23, %dma_start3A_24] : memref<100000x32xf32, #tpu.memory_space<hbm>> -> memref<100000x32xf32, #tpu.memory_space<hbm>>
    tpu.enqueue_indirect_dma source(%dma_start3A_25 : memref<100000x32xf32, #tpu.memory_space<hbm>>) target(%dma_start3A_20 : memref<128x32xf32, #tpu.memory_space<vmem>>) offsets(%dma_start3A_22 : memref<128xi32, #tpu.memory_space<vmem>>) semaphore(%arg7 : memref<!tpu.dma_semaphore, #tpu.memory_space<semaphore_mem>>)
    %dma_start3A_26 = arith.constant 384 : i32
    %dma_start3A_27 = arith.constant 0 : i32
    %dma_start3A_28 = tpu.memref_slice %arg6[%dma_start3A_26, %dma_start3A_27] : memref<1024x32xf32, #tpu.memory_space<vmem>> -> memref<128x32xf32, #tpu.memory_space<vmem>>
    %dma_start3A_29 = arith.constant 384 : i32
    %dma_start3A_30 = tpu.memref_slice %arg5[%dma_start3A_29] : memref<1024xi32, #tpu.memory_space<vmem>> -> memref<128xi32, #tpu.memory_space<vmem>>
    %dma_start3A_31 = arith.constant 0 : i32
    %dma_start3A_32 = arith.constant 0 : i32
    %dma_start3A_33 = tpu.memref_slice %arg2[%dma_start3A_31, %dma_start3A_32] : memref<100000x32xf32, #tpu.memory_space<hbm>> -> memref<100000x32xf32, #tpu.memory_space<hbm>>
    tpu.enqueue_indirect_dma source(%dma_start3A_33 : memref<100000x32xf32, #tpu.memory_space<hbm>>) target(%dma_start3A_28 : memref<128x32xf32, #tpu.memory_space<vmem>>) offsets(%dma_start3A_30 : memref<128xi32, #tpu.memory_space<vmem>>) semaphore(%arg7 : memref<!tpu.dma_semaphore, #tpu.memory_space<semaphore_mem>>)
    %dma_start3A_34 = arith.constant 512 : i32
    %dma_start3A_35 = arith.constant 0 : i32
    %dma_start3A_36 = tpu.memref_slice %arg6[%dma_start3A_34, %dma_start3A_35] : memref<1024x32xf32, #tpu.memory_space<vmem>> -> memref<128x32xf32, #tpu.memory_space<vmem>>
    %dma_start3A_37 = arith.constant 512 : i32
    %dma_start3A_38 = tpu.memref_slice %arg5[%dma_start3A_37] : memref<1024xi32, #tpu.memory_space<vmem>> -> memref<128xi32, #tpu.memory_space<vmem>>
    %dma_start3A_39 = arith.constant 0 : i32
    %dma_start3A_40 = arith.constant 0 : i32
    %dma_start3A_41 = tpu.memref_slice %arg2[%dma_start3A_39, %dma_start3A_40] : memref<100000x32xf32, #tpu.memory_space<hbm>> -> memref<100000x32xf32, #tpu.memory_space<hbm>>
    tpu.enqueue_indirect_dma source(%dma_start3A_41 : memref<100000x32xf32, #tpu.memory_space<hbm>>) target(%dma_start3A_36 : memref<128x32xf32, #tpu.memory_space<vmem>>) offsets(%dma_start3A_38 : memref<128xi32, #tpu.memory_space<vmem>>) semaphore(%arg7 : memref<!tpu.dma_semaphore, #tpu.memory_space<semaphore_mem>>)
    %dma_start3A_42 = arith.constant 640 : i32
    %dma_start3A_43 = arith.constant 0 : i32
    %dma_start3A_44 = tpu.memref_slice %arg6[%dma_start3A_42, %dma_start3A_43] : memref<1024x32xf32, #tpu.memory_space<vmem>> -> memref<128x32xf32, #tpu.memory_space<vmem>>
    %dma_start3A_45 = arith.constant 640 : i32
    %dma_start3A_46 = tpu.memref_slice %arg5[%dma_start3A_45] : memref<1024xi32, #tpu.memory_space<vmem>> -> memref<128xi32, #tpu.memory_space<vmem>>
    %dma_start3A_47 = arith.constant 0 : i32
    %dma_start3A_48 = arith.constant 0 : i32
    %dma_start3A_49 = tpu.memref_slice %arg2[%dma_start3A_47, %dma_start3A_48] : memref<100000x32xf32, #tpu.memory_space<hbm>> -> memref<100000x32xf32, #tpu.memory_space<hbm>>
    tpu.enqueue_indirect_dma source(%dma_start3A_49 : memref<100000x32xf32, #tpu.memory_space<hbm>>) target(%dma_start3A_44 : memref<128x32xf32, #tpu.memory_space<vmem>>) offsets(%dma_start3A_46 : memref<128xi32, #tpu.memory_space<vmem>>) semaphore(%arg7 : memref<!tpu.dma_semaphore, #tpu.memory_space<semaphore_mem>>)
    %dma_start3A_50 = arith.constant 768 : i32
    %dma_start3A_51 = arith.constant 0 : i32
    %dma_start3A_52 = tpu.memref_slice %arg6[%dma_start3A_50, %dma_start3A_51] : memref<1024x32xf32, #tpu.memory_space<vmem>> -> memref<128x32xf32, #tpu.memory_space<vmem>>
    %dma_start3A_53 = arith.constant 768 : i32
    %dma_start3A_54 = tpu.memref_slice %arg5[%dma_start3A_53] : memref<1024xi32, #tpu.memory_space<vmem>> -> memref<128xi32, #tpu.memory_space<vmem>>
    %dma_start3A_55 = arith.constant 0 : i32
    %dma_start3A_56 = arith.constant 0 : i32
    %dma_start3A_57 = tpu.memref_slice %arg2[%dma_start3A_55, %dma_start3A_56] : memref<100000x32xf32, #tpu.memory_space<hbm>> -> memref<100000x32xf32, #tpu.memory_space<hbm>>
    tpu.enqueue_indirect_dma source(%dma_start3A_57 : memref<100000x32xf32, #tpu.memory_space<hbm>>) target(%dma_start3A_52 : memref<128x32xf32, #tpu.memory_space<vmem>>) offsets(%dma_start3A_54 : memref<128xi32, #tpu.memory_space<vmem>>) semaphore(%arg7 : memref<!tpu.dma_semaphore, #tpu.memory_space<semaphore_mem>>)
    %dma_start3A_58 = arith.constant 896 : i32
    %dma_start3A_59 = arith.constant 0 : i32
    %dma_start3A_60 = tpu.memref_slice %arg6[%dma_start3A_58, %dma_start3A_59] : memref<1024x32xf32, #tpu.memory_space<vmem>> -> memref<128x32xf32, #tpu.memory_space<vmem>>
    %dma_start3A_61 = arith.constant 896 : i32
    %dma_start3A_62 = tpu.memref_slice %arg5[%dma_start3A_61] : memref<1024xi32, #tpu.memory_space<vmem>> -> memref<128xi32, #tpu.memory_space<vmem>>
    %dma_start3A_63 = arith.constant 0 : i32
    %dma_start3A_64 = arith.constant 0 : i32
    %dma_start3A_65 = tpu.memref_slice %arg2[%dma_start3A_63, %dma_start3A_64] : memref<100000x32xf32, #tpu.memory_space<hbm>> -> memref<100000x32xf32, #tpu.memory_space<hbm>>
    tpu.enqueue_indirect_dma source(%dma_start3A_65 : memref<100000x32xf32, #tpu.memory_space<hbm>>) target(%dma_start3A_60 : memref<128x32xf32, #tpu.memory_space<vmem>>) offsets(%dma_start3A_62 : memref<128xi32, #tpu.memory_space<vmem>>) semaphore(%arg7 : memref<!tpu.dma_semaphore, #tpu.memory_space<semaphore_mem>>)
    %dma_wait3A = arith.constant 0 : i32
    %dma_wait3A_66 = arith.constant 0 : i32
    %dma_wait3A_67 = tpu.memref_slice %arg6[%dma_wait3A, %dma_wait3A_66] : memref<1024x32xf32, #tpu.memory_space<vmem>> -> memref<128x32xf32, #tpu.memory_space<vmem>>
    %dma_wait3A_68 = arith.constant 0 : i32
    %dma_wait3A_69 = tpu.memref_slice %arg5[%dma_wait3A_68] : memref<1024xi32, #tpu.memory_space<vmem>> -> memref<128xi32, #tpu.memory_space<vmem>>
    %dma_wait3A_70 = arith.constant 0 : i32
    %dma_wait3A_71 = arith.constant 0 : i32
    %dma_wait3A_72 = tpu.memref_slice %arg2[%dma_wait3A_70, %dma_wait3A_71] : memref<100000x32xf32, #tpu.memory_space<hbm>> -> memref<100000x32xf32, #tpu.memory_space<hbm>>
    tpu.wait_indirect_dma semaphore(%arg7 : memref<!tpu.dma_semaphore, #tpu.memory_space<semaphore_mem>>) src(%dma_wait3A_72 : memref<100000x32xf32, #tpu.memory_space<hbm>>) dst(%dma_wait3A_67 : memref<128x32xf32, #tpu.memory_space<vmem>>)
    %dma_wait3A_73 = arith.constant 128 : i32
    %dma_wait3A_74 = arith.constant 0 : i32
    %dma_wait3A_75 = tpu.memref_slice %arg6[%dma_wait3A_73, %dma_wait3A_74] : memref<1024x32xf32, #tpu.memory_space<vmem>> -> memref<128x32xf32, #tpu.memory_space<vmem>>
    %dma_wait3A_76 = arith.constant 128 : i32
    %dma_wait3A_77 = tpu.memref_slice %arg5[%dma_wait3A_76] : memref<1024xi32, #tpu.memory_space<vmem>> -> memref<128xi32, #tpu.memory_space<vmem>>
    %dma_wait3A_78 = arith.constant 0 : i32
    %dma_wait3A_79 = arith.constant 0 : i32
    %dma_wait3A_80 = tpu.memref_slice %arg2[%dma_wait3A_78, %dma_wait3A_79] : memref<100000x32xf32, #tpu.memory_space<hbm>> -> memref<100000x32xf32, #tpu.memory_space<hbm>>
    tpu.wait_indirect_dma semaphore(%arg7 : memref<!tpu.dma_semaphore, #tpu.memory_space<semaphore_mem>>) src(%dma_wait3A_80 : memref<100000x32xf32, #tpu.memory_space<hbm>>) dst(%dma_wait3A_75 : memref<128x32xf32, #tpu.memory_space<vmem>>)
    %dma_wait3A_81 = arith.constant 256 : i32
    %dma_wait3A_82 = arith.constant 0 : i32
    %dma_wait3A_83 = tpu.memref_slice %arg6[%dma_wait3A_81, %dma_wait3A_82] : memref<1024x32xf32, #tpu.memory_space<vmem>> -> memref<128x32xf32, #tpu.memory_space<vmem>>
    %dma_wait3A_84 = arith.constant 256 : i32
    %dma_wait3A_85 = tpu.memref_slice %arg5[%dma_wait3A_84] : memref<1024xi32, #tpu.memory_space<vmem>> -> memref<128xi32, #tpu.memory_space<vmem>>
    %dma_wait3A_86 = arith.constant 0 : i32
    %dma_wait3A_87 = arith.constant 0 : i32
    %dma_wait3A_88 = tpu.memref_slice %arg2[%dma_wait3A_86, %dma_wait3A_87] : memref<100000x32xf32, #tpu.memory_space<hbm>> -> memref<100000x32xf32, #tpu.memory_space<hbm>>
    tpu.wait_indirect_dma semaphore(%arg7 : memref<!tpu.dma_semaphore, #tpu.memory_space<semaphore_mem>>) src(%dma_wait3A_88 : memref<100000x32xf32, #tpu.memory_space<hbm>>) dst(%dma_wait3A_83 : memref<128x32xf32, #tpu.memory_space<vmem>>)
    %dma_wait3A_89 = arith.constant 384 : i32
    %dma_wait3A_90 = arith.constant 0 : i32
    %dma_wait3A_91 = tpu.memref_slice %arg6[%dma_wait3A_89, %dma_wait3A_90] : memref<1024x32xf32, #tpu.memory_space<vmem>> -> memref<128x32xf32, #tpu.memory_space<vmem>>
    %dma_wait3A_92 = arith.constant 384 : i32
    %dma_wait3A_93 = tpu.memref_slice %arg5[%dma_wait3A_92] : memref<1024xi32, #tpu.memory_space<vmem>> -> memref<128xi32, #tpu.memory_space<vmem>>
    %dma_wait3A_94 = arith.constant 0 : i32
    %dma_wait3A_95 = arith.constant 0 : i32
    %dma_wait3A_96 = tpu.memref_slice %arg2[%dma_wait3A_94, %dma_wait3A_95] : memref<100000x32xf32, #tpu.memory_space<hbm>> -> memref<100000x32xf32, #tpu.memory_space<hbm>>
    tpu.wait_indirect_dma semaphore(%arg7 : memref<!tpu.dma_semaphore, #tpu.memory_space<semaphore_mem>>) src(%dma_wait3A_96 : memref<100000x32xf32, #tpu.memory_space<hbm>>) dst(%dma_wait3A_91 : memref<128x32xf32, #tpu.memory_space<vmem>>)
    %dma_wait3A_97 = arith.constant 512 : i32
    %dma_wait3A_98 = arith.constant 0 : i32
    %dma_wait3A_99 = tpu.memref_slice %arg6[%dma_wait3A_97, %dma_wait3A_98] : memref<1024x32xf32, #tpu.memory_space<vmem>> -> memref<128x32xf32, #tpu.memory_space<vmem>>
    %dma_wait3A_100 = arith.constant 512 : i32
    %dma_wait3A_101 = tpu.memref_slice %arg5[%dma_wait3A_100] : memref<1024xi32, #tpu.memory_space<vmem>> -> memref<128xi32, #tpu.memory_space<vmem>>
    %dma_wait3A_102 = arith.constant 0 : i32
    %dma_wait3A_103 = arith.constant 0 : i32
    %dma_wait3A_104 = tpu.memref_slice %arg2[%dma_wait3A_102, %dma_wait3A_103] : memref<100000x32xf32, #tpu.memory_space<hbm>> -> memref<100000x32xf32, #tpu.memory_space<hbm>>
    tpu.wait_indirect_dma semaphore(%arg7 : memref<!tpu.dma_semaphore, #tpu.memory_space<semaphore_mem>>) src(%dma_wait3A_104 : memref<100000x32xf32, #tpu.memory_space<hbm>>) dst(%dma_wait3A_99 : memref<128x32xf32, #tpu.memory_space<vmem>>)
    %dma_wait3A_105 = arith.constant 640 : i32
    %dma_wait3A_106 = arith.constant 0 : i32
    %dma_wait3A_107 = tpu.memref_slice %arg6[%dma_wait3A_105, %dma_wait3A_106] : memref<1024x32xf32, #tpu.memory_space<vmem>> -> memref<128x32xf32, #tpu.memory_space<vmem>>
    %dma_wait3A_108 = arith.constant 640 : i32
    %dma_wait3A_109 = tpu.memref_slice %arg5[%dma_wait3A_108] : memref<1024xi32, #tpu.memory_space<vmem>> -> memref<128xi32, #tpu.memory_space<vmem>>
    %dma_wait3A_110 = arith.constant 0 : i32
    %dma_wait3A_111 = arith.constant 0 : i32
    %dma_wait3A_112 = tpu.memref_slice %arg2[%dma_wait3A_110, %dma_wait3A_111] : memref<100000x32xf32, #tpu.memory_space<hbm>> -> memref<100000x32xf32, #tpu.memory_space<hbm>>
    tpu.wait_indirect_dma semaphore(%arg7 : memref<!tpu.dma_semaphore, #tpu.memory_space<semaphore_mem>>) src(%dma_wait3A_112 : memref<100000x32xf32, #tpu.memory_space<hbm>>) dst(%dma_wait3A_107 : memref<128x32xf32, #tpu.memory_space<vmem>>)
    %dma_wait3A_113 = arith.constant 768 : i32
    %dma_wait3A_114 = arith.constant 0 : i32
    %dma_wait3A_115 = tpu.memref_slice %arg6[%dma_wait3A_113, %dma_wait3A_114] : memref<1024x32xf32, #tpu.memory_space<vmem>> -> memref<128x32xf32, #tpu.memory_space<vmem>>
    %dma_wait3A_116 = arith.constant 768 : i32
    %dma_wait3A_117 = tpu.memref_slice %arg5[%dma_wait3A_116] : memref<1024xi32, #tpu.memory_space<vmem>> -> memref<128xi32, #tpu.memory_space<vmem>>
    %dma_wait3A_118 = arith.constant 0 : i32
    %dma_wait3A_119 = arith.constant 0 : i32
    %dma_wait3A_120 = tpu.memref_slice %arg2[%dma_wait3A_118, %dma_wait3A_119] : memref<100000x32xf32, #tpu.memory_space<hbm>> -> memref<100000x32xf32, #tpu.memory_space<hbm>>
    tpu.wait_indirect_dma semaphore(%arg7 : memref<!tpu.dma_semaphore, #tpu.memory_space<semaphore_mem>>) src(%dma_wait3A_120 : memref<100000x32xf32, #tpu.memory_space<hbm>>) dst(%dma_wait3A_115 : memref<128x32xf32, #tpu.memory_space<vmem>>)
    %dma_wait3A_121 = arith.constant 896 : i32
    %dma_wait3A_122 = arith.constant 0 : i32
    %dma_wait3A_123 = tpu.memref_slice %arg6[%dma_wait3A_121, %dma_wait3A_122] : memref<1024x32xf32, #tpu.memory_space<vmem>> -> memref<128x32xf32, #tpu.memory_space<vmem>>
    %dma_wait3A_124 = arith.constant 896 : i32
    %dma_wait3A_125 = tpu.memref_slice %arg5[%dma_wait3A_124] : memref<1024xi32, #tpu.memory_space<vmem>> -> memref<128xi32, #tpu.memory_space<vmem>>
    %dma_wait3A_126 = arith.constant 0 : i32
    %dma_wait3A_127 = arith.constant 0 : i32
    %dma_wait3A_128 = tpu.memref_slice %arg2[%dma_wait3A_126, %dma_wait3A_127] : memref<100000x32xf32, #tpu.memory_space<hbm>> -> memref<100000x32xf32, #tpu.memory_space<hbm>>
    tpu.wait_indirect_dma semaphore(%arg7 : memref<!tpu.dma_semaphore, #tpu.memory_space<semaphore_mem>>) src(%dma_wait3A_128 : memref<100000x32xf32, #tpu.memory_space<hbm>>) dst(%dma_wait3A_123 : memref<128x32xf32, #tpu.memory_space<vmem>>)
    "tpu.region"() ({
      %run_scoped3A = tpu.sem_alloc : memref<!tpu.dma_semaphore, #tpu.memory_space<semaphore_mem>>
      %dma_start3A_129 = arith.constant 0 : i32
      %dma_start3A_130 = tpu.memref_slice %arg4[%mul3A_2, %dma_start3A_129] : memref<32768x32xf32, #tpu.memory_space<hbm>> -> memref<1024x32xf32, #tpu.memory_space<hbm>>
      %dma_start3A_131 = arith.constant 0 : i32
      %dma_start3A_132 = tpu.memref_slice %arg4[%mul3A_2, %dma_start3A_131] : memref<32768x32xf32, #tpu.memory_space<hbm>> -> memref<1024x32xf32, #tpu.memory_space<hbm>>
      tpu.enqueue_dma source(%arg6 : memref<1024x32xf32, #tpu.memory_space<vmem>>) target(%dma_start3A_132 : memref<1024x32xf32, #tpu.memory_space<hbm>>) target_semaphore(%run_scoped3A : memref<!tpu.dma_semaphore, #tpu.memory_space<semaphore_mem>>)
      %dma_wait3A_133 = arith.constant 0 : i32
      %dma_wait3A_134 = tpu.memref_slice %arg4[%mul3A_2, %dma_wait3A_133] : memref<32768x32xf32, #tpu.memory_space<hbm>> -> memref<1024x32xf32, #tpu.memory_space<hbm>>
      %dma_wait3A_135 = arith.constant 0 : i32
      %dma_wait3A_136 = tpu.memref_slice %arg4[%mul3A_2, %dma_wait3A_135] : memref<32768x32xf32, #tpu.memory_space<hbm>> -> memref<1024x32xf32, #tpu.memory_space<hbm>>
      tpu.wait_dma2 semaphore(%run_scoped3A : memref<!tpu.dma_semaphore, #tpu.memory_space<semaphore_mem>>) src(%arg6 : memref<1024x32xf32, #tpu.memory_space<vmem>>) dst(%dma_wait3A_136 : memref<1024x32xf32, #tpu.memory_space<hbm>>)
      tpu.yield
    }) : () -> ()
    return
  }
}

#map = affine_map<(d0, d1) -> (0, 0)>
#map1 = affine_map<(d0, d1) -> (0)>
module attributes {stable_mosaic.version = 14 : i64} {
  func.func @_deg_body(%arg0: i32, %arg1: i32, %arg2: memref<25088x128xi32, #tpu.memory_space<hbm>>, %arg3: memref<204800xf32, #tpu.memory_space<hbm>>, %arg4: memref<1024xf32, #tpu.memory_space<vmem>>, %arg5: memref<1024xf32, #tpu.memory_space<vmem>>, %arg6: memref<8x128xi32, #tpu.memory_space<vmem>>, %arg7: memref<102400xf32, #tpu.memory_space<vmem_shared>>) attributes {dimension_semantics = [#tpu.dimension_semantics<core_parallel>, #tpu.dimension_semantics<subcore_parallel>], iteration_bounds = array<i64: 2, 16>, scalar_prefetch = 0 : i64, scratch_operands = 4 : i64, tpu.core_type = #tpu.core_type<sc_vector_subcore>, window_params = [{transform_indices = #map}, {transform_indices = #map1}]} {
    %mul3A = arith.constant 6400 : i32
    %mul3A_0 = arith.muli %arg1, %mul3A : i32
    %scan3A = arith.constant 0 : i32
    %scan3A_1 = arith.constant 0 : i32
    %scan3A_2 = arith.constant 64 : i32
    %scan3A_3 = arith.addi %scan3A_1, %scan3A_2 : i32
    %scan3A_4 = arith.constant 1 : i32
    scf.for %scan3A_75 = %scan3A_1 to %scan3A_3 step %scan3A_4  : i32 {
      %broadcast_in_dim3A = arith.constant 1.000000e+00 : f32
      %broadcast_in_dim3A_76 = vector.broadcast %broadcast_in_dim3A : f32 to vector<16xf32>
      %mul3A_77 = arith.constant 16 : i32
      %mul3A_78 = arith.muli %scan3A_75, %mul3A_77 : i32
      %swap3A = arith.index_cast %mul3A_78 : i32 to index
      %swap3A_79 = tpu.vector_load %arg4[%swap3A] {strides = array<i32>} : memref<1024xf32, #tpu.memory_space<vmem>>, vector<16xf32>,
      %swap3A_80 = vector.shape_cast %swap3A_79 : vector<16xf32> to vector<16xf32>
      %swap3A_81 = vector.shape_cast %broadcast_in_dim3A_76 : vector<16xf32> to vector<16xf32>
      tpu.vector_store %arg4[%swap3A], %swap3A_81 {strides = array<i32>} : memref<1024xf32, #tpu.memory_space<vmem>>, vector<16xf32>,
      %broadcast_in_dim3A_82 = arith.constant 0.000000e+00 : f32
      %broadcast_in_dim3A_83 = vector.broadcast %broadcast_in_dim3A_82 : f32 to vector<16xf32>
      %mul3A_84 = arith.constant 16 : i32
      %mul3A_85 = arith.muli %scan3A_75, %mul3A_84 : i32
      %swap3A_86 = arith.index_cast %mul3A_85 : i32 to index
      %swap3A_87 = tpu.vector_load %arg5[%swap3A_86] {strides = array<i32>} : memref<1024xf32, #tpu.memory_space<vmem>>, vector<16xf32>,
      %swap3A_88 = vector.shape_cast %swap3A_87 : vector<16xf32> to vector<16xf32>
      %swap3A_89 = vector.shape_cast %broadcast_in_dim3A_83 : vector<16xf32> to vector<16xf32>
      tpu.vector_store %arg5[%swap3A_86], %swap3A_89 {strides = array<i32>} : memref<1024xf32, #tpu.memory_space<vmem>>, vector<16xf32>,
    }
    %scan3A_5 = arith.constant 64 : i32
    %add3A = arith.constant 0 : i32
    %add3A_6 = arith.addi %mul3A_0, %add3A : i32
    "tpu.region"() ({
      %run_scoped3A = tpu.sem_alloc : memref<!tpu.dma_semaphore, #tpu.memory_space<semaphore_mem>>
      %dma_start3A = arith.constant 0 : i32
      %dma_start3A_75 = tpu.memref_slice %arg5[%dma_start3A] : memref<1024xf32, #tpu.memory_space<vmem>> -> memref<1024xf32, #tpu.memory_space<vmem>>
      %dma_start3A_76 = tpu.memref_slice %arg7[%add3A_6] : memref<102400xf32, #tpu.memory_space<vmem_shared>> -> memref<1024xf32, #tpu.memory_space<vmem_shared>>
      %dma_start3A_77 = tpu.memref_slice %arg7[%add3A_6] : memref<102400xf32, #tpu.memory_space<vmem_shared>> -> memref<1024xf32, #tpu.memory_space<vmem_shared>>
      %dma_start3A_78 = arith.constant 0 : i32
      %dma_start3A_79 = tpu.memref_slice %arg5[%dma_start3A_78] : memref<1024xf32, #tpu.memory_space<vmem>> -> memref<1024xf32, #tpu.memory_space<vmem>>
      tpu.enqueue_dma source(%dma_start3A_79 : memref<1024xf32, #tpu.memory_space<vmem>>) target(%dma_start3A_77 : memref<1024xf32, #tpu.memory_space<vmem_shared>>) target_semaphore(%run_scoped3A : memref<!tpu.dma_semaphore, #tpu.memory_space<semaphore_mem>>)
      %dma_wait3A = arith.constant 0 : i32
      %dma_wait3A_80 = tpu.memref_slice %arg5[%dma_wait3A] : memref<1024xf32, #tpu.memory_space<vmem>> -> memref<1024xf32, #tpu.memory_space<vmem>>
      %dma_wait3A_81 = tpu.memref_slice %arg7[%add3A_6] : memref<102400xf32, #tpu.memory_space<vmem_shared>> -> memref<1024xf32, #tpu.memory_space<vmem_shared>>
      %dma_wait3A_82 = tpu.memref_slice %arg7[%add3A_6] : memref<102400xf32, #tpu.memory_space<vmem_shared>> -> memref<1024xf32, #tpu.memory_space<vmem_shared>>
      %dma_wait3A_83 = arith.constant 0 : i32
      %dma_wait3A_84 = tpu.memref_slice %arg5[%dma_wait3A_83] : memref<1024xf32, #tpu.memory_space<vmem>> -> memref<1024xf32, #tpu.memory_space<vmem>>
      tpu.wait_dma2 semaphore(%run_scoped3A : memref<!tpu.dma_semaphore, #tpu.memory_space<semaphore_mem>>) src(%dma_wait3A_84 : memref<1024xf32, #tpu.memory_space<vmem>>) dst(%dma_wait3A_82 : memref<1024xf32, #tpu.memory_space<vmem_shared>>)
      tpu.yield
    }) : () -> ()
    %add3A_7 = arith.constant 1024 : i32
    %add3A_8 = arith.addi %mul3A_0, %add3A_7 : i32
    "tpu.region"() ({
      %run_scoped3A = tpu.sem_alloc : memref<!tpu.dma_semaphore, #tpu.memory_space<semaphore_mem>>
      %dma_start3A = arith.constant 0 : i32
      %dma_start3A_75 = tpu.memref_slice %arg5[%dma_start3A] : memref<1024xf32, #tpu.memory_space<vmem>> -> memref<1024xf32, #tpu.memory_space<vmem>>
      %dma_start3A_76 = tpu.memref_slice %arg7[%add3A_8] : memref<102400xf32, #tpu.memory_space<vmem_shared>> -> memref<1024xf32, #tpu.memory_space<vmem_shared>>
      %dma_start3A_77 = tpu.memref_slice %arg7[%add3A_8] : memref<102400xf32, #tpu.memory_space<vmem_shared>> -> memref<1024xf32, #tpu.memory_space<vmem_shared>>
      %dma_start3A_78 = arith.constant 0 : i32
      %dma_start3A_79 = tpu.memref_slice %arg5[%dma_start3A_78] : memref<1024xf32, #tpu.memory_space<vmem>> -> memref<1024xf32, #tpu.memory_space<vmem>>
      tpu.enqueue_dma source(%dma_start3A_79 : memref<1024xf32, #tpu.memory_space<vmem>>) target(%dma_start3A_77 : memref<1024xf32, #tpu.memory_space<vmem_shared>>) target_semaphore(%run_scoped3A : memref<!tpu.dma_semaphore, #tpu.memory_space<semaphore_mem>>)
      %dma_wait3A = arith.constant 0 : i32
      %dma_wait3A_80 = tpu.memref_slice %arg5[%dma_wait3A] : memref<1024xf32, #tpu.memory_space<vmem>> -> memref<1024xf32, #tpu.memory_space<vmem>>
      %dma_wait3A_81 = tpu.memref_slice %arg7[%add3A_8] : memref<102400xf32, #tpu.memory_space<vmem_shared>> -> memref<1024xf32, #tpu.memory_space<vmem_shared>>
      %dma_wait3A_82 = tpu.memref_slice %arg7[%add3A_8] : memref<102400xf32, #tpu.memory_space<vmem_shared>> -> memref<1024xf32, #tpu.memory_space<vmem_shared>>
      %dma_wait3A_83 = arith.constant 0 : i32
      %dma_wait3A_84 = tpu.memref_slice %arg5[%dma_wait3A_83] : memref<1024xf32, #tpu.memory_space<vmem>> -> memref<1024xf32, #tpu.memory_space<vmem>>
      tpu.wait_dma2 semaphore(%run_scoped3A : memref<!tpu.dma_semaphore, #tpu.memory_space<semaphore_mem>>) src(%dma_wait3A_84 : memref<1024xf32, #tpu.memory_space<vmem>>) dst(%dma_wait3A_82 : memref<1024xf32, #tpu.memory_space<vmem_shared>>)
      tpu.yield
    }) : () -> ()
    %add3A_9 = arith.constant 2048 : i32
    %add3A_10 = arith.addi %mul3A_0, %add3A_9 : i32
    "tpu.region"() ({
      %run_scoped3A = tpu.sem_alloc : memref<!tpu.dma_semaphore, #tpu.memory_space<semaphore_mem>>
      %dma_start3A = arith.constant 0 : i32
      %dma_start3A_75 = tpu.memref_slice %arg5[%dma_start3A] : memref<1024xf32, #tpu.memory_space<vmem>> -> memref<1024xf32, #tpu.memory_space<vmem>>
      %dma_start3A_76 = tpu.memref_slice %arg7[%add3A_10] : memref<102400xf32, #tpu.memory_space<vmem_shared>> -> memref<1024xf32, #tpu.memory_space<vmem_shared>>
      %dma_start3A_77 = tpu.memref_slice %arg7[%add3A_10] : memref<102400xf32, #tpu.memory_space<vmem_shared>> -> memref<1024xf32, #tpu.memory_space<vmem_shared>>
      %dma_start3A_78 = arith.constant 0 : i32
      %dma_start3A_79 = tpu.memref_slice %arg5[%dma_start3A_78] : memref<1024xf32, #tpu.memory_space<vmem>> -> memref<1024xf32, #tpu.memory_space<vmem>>
      tpu.enqueue_dma source(%dma_start3A_79 : memref<1024xf32, #tpu.memory_space<vmem>>) target(%dma_start3A_77 : memref<1024xf32, #tpu.memory_space<vmem_shared>>) target_semaphore(%run_scoped3A : memref<!tpu.dma_semaphore, #tpu.memory_space<semaphore_mem>>)
      %dma_wait3A = arith.constant 0 : i32
      %dma_wait3A_80 = tpu.memref_slice %arg5[%dma_wait3A] : memref<1024xf32, #tpu.memory_space<vmem>> -> memref<1024xf32, #tpu.memory_space<vmem>>
      %dma_wait3A_81 = tpu.memref_slice %arg7[%add3A_10] : memref<102400xf32, #tpu.memory_space<vmem_shared>> -> memref<1024xf32, #tpu.memory_space<vmem_shared>>
      %dma_wait3A_82 = tpu.memref_slice %arg7[%add3A_10] : memref<102400xf32, #tpu.memory_space<vmem_shared>> -> memref<1024xf32, #tpu.memory_space<vmem_shared>>
      %dma_wait3A_83 = arith.constant 0 : i32
      %dma_wait3A_84 = tpu.memref_slice %arg5[%dma_wait3A_83] : memref<1024xf32, #tpu.memory_space<vmem>> -> memref<1024xf32, #tpu.memory_space<vmem>>
      tpu.wait_dma2 semaphore(%run_scoped3A : memref<!tpu.dma_semaphore, #tpu.memory_space<semaphore_mem>>) src(%dma_wait3A_84 : memref<1024xf32, #tpu.memory_space<vmem>>) dst(%dma_wait3A_82 : memref<1024xf32, #tpu.memory_space<vmem_shared>>)
      tpu.yield
    }) : () -> ()
    %add3A_11 = arith.constant 3072 : i32
    %add3A_12 = arith.addi %mul3A_0, %add3A_11 : i32
    "tpu.region"() ({
      %run_scoped3A = tpu.sem_alloc : memref<!tpu.dma_semaphore, #tpu.memory_space<semaphore_mem>>
      %dma_start3A = arith.constant 0 : i32
      %dma_start3A_75 = tpu.memref_slice %arg5[%dma_start3A] : memref<1024xf32, #tpu.memory_space<vmem>> -> memref<1024xf32, #tpu.memory_space<vmem>>
      %dma_start3A_76 = tpu.memref_slice %arg7[%add3A_12] : memref<102400xf32, #tpu.memory_space<vmem_shared>> -> memref<1024xf32, #tpu.memory_space<vmem_shared>>
      %dma_start3A_77 = tpu.memref_slice %arg7[%add3A_12] : memref<102400xf32, #tpu.memory_space<vmem_shared>> -> memref<1024xf32, #tpu.memory_space<vmem_shared>>
      %dma_start3A_78 = arith.constant 0 : i32
      %dma_start3A_79 = tpu.memref_slice %arg5[%dma_start3A_78] : memref<1024xf32, #tpu.memory_space<vmem>> -> memref<1024xf32, #tpu.memory_space<vmem>>
      tpu.enqueue_dma source(%dma_start3A_79 : memref<1024xf32, #tpu.memory_space<vmem>>) target(%dma_start3A_77 : memref<1024xf32, #tpu.memory_space<vmem_shared>>) target_semaphore(%run_scoped3A : memref<!tpu.dma_semaphore, #tpu.memory_space<semaphore_mem>>)
      %dma_wait3A = arith.constant 0 : i32
      %dma_wait3A_80 = tpu.memref_slice %arg5[%dma_wait3A] : memref<1024xf32, #tpu.memory_space<vmem>> -> memref<1024xf32, #tpu.memory_space<vmem>>
      %dma_wait3A_81 = tpu.memref_slice %arg7[%add3A_12] : memref<102400xf32, #tpu.memory_space<vmem_shared>> -> memref<1024xf32, #tpu.memory_space<vmem_shared>>
      %dma_wait3A_82 = tpu.memref_slice %arg7[%add3A_12] : memref<102400xf32, #tpu.memory_space<vmem_shared>> -> memref<1024xf32, #tpu.memory_space<vmem_shared>>
      %dma_wait3A_83 = arith.constant 0 : i32
      %dma_wait3A_84 = tpu.memref_slice %arg5[%dma_wait3A_83] : memref<1024xf32, #tpu.memory_space<vmem>> -> memref<1024xf32, #tpu.memory_space<vmem>>
      tpu.wait_dma2 semaphore(%run_scoped3A : memref<!tpu.dma_semaphore, #tpu.memory_space<semaphore_mem>>) src(%dma_wait3A_84 : memref<1024xf32, #tpu.memory_space<vmem>>) dst(%dma_wait3A_82 : memref<1024xf32, #tpu.memory_space<vmem_shared>>)
      tpu.yield
    }) : () -> ()
    %add3A_13 = arith.constant 4096 : i32
    %add3A_14 = arith.addi %mul3A_0, %add3A_13 : i32
    "tpu.region"() ({
      %run_scoped3A = tpu.sem_alloc : memref<!tpu.dma_semaphore, #tpu.memory_space<semaphore_mem>>
      %dma_start3A = arith.constant 0 : i32
      %dma_start3A_75 = tpu.memref_slice %arg5[%dma_start3A] : memref<1024xf32, #tpu.memory_space<vmem>> -> memref<1024xf32, #tpu.memory_space<vmem>>
      %dma_start3A_76 = tpu.memref_slice %arg7[%add3A_14] : memref<102400xf32, #tpu.memory_space<vmem_shared>> -> memref<1024xf32, #tpu.memory_space<vmem_shared>>
      %dma_start3A_77 = tpu.memref_slice %arg7[%add3A_14] : memref<102400xf32, #tpu.memory_space<vmem_shared>> -> memref<1024xf32, #tpu.memory_space<vmem_shared>>
      %dma_start3A_78 = arith.constant 0 : i32
      %dma_start3A_79 = tpu.memref_slice %arg5[%dma_start3A_78] : memref<1024xf32, #tpu.memory_space<vmem>> -> memref<1024xf32, #tpu.memory_space<vmem>>
      tpu.enqueue_dma source(%dma_start3A_79 : memref<1024xf32, #tpu.memory_space<vmem>>) target(%dma_start3A_77 : memref<1024xf32, #tpu.memory_space<vmem_shared>>) target_semaphore(%run_scoped3A : memref<!tpu.dma_semaphore, #tpu.memory_space<semaphore_mem>>)
      %dma_wait3A = arith.constant 0 : i32
      %dma_wait3A_80 = tpu.memref_slice %arg5[%dma_wait3A] : memref<1024xf32, #tpu.memory_space<vmem>> -> memref<1024xf32, #tpu.memory_space<vmem>>
      %dma_wait3A_81 = tpu.memref_slice %arg7[%add3A_14] : memref<102400xf32, #tpu.memory_space<vmem_shared>> -> memref<1024xf32, #tpu.memory_space<vmem_shared>>
      %dma_wait3A_82 = tpu.memref_slice %arg7[%add3A_14] : memref<102400xf32, #tpu.memory_space<vmem_shared>> -> memref<1024xf32, #tpu.memory_space<vmem_shared>>
      %dma_wait3A_83 = arith.constant 0 : i32
      %dma_wait3A_84 = tpu.memref_slice %arg5[%dma_wait3A_83] : memref<1024xf32, #tpu.memory_space<vmem>> -> memref<1024xf32, #tpu.memory_space<vmem>>
      tpu.wait_dma2 semaphore(%run_scoped3A : memref<!tpu.dma_semaphore, #tpu.memory_space<semaphore_mem>>) src(%dma_wait3A_84 : memref<1024xf32, #tpu.memory_space<vmem>>) dst(%dma_wait3A_82 : memref<1024xf32, #tpu.memory_space<vmem_shared>>)
      tpu.yield
    }) : () -> ()
    %add3A_15 = arith.constant 5120 : i32
    %add3A_16 = arith.addi %mul3A_0, %add3A_15 : i32
    "tpu.region"() ({
      %run_scoped3A = tpu.sem_alloc : memref<!tpu.dma_semaphore, #tpu.memory_space<semaphore_mem>>
      %dma_start3A = arith.constant 0 : i32
      %dma_start3A_75 = tpu.memref_slice %arg5[%dma_start3A] : memref<1024xf32, #tpu.memory_space<vmem>> -> memref<1024xf32, #tpu.memory_space<vmem>>
      %dma_start3A_76 = tpu.memref_slice %arg7[%add3A_16] : memref<102400xf32, #tpu.memory_space<vmem_shared>> -> memref<1024xf32, #tpu.memory_space<vmem_shared>>
      %dma_start3A_77 = tpu.memref_slice %arg7[%add3A_16] : memref<102400xf32, #tpu.memory_space<vmem_shared>> -> memref<1024xf32, #tpu.memory_space<vmem_shared>>
      %dma_start3A_78 = arith.constant 0 : i32
      %dma_start3A_79 = tpu.memref_slice %arg5[%dma_start3A_78] : memref<1024xf32, #tpu.memory_space<vmem>> -> memref<1024xf32, #tpu.memory_space<vmem>>
      tpu.enqueue_dma source(%dma_start3A_79 : memref<1024xf32, #tpu.memory_space<vmem>>) target(%dma_start3A_77 : memref<1024xf32, #tpu.memory_space<vmem_shared>>) target_semaphore(%run_scoped3A : memref<!tpu.dma_semaphore, #tpu.memory_space<semaphore_mem>>)
      %dma_wait3A = arith.constant 0 : i32
      %dma_wait3A_80 = tpu.memref_slice %arg5[%dma_wait3A] : memref<1024xf32, #tpu.memory_space<vmem>> -> memref<1024xf32, #tpu.memory_space<vmem>>
      %dma_wait3A_81 = tpu.memref_slice %arg7[%add3A_16] : memref<102400xf32, #tpu.memory_space<vmem_shared>> -> memref<1024xf32, #tpu.memory_space<vmem_shared>>
      %dma_wait3A_82 = tpu.memref_slice %arg7[%add3A_16] : memref<102400xf32, #tpu.memory_space<vmem_shared>> -> memref<1024xf32, #tpu.memory_space<vmem_shared>>
      %dma_wait3A_83 = arith.constant 0 : i32
      %dma_wait3A_84 = tpu.memref_slice %arg5[%dma_wait3A_83] : memref<1024xf32, #tpu.memory_space<vmem>> -> memref<1024xf32, #tpu.memory_space<vmem>>
      tpu.wait_dma2 semaphore(%run_scoped3A : memref<!tpu.dma_semaphore, #tpu.memory_space<semaphore_mem>>) src(%dma_wait3A_84 : memref<1024xf32, #tpu.memory_space<vmem>>) dst(%dma_wait3A_82 : memref<1024xf32, #tpu.memory_space<vmem_shared>>)
      tpu.yield
    }) : () -> ()
    %add3A_17 = arith.constant 6144 : i32
    %add3A_18 = arith.addi %mul3A_0, %add3A_17 : i32
    "tpu.region"() ({
      %run_scoped3A = tpu.sem_alloc : memref<!tpu.dma_semaphore, #tpu.memory_space<semaphore_mem>>
      %dma_start3A = arith.constant 0 : i32
      %dma_start3A_75 = tpu.memref_slice %arg5[%dma_start3A] : memref<1024xf32, #tpu.memory_space<vmem>> -> memref<256xf32, #tpu.memory_space<vmem>>
      %dma_start3A_76 = tpu.memref_slice %arg7[%add3A_18] : memref<102400xf32, #tpu.memory_space<vmem_shared>> -> memref<256xf32, #tpu.memory_space<vmem_shared>>
      %dma_start3A_77 = tpu.memref_slice %arg7[%add3A_18] : memref<102400xf32, #tpu.memory_space<vmem_shared>> -> memref<256xf32, #tpu.memory_space<vmem_shared>>
      %dma_start3A_78 = arith.constant 0 : i32
      %dma_start3A_79 = tpu.memref_slice %arg5[%dma_start3A_78] : memref<1024xf32, #tpu.memory_space<vmem>> -> memref<256xf32, #tpu.memory_space<vmem>>
      tpu.enqueue_dma source(%dma_start3A_79 : memref<256xf32, #tpu.memory_space<vmem>>) target(%dma_start3A_77 : memref<256xf32, #tpu.memory_space<vmem_shared>>) target_semaphore(%run_scoped3A : memref<!tpu.dma_semaphore, #tpu.memory_space<semaphore_mem>>)
      %dma_wait3A = arith.constant 0 : i32
      %dma_wait3A_80 = tpu.memref_slice %arg5[%dma_wait3A] : memref<1024xf32, #tpu.memory_space<vmem>> -> memref<256xf32, #tpu.memory_space<vmem>>
      %dma_wait3A_81 = tpu.memref_slice %arg7[%add3A_18] : memref<102400xf32, #tpu.memory_space<vmem_shared>> -> memref<256xf32, #tpu.memory_space<vmem_shared>>
      %dma_wait3A_82 = tpu.memref_slice %arg7[%add3A_18] : memref<102400xf32, #tpu.memory_space<vmem_shared>> -> memref<256xf32, #tpu.memory_space<vmem_shared>>
      %dma_wait3A_83 = arith.constant 0 : i32
      %dma_wait3A_84 = tpu.memref_slice %arg5[%dma_wait3A_83] : memref<1024xf32, #tpu.memory_space<vmem>> -> memref<256xf32, #tpu.memory_space<vmem>>
      tpu.wait_dma2 semaphore(%run_scoped3A : memref<!tpu.dma_semaphore, #tpu.memory_space<semaphore_mem>>) src(%dma_wait3A_84 : memref<256xf32, #tpu.memory_space<vmem>>) dst(%dma_wait3A_82 : memref<256xf32, #tpu.memory_space<vmem_shared>>)
      tpu.yield
    }) : () -> ()
    %barrier3A = arith.constant 0 : index
    tpu.barrier barrier_id(%barrier3A)
    %scan3A_19 = arith.constant 0 : i32
    %scan3A_20 = arith.constant 0 : i32
    %scan3A_21 = arith.constant 98 : i32
    %scan3A_22 = arith.addi %scan3A_20, %scan3A_21 : i32
    %scan3A_23 = arith.constant 1 : i32
    scf.for %scan3A_75 = %scan3A_20 to %scan3A_22 step %scan3A_23  : i32 {
      %mul3A_76 = arith.constant 16 : i32
      %mul3A_77 = arith.muli %arg0, %mul3A_76 : i32
      %add3A_78 = arith.addi %mul3A_77, %arg1 : i32
      %mul3A_79 = arith.constant 784 : i32
      %mul3A_80 = arith.muli %add3A_78, %mul3A_79 : i32
      %mul3A_81 = arith.constant 8 : i32
      %mul3A_82 = arith.muli %scan3A_75, %mul3A_81 : i32
      %add3A_83 = arith.addi %mul3A_80, %mul3A_82 : i32
      "tpu.region"() ({
        %run_scoped3A_91 = tpu.sem_alloc : memref<!tpu.dma_semaphore, #tpu.memory_space<semaphore_mem>>
        %dma_start3A = arith.constant 0 : i32
        %dma_start3A_92 = tpu.memref_slice %arg2[%add3A_83, %dma_start3A] : memref<25088x128xi32, #tpu.memory_space<hbm>> -> memref<8x128xi32, #tpu.memory_space<hbm>>
        %dma_start3A_93 = arith.constant 0 : i32
        %dma_start3A_94 = tpu.memref_slice %arg2[%add3A_83, %dma_start3A_93] : memref<25088x128xi32, #tpu.memory_space<hbm>> -> memref<8x128xi32, #tpu.memory_space<hbm>>
        tpu.enqueue_dma source(%dma_start3A_94 : memref<8x128xi32, #tpu.memory_space<hbm>>) target(%arg6 : memref<8x128xi32, #tpu.memory_space<vmem>>) target_semaphore(%run_scoped3A_91 : memref<!tpu.dma_semaphore, #tpu.memory_space<semaphore_mem>>)
        %dma_wait3A = arith.constant 0 : i32
        %dma_wait3A_95 = tpu.memref_slice %arg2[%add3A_83, %dma_wait3A] : memref<25088x128xi32, #tpu.memory_space<hbm>> -> memref<8x128xi32, #tpu.memory_space<hbm>>
        %dma_wait3A_96 = arith.constant 0 : i32
        %dma_wait3A_97 = tpu.memref_slice %arg2[%add3A_83, %dma_wait3A_96] : memref<25088x128xi32, #tpu.memory_space<hbm>> -> memref<8x128xi32, #tpu.memory_space<hbm>>
        tpu.wait_dma2 semaphore(%run_scoped3A_91 : memref<!tpu.dma_semaphore, #tpu.memory_space<semaphore_mem>>) src(%dma_wait3A_97 : memref<8x128xi32, #tpu.memory_space<hbm>>) dst(%arg6 : memref<8x128xi32, #tpu.memory_space<vmem>>)
        tpu.yield
      }) : () -> ()
      %run_scoped3A = arith.constant 0 : i32
      "tpu.region"() ({
        %run_scoped3A_91 = tpu.sem_alloc : memref<!tpu.dma_semaphore, #tpu.memory_space<semaphore_mem>>
        %dma_start3A = arith.constant 0 : i32
        %dma_start3A_92 = tpu.memref_slice %arg4[%dma_start3A] : memref<1024xf32, #tpu.memory_space<vmem>> -> memref<128xf32, #tpu.memory_space<vmem>>
        %dma_start3A_93 = arith.constant 0 : i32
        %dma_start3A_94 = tpu.memref_slice %arg6[%run_scoped3A, %dma_start3A_93] : memref<8x128xi32, #tpu.memory_space<vmem>> -> memref<1x128xi32, #tpu.memory_space<vmem>>
        %dma_start3A_95 = tpu.memref_squeeze %dma_start3A_94 : memref<1x128xi32, #tpu.memory_space<vmem>> -> memref<128xi32, #tpu.memory_space<vmem>>
        %dma_start3A_96 = arith.constant 0 : i32
        %dma_start3A_97 = tpu.memref_slice %arg7[%dma_start3A_96] : memref<102400xf32, #tpu.memory_space<vmem_shared>> -> memref<102400xf32, #tpu.memory_space<vmem_shared>>
        tpu.enqueue_indirect_dma source(%dma_start3A_92 : memref<128xf32, #tpu.memory_space<vmem>>) target(%dma_start3A_97 : memref<102400xf32, #tpu.memory_space<vmem_shared>>) offsets(%dma_start3A_95 : memref<128xi32, #tpu.memory_space<vmem>>) semaphore(%run_scoped3A_91 : memref<!tpu.dma_semaphore, #tpu.memory_space<semaphore_mem>>) {add = true}
        %dma_wait3A = arith.constant 0 : i32
        %dma_wait3A_98 = tpu.memref_slice %arg4[%dma_wait3A] : memref<1024xf32, #tpu.memory_space<vmem>> -> memref<128xf32, #tpu.memory_space<vmem>>
        %dma_wait3A_99 = arith.constant 0 : i32
        %dma_wait3A_100 = tpu.memref_slice %arg6[%run_scoped3A, %dma_wait3A_99] : memref<8x128xi32, #tpu.memory_space<vmem>> -> memref<1x128xi32, #tpu.memory_space<vmem>>
        %dma_wait3A_101 = tpu.memref_squeeze %dma_wait3A_100 : memref<1x128xi32, #tpu.memory_space<vmem>> -> memref<128xi32, #tpu.memory_space<vmem>>
        %dma_wait3A_102 = arith.constant 0 : i32
        %dma_wait3A_103 = tpu.memref_slice %arg7[%dma_wait3A_102] : memref<102400xf32, #tpu.memory_space<vmem_shared>> -> memref<102400xf32, #tpu.memory_space<vmem_shared>>
        tpu.wait_indirect_dma semaphore(%run_scoped3A_91 : memref<!tpu.dma_semaphore, #tpu.memory_space<semaphore_mem>>) src(%dma_wait3A_98 : memref<128xf32, #tpu.memory_space<vmem>>) dst(%dma_wait3A_103 : memref<102400xf32, #tpu.memory_space<vmem_shared>>)
        tpu.yield
      }) : () -> ()
      %run_scoped3A_84 = arith.constant 1 : i32
      "tpu.region"() ({
        %run_scoped3A_91 = tpu.sem_alloc : memref<!tpu.dma_semaphore, #tpu.memory_space<semaphore_mem>>
        %dma_start3A = arith.constant 128 : i32
        %dma_start3A_92 = tpu.memref_slice %arg4[%dma_start3A] : memref<1024xf32, #tpu.memory_space<vmem>> -> memref<128xf32, #tpu.memory_space<vmem>>
        %dma_start3A_93 = arith.constant 0 : i32
        %dma_start3A_94 = tpu.memref_slice %arg6[%run_scoped3A_84, %dma_start3A_93] : memref<8x128xi32, #tpu.memory_space<vmem>> -> memref<1x128xi32, #tpu.memory_space<vmem>>
        %dma_start3A_95 = tpu.memref_squeeze %dma_start3A_94 : memref<1x128xi32, #tpu.memory_space<vmem>> -> memref<128xi32, #tpu.memory_space<vmem>>
        %dma_start3A_96 = arith.constant 0 : i32
        %dma_start3A_97 = tpu.memref_slice %arg7[%dma_start3A_96] : memref<102400xf32, #tpu.memory_space<vmem_shared>> -> memref<102400xf32, #tpu.memory_space<vmem_shared>>
        tpu.enqueue_indirect_dma source(%dma_start3A_92 : memref<128xf32, #tpu.memory_space<vmem>>) target(%dma_start3A_97 : memref<102400xf32, #tpu.memory_space<vmem_shared>>) offsets(%dma_start3A_95 : memref<128xi32, #tpu.memory_space<vmem>>) semaphore(%run_scoped3A_91 : memref<!tpu.dma_semaphore, #tpu.memory_space<semaphore_mem>>) {add = true}
        %dma_wait3A = arith.constant 128 : i32
        %dma_wait3A_98 = tpu.memref_slice %arg4[%dma_wait3A] : memref<1024xf32, #tpu.memory_space<vmem>> -> memref<128xf32, #tpu.memory_space<vmem>>
        %dma_wait3A_99 = arith.constant 0 : i32
        %dma_wait3A_100 = tpu.memref_slice %arg6[%run_scoped3A_84, %dma_wait3A_99] : memref<8x128xi32, #tpu.memory_space<vmem>> -> memref<1x128xi32, #tpu.memory_space<vmem>>
        %dma_wait3A_101 = tpu.memref_squeeze %dma_wait3A_100 : memref<1x128xi32, #tpu.memory_space<vmem>> -> memref<128xi32, #tpu.memory_space<vmem>>
        %dma_wait3A_102 = arith.constant 0 : i32
        %dma_wait3A_103 = tpu.memref_slice %arg7[%dma_wait3A_102] : memref<102400xf32, #tpu.memory_space<vmem_shared>> -> memref<102400xf32, #tpu.memory_space<vmem_shared>>
        tpu.wait_indirect_dma semaphore(%run_scoped3A_91 : memref<!tpu.dma_semaphore, #tpu.memory_space<semaphore_mem>>) src(%dma_wait3A_98 : memref<128xf32, #tpu.memory_space<vmem>>) dst(%dma_wait3A_103 : memref<102400xf32, #tpu.memory_space<vmem_shared>>)
        tpu.yield
      }) : () -> ()
      %run_scoped3A_85 = arith.constant 2 : i32
      "tpu.region"() ({
        %run_scoped3A_91 = tpu.sem_alloc : memref<!tpu.dma_semaphore, #tpu.memory_space<semaphore_mem>>
        %dma_start3A = arith.constant 256 : i32
        %dma_start3A_92 = tpu.memref_slice %arg4[%dma_start3A] : memref<1024xf32, #tpu.memory_space<vmem>> -> memref<128xf32, #tpu.memory_space<vmem>>
        %dma_start3A_93 = arith.constant 0 : i32
        %dma_start3A_94 = tpu.memref_slice %arg6[%run_scoped3A_85, %dma_start3A_93] : memref<8x128xi32, #tpu.memory_space<vmem>> -> memref<1x128xi32, #tpu.memory_space<vmem>>
        %dma_start3A_95 = tpu.memref_squeeze %dma_start3A_94 : memref<1x128xi32, #tpu.memory_space<vmem>> -> memref<128xi32, #tpu.memory_space<vmem>>
        %dma_start3A_96 = arith.constant 0 : i32
        %dma_start3A_97 = tpu.memref_slice %arg7[%dma_start3A_96] : memref<102400xf32, #tpu.memory_space<vmem_shared>> -> memref<102400xf32, #tpu.memory_space<vmem_shared>>
        tpu.enqueue_indirect_dma source(%dma_start3A_92 : memref<128xf32, #tpu.memory_space<vmem>>) target(%dma_start3A_97 : memref<102400xf32, #tpu.memory_space<vmem_shared>>) offsets(%dma_start3A_95 : memref<128xi32, #tpu.memory_space<vmem>>) semaphore(%run_scoped3A_91 : memref<!tpu.dma_semaphore, #tpu.memory_space<semaphore_mem>>) {add = true}
        %dma_wait3A = arith.constant 256 : i32
        %dma_wait3A_98 = tpu.memref_slice %arg4[%dma_wait3A] : memref<1024xf32, #tpu.memory_space<vmem>> -> memref<128xf32, #tpu.memory_space<vmem>>
        %dma_wait3A_99 = arith.constant 0 : i32
        %dma_wait3A_100 = tpu.memref_slice %arg6[%run_scoped3A_85, %dma_wait3A_99] : memref<8x128xi32, #tpu.memory_space<vmem>> -> memref<1x128xi32, #tpu.memory_space<vmem>>
        %dma_wait3A_101 = tpu.memref_squeeze %dma_wait3A_100 : memref<1x128xi32, #tpu.memory_space<vmem>> -> memref<128xi32, #tpu.memory_space<vmem>>
        %dma_wait3A_102 = arith.constant 0 : i32
        %dma_wait3A_103 = tpu.memref_slice %arg7[%dma_wait3A_102] : memref<102400xf32, #tpu.memory_space<vmem_shared>> -> memref<102400xf32, #tpu.memory_space<vmem_shared>>
        tpu.wait_indirect_dma semaphore(%run_scoped3A_91 : memref<!tpu.dma_semaphore, #tpu.memory_space<semaphore_mem>>) src(%dma_wait3A_98 : memref<128xf32, #tpu.memory_space<vmem>>) dst(%dma_wait3A_103 : memref<102400xf32, #tpu.memory_space<vmem_shared>>)
        tpu.yield
      }) : () -> ()
      %run_scoped3A_86 = arith.constant 3 : i32
      "tpu.region"() ({
        %run_scoped3A_91 = tpu.sem_alloc : memref<!tpu.dma_semaphore, #tpu.memory_space<semaphore_mem>>
        %dma_start3A = arith.constant 384 : i32
        %dma_start3A_92 = tpu.memref_slice %arg4[%dma_start3A] : memref<1024xf32, #tpu.memory_space<vmem>> -> memref<128xf32, #tpu.memory_space<vmem>>
        %dma_start3A_93 = arith.constant 0 : i32
        %dma_start3A_94 = tpu.memref_slice %arg6[%run_scoped3A_86, %dma_start3A_93] : memref<8x128xi32, #tpu.memory_space<vmem>> -> memref<1x128xi32, #tpu.memory_space<vmem>>
        %dma_start3A_95 = tpu.memref_squeeze %dma_start3A_94 : memref<1x128xi32, #tpu.memory_space<vmem>> -> memref<128xi32, #tpu.memory_space<vmem>>
        %dma_start3A_96 = arith.constant 0 : i32
        %dma_start3A_97 = tpu.memref_slice %arg7[%dma_start3A_96] : memref<102400xf32, #tpu.memory_space<vmem_shared>> -> memref<102400xf32, #tpu.memory_space<vmem_shared>>
        tpu.enqueue_indirect_dma source(%dma_start3A_92 : memref<128xf32, #tpu.memory_space<vmem>>) target(%dma_start3A_97 : memref<102400xf32, #tpu.memory_space<vmem_shared>>) offsets(%dma_start3A_95 : memref<128xi32, #tpu.memory_space<vmem>>) semaphore(%run_scoped3A_91 : memref<!tpu.dma_semaphore, #tpu.memory_space<semaphore_mem>>) {add = true}
        %dma_wait3A = arith.constant 384 : i32
        %dma_wait3A_98 = tpu.memref_slice %arg4[%dma_wait3A] : memref<1024xf32, #tpu.memory_space<vmem>> -> memref<128xf32, #tpu.memory_space<vmem>>
        %dma_wait3A_99 = arith.constant 0 : i32
        %dma_wait3A_100 = tpu.memref_slice %arg6[%run_scoped3A_86, %dma_wait3A_99] : memref<8x128xi32, #tpu.memory_space<vmem>> -> memref<1x128xi32, #tpu.memory_space<vmem>>
        %dma_wait3A_101 = tpu.memref_squeeze %dma_wait3A_100 : memref<1x128xi32, #tpu.memory_space<vmem>> -> memref<128xi32, #tpu.memory_space<vmem>>
        %dma_wait3A_102 = arith.constant 0 : i32
        %dma_wait3A_103 = tpu.memref_slice %arg7[%dma_wait3A_102] : memref<102400xf32, #tpu.memory_space<vmem_shared>> -> memref<102400xf32, #tpu.memory_space<vmem_shared>>
        tpu.wait_indirect_dma semaphore(%run_scoped3A_91 : memref<!tpu.dma_semaphore, #tpu.memory_space<semaphore_mem>>) src(%dma_wait3A_98 : memref<128xf32, #tpu.memory_space<vmem>>) dst(%dma_wait3A_103 : memref<102400xf32, #tpu.memory_space<vmem_shared>>)
        tpu.yield
      }) : () -> ()
      %run_scoped3A_87 = arith.constant 4 : i32
      "tpu.region"() ({
        %run_scoped3A_91 = tpu.sem_alloc : memref<!tpu.dma_semaphore, #tpu.memory_space<semaphore_mem>>
        %dma_start3A = arith.constant 512 : i32
        %dma_start3A_92 = tpu.memref_slice %arg4[%dma_start3A] : memref<1024xf32, #tpu.memory_space<vmem>> -> memref<128xf32, #tpu.memory_space<vmem>>
        %dma_start3A_93 = arith.constant 0 : i32
        %dma_start3A_94 = tpu.memref_slice %arg6[%run_scoped3A_87, %dma_start3A_93] : memref<8x128xi32, #tpu.memory_space<vmem>> -> memref<1x128xi32, #tpu.memory_space<vmem>>
        %dma_start3A_95 = tpu.memref_squeeze %dma_start3A_94 : memref<1x128xi32, #tpu.memory_space<vmem>> -> memref<128xi32, #tpu.memory_space<vmem>>
        %dma_start3A_96 = arith.constant 0 : i32
        %dma_start3A_97 = tpu.memref_slice %arg7[%dma_start3A_96] : memref<102400xf32, #tpu.memory_space<vmem_shared>> -> memref<102400xf32, #tpu.memory_space<vmem_shared>>
        tpu.enqueue_indirect_dma source(%dma_start3A_92 : memref<128xf32, #tpu.memory_space<vmem>>) target(%dma_start3A_97 : memref<102400xf32, #tpu.memory_space<vmem_shared>>) offsets(%dma_start3A_95 : memref<128xi32, #tpu.memory_space<vmem>>) semaphore(%run_scoped3A_91 : memref<!tpu.dma_semaphore, #tpu.memory_space<semaphore_mem>>) {add = true}
        %dma_wait3A = arith.constant 512 : i32
        %dma_wait3A_98 = tpu.memref_slice %arg4[%dma_wait3A] : memref<1024xf32, #tpu.memory_space<vmem>> -> memref<128xf32, #tpu.memory_space<vmem>>
        %dma_wait3A_99 = arith.constant 0 : i32
        %dma_wait3A_100 = tpu.memref_slice %arg6[%run_scoped3A_87, %dma_wait3A_99] : memref<8x128xi32, #tpu.memory_space<vmem>> -> memref<1x128xi32, #tpu.memory_space<vmem>>
        %dma_wait3A_101 = tpu.memref_squeeze %dma_wait3A_100 : memref<1x128xi32, #tpu.memory_space<vmem>> -> memref<128xi32, #tpu.memory_space<vmem>>
        %dma_wait3A_102 = arith.constant 0 : i32
        %dma_wait3A_103 = tpu.memref_slice %arg7[%dma_wait3A_102] : memref<102400xf32, #tpu.memory_space<vmem_shared>> -> memref<102400xf32, #tpu.memory_space<vmem_shared>>
        tpu.wait_indirect_dma semaphore(%run_scoped3A_91 : memref<!tpu.dma_semaphore, #tpu.memory_space<semaphore_mem>>) src(%dma_wait3A_98 : memref<128xf32, #tpu.memory_space<vmem>>) dst(%dma_wait3A_103 : memref<102400xf32, #tpu.memory_space<vmem_shared>>)
        tpu.yield
      }) : () -> ()
      %run_scoped3A_88 = arith.constant 5 : i32
      "tpu.region"() ({
        %run_scoped3A_91 = tpu.sem_alloc : memref<!tpu.dma_semaphore, #tpu.memory_space<semaphore_mem>>
        %dma_start3A = arith.constant 640 : i32
        %dma_start3A_92 = tpu.memref_slice %arg4[%dma_start3A] : memref<1024xf32, #tpu.memory_space<vmem>> -> memref<128xf32, #tpu.memory_space<vmem>>
        %dma_start3A_93 = arith.constant 0 : i32
        %dma_start3A_94 = tpu.memref_slice %arg6[%run_scoped3A_88, %dma_start3A_93] : memref<8x128xi32, #tpu.memory_space<vmem>> -> memref<1x128xi32, #tpu.memory_space<vmem>>
        %dma_start3A_95 = tpu.memref_squeeze %dma_start3A_94 : memref<1x128xi32, #tpu.memory_space<vmem>> -> memref<128xi32, #tpu.memory_space<vmem>>
        %dma_start3A_96 = arith.constant 0 : i32
        %dma_start3A_97 = tpu.memref_slice %arg7[%dma_start3A_96] : memref<102400xf32, #tpu.memory_space<vmem_shared>> -> memref<102400xf32, #tpu.memory_space<vmem_shared>>
        tpu.enqueue_indirect_dma source(%dma_start3A_92 : memref<128xf32, #tpu.memory_space<vmem>>) target(%dma_start3A_97 : memref<102400xf32, #tpu.memory_space<vmem_shared>>) offsets(%dma_start3A_95 : memref<128xi32, #tpu.memory_space<vmem>>) semaphore(%run_scoped3A_91 : memref<!tpu.dma_semaphore, #tpu.memory_space<semaphore_mem>>) {add = true}
        %dma_wait3A = arith.constant 640 : i32
        %dma_wait3A_98 = tpu.memref_slice %arg4[%dma_wait3A] : memref<1024xf32, #tpu.memory_space<vmem>> -> memref<128xf32, #tpu.memory_space<vmem>>
        %dma_wait3A_99 = arith.constant 0 : i32
        %dma_wait3A_100 = tpu.memref_slice %arg6[%run_scoped3A_88, %dma_wait3A_99] : memref<8x128xi32, #tpu.memory_space<vmem>> -> memref<1x128xi32, #tpu.memory_space<vmem>>
        %dma_wait3A_101 = tpu.memref_squeeze %dma_wait3A_100 : memref<1x128xi32, #tpu.memory_space<vmem>> -> memref<128xi32, #tpu.memory_space<vmem>>
        %dma_wait3A_102 = arith.constant 0 : i32
        %dma_wait3A_103 = tpu.memref_slice %arg7[%dma_wait3A_102] : memref<102400xf32, #tpu.memory_space<vmem_shared>> -> memref<102400xf32, #tpu.memory_space<vmem_shared>>
        tpu.wait_indirect_dma semaphore(%run_scoped3A_91 : memref<!tpu.dma_semaphore, #tpu.memory_space<semaphore_mem>>) src(%dma_wait3A_98 : memref<128xf32, #tpu.memory_space<vmem>>) dst(%dma_wait3A_103 : memref<102400xf32, #tpu.memory_space<vmem_shared>>)
        tpu.yield
      }) : () -> ()
      %run_scoped3A_89 = arith.constant 6 : i32
      "tpu.region"() ({
        %run_scoped3A_91 = tpu.sem_alloc : memref<!tpu.dma_semaphore, #tpu.memory_space<semaphore_mem>>
        %dma_start3A = arith.constant 768 : i32
        %dma_start3A_92 = tpu.memref_slice %arg4[%dma_start3A] : memref<1024xf32, #tpu.memory_space<vmem>> -> memref<128xf32, #tpu.memory_space<vmem>>
        %dma_start3A_93 = arith.constant 0 : i32
        %dma_start3A_94 = tpu.memref_slice %arg6[%run_scoped3A_89, %dma_start3A_93] : memref<8x128xi32, #tpu.memory_space<vmem>> -> memref<1x128xi32, #tpu.memory_space<vmem>>
        %dma_start3A_95 = tpu.memref_squeeze %dma_start3A_94 : memref<1x128xi32, #tpu.memory_space<vmem>> -> memref<128xi32, #tpu.memory_space<vmem>>
        %dma_start3A_96 = arith.constant 0 : i32
        %dma_start3A_97 = tpu.memref_slice %arg7[%dma_start3A_96] : memref<102400xf32, #tpu.memory_space<vmem_shared>> -> memref<102400xf32, #tpu.memory_space<vmem_shared>>
        tpu.enqueue_indirect_dma source(%dma_start3A_92 : memref<128xf32, #tpu.memory_space<vmem>>) target(%dma_start3A_97 : memref<102400xf32, #tpu.memory_space<vmem_shared>>) offsets(%dma_start3A_95 : memref<128xi32, #tpu.memory_space<vmem>>) semaphore(%run_scoped3A_91 : memref<!tpu.dma_semaphore, #tpu.memory_space<semaphore_mem>>) {add = true}
        %dma_wait3A = arith.constant 768 : i32
        %dma_wait3A_98 = tpu.memref_slice %arg4[%dma_wait3A] : memref<1024xf32, #tpu.memory_space<vmem>> -> memref<128xf32, #tpu.memory_space<vmem>>
        %dma_wait3A_99 = arith.constant 0 : i32
        %dma_wait3A_100 = tpu.memref_slice %arg6[%run_scoped3A_89, %dma_wait3A_99] : memref<8x128xi32, #tpu.memory_space<vmem>> -> memref<1x128xi32, #tpu.memory_space<vmem>>
        %dma_wait3A_101 = tpu.memref_squeeze %dma_wait3A_100 : memref<1x128xi32, #tpu.memory_space<vmem>> -> memref<128xi32, #tpu.memory_space<vmem>>
        %dma_wait3A_102 = arith.constant 0 : i32
        %dma_wait3A_103 = tpu.memref_slice %arg7[%dma_wait3A_102] : memref<102400xf32, #tpu.memory_space<vmem_shared>> -> memref<102400xf32, #tpu.memory_space<vmem_shared>>
        tpu.wait_indirect_dma semaphore(%run_scoped3A_91 : memref<!tpu.dma_semaphore, #tpu.memory_space<semaphore_mem>>) src(%dma_wait3A_98 : memref<128xf32, #tpu.memory_space<vmem>>) dst(%dma_wait3A_103 : memref<102400xf32, #tpu.memory_space<vmem_shared>>)
        tpu.yield
      }) : () -> ()
      %run_scoped3A_90 = arith.constant 7 : i32
      "tpu.region"() ({
        %run_scoped3A_91 = tpu.sem_alloc : memref<!tpu.dma_semaphore, #tpu.memory_space<semaphore_mem>>
        %dma_start3A = arith.constant 896 : i32
        %dma_start3A_92 = tpu.memref_slice %arg4[%dma_start3A] : memref<1024xf32, #tpu.memory_space<vmem>> -> memref<128xf32, #tpu.memory_space<vmem>>
        %dma_start3A_93 = arith.constant 0 : i32
        %dma_start3A_94 = tpu.memref_slice %arg6[%run_scoped3A_90, %dma_start3A_93] : memref<8x128xi32, #tpu.memory_space<vmem>> -> memref<1x128xi32, #tpu.memory_space<vmem>>
        %dma_start3A_95 = tpu.memref_squeeze %dma_start3A_94 : memref<1x128xi32, #tpu.memory_space<vmem>> -> memref<128xi32, #tpu.memory_space<vmem>>
        %dma_start3A_96 = arith.constant 0 : i32
        %dma_start3A_97 = tpu.memref_slice %arg7[%dma_start3A_96] : memref<102400xf32, #tpu.memory_space<vmem_shared>> -> memref<102400xf32, #tpu.memory_space<vmem_shared>>
        tpu.enqueue_indirect_dma source(%dma_start3A_92 : memref<128xf32, #tpu.memory_space<vmem>>) target(%dma_start3A_97 : memref<102400xf32, #tpu.memory_space<vmem_shared>>) offsets(%dma_start3A_95 : memref<128xi32, #tpu.memory_space<vmem>>) semaphore(%run_scoped3A_91 : memref<!tpu.dma_semaphore, #tpu.memory_space<semaphore_mem>>) {add = true}
        %dma_wait3A = arith.constant 896 : i32
        %dma_wait3A_98 = tpu.memref_slice %arg4[%dma_wait3A] : memref<1024xf32, #tpu.memory_space<vmem>> -> memref<128xf32, #tpu.memory_space<vmem>>
        %dma_wait3A_99 = arith.constant 0 : i32
        %dma_wait3A_100 = tpu.memref_slice %arg6[%run_scoped3A_90, %dma_wait3A_99] : memref<8x128xi32, #tpu.memory_space<vmem>> -> memref<1x128xi32, #tpu.memory_space<vmem>>
        %dma_wait3A_101 = tpu.memref_squeeze %dma_wait3A_100 : memref<1x128xi32, #tpu.memory_space<vmem>> -> memref<128xi32, #tpu.memory_space<vmem>>
        %dma_wait3A_102 = arith.constant 0 : i32
        %dma_wait3A_103 = tpu.memref_slice %arg7[%dma_wait3A_102] : memref<102400xf32, #tpu.memory_space<vmem_shared>> -> memref<102400xf32, #tpu.memory_space<vmem_shared>>
        tpu.wait_indirect_dma semaphore(%run_scoped3A_91 : memref<!tpu.dma_semaphore, #tpu.memory_space<semaphore_mem>>) src(%dma_wait3A_98 : memref<128xf32, #tpu.memory_space<vmem>>) dst(%dma_wait3A_103 : memref<102400xf32, #tpu.memory_space<vmem_shared>>)
        tpu.yield
      }) : () -> ()
    }
    %scan3A_24 = arith.constant 98 : i32
    %barrier3A_25 = arith.constant 0 : index
    tpu.barrier barrier_id(%barrier3A_25)
    %add3A_26 = arith.constant 0 : i32
    %add3A_27 = arith.addi %mul3A_0, %add3A_26 : i32
    %mul3A_28 = arith.constant 102400 : i32
    %mul3A_29 = arith.muli %arg0, %mul3A_28 : i32
    %add3A_30 = arith.addi %mul3A_29, %mul3A_0 : i32
    %add3A_31 = arith.constant 0 : i32
    %add3A_32 = arith.addi %add3A_30, %add3A_31 : i32
    "tpu.region"() ({
      %run_scoped3A = tpu.sem_alloc : memref<!tpu.dma_semaphore, #tpu.memory_space<semaphore_mem>>
      %dma_start3A = tpu.memref_slice %arg3[%add3A_32] : memref<204800xf32, #tpu.memory_space<hbm>> -> memref<1024xf32, #tpu.memory_space<hbm>>
      %dma_start3A_75 = tpu.memref_slice %arg7[%add3A_27] : memref<102400xf32, #tpu.memory_space<vmem_shared>> -> memref<1024xf32, #tpu.memory_space<vmem_shared>>
      tpu.enqueue_dma source(%dma_start3A_75 : memref<1024xf32, #tpu.memory_space<vmem_shared>>) target(%dma_start3A : memref<1024xf32, #tpu.memory_space<hbm>>) target_semaphore(%run_scoped3A : memref<!tpu.dma_semaphore, #tpu.memory_space<semaphore_mem>>)
      %dma_wait3A = tpu.memref_slice %arg3[%add3A_32] : memref<204800xf32, #tpu.memory_space<hbm>> -> memref<1024xf32, #tpu.memory_space<hbm>>
      %dma_wait3A_76 = tpu.memref_slice %arg7[%add3A_27] : memref<102400xf32, #tpu.memory_space<vmem_shared>> -> memref<1024xf32, #tpu.memory_space<vmem_shared>>
      tpu.wait_dma2 semaphore(%run_scoped3A : memref<!tpu.dma_semaphore, #tpu.memory_space<semaphore_mem>>) src(%dma_wait3A_76 : memref<1024xf32, #tpu.memory_space<vmem_shared>>) dst(%dma_wait3A : memref<1024xf32, #tpu.memory_space<hbm>>)
      tpu.yield
    }) : () -> ()
    %add3A_33 = arith.constant 1024 : i32
    %add3A_34 = arith.addi %mul3A_0, %add3A_33 : i32
    %mul3A_35 = arith.constant 102400 : i32
    %mul3A_36 = arith.muli %arg0, %mul3A_35 : i32
    %add3A_37 = arith.addi %mul3A_36, %mul3A_0 : i32
    %add3A_38 = arith.constant 1024 : i32
    %add3A_39 = arith.addi %add3A_37, %add3A_38 : i32
    "tpu.region"() ({
      %run_scoped3A = tpu.sem_alloc : memref<!tpu.dma_semaphore, #tpu.memory_space<semaphore_mem>>
      %dma_start3A = tpu.memref_slice %arg3[%add3A_39] : memref<204800xf32, #tpu.memory_space<hbm>> -> memref<1024xf32, #tpu.memory_space<hbm>>
      %dma_start3A_75 = tpu.memref_slice %arg7[%add3A_34] : memref<102400xf32, #tpu.memory_space<vmem_shared>> -> memref<1024xf32, #tpu.memory_space<vmem_shared>>
      tpu.enqueue_dma source(%dma_start3A_75 : memref<1024xf32, #tpu.memory_space<vmem_shared>>) target(%dma_start3A : memref<1024xf32, #tpu.memory_space<hbm>>) target_semaphore(%run_scoped3A : memref<!tpu.dma_semaphore, #tpu.memory_space<semaphore_mem>>)
      %dma_wait3A = tpu.memref_slice %arg3[%add3A_39] : memref<204800xf32, #tpu.memory_space<hbm>> -> memref<1024xf32, #tpu.memory_space<hbm>>
      %dma_wait3A_76 = tpu.memref_slice %arg7[%add3A_34] : memref<102400xf32, #tpu.memory_space<vmem_shared>> -> memref<1024xf32, #tpu.memory_space<vmem_shared>>
      tpu.wait_dma2 semaphore(%run_scoped3A : memref<!tpu.dma_semaphore, #tpu.memory_space<semaphore_mem>>) src(%dma_wait3A_76 : memref<1024xf32, #tpu.memory_space<vmem_shared>>) dst(%dma_wait3A : memref<1024xf32, #tpu.memory_space<hbm>>)
      tpu.yield
    }) : () -> ()
    %add3A_40 = arith.constant 2048 : i32
    %add3A_41 = arith.addi %mul3A_0, %add3A_40 : i32
    %mul3A_42 = arith.constant 102400 : i32
    %mul3A_43 = arith.muli %arg0, %mul3A_42 : i32
    %add3A_44 = arith.addi %mul3A_43, %mul3A_0 : i32
    %add3A_45 = arith.constant 2048 : i32
    %add3A_46 = arith.addi %add3A_44, %add3A_45 : i32
    "tpu.region"() ({
      %run_scoped3A = tpu.sem_alloc : memref<!tpu.dma_semaphore, #tpu.memory_space<semaphore_mem>>
      %dma_start3A = tpu.memref_slice %arg3[%add3A_46] : memref<204800xf32, #tpu.memory_space<hbm>> -> memref<1024xf32, #tpu.memory_space<hbm>>
      %dma_start3A_75 = tpu.memref_slice %arg7[%add3A_41] : memref<102400xf32, #tpu.memory_space<vmem_shared>> -> memref<1024xf32, #tpu.memory_space<vmem_shared>>
      tpu.enqueue_dma source(%dma_start3A_75 : memref<1024xf32, #tpu.memory_space<vmem_shared>>) target(%dma_start3A : memref<1024xf32, #tpu.memory_space<hbm>>) target_semaphore(%run_scoped3A : memref<!tpu.dma_semaphore, #tpu.memory_space<semaphore_mem>>)
      %dma_wait3A = tpu.memref_slice %arg3[%add3A_46] : memref<204800xf32, #tpu.memory_space<hbm>> -> memref<1024xf32, #tpu.memory_space<hbm>>
      %dma_wait3A_76 = tpu.memref_slice %arg7[%add3A_41] : memref<102400xf32, #tpu.memory_space<vmem_shared>> -> memref<1024xf32, #tpu.memory_space<vmem_shared>>
      tpu.wait_dma2 semaphore(%run_scoped3A : memref<!tpu.dma_semaphore, #tpu.memory_space<semaphore_mem>>) src(%dma_wait3A_76 : memref<1024xf32, #tpu.memory_space<vmem_shared>>) dst(%dma_wait3A : memref<1024xf32, #tpu.memory_space<hbm>>)
      tpu.yield
    }) : () -> ()
    %add3A_47 = arith.constant 3072 : i32
    %add3A_48 = arith.addi %mul3A_0, %add3A_47 : i32
    %mul3A_49 = arith.constant 102400 : i32
    %mul3A_50 = arith.muli %arg0, %mul3A_49 : i32
    %add3A_51 = arith.addi %mul3A_50, %mul3A_0 : i32
    %add3A_52 = arith.constant 3072 : i32
    %add3A_53 = arith.addi %add3A_51, %add3A_52 : i32
    "tpu.region"() ({
      %run_scoped3A = tpu.sem_alloc : memref<!tpu.dma_semaphore, #tpu.memory_space<semaphore_mem>>
      %dma_start3A = tpu.memref_slice %arg3[%add3A_53] : memref<204800xf32, #tpu.memory_space<hbm>> -> memref<1024xf32, #tpu.memory_space<hbm>>
      %dma_start3A_75 = tpu.memref_slice %arg7[%add3A_48] : memref<102400xf32, #tpu.memory_space<vmem_shared>> -> memref<1024xf32, #tpu.memory_space<vmem_shared>>
      tpu.enqueue_dma source(%dma_start3A_75 : memref<1024xf32, #tpu.memory_space<vmem_shared>>) target(%dma_start3A : memref<1024xf32, #tpu.memory_space<hbm>>) target_semaphore(%run_scoped3A : memref<!tpu.dma_semaphore, #tpu.memory_space<semaphore_mem>>)
      %dma_wait3A = tpu.memref_slice %arg3[%add3A_53] : memref<204800xf32, #tpu.memory_space<hbm>> -> memref<1024xf32, #tpu.memory_space<hbm>>
      %dma_wait3A_76 = tpu.memref_slice %arg7[%add3A_48] : memref<102400xf32, #tpu.memory_space<vmem_shared>> -> memref<1024xf32, #tpu.memory_space<vmem_shared>>
      tpu.wait_dma2 semaphore(%run_scoped3A : memref<!tpu.dma_semaphore, #tpu.memory_space<semaphore_mem>>) src(%dma_wait3A_76 : memref<1024xf32, #tpu.memory_space<vmem_shared>>) dst(%dma_wait3A : memref<1024xf32, #tpu.memory_space<hbm>>)
      tpu.yield
    }) : () -> ()
    %add3A_54 = arith.constant 4096 : i32
    %add3A_55 = arith.addi %mul3A_0, %add3A_54 : i32
    %mul3A_56 = arith.constant 102400 : i32
    %mul3A_57 = arith.muli %arg0, %mul3A_56 : i32
    %add3A_58 = arith.addi %mul3A_57, %mul3A_0 : i32
    %add3A_59 = arith.constant 4096 : i32
    %add3A_60 = arith.addi %add3A_58, %add3A_59 : i32
    "tpu.region"() ({
      %run_scoped3A = tpu.sem_alloc : memref<!tpu.dma_semaphore, #tpu.memory_space<semaphore_mem>>
      %dma_start3A = tpu.memref_slice %arg3[%add3A_60] : memref<204800xf32, #tpu.memory_space<hbm>> -> memref<1024xf32, #tpu.memory_space<hbm>>
      %dma_start3A_75 = tpu.memref_slice %arg7[%add3A_55] : memref<102400xf32, #tpu.memory_space<vmem_shared>> -> memref<1024xf32, #tpu.memory_space<vmem_shared>>
      tpu.enqueue_dma source(%dma_start3A_75 : memref<1024xf32, #tpu.memory_space<vmem_shared>>) target(%dma_start3A : memref<1024xf32, #tpu.memory_space<hbm>>) target_semaphore(%run_scoped3A : memref<!tpu.dma_semaphore, #tpu.memory_space<semaphore_mem>>)
      %dma_wait3A = tpu.memref_slice %arg3[%add3A_60] : memref<204800xf32, #tpu.memory_space<hbm>> -> memref<1024xf32, #tpu.memory_space<hbm>>
      %dma_wait3A_76 = tpu.memref_slice %arg7[%add3A_55] : memref<102400xf32, #tpu.memory_space<vmem_shared>> -> memref<1024xf32, #tpu.memory_space<vmem_shared>>
      tpu.wait_dma2 semaphore(%run_scoped3A : memref<!tpu.dma_semaphore, #tpu.memory_space<semaphore_mem>>) src(%dma_wait3A_76 : memref<1024xf32, #tpu.memory_space<vmem_shared>>) dst(%dma_wait3A : memref<1024xf32, #tpu.memory_space<hbm>>)
      tpu.yield
    }) : () -> ()
    %add3A_61 = arith.constant 5120 : i32
    %add3A_62 = arith.addi %mul3A_0, %add3A_61 : i32
    %mul3A_63 = arith.constant 102400 : i32
    %mul3A_64 = arith.muli %arg0, %mul3A_63 : i32
    %add3A_65 = arith.addi %mul3A_64, %mul3A_0 : i32
    %add3A_66 = arith.constant 5120 : i32
    %add3A_67 = arith.addi %add3A_65, %add3A_66 : i32
    "tpu.region"() ({
      %run_scoped3A = tpu.sem_alloc : memref<!tpu.dma_semaphore, #tpu.memory_space<semaphore_mem>>
      %dma_start3A = tpu.memref_slice %arg3[%add3A_67] : memref<204800xf32, #tpu.memory_space<hbm>> -> memref<1024xf32, #tpu.memory_space<hbm>>
      %dma_start3A_75 = tpu.memref_slice %arg7[%add3A_62] : memref<102400xf32, #tpu.memory_space<vmem_shared>> -> memref<1024xf32, #tpu.memory_space<vmem_shared>>
      tpu.enqueue_dma source(%dma_start3A_75 : memref<1024xf32, #tpu.memory_space<vmem_shared>>) target(%dma_start3A : memref<1024xf32, #tpu.memory_space<hbm>>) target_semaphore(%run_scoped3A : memref<!tpu.dma_semaphore, #tpu.memory_space<semaphore_mem>>)
      %dma_wait3A = tpu.memref_slice %arg3[%add3A_67] : memref<204800xf32, #tpu.memory_space<hbm>> -> memref<1024xf32, #tpu.memory_space<hbm>>
      %dma_wait3A_76 = tpu.memref_slice %arg7[%add3A_62] : memref<102400xf32, #tpu.memory_space<vmem_shared>> -> memref<1024xf32, #tpu.memory_space<vmem_shared>>
      tpu.wait_dma2 semaphore(%run_scoped3A : memref<!tpu.dma_semaphore, #tpu.memory_space<semaphore_mem>>) src(%dma_wait3A_76 : memref<1024xf32, #tpu.memory_space<vmem_shared>>) dst(%dma_wait3A : memref<1024xf32, #tpu.memory_space<hbm>>)
      tpu.yield
    }) : () -> ()
    %add3A_68 = arith.constant 6144 : i32
    %add3A_69 = arith.addi %mul3A_0, %add3A_68 : i32
    %mul3A_70 = arith.constant 102400 : i32
    %mul3A_71 = arith.muli %arg0, %mul3A_70 : i32
    %add3A_72 = arith.addi %mul3A_71, %mul3A_0 : i32
    %add3A_73 = arith.constant 6144 : i32
    %add3A_74 = arith.addi %add3A_72, %add3A_73 : i32
    "tpu.region"() ({
      %run_scoped3A = tpu.sem_alloc : memref<!tpu.dma_semaphore, #tpu.memory_space<semaphore_mem>>
      %dma_start3A = tpu.memref_slice %arg3[%add3A_74] : memref<204800xf32, #tpu.memory_space<hbm>> -> memref<256xf32, #tpu.memory_space<hbm>>
      %dma_start3A_75 = tpu.memref_slice %arg7[%add3A_69] : memref<102400xf32, #tpu.memory_space<vmem_shared>> -> memref<256xf32, #tpu.memory_space<vmem_shared>>
      tpu.enqueue_dma source(%dma_start3A_75 : memref<256xf32, #tpu.memory_space<vmem_shared>>) target(%dma_start3A : memref<256xf32, #tpu.memory_space<hbm>>) target_semaphore(%run_scoped3A : memref<!tpu.dma_semaphore, #tpu.memory_space<semaphore_mem>>)
      %dma_wait3A = tpu.memref_slice %arg3[%add3A_74] : memref<204800xf32, #tpu.memory_space<hbm>> -> memref<256xf32, #tpu.memory_space<hbm>>
      %dma_wait3A_76 = tpu.memref_slice %arg7[%add3A_69] : memref<102400xf32, #tpu.memory_space<vmem_shared>> -> memref<256xf32, #tpu.memory_space<vmem_shared>>
      tpu.wait_dma2 semaphore(%run_scoped3A : memref<!tpu.dma_semaphore, #tpu.memory_space<semaphore_mem>>) src(%dma_wait3A_76 : memref<256xf32, #tpu.memory_space<vmem_shared>>) dst(%dma_wait3A : memref<256xf32, #tpu.memory_space<hbm>>)
      tpu.yield
    }) : () -> ()
    return
  }
}

#map = affine_map<(d0, d1) -> (0, 0)>
#map1 = affine_map<(d0, d1) -> (0)>
module attributes {stable_mosaic.version = 14 : i64} {
  func.func @_spmm_body(%arg0: i32, %arg1: i32, %arg2: memref<200000x16xf32, #tpu.memory_space<hbm>>, %arg3: memref<3211264xi32, #tpu.memory_space<hbm>>, %arg4: memref<25088x128xi32, #tpu.memory_space<hbm>>, %arg5: memref<204800x16xf32, #tpu.memory_space<hbm>>, %arg6: memref<1024xi32, #tpu.memory_space<vmem>>, %arg7: memref<8x128xi32, #tpu.memory_space<vmem>>, %arg8: memref<1024x16xf32, #tpu.memory_space<vmem>>, %arg9: memref<102400x16xf32, #tpu.memory_space<vmem_shared>>, %arg10: memref<!tpu.dma_semaphore, #tpu.memory_space<semaphore_mem>>) attributes {dimension_semantics = [#tpu.dimension_semantics<core_parallel>, #tpu.dimension_semantics<subcore_parallel>], iteration_bounds = array<i64: 2, 16>, scalar_prefetch = 0 : i64, scratch_operands = 5 : i64, tpu.core_type = #tpu.core_type<sc_vector_subcore>, window_params = [{transform_indices = #map}, {transform_indices = #map1}, {transform_indices = #map}, {transform_indices = #map}]} {
    %mul3A = arith.constant 6400 : i32
    %mul3A_0 = arith.muli %arg1, %mul3A : i32
    %mul3A_1 = arith.constant 1 : i32
    %mul3A_2 = arith.muli %arg0, %mul3A_1 : i32
    %add3A = arith.constant 0 : i32
    %add3A_3 = arith.addi %mul3A_2, %add3A : i32
    %scan3A = arith.constant 0 : i32
    %scan3A_4 = arith.constant 0 : i32
    %scan3A_5 = arith.constant 1024 : i32
    %scan3A_6 = arith.addi %scan3A_4, %scan3A_5 : i32
    %scan3A_7 = arith.constant 1 : i32
    scf.for %scan3A_61 = %scan3A_4 to %scan3A_6 step %scan3A_7  : i32 {
      %broadcast_in_dim3A = arith.constant 0.000000e+00 : f32
      %broadcast_in_dim3A_62 = vector.broadcast %broadcast_in_dim3A : f32 to vector<16xf32>
      %swap3A = arith.index_cast %scan3A_61 : i32 to index
      %swap3A_63 = arith.constant 0 : index
      %swap3A_64 = tpu.vector_load %arg8[%swap3A, %swap3A_63] {strides = array<i32>} : memref<1024x16xf32, #tpu.memory_space<vmem>>, vector<1x16xf32>,
      %swap3A_65 = vector.shape_cast %swap3A_64 : vector<1x16xf32> to vector<16xf32>
      %swap3A_66 = vector.shape_cast %broadcast_in_dim3A_62 : vector<16xf32> to vector<1x16xf32>
      tpu.vector_store %arg8[%swap3A, %swap3A_63], %swap3A_66 {strides = array<i32>} : memref<1024x16xf32, #tpu.memory_space<vmem>>, vector<1x16xf32>,
    }
    %scan3A_8 = arith.constant 1024 : i32
    %add3A_9 = arith.constant 0 : i32
    %add3A_10 = arith.addi %mul3A_0, %add3A_9 : i32
    "tpu.region"() ({
      %run_scoped3A = tpu.sem_alloc : memref<!tpu.dma_semaphore, #tpu.memory_space<semaphore_mem>>
      %dma_start3A = arith.constant 0 : i32
      %dma_start3A_61 = arith.constant 0 : i32
      %dma_start3A_62 = tpu.memref_slice %arg8[%dma_start3A, %dma_start3A_61] : memref<1024x16xf32, #tpu.memory_space<vmem>> -> memref<1024x16xf32, #tpu.memory_space<vmem>>
      %dma_start3A_63 = arith.constant 0 : i32
      %dma_start3A_64 = tpu.memref_slice %arg9[%add3A_10, %dma_start3A_63] : memref<102400x16xf32, #tpu.memory_space<vmem_shared>> -> memref<1024x16xf32, #tpu.memory_space<vmem_shared>>
      %dma_start3A_65 = arith.constant 0 : i32
      %dma_start3A_66 = tpu.memref_slice %arg9[%add3A_10, %dma_start3A_65] : memref<102400x16xf32, #tpu.memory_space<vmem_shared>> -> memref<1024x16xf32, #tpu.memory_space<vmem_shared>>
      %dma_start3A_67 = arith.constant 0 : i32
      %dma_start3A_68 = arith.constant 0 : i32
      %dma_start3A_69 = tpu.memref_slice %arg8[%dma_start3A_67, %dma_start3A_68] : memref<1024x16xf32, #tpu.memory_space<vmem>> -> memref<1024x16xf32, #tpu.memory_space<vmem>>
      tpu.enqueue_dma source(%dma_start3A_69 : memref<1024x16xf32, #tpu.memory_space<vmem>>) target(%dma_start3A_66 : memref<1024x16xf32, #tpu.memory_space<vmem_shared>>) target_semaphore(%run_scoped3A : memref<!tpu.dma_semaphore, #tpu.memory_space<semaphore_mem>>)
      %dma_wait3A = arith.constant 0 : i32
      %dma_wait3A_70 = arith.constant 0 : i32
      %dma_wait3A_71 = tpu.memref_slice %arg8[%dma_wait3A, %dma_wait3A_70] : memref<1024x16xf32, #tpu.memory_space<vmem>> -> memref<1024x16xf32, #tpu.memory_space<vmem>>
      %dma_wait3A_72 = arith.constant 0 : i32
      %dma_wait3A_73 = tpu.memref_slice %arg9[%add3A_10, %dma_wait3A_72] : memref<102400x16xf32, #tpu.memory_space<vmem_shared>> -> memref<1024x16xf32, #tpu.memory_space<vmem_shared>>
      %dma_wait3A_74 = arith.constant 0 : i32
      %dma_wait3A_75 = tpu.memref_slice %arg9[%add3A_10, %dma_wait3A_74] : memref<102400x16xf32, #tpu.memory_space<vmem_shared>> -> memref<1024x16xf32, #tpu.memory_space<vmem_shared>>
      %dma_wait3A_76 = arith.constant 0 : i32
      %dma_wait3A_77 = arith.constant 0 : i32
      %dma_wait3A_78 = tpu.memref_slice %arg8[%dma_wait3A_76, %dma_wait3A_77] : memref<1024x16xf32, #tpu.memory_space<vmem>> -> memref<1024x16xf32, #tpu.memory_space<vmem>>
      tpu.wait_dma2 semaphore(%run_scoped3A : memref<!tpu.dma_semaphore, #tpu.memory_space<semaphore_mem>>) src(%dma_wait3A_78 : memref<1024x16xf32, #tpu.memory_space<vmem>>) dst(%dma_wait3A_75 : memref<1024x16xf32, #tpu.memory_space<vmem_shared>>)
      tpu.yield
    }) : () -> ()
    %add3A_11 = arith.constant 1024 : i32
    %add3A_12 = arith.addi %mul3A_0, %add3A_11 : i32
    "tpu.region"() ({
      %run_scoped3A = tpu.sem_alloc : memref<!tpu.dma_semaphore, #tpu.memory_space<semaphore_mem>>
      %dma_start3A = arith.constant 0 : i32
      %dma_start3A_61 = arith.constant 0 : i32
      %dma_start3A_62 = tpu.memref_slice %arg8[%dma_start3A, %dma_start3A_61] : memref<1024x16xf32, #tpu.memory_space<vmem>> -> memref<1024x16xf32, #tpu.memory_space<vmem>>
      %dma_start3A_63 = arith.constant 0 : i32
      %dma_start3A_64 = tpu.memref_slice %arg9[%add3A_12, %dma_start3A_63] : memref<102400x16xf32, #tpu.memory_space<vmem_shared>> -> memref<1024x16xf32, #tpu.memory_space<vmem_shared>>
      %dma_start3A_65 = arith.constant 0 : i32
      %dma_start3A_66 = tpu.memref_slice %arg9[%add3A_12, %dma_start3A_65] : memref<102400x16xf32, #tpu.memory_space<vmem_shared>> -> memref<1024x16xf32, #tpu.memory_space<vmem_shared>>
      %dma_start3A_67 = arith.constant 0 : i32
      %dma_start3A_68 = arith.constant 0 : i32
      %dma_start3A_69 = tpu.memref_slice %arg8[%dma_start3A_67, %dma_start3A_68] : memref<1024x16xf32, #tpu.memory_space<vmem>> -> memref<1024x16xf32, #tpu.memory_space<vmem>>
      tpu.enqueue_dma source(%dma_start3A_69 : memref<1024x16xf32, #tpu.memory_space<vmem>>) target(%dma_start3A_66 : memref<1024x16xf32, #tpu.memory_space<vmem_shared>>) target_semaphore(%run_scoped3A : memref<!tpu.dma_semaphore, #tpu.memory_space<semaphore_mem>>)
      %dma_wait3A = arith.constant 0 : i32
      %dma_wait3A_70 = arith.constant 0 : i32
      %dma_wait3A_71 = tpu.memref_slice %arg8[%dma_wait3A, %dma_wait3A_70] : memref<1024x16xf32, #tpu.memory_space<vmem>> -> memref<1024x16xf32, #tpu.memory_space<vmem>>
      %dma_wait3A_72 = arith.constant 0 : i32
      %dma_wait3A_73 = tpu.memref_slice %arg9[%add3A_12, %dma_wait3A_72] : memref<102400x16xf32, #tpu.memory_space<vmem_shared>> -> memref<1024x16xf32, #tpu.memory_space<vmem_shared>>
      %dma_wait3A_74 = arith.constant 0 : i32
      %dma_wait3A_75 = tpu.memref_slice %arg9[%add3A_12, %dma_wait3A_74] : memref<102400x16xf32, #tpu.memory_space<vmem_shared>> -> memref<1024x16xf32, #tpu.memory_space<vmem_shared>>
      %dma_wait3A_76 = arith.constant 0 : i32
      %dma_wait3A_77 = arith.constant 0 : i32
      %dma_wait3A_78 = tpu.memref_slice %arg8[%dma_wait3A_76, %dma_wait3A_77] : memref<1024x16xf32, #tpu.memory_space<vmem>> -> memref<1024x16xf32, #tpu.memory_space<vmem>>
      tpu.wait_dma2 semaphore(%run_scoped3A : memref<!tpu.dma_semaphore, #tpu.memory_space<semaphore_mem>>) src(%dma_wait3A_78 : memref<1024x16xf32, #tpu.memory_space<vmem>>) dst(%dma_wait3A_75 : memref<1024x16xf32, #tpu.memory_space<vmem_shared>>)
      tpu.yield
    }) : () -> ()
    %add3A_13 = arith.constant 2048 : i32
    %add3A_14 = arith.addi %mul3A_0, %add3A_13 : i32
    "tpu.region"() ({
      %run_scoped3A = tpu.sem_alloc : memref<!tpu.dma_semaphore, #tpu.memory_space<semaphore_mem>>
      %dma_start3A = arith.constant 0 : i32
      %dma_start3A_61 = arith.constant 0 : i32
      %dma_start3A_62 = tpu.memref_slice %arg8[%dma_start3A, %dma_start3A_61] : memref<1024x16xf32, #tpu.memory_space<vmem>> -> memref<1024x16xf32, #tpu.memory_space<vmem>>
      %dma_start3A_63 = arith.constant 0 : i32
      %dma_start3A_64 = tpu.memref_slice %arg9[%add3A_14, %dma_start3A_63] : memref<102400x16xf32, #tpu.memory_space<vmem_shared>> -> memref<1024x16xf32, #tpu.memory_space<vmem_shared>>
      %dma_start3A_65 = arith.constant 0 : i32
      %dma_start3A_66 = tpu.memref_slice %arg9[%add3A_14, %dma_start3A_65] : memref<102400x16xf32, #tpu.memory_space<vmem_shared>> -> memref<1024x16xf32, #tpu.memory_space<vmem_shared>>
      %dma_start3A_67 = arith.constant 0 : i32
      %dma_start3A_68 = arith.constant 0 : i32
      %dma_start3A_69 = tpu.memref_slice %arg8[%dma_start3A_67, %dma_start3A_68] : memref<1024x16xf32, #tpu.memory_space<vmem>> -> memref<1024x16xf32, #tpu.memory_space<vmem>>
      tpu.enqueue_dma source(%dma_start3A_69 : memref<1024x16xf32, #tpu.memory_space<vmem>>) target(%dma_start3A_66 : memref<1024x16xf32, #tpu.memory_space<vmem_shared>>) target_semaphore(%run_scoped3A : memref<!tpu.dma_semaphore, #tpu.memory_space<semaphore_mem>>)
      %dma_wait3A = arith.constant 0 : i32
      %dma_wait3A_70 = arith.constant 0 : i32
      %dma_wait3A_71 = tpu.memref_slice %arg8[%dma_wait3A, %dma_wait3A_70] : memref<1024x16xf32, #tpu.memory_space<vmem>> -> memref<1024x16xf32, #tpu.memory_space<vmem>>
      %dma_wait3A_72 = arith.constant 0 : i32
      %dma_wait3A_73 = tpu.memref_slice %arg9[%add3A_14, %dma_wait3A_72] : memref<102400x16xf32, #tpu.memory_space<vmem_shared>> -> memref<1024x16xf32, #tpu.memory_space<vmem_shared>>
      %dma_wait3A_74 = arith.constant 0 : i32
      %dma_wait3A_75 = tpu.memref_slice %arg9[%add3A_14, %dma_wait3A_74] : memref<102400x16xf32, #tpu.memory_space<vmem_shared>> -> memref<1024x16xf32, #tpu.memory_space<vmem_shared>>
      %dma_wait3A_76 = arith.constant 0 : i32
      %dma_wait3A_77 = arith.constant 0 : i32
      %dma_wait3A_78 = tpu.memref_slice %arg8[%dma_wait3A_76, %dma_wait3A_77] : memref<1024x16xf32, #tpu.memory_space<vmem>> -> memref<1024x16xf32, #tpu.memory_space<vmem>>
      tpu.wait_dma2 semaphore(%run_scoped3A : memref<!tpu.dma_semaphore, #tpu.memory_space<semaphore_mem>>) src(%dma_wait3A_78 : memref<1024x16xf32, #tpu.memory_space<vmem>>) dst(%dma_wait3A_75 : memref<1024x16xf32, #tpu.memory_space<vmem_shared>>)
      tpu.yield
    }) : () -> ()
    %add3A_15 = arith.constant 3072 : i32
    %add3A_16 = arith.addi %mul3A_0, %add3A_15 : i32
    "tpu.region"() ({
      %run_scoped3A = tpu.sem_alloc : memref<!tpu.dma_semaphore, #tpu.memory_space<semaphore_mem>>
      %dma_start3A = arith.constant 0 : i32
      %dma_start3A_61 = arith.constant 0 : i32
      %dma_start3A_62 = tpu.memref_slice %arg8[%dma_start3A, %dma_start3A_61] : memref<1024x16xf32, #tpu.memory_space<vmem>> -> memref<1024x16xf32, #tpu.memory_space<vmem>>
      %dma_start3A_63 = arith.constant 0 : i32
      %dma_start3A_64 = tpu.memref_slice %arg9[%add3A_16, %dma_start3A_63] : memref<102400x16xf32, #tpu.memory_space<vmem_shared>> -> memref<1024x16xf32, #tpu.memory_space<vmem_shared>>
      %dma_start3A_65 = arith.constant 0 : i32
      %dma_start3A_66 = tpu.memref_slice %arg9[%add3A_16, %dma_start3A_65] : memref<102400x16xf32, #tpu.memory_space<vmem_shared>> -> memref<1024x16xf32, #tpu.memory_space<vmem_shared>>
      %dma_start3A_67 = arith.constant 0 : i32
      %dma_start3A_68 = arith.constant 0 : i32
      %dma_start3A_69 = tpu.memref_slice %arg8[%dma_start3A_67, %dma_start3A_68] : memref<1024x16xf32, #tpu.memory_space<vmem>> -> memref<1024x16xf32, #tpu.memory_space<vmem>>
      tpu.enqueue_dma source(%dma_start3A_69 : memref<1024x16xf32, #tpu.memory_space<vmem>>) target(%dma_start3A_66 : memref<1024x16xf32, #tpu.memory_space<vmem_shared>>) target_semaphore(%run_scoped3A : memref<!tpu.dma_semaphore, #tpu.memory_space<semaphore_mem>>)
      %dma_wait3A = arith.constant 0 : i32
      %dma_wait3A_70 = arith.constant 0 : i32
      %dma_wait3A_71 = tpu.memref_slice %arg8[%dma_wait3A, %dma_wait3A_70] : memref<1024x16xf32, #tpu.memory_space<vmem>> -> memref<1024x16xf32, #tpu.memory_space<vmem>>
      %dma_wait3A_72 = arith.constant 0 : i32
      %dma_wait3A_73 = tpu.memref_slice %arg9[%add3A_16, %dma_wait3A_72] : memref<102400x16xf32, #tpu.memory_space<vmem_shared>> -> memref<1024x16xf32, #tpu.memory_space<vmem_shared>>
      %dma_wait3A_74 = arith.constant 0 : i32
      %dma_wait3A_75 = tpu.memref_slice %arg9[%add3A_16, %dma_wait3A_74] : memref<102400x16xf32, #tpu.memory_space<vmem_shared>> -> memref<1024x16xf32, #tpu.memory_space<vmem_shared>>
      %dma_wait3A_76 = arith.constant 0 : i32
      %dma_wait3A_77 = arith.constant 0 : i32
      %dma_wait3A_78 = tpu.memref_slice %arg8[%dma_wait3A_76, %dma_wait3A_77] : memref<1024x16xf32, #tpu.memory_space<vmem>> -> memref<1024x16xf32, #tpu.memory_space<vmem>>
      tpu.wait_dma2 semaphore(%run_scoped3A : memref<!tpu.dma_semaphore, #tpu.memory_space<semaphore_mem>>) src(%dma_wait3A_78 : memref<1024x16xf32, #tpu.memory_space<vmem>>) dst(%dma_wait3A_75 : memref<1024x16xf32, #tpu.memory_space<vmem_shared>>)
      tpu.yield
    }) : () -> ()
    %add3A_17 = arith.constant 4096 : i32
    %add3A_18 = arith.addi %mul3A_0, %add3A_17 : i32
    "tpu.region"() ({
      %run_scoped3A = tpu.sem_alloc : memref<!tpu.dma_semaphore, #tpu.memory_space<semaphore_mem>>
      %dma_start3A = arith.constant 0 : i32
      %dma_start3A_61 = arith.constant 0 : i32
      %dma_start3A_62 = tpu.memref_slice %arg8[%dma_start3A, %dma_start3A_61] : memref<1024x16xf32, #tpu.memory_space<vmem>> -> memref<1024x16xf32, #tpu.memory_space<vmem>>
      %dma_start3A_63 = arith.constant 0 : i32
      %dma_start3A_64 = tpu.memref_slice %arg9[%add3A_18, %dma_start3A_63] : memref<102400x16xf32, #tpu.memory_space<vmem_shared>> -> memref<1024x16xf32, #tpu.memory_space<vmem_shared>>
      %dma_start3A_65 = arith.constant 0 : i32
      %dma_start3A_66 = tpu.memref_slice %arg9[%add3A_18, %dma_start3A_65] : memref<102400x16xf32, #tpu.memory_space<vmem_shared>> -> memref<1024x16xf32, #tpu.memory_space<vmem_shared>>
      %dma_start3A_67 = arith.constant 0 : i32
      %dma_start3A_68 = arith.constant 0 : i32
      %dma_start3A_69 = tpu.memref_slice %arg8[%dma_start3A_67, %dma_start3A_68] : memref<1024x16xf32, #tpu.memory_space<vmem>> -> memref<1024x16xf32, #tpu.memory_space<vmem>>
      tpu.enqueue_dma source(%dma_start3A_69 : memref<1024x16xf32, #tpu.memory_space<vmem>>) target(%dma_start3A_66 : memref<1024x16xf32, #tpu.memory_space<vmem_shared>>) target_semaphore(%run_scoped3A : memref<!tpu.dma_semaphore, #tpu.memory_space<semaphore_mem>>)
      %dma_wait3A = arith.constant 0 : i32
      %dma_wait3A_70 = arith.constant 0 : i32
      %dma_wait3A_71 = tpu.memref_slice %arg8[%dma_wait3A, %dma_wait3A_70] : memref<1024x16xf32, #tpu.memory_space<vmem>> -> memref<1024x16xf32, #tpu.memory_space<vmem>>
      %dma_wait3A_72 = arith.constant 0 : i32
      %dma_wait3A_73 = tpu.memref_slice %arg9[%add3A_18, %dma_wait3A_72] : memref<102400x16xf32, #tpu.memory_space<vmem_shared>> -> memref<1024x16xf32, #tpu.memory_space<vmem_shared>>
      %dma_wait3A_74 = arith.constant 0 : i32
      %dma_wait3A_75 = tpu.memref_slice %arg9[%add3A_18, %dma_wait3A_74] : memref<102400x16xf32, #tpu.memory_space<vmem_shared>> -> memref<1024x16xf32, #tpu.memory_space<vmem_shared>>
      %dma_wait3A_76 = arith.constant 0 : i32
      %dma_wait3A_77 = arith.constant 0 : i32
      %dma_wait3A_78 = tpu.memref_slice %arg8[%dma_wait3A_76, %dma_wait3A_77] : memref<1024x16xf32, #tpu.memory_space<vmem>> -> memref<1024x16xf32, #tpu.memory_space<vmem>>
      tpu.wait_dma2 semaphore(%run_scoped3A : memref<!tpu.dma_semaphore, #tpu.memory_space<semaphore_mem>>) src(%dma_wait3A_78 : memref<1024x16xf32, #tpu.memory_space<vmem>>) dst(%dma_wait3A_75 : memref<1024x16xf32, #tpu.memory_space<vmem_shared>>)
      tpu.yield
    }) : () -> ()
    %add3A_19 = arith.constant 5120 : i32
    %add3A_20 = arith.addi %mul3A_0, %add3A_19 : i32
    "tpu.region"() ({
      %run_scoped3A = tpu.sem_alloc : memref<!tpu.dma_semaphore, #tpu.memory_space<semaphore_mem>>
      %dma_start3A = arith.constant 0 : i32
      %dma_start3A_61 = arith.constant 0 : i32
      %dma_start3A_62 = tpu.memref_slice %arg8[%dma_start3A, %dma_start3A_61] : memref<1024x16xf32, #tpu.memory_space<vmem>> -> memref<1024x16xf32, #tpu.memory_space<vmem>>
      %dma_start3A_63 = arith.constant 0 : i32
      %dma_start3A_64 = tpu.memref_slice %arg9[%add3A_20, %dma_start3A_63] : memref<102400x16xf32, #tpu.memory_space<vmem_shared>> -> memref<1024x16xf32, #tpu.memory_space<vmem_shared>>
      %dma_start3A_65 = arith.constant 0 : i32
      %dma_start3A_66 = tpu.memref_slice %arg9[%add3A_20, %dma_start3A_65] : memref<102400x16xf32, #tpu.memory_space<vmem_shared>> -> memref<1024x16xf32, #tpu.memory_space<vmem_shared>>
      %dma_start3A_67 = arith.constant 0 : i32
      %dma_start3A_68 = arith.constant 0 : i32
      %dma_start3A_69 = tpu.memref_slice %arg8[%dma_start3A_67, %dma_start3A_68] : memref<1024x16xf32, #tpu.memory_space<vmem>> -> memref<1024x16xf32, #tpu.memory_space<vmem>>
      tpu.enqueue_dma source(%dma_start3A_69 : memref<1024x16xf32, #tpu.memory_space<vmem>>) target(%dma_start3A_66 : memref<1024x16xf32, #tpu.memory_space<vmem_shared>>) target_semaphore(%run_scoped3A : memref<!tpu.dma_semaphore, #tpu.memory_space<semaphore_mem>>)
      %dma_wait3A = arith.constant 0 : i32
      %dma_wait3A_70 = arith.constant 0 : i32
      %dma_wait3A_71 = tpu.memref_slice %arg8[%dma_wait3A, %dma_wait3A_70] : memref<1024x16xf32, #tpu.memory_space<vmem>> -> memref<1024x16xf32, #tpu.memory_space<vmem>>
      %dma_wait3A_72 = arith.constant 0 : i32
      %dma_wait3A_73 = tpu.memref_slice %arg9[%add3A_20, %dma_wait3A_72] : memref<102400x16xf32, #tpu.memory_space<vmem_shared>> -> memref<1024x16xf32, #tpu.memory_space<vmem_shared>>
      %dma_wait3A_74 = arith.constant 0 : i32
      %dma_wait3A_75 = tpu.memref_slice %arg9[%add3A_20, %dma_wait3A_74] : memref<102400x16xf32, #tpu.memory_space<vmem_shared>> -> memref<1024x16xf32, #tpu.memory_space<vmem_shared>>
      %dma_wait3A_76 = arith.constant 0 : i32
      %dma_wait3A_77 = arith.constant 0 : i32
      %dma_wait3A_78 = tpu.memref_slice %arg8[%dma_wait3A_76, %dma_wait3A_77] : memref<1024x16xf32, #tpu.memory_space<vmem>> -> memref<1024x16xf32, #tpu.memory_space<vmem>>
      tpu.wait_dma2 semaphore(%run_scoped3A : memref<!tpu.dma_semaphore, #tpu.memory_space<semaphore_mem>>) src(%dma_wait3A_78 : memref<1024x16xf32, #tpu.memory_space<vmem>>) dst(%dma_wait3A_75 : memref<1024x16xf32, #tpu.memory_space<vmem_shared>>)
      tpu.yield
    }) : () -> ()
    %add3A_21 = arith.constant 6144 : i32
    %add3A_22 = arith.addi %mul3A_0, %add3A_21 : i32
    "tpu.region"() ({
      %run_scoped3A = tpu.sem_alloc : memref<!tpu.dma_semaphore, #tpu.memory_space<semaphore_mem>>
      %dma_start3A = arith.constant 0 : i32
      %dma_start3A_61 = arith.constant 0 : i32
      %dma_start3A_62 = tpu.memref_slice %arg8[%dma_start3A, %dma_start3A_61] : memref<1024x16xf32, #tpu.memory_space<vmem>> -> memref<256x16xf32, #tpu.memory_space<vmem>>
      %dma_start3A_63 = arith.constant 0 : i32
      %dma_start3A_64 = tpu.memref_slice %arg9[%add3A_22, %dma_start3A_63] : memref<102400x16xf32, #tpu.memory_space<vmem_shared>> -> memref<256x16xf32, #tpu.memory_space<vmem_shared>>
      %dma_start3A_65 = arith.constant 0 : i32
      %dma_start3A_66 = tpu.memref_slice %arg9[%add3A_22, %dma_start3A_65] : memref<102400x16xf32, #tpu.memory_space<vmem_shared>> -> memref<256x16xf32, #tpu.memory_space<vmem_shared>>
      %dma_start3A_67 = arith.constant 0 : i32
      %dma_start3A_68 = arith.constant 0 : i32
      %dma_start3A_69 = tpu.memref_slice %arg8[%dma_start3A_67, %dma_start3A_68] : memref<1024x16xf32, #tpu.memory_space<vmem>> -> memref<256x16xf32, #tpu.memory_space<vmem>>
      tpu.enqueue_dma source(%dma_start3A_69 : memref<256x16xf32, #tpu.memory_space<vmem>>) target(%dma_start3A_66 : memref<256x16xf32, #tpu.memory_space<vmem_shared>>) target_semaphore(%run_scoped3A : memref<!tpu.dma_semaphore, #tpu.memory_space<semaphore_mem>>)
      %dma_wait3A = arith.constant 0 : i32
      %dma_wait3A_70 = arith.constant 0 : i32
      %dma_wait3A_71 = tpu.memref_slice %arg8[%dma_wait3A, %dma_wait3A_70] : memref<1024x16xf32, #tpu.memory_space<vmem>> -> memref<256x16xf32, #tpu.memory_space<vmem>>
      %dma_wait3A_72 = arith.constant 0 : i32
      %dma_wait3A_73 = tpu.memref_slice %arg9[%add3A_22, %dma_wait3A_72] : memref<102400x16xf32, #tpu.memory_space<vmem_shared>> -> memref<256x16xf32, #tpu.memory_space<vmem_shared>>
      %dma_wait3A_74 = arith.constant 0 : i32
      %dma_wait3A_75 = tpu.memref_slice %arg9[%add3A_22, %dma_wait3A_74] : memref<102400x16xf32, #tpu.memory_space<vmem_shared>> -> memref<256x16xf32, #tpu.memory_space<vmem_shared>>
      %dma_wait3A_76 = arith.constant 0 : i32
      %dma_wait3A_77 = arith.constant 0 : i32
      %dma_wait3A_78 = tpu.memref_slice %arg8[%dma_wait3A_76, %dma_wait3A_77] : memref<1024x16xf32, #tpu.memory_space<vmem>> -> memref<256x16xf32, #tpu.memory_space<vmem>>
      tpu.wait_dma2 semaphore(%run_scoped3A : memref<!tpu.dma_semaphore, #tpu.memory_space<semaphore_mem>>) src(%dma_wait3A_78 : memref<256x16xf32, #tpu.memory_space<vmem>>) dst(%dma_wait3A_75 : memref<256x16xf32, #tpu.memory_space<vmem_shared>>)
      tpu.yield
    }) : () -> ()
    %barrier3A = arith.constant 0 : index
    tpu.barrier barrier_id(%barrier3A)
    %scan3A_23 = arith.constant 0 : i32
    %scan3A_24 = arith.constant 0 : i32
    %scan3A_25 = arith.constant 196 : i32
    %scan3A_26 = arith.addi %scan3A_24, %scan3A_25 : i32
    %scan3A_27 = arith.constant 1 : i32
    scf.for %scan3A_61 = %scan3A_24 to %scan3A_26 step %scan3A_27  : i32 {
      %mul3A_62 = arith.constant 200704 : i32
      %mul3A_63 = arith.muli %arg1, %mul3A_62 : i32
      %mul3A_64 = arith.constant 1024 : i32
      %mul3A_65 = arith.muli %scan3A_61, %mul3A_64 : i32
      %add3A_66 = arith.addi %mul3A_63, %mul3A_65 : i32
      %mul3A_67 = arith.constant 1568 : i32
      %mul3A_68 = arith.muli %arg1, %mul3A_67 : i32
      %mul3A_69 = arith.constant 8 : i32
      %mul3A_70 = arith.muli %scan3A_61, %mul3A_69 : i32
      %add3A_71 = arith.addi %mul3A_68, %mul3A_70 : i32
      "tpu.region"() ({
        %run_scoped3A_213 = tpu.sem_alloc : memref<!tpu.dma_semaphore, #tpu.memory_space<semaphore_mem>>
        %dma_start3A_214 = tpu.memref_slice %arg3[%add3A_66] : memref<3211264xi32, #tpu.memory_space<hbm>> -> memref<1024xi32, #tpu.memory_space<hbm>>
        %dma_start3A_215 = tpu.memref_slice %arg3[%add3A_66] : memref<3211264xi32, #tpu.memory_space<hbm>> -> memref<1024xi32, #tpu.memory_space<hbm>>
        tpu.enqueue_dma source(%dma_start3A_215 : memref<1024xi32, #tpu.memory_space<hbm>>) target(%arg6 : memref<1024xi32, #tpu.memory_space<vmem>>) target_semaphore(%run_scoped3A_213 : memref<!tpu.dma_semaphore, #tpu.memory_space<semaphore_mem>>)
        %dma_wait3A_216 = tpu.memref_slice %arg3[%add3A_66] : memref<3211264xi32, #tpu.memory_space<hbm>> -> memref<1024xi32, #tpu.memory_space<hbm>>
        %dma_wait3A_217 = tpu.memref_slice %arg3[%add3A_66] : memref<3211264xi32, #tpu.memory_space<hbm>> -> memref<1024xi32, #tpu.memory_space<hbm>>
        tpu.wait_dma2 semaphore(%run_scoped3A_213 : memref<!tpu.dma_semaphore, #tpu.memory_space<semaphore_mem>>) src(%dma_wait3A_217 : memref<1024xi32, #tpu.memory_space<hbm>>) dst(%arg6 : memref<1024xi32, #tpu.memory_space<vmem>>)
        tpu.yield
      }) : () -> ()
      "tpu.region"() ({
        %run_scoped3A_213 = tpu.sem_alloc : memref<!tpu.dma_semaphore, #tpu.memory_space<semaphore_mem>>
        %dma_start3A_214 = arith.constant 0 : i32
        %dma_start3A_215 = tpu.memref_slice %arg4[%add3A_71, %dma_start3A_214] : memref<25088x128xi32, #tpu.memory_space<hbm>> -> memref<8x128xi32, #tpu.memory_space<hbm>>
        %dma_start3A_216 = arith.constant 0 : i32
        %dma_start3A_217 = tpu.memref_slice %arg4[%add3A_71, %dma_start3A_216] : memref<25088x128xi32, #tpu.memory_space<hbm>> -> memref<8x128xi32, #tpu.memory_space<hbm>>
        tpu.enqueue_dma source(%dma_start3A_217 : memref<8x128xi32, #tpu.memory_space<hbm>>) target(%arg7 : memref<8x128xi32, #tpu.memory_space<vmem>>) target_semaphore(%run_scoped3A_213 : memref<!tpu.dma_semaphore, #tpu.memory_space<semaphore_mem>>)
        %dma_wait3A_218 = arith.constant 0 : i32
        %dma_wait3A_219 = tpu.memref_slice %arg4[%add3A_71, %dma_wait3A_218] : memref<25088x128xi32, #tpu.memory_space<hbm>> -> memref<8x128xi32, #tpu.memory_space<hbm>>
        %dma_wait3A_220 = arith.constant 0 : i32
        %dma_wait3A_221 = tpu.memref_slice %arg4[%add3A_71, %dma_wait3A_220] : memref<25088x128xi32, #tpu.memory_space<hbm>> -> memref<8x128xi32, #tpu.memory_space<hbm>>
        tpu.wait_dma2 semaphore(%run_scoped3A_213 : memref<!tpu.dma_semaphore, #tpu.memory_space<semaphore_mem>>) src(%dma_wait3A_221 : memref<8x128xi32, #tpu.memory_space<hbm>>) dst(%arg7 : memref<8x128xi32, #tpu.memory_space<vmem>>)
        tpu.yield
      }) : () -> ()
      %broadcast_in_dim3A = vector.broadcast %add3A_3 : i32 to vector<16xi32>
      %broadcast_in_dim3A_72 = arith.constant 2 : i32
      %broadcast_in_dim3A_73 = vector.broadcast %broadcast_in_dim3A_72 : i32 to vector<16xi32>
      %scan3A_74 = arith.constant 0 : i32
      %scan3A_75 = arith.constant 0 : i32
      %scan3A_76 = arith.constant 64 : i32
      %scan3A_77 = arith.addi %scan3A_75, %scan3A_76 : i32
      %scan3A_78 = arith.constant 1 : i32
      scf.for %scan3A_213 = %scan3A_75 to %scan3A_77 step %scan3A_78  : i32 {
        %mul3A_214 = arith.constant 16 : i32
        %mul3A_215 = arith.muli %scan3A_213, %mul3A_214 : i32
        %get3A = arith.index_cast %mul3A_215 : i32 to index
        %get3A_216 = tpu.vector_load %arg6[%get3A] {strides = array<i32>} : memref<1024xi32, #tpu.memory_space<vmem>>, vector<16xi32>,
        %get3A_217 = vector.shape_cast %get3A_216 : vector<16xi32> to vector<16xi32>
        %mul3A_218 = arith.muli %get3A_217, %broadcast_in_dim3A_73 : vector<16xi32>
        %add3A_219 = arith.addi %mul3A_218, %broadcast_in_dim3A : vector<16xi32>
        %mul3A_220 = arith.constant 16 : i32
        %mul3A_221 = arith.muli %scan3A_213, %mul3A_220 : i32
        %swap3A = arith.index_cast %mul3A_221 : i32 to index
        %swap3A_222 = tpu.vector_load %arg6[%swap3A] {strides = array<i32>} : memref<1024xi32, #tpu.memory_space<vmem>>, vector<16xi32>,
        %swap3A_223 = vector.shape_cast %swap3A_222 : vector<16xi32> to vector<16xi32>
        %swap3A_224 = vector.shape_cast %add3A_219 : vector<16xi32> to vector<16xi32>
        tpu.vector_store %arg6[%swap3A], %swap3A_224 {strides = array<i32>} : memref<1024xi32, #tpu.memory_space<vmem>>, vector<16xi32>,
      }
      %scan3A_79 = arith.constant 64 : i32
      %dma_start3A = arith.constant 0 : i32
      %dma_start3A_80 = arith.constant 0 : i32
      %dma_start3A_81 = tpu.memref_slice %arg8[%dma_start3A, %dma_start3A_80] : memref<1024x16xf32, #tpu.memory_space<vmem>> -> memref<128x16xf32, #tpu.memory_space<vmem>>
      %dma_start3A_82 = arith.constant 0 : i32
      %dma_start3A_83 = tpu.memref_slice %arg6[%dma_start3A_82] : memref<1024xi32, #tpu.memory_space<vmem>> -> memref<128xi32, #tpu.memory_space<vmem>>
      %dma_start3A_84 = arith.constant 0 : i32
      %dma_start3A_85 = arith.constant 0 : i32
      %dma_start3A_86 = tpu.memref_slice %arg2[%dma_start3A_84, %dma_start3A_85] : memref<200000x16xf32, #tpu.memory_space<hbm>> -> memref<200000x16xf32, #tpu.memory_space<hbm>>
      tpu.enqueue_indirect_dma source(%dma_start3A_86 : memref<200000x16xf32, #tpu.memory_space<hbm>>) target(%dma_start3A_81 : memref<128x16xf32, #tpu.memory_space<vmem>>) offsets(%dma_start3A_83 : memref<128xi32, #tpu.memory_space<vmem>>) semaphore(%arg10 : memref<!tpu.dma_semaphore, #tpu.memory_space<semaphore_mem>>)
      %dma_start3A_87 = arith.constant 128 : i32
      %dma_start3A_88 = arith.constant 0 : i32
      %dma_start3A_89 = tpu.memref_slice %arg8[%dma_start3A_87, %dma_start3A_88] : memref<1024x16xf32, #tpu.memory_space<vmem>> -> memref<128x16xf32, #tpu.memory_space<vmem>>
      %dma_start3A_90 = arith.constant 128 : i32
      %dma_start3A_91 = tpu.memref_slice %arg6[%dma_start3A_90] : memref<1024xi32, #tpu.memory_space<vmem>> -> memref<128xi32, #tpu.memory_space<vmem>>
      %dma_start3A_92 = arith.constant 0 : i32
      %dma_start3A_93 = arith.constant 0 : i32
      %dma_start3A_94 = tpu.memref_slice %arg2[%dma_start3A_92, %dma_start3A_93] : memref<200000x16xf32, #tpu.memory_space<hbm>> -> memref<200000x16xf32, #tpu.memory_space<hbm>>
      tpu.enqueue_indirect_dma source(%dma_start3A_94 : memref<200000x16xf32, #tpu.memory_space<hbm>>) target(%dma_start3A_89 : memref<128x16xf32, #tpu.memory_space<vmem>>) offsets(%dma_start3A_91 : memref<128xi32, #tpu.memory_space<vmem>>) semaphore(%arg10 : memref<!tpu.dma_semaphore, #tpu.memory_space<semaphore_mem>>)
      %dma_start3A_95 = arith.constant 256 : i32
      %dma_start3A_96 = arith.constant 0 : i32
      %dma_start3A_97 = tpu.memref_slice %arg8[%dma_start3A_95, %dma_start3A_96] : memref<1024x16xf32, #tpu.memory_space<vmem>> -> memref<128x16xf32, #tpu.memory_space<vmem>>
      %dma_start3A_98 = arith.constant 256 : i32
      %dma_start3A_99 = tpu.memref_slice %arg6[%dma_start3A_98] : memref<1024xi32, #tpu.memory_space<vmem>> -> memref<128xi32, #tpu.memory_space<vmem>>
      %dma_start3A_100 = arith.constant 0 : i32
      %dma_start3A_101 = arith.constant 0 : i32
      %dma_start3A_102 = tpu.memref_slice %arg2[%dma_start3A_100, %dma_start3A_101] : memref<200000x16xf32, #tpu.memory_space<hbm>> -> memref<200000x16xf32, #tpu.memory_space<hbm>>
      tpu.enqueue_indirect_dma source(%dma_start3A_102 : memref<200000x16xf32, #tpu.memory_space<hbm>>) target(%dma_start3A_97 : memref<128x16xf32, #tpu.memory_space<vmem>>) offsets(%dma_start3A_99 : memref<128xi32, #tpu.memory_space<vmem>>) semaphore(%arg10 : memref<!tpu.dma_semaphore, #tpu.memory_space<semaphore_mem>>)
      %dma_start3A_103 = arith.constant 384 : i32
      %dma_start3A_104 = arith.constant 0 : i32
      %dma_start3A_105 = tpu.memref_slice %arg8[%dma_start3A_103, %dma_start3A_104] : memref<1024x16xf32, #tpu.memory_space<vmem>> -> memref<128x16xf32, #tpu.memory_space<vmem>>
      %dma_start3A_106 = arith.constant 384 : i32
      %dma_start3A_107 = tpu.memref_slice %arg6[%dma_start3A_106] : memref<1024xi32, #tpu.memory_space<vmem>> -> memref<128xi32, #tpu.memory_space<vmem>>
      %dma_start3A_108 = arith.constant 0 : i32
      %dma_start3A_109 = arith.constant 0 : i32
      %dma_start3A_110 = tpu.memref_slice %arg2[%dma_start3A_108, %dma_start3A_109] : memref<200000x16xf32, #tpu.memory_space<hbm>> -> memref<200000x16xf32, #tpu.memory_space<hbm>>
      tpu.enqueue_indirect_dma source(%dma_start3A_110 : memref<200000x16xf32, #tpu.memory_space<hbm>>) target(%dma_start3A_105 : memref<128x16xf32, #tpu.memory_space<vmem>>) offsets(%dma_start3A_107 : memref<128xi32, #tpu.memory_space<vmem>>) semaphore(%arg10 : memref<!tpu.dma_semaphore, #tpu.memory_space<semaphore_mem>>)
      %dma_start3A_111 = arith.constant 512 : i32
      %dma_start3A_112 = arith.constant 0 : i32
      %dma_start3A_113 = tpu.memref_slice %arg8[%dma_start3A_111, %dma_start3A_112] : memref<1024x16xf32, #tpu.memory_space<vmem>> -> memref<128x16xf32, #tpu.memory_space<vmem>>
      %dma_start3A_114 = arith.constant 512 : i32
      %dma_start3A_115 = tpu.memref_slice %arg6[%dma_start3A_114] : memref<1024xi32, #tpu.memory_space<vmem>> -> memref<128xi32, #tpu.memory_space<vmem>>
      %dma_start3A_116 = arith.constant 0 : i32
      %dma_start3A_117 = arith.constant 0 : i32
      %dma_start3A_118 = tpu.memref_slice %arg2[%dma_start3A_116, %dma_start3A_117] : memref<200000x16xf32, #tpu.memory_space<hbm>> -> memref<200000x16xf32, #tpu.memory_space<hbm>>
      tpu.enqueue_indirect_dma source(%dma_start3A_118 : memref<200000x16xf32, #tpu.memory_space<hbm>>) target(%dma_start3A_113 : memref<128x16xf32, #tpu.memory_space<vmem>>) offsets(%dma_start3A_115 : memref<128xi32, #tpu.memory_space<vmem>>) semaphore(%arg10 : memref<!tpu.dma_semaphore, #tpu.memory_space<semaphore_mem>>)
      %dma_start3A_119 = arith.constant 640 : i32
      %dma_start3A_120 = arith.constant 0 : i32
      %dma_start3A_121 = tpu.memref_slice %arg8[%dma_start3A_119, %dma_start3A_120] : memref<1024x16xf32, #tpu.memory_space<vmem>> -> memref<128x16xf32, #tpu.memory_space<vmem>>
      %dma_start3A_122 = arith.constant 640 : i32
      %dma_start3A_123 = tpu.memref_slice %arg6[%dma_start3A_122] : memref<1024xi32, #tpu.memory_space<vmem>> -> memref<128xi32, #tpu.memory_space<vmem>>
      %dma_start3A_124 = arith.constant 0 : i32
      %dma_start3A_125 = arith.constant 0 : i32
      %dma_start3A_126 = tpu.memref_slice %arg2[%dma_start3A_124, %dma_start3A_125] : memref<200000x16xf32, #tpu.memory_space<hbm>> -> memref<200000x16xf32, #tpu.memory_space<hbm>>
      tpu.enqueue_indirect_dma source(%dma_start3A_126 : memref<200000x16xf32, #tpu.memory_space<hbm>>) target(%dma_start3A_121 : memref<128x16xf32, #tpu.memory_space<vmem>>) offsets(%dma_start3A_123 : memref<128xi32, #tpu.memory_space<vmem>>) semaphore(%arg10 : memref<!tpu.dma_semaphore, #tpu.memory_space<semaphore_mem>>)
      %dma_start3A_127 = arith.constant 768 : i32
      %dma_start3A_128 = arith.constant 0 : i32
      %dma_start3A_129 = tpu.memref_slice %arg8[%dma_start3A_127, %dma_start3A_128] : memref<1024x16xf32, #tpu.memory_space<vmem>> -> memref<128x16xf32, #tpu.memory_space<vmem>>
      %dma_start3A_130 = arith.constant 768 : i32
      %dma_start3A_131 = tpu.memref_slice %arg6[%dma_start3A_130] : memref<1024xi32, #tpu.memory_space<vmem>> -> memref<128xi32, #tpu.memory_space<vmem>>
      %dma_start3A_132 = arith.constant 0 : i32
      %dma_start3A_133 = arith.constant 0 : i32
      %dma_start3A_134 = tpu.memref_slice %arg2[%dma_start3A_132, %dma_start3A_133] : memref<200000x16xf32, #tpu.memory_space<hbm>> -> memref<200000x16xf32, #tpu.memory_space<hbm>>
      tpu.enqueue_indirect_dma source(%dma_start3A_134 : memref<200000x16xf32, #tpu.memory_space<hbm>>) target(%dma_start3A_129 : memref<128x16xf32, #tpu.memory_space<vmem>>) offsets(%dma_start3A_131 : memref<128xi32, #tpu.memory_space<vmem>>) semaphore(%arg10 : memref<!tpu.dma_semaphore, #tpu.memory_space<semaphore_mem>>)
      %dma_start3A_135 = arith.constant 896 : i32
      %dma_start3A_136 = arith.constant 0 : i32
      %dma_start3A_137 = tpu.memref_slice %arg8[%dma_start3A_135, %dma_start3A_136] : memref<1024x16xf32, #tpu.memory_space<vmem>> -> memref<128x16xf32, #tpu.memory_space<vmem>>
      %dma_start3A_138 = arith.constant 896 : i32
      %dma_start3A_139 = tpu.memref_slice %arg6[%dma_start3A_138] : memref<1024xi32, #tpu.memory_space<vmem>> -> memref<128xi32, #tpu.memory_space<vmem>>
      %dma_start3A_140 = arith.constant 0 : i32
      %dma_start3A_141 = arith.constant 0 : i32
      %dma_start3A_142 = tpu.memref_slice %arg2[%dma_start3A_140, %dma_start3A_141] : memref<200000x16xf32, #tpu.memory_space<hbm>> -> memref<200000x16xf32, #tpu.memory_space<hbm>>
      tpu.enqueue_indirect_dma source(%dma_start3A_142 : memref<200000x16xf32, #tpu.memory_space<hbm>>) target(%dma_start3A_137 : memref<128x16xf32, #tpu.memory_space<vmem>>) offsets(%dma_start3A_139 : memref<128xi32, #tpu.memory_space<vmem>>) semaphore(%arg10 : memref<!tpu.dma_semaphore, #tpu.memory_space<semaphore_mem>>)
      %dma_wait3A = arith.constant 0 : i32
      %dma_wait3A_143 = arith.constant 0 : i32
      %dma_wait3A_144 = tpu.memref_slice %arg8[%dma_wait3A, %dma_wait3A_143] : memref<1024x16xf32, #tpu.memory_space<vmem>> -> memref<128x16xf32, #tpu.memory_space<vmem>>
      %dma_wait3A_145 = arith.constant 0 : i32
      %dma_wait3A_146 = tpu.memref_slice %arg6[%dma_wait3A_145] : memref<1024xi32, #tpu.memory_space<vmem>> -> memref<128xi32, #tpu.memory_space<vmem>>
      %dma_wait3A_147 = arith.constant 0 : i32
      %dma_wait3A_148 = arith.constant 0 : i32
      %dma_wait3A_149 = tpu.memref_slice %arg2[%dma_wait3A_147, %dma_wait3A_148] : memref<200000x16xf32, #tpu.memory_space<hbm>> -> memref<200000x16xf32, #tpu.memory_space<hbm>>
      tpu.wait_indirect_dma semaphore(%arg10 : memref<!tpu.dma_semaphore, #tpu.memory_space<semaphore_mem>>) src(%dma_wait3A_149 : memref<200000x16xf32, #tpu.memory_space<hbm>>) dst(%dma_wait3A_144 : memref<128x16xf32, #tpu.memory_space<vmem>>)
      %dma_wait3A_150 = arith.constant 128 : i32
      %dma_wait3A_151 = arith.constant 0 : i32
      %dma_wait3A_152 = tpu.memref_slice %arg8[%dma_wait3A_150, %dma_wait3A_151] : memref<1024x16xf32, #tpu.memory_space<vmem>> -> memref<128x16xf32, #tpu.memory_space<vmem>>
      %dma_wait3A_153 = arith.constant 128 : i32
      %dma_wait3A_154 = tpu.memref_slice %arg6[%dma_wait3A_153] : memref<1024xi32, #tpu.memory_space<vmem>> -> memref<128xi32, #tpu.memory_space<vmem>>
      %dma_wait3A_155 = arith.constant 0 : i32
      %dma_wait3A_156 = arith.constant 0 : i32
      %dma_wait3A_157 = tpu.memref_slice %arg2[%dma_wait3A_155, %dma_wait3A_156] : memref<200000x16xf32, #tpu.memory_space<hbm>> -> memref<200000x16xf32, #tpu.memory_space<hbm>>
      tpu.wait_indirect_dma semaphore(%arg10 : memref<!tpu.dma_semaphore, #tpu.memory_space<semaphore_mem>>) src(%dma_wait3A_157 : memref<200000x16xf32, #tpu.memory_space<hbm>>) dst(%dma_wait3A_152 : memref<128x16xf32, #tpu.memory_space<vmem>>)
      %dma_wait3A_158 = arith.constant 256 : i32
      %dma_wait3A_159 = arith.constant 0 : i32
      %dma_wait3A_160 = tpu.memref_slice %arg8[%dma_wait3A_158, %dma_wait3A_159] : memref<1024x16xf32, #tpu.memory_space<vmem>> -> memref<128x16xf32, #tpu.memory_space<vmem>>
      %dma_wait3A_161 = arith.constant 256 : i32
      %dma_wait3A_162 = tpu.memref_slice %arg6[%dma_wait3A_161] : memref<1024xi32, #tpu.memory_space<vmem>> -> memref<128xi32, #tpu.memory_space<vmem>>
      %dma_wait3A_163 = arith.constant 0 : i32
      %dma_wait3A_164 = arith.constant 0 : i32
      %dma_wait3A_165 = tpu.memref_slice %arg2[%dma_wait3A_163, %dma_wait3A_164] : memref<200000x16xf32, #tpu.memory_space<hbm>> -> memref<200000x16xf32, #tpu.memory_space<hbm>>
      tpu.wait_indirect_dma semaphore(%arg10 : memref<!tpu.dma_semaphore, #tpu.memory_space<semaphore_mem>>) src(%dma_wait3A_165 : memref<200000x16xf32, #tpu.memory_space<hbm>>) dst(%dma_wait3A_160 : memref<128x16xf32, #tpu.memory_space<vmem>>)
      %dma_wait3A_166 = arith.constant 384 : i32
      %dma_wait3A_167 = arith.constant 0 : i32
      %dma_wait3A_168 = tpu.memref_slice %arg8[%dma_wait3A_166, %dma_wait3A_167] : memref<1024x16xf32, #tpu.memory_space<vmem>> -> memref<128x16xf32, #tpu.memory_space<vmem>>
      %dma_wait3A_169 = arith.constant 384 : i32
      %dma_wait3A_170 = tpu.memref_slice %arg6[%dma_wait3A_169] : memref<1024xi32, #tpu.memory_space<vmem>> -> memref<128xi32, #tpu.memory_space<vmem>>
      %dma_wait3A_171 = arith.constant 0 : i32
      %dma_wait3A_172 = arith.constant 0 : i32
      %dma_wait3A_173 = tpu.memref_slice %arg2[%dma_wait3A_171, %dma_wait3A_172] : memref<200000x16xf32, #tpu.memory_space<hbm>> -> memref<200000x16xf32, #tpu.memory_space<hbm>>
      tpu.wait_indirect_dma semaphore(%arg10 : memref<!tpu.dma_semaphore, #tpu.memory_space<semaphore_mem>>) src(%dma_wait3A_173 : memref<200000x16xf32, #tpu.memory_space<hbm>>) dst(%dma_wait3A_168 : memref<128x16xf32, #tpu.memory_space<vmem>>)
      %dma_wait3A_174 = arith.constant 512 : i32
      %dma_wait3A_175 = arith.constant 0 : i32
      %dma_wait3A_176 = tpu.memref_slice %arg8[%dma_wait3A_174, %dma_wait3A_175] : memref<1024x16xf32, #tpu.memory_space<vmem>> -> memref<128x16xf32, #tpu.memory_space<vmem>>
      %dma_wait3A_177 = arith.constant 512 : i32
      %dma_wait3A_178 = tpu.memref_slice %arg6[%dma_wait3A_177] : memref<1024xi32, #tpu.memory_space<vmem>> -> memref<128xi32, #tpu.memory_space<vmem>>
      %dma_wait3A_179 = arith.constant 0 : i32
      %dma_wait3A_180 = arith.constant 0 : i32
      %dma_wait3A_181 = tpu.memref_slice %arg2[%dma_wait3A_179, %dma_wait3A_180] : memref<200000x16xf32, #tpu.memory_space<hbm>> -> memref<200000x16xf32, #tpu.memory_space<hbm>>
      tpu.wait_indirect_dma semaphore(%arg10 : memref<!tpu.dma_semaphore, #tpu.memory_space<semaphore_mem>>) src(%dma_wait3A_181 : memref<200000x16xf32, #tpu.memory_space<hbm>>) dst(%dma_wait3A_176 : memref<128x16xf32, #tpu.memory_space<vmem>>)
      %dma_wait3A_182 = arith.constant 640 : i32
      %dma_wait3A_183 = arith.constant 0 : i32
      %dma_wait3A_184 = tpu.memref_slice %arg8[%dma_wait3A_182, %dma_wait3A_183] : memref<1024x16xf32, #tpu.memory_space<vmem>> -> memref<128x16xf32, #tpu.memory_space<vmem>>
      %dma_wait3A_185 = arith.constant 640 : i32
      %dma_wait3A_186 = tpu.memref_slice %arg6[%dma_wait3A_185] : memref<1024xi32, #tpu.memory_space<vmem>> -> memref<128xi32, #tpu.memory_space<vmem>>
      %dma_wait3A_187 = arith.constant 0 : i32
      %dma_wait3A_188 = arith.constant 0 : i32
      %dma_wait3A_189 = tpu.memref_slice %arg2[%dma_wait3A_187, %dma_wait3A_188] : memref<200000x16xf32, #tpu.memory_space<hbm>> -> memref<200000x16xf32, #tpu.memory_space<hbm>>
      tpu.wait_indirect_dma semaphore(%arg10 : memref<!tpu.dma_semaphore, #tpu.memory_space<semaphore_mem>>) src(%dma_wait3A_189 : memref<200000x16xf32, #tpu.memory_space<hbm>>) dst(%dma_wait3A_184 : memref<128x16xf32, #tpu.memory_space<vmem>>)
      %dma_wait3A_190 = arith.constant 768 : i32
      %dma_wait3A_191 = arith.constant 0 : i32
      %dma_wait3A_192 = tpu.memref_slice %arg8[%dma_wait3A_190, %dma_wait3A_191] : memref<1024x16xf32, #tpu.memory_space<vmem>> -> memref<128x16xf32, #tpu.memory_space<vmem>>
      %dma_wait3A_193 = arith.constant 768 : i32
      %dma_wait3A_194 = tpu.memref_slice %arg6[%dma_wait3A_193] : memref<1024xi32, #tpu.memory_space<vmem>> -> memref<128xi32, #tpu.memory_space<vmem>>
      %dma_wait3A_195 = arith.constant 0 : i32
      %dma_wait3A_196 = arith.constant 0 : i32
      %dma_wait3A_197 = tpu.memref_slice %arg2[%dma_wait3A_195, %dma_wait3A_196] : memref<200000x16xf32, #tpu.memory_space<hbm>> -> memref<200000x16xf32, #tpu.memory_space<hbm>>
      tpu.wait_indirect_dma semaphore(%arg10 : memref<!tpu.dma_semaphore, #tpu.memory_space<semaphore_mem>>) src(%dma_wait3A_197 : memref<200000x16xf32, #tpu.memory_space<hbm>>) dst(%dma_wait3A_192 : memref<128x16xf32, #tpu.memory_space<vmem>>)
      %dma_wait3A_198 = arith.constant 896 : i32
      %dma_wait3A_199 = arith.constant 0 : i32
      %dma_wait3A_200 = tpu.memref_slice %arg8[%dma_wait3A_198, %dma_wait3A_199] : memref<1024x16xf32, #tpu.memory_space<vmem>> -> memref<128x16xf32, #tpu.memory_space<vmem>>
      %dma_wait3A_201 = arith.constant 896 : i32
      %dma_wait3A_202 = tpu.memref_slice %arg6[%dma_wait3A_201] : memref<1024xi32, #tpu.memory_space<vmem>> -> memref<128xi32, #tpu.memory_space<vmem>>
      %dma_wait3A_203 = arith.constant 0 : i32
      %dma_wait3A_204 = arith.constant 0 : i32
      %dma_wait3A_205 = tpu.memref_slice %arg2[%dma_wait3A_203, %dma_wait3A_204] : memref<200000x16xf32, #tpu.memory_space<hbm>> -> memref<200000x16xf32, #tpu.memory_space<hbm>>
      tpu.wait_indirect_dma semaphore(%arg10 : memref<!tpu.dma_semaphore, #tpu.memory_space<semaphore_mem>>) src(%dma_wait3A_205 : memref<200000x16xf32, #tpu.memory_space<hbm>>) dst(%dma_wait3A_200 : memref<128x16xf32, #tpu.memory_space<vmem>>)
      %run_scoped3A = arith.constant 0 : i32
      "tpu.region"() ({
        %run_scoped3A_213 = tpu.sem_alloc : memref<!tpu.dma_semaphore, #tpu.memory_space<semaphore_mem>>
        %dma_start3A_214 = arith.constant 0 : i32
        %dma_start3A_215 = arith.constant 0 : i32
        %dma_start3A_216 = tpu.memref_slice %arg8[%dma_start3A_214, %dma_start3A_215] : memref<1024x16xf32, #tpu.memory_space<vmem>> -> memref<128x16xf32, #tpu.memory_space<vmem>>
        %dma_start3A_217 = arith.constant 0 : i32
        %dma_start3A_218 = tpu.memref_slice %arg7[%run_scoped3A, %dma_start3A_217] : memref<8x128xi32, #tpu.memory_space<vmem>> -> memref<1x128xi32, #tpu.memory_space<vmem>>
        %dma_start3A_219 = tpu.memref_squeeze %dma_start3A_218 : memref<1x128xi32, #tpu.memory_space<vmem>> -> memref<128xi32, #tpu.memory_space<vmem>>
        %dma_start3A_220 = arith.constant 0 : i32
        %dma_start3A_221 = arith.constant 0 : i32
        %dma_start3A_222 = tpu.memref_slice %arg9[%dma_start3A_220, %dma_start3A_221] : memref<102400x16xf32, #tpu.memory_space<vmem_shared>> -> memref<102400x16xf32, #tpu.memory_space<vmem_shared>>
        tpu.enqueue_indirect_dma source(%dma_start3A_216 : memref<128x16xf32, #tpu.memory_space<vmem>>) target(%dma_start3A_222 : memref<102400x16xf32, #tpu.memory_space<vmem_shared>>) offsets(%dma_start3A_219 : memref<128xi32, #tpu.memory_space<vmem>>) semaphore(%run_scoped3A_213 : memref<!tpu.dma_semaphore, #tpu.memory_space<semaphore_mem>>) {add = true}
        %dma_wait3A_223 = arith.constant 0 : i32
        %dma_wait3A_224 = arith.constant 0 : i32
        %dma_wait3A_225 = tpu.memref_slice %arg8[%dma_wait3A_223, %dma_wait3A_224] : memref<1024x16xf32, #tpu.memory_space<vmem>> -> memref<128x16xf32, #tpu.memory_space<vmem>>
        %dma_wait3A_226 = arith.constant 0 : i32
        %dma_wait3A_227 = tpu.memref_slice %arg7[%run_scoped3A, %dma_wait3A_226] : memref<8x128xi32, #tpu.memory_space<vmem>> -> memref<1x128xi32, #tpu.memory_space<vmem>>
        %dma_wait3A_228 = tpu.memref_squeeze %dma_wait3A_227 : memref<1x128xi32, #tpu.memory_space<vmem>> -> memref<128xi32, #tpu.memory_space<vmem>>
        %dma_wait3A_229 = arith.constant 0 : i32
        %dma_wait3A_230 = arith.constant 0 : i32
        %dma_wait3A_231 = tpu.memref_slice %arg9[%dma_wait3A_229, %dma_wait3A_230] : memref<102400x16xf32, #tpu.memory_space<vmem_shared>> -> memref<102400x16xf32, #tpu.memory_space<vmem_shared>>
        tpu.wait_indirect_dma semaphore(%run_scoped3A_213 : memref<!tpu.dma_semaphore, #tpu.memory_space<semaphore_mem>>) src(%dma_wait3A_225 : memref<128x16xf32, #tpu.memory_space<vmem>>) dst(%dma_wait3A_231 : memref<102400x16xf32, #tpu.memory_space<vmem_shared>>)
        tpu.yield
      }) : () -> ()
      %run_scoped3A_206 = arith.constant 1 : i32
      "tpu.region"() ({
        %run_scoped3A_213 = tpu.sem_alloc : memref<!tpu.dma_semaphore, #tpu.memory_space<semaphore_mem>>
        %dma_start3A_214 = arith.constant 128 : i32
        %dma_start3A_215 = arith.constant 0 : i32
        %dma_start3A_216 = tpu.memref_slice %arg8[%dma_start3A_214, %dma_start3A_215] : memref<1024x16xf32, #tpu.memory_space<vmem>> -> memref<128x16xf32, #tpu.memory_space<vmem>>
        %dma_start3A_217 = arith.constant 0 : i32
        %dma_start3A_218 = tpu.memref_slice %arg7[%run_scoped3A_206, %dma_start3A_217] : memref<8x128xi32, #tpu.memory_space<vmem>> -> memref<1x128xi32, #tpu.memory_space<vmem>>
        %dma_start3A_219 = tpu.memref_squeeze %dma_start3A_218 : memref<1x128xi32, #tpu.memory_space<vmem>> -> memref<128xi32, #tpu.memory_space<vmem>>
        %dma_start3A_220 = arith.constant 0 : i32
        %dma_start3A_221 = arith.constant 0 : i32
        %dma_start3A_222 = tpu.memref_slice %arg9[%dma_start3A_220, %dma_start3A_221] : memref<102400x16xf32, #tpu.memory_space<vmem_shared>> -> memref<102400x16xf32, #tpu.memory_space<vmem_shared>>
        tpu.enqueue_indirect_dma source(%dma_start3A_216 : memref<128x16xf32, #tpu.memory_space<vmem>>) target(%dma_start3A_222 : memref<102400x16xf32, #tpu.memory_space<vmem_shared>>) offsets(%dma_start3A_219 : memref<128xi32, #tpu.memory_space<vmem>>) semaphore(%run_scoped3A_213 : memref<!tpu.dma_semaphore, #tpu.memory_space<semaphore_mem>>) {add = true}
        %dma_wait3A_223 = arith.constant 128 : i32
        %dma_wait3A_224 = arith.constant 0 : i32
        %dma_wait3A_225 = tpu.memref_slice %arg8[%dma_wait3A_223, %dma_wait3A_224] : memref<1024x16xf32, #tpu.memory_space<vmem>> -> memref<128x16xf32, #tpu.memory_space<vmem>>
        %dma_wait3A_226 = arith.constant 0 : i32
        %dma_wait3A_227 = tpu.memref_slice %arg7[%run_scoped3A_206, %dma_wait3A_226] : memref<8x128xi32, #tpu.memory_space<vmem>> -> memref<1x128xi32, #tpu.memory_space<vmem>>
        %dma_wait3A_228 = tpu.memref_squeeze %dma_wait3A_227 : memref<1x128xi32, #tpu.memory_space<vmem>> -> memref<128xi32, #tpu.memory_space<vmem>>
        %dma_wait3A_229 = arith.constant 0 : i32
        %dma_wait3A_230 = arith.constant 0 : i32
        %dma_wait3A_231 = tpu.memref_slice %arg9[%dma_wait3A_229, %dma_wait3A_230] : memref<102400x16xf32, #tpu.memory_space<vmem_shared>> -> memref<102400x16xf32, #tpu.memory_space<vmem_shared>>
        tpu.wait_indirect_dma semaphore(%run_scoped3A_213 : memref<!tpu.dma_semaphore, #tpu.memory_space<semaphore_mem>>) src(%dma_wait3A_225 : memref<128x16xf32, #tpu.memory_space<vmem>>) dst(%dma_wait3A_231 : memref<102400x16xf32, #tpu.memory_space<vmem_shared>>)
        tpu.yield
      }) : () -> ()
      %run_scoped3A_207 = arith.constant 2 : i32
      "tpu.region"() ({
        %run_scoped3A_213 = tpu.sem_alloc : memref<!tpu.dma_semaphore, #tpu.memory_space<semaphore_mem>>
        %dma_start3A_214 = arith.constant 256 : i32
        %dma_start3A_215 = arith.constant 0 : i32
        %dma_start3A_216 = tpu.memref_slice %arg8[%dma_start3A_214, %dma_start3A_215] : memref<1024x16xf32, #tpu.memory_space<vmem>> -> memref<128x16xf32, #tpu.memory_space<vmem>>
        %dma_start3A_217 = arith.constant 0 : i32
        %dma_start3A_218 = tpu.memref_slice %arg7[%run_scoped3A_207, %dma_start3A_217] : memref<8x128xi32, #tpu.memory_space<vmem>> -> memref<1x128xi32, #tpu.memory_space<vmem>>
        %dma_start3A_219 = tpu.memref_squeeze %dma_start3A_218 : memref<1x128xi32, #tpu.memory_space<vmem>> -> memref<128xi32, #tpu.memory_space<vmem>>
        %dma_start3A_220 = arith.constant 0 : i32
        %dma_start3A_221 = arith.constant 0 : i32
        %dma_start3A_222 = tpu.memref_slice %arg9[%dma_start3A_220, %dma_start3A_221] : memref<102400x16xf32, #tpu.memory_space<vmem_shared>> -> memref<102400x16xf32, #tpu.memory_space<vmem_shared>>
        tpu.enqueue_indirect_dma source(%dma_start3A_216 : memref<128x16xf32, #tpu.memory_space<vmem>>) target(%dma_start3A_222 : memref<102400x16xf32, #tpu.memory_space<vmem_shared>>) offsets(%dma_start3A_219 : memref<128xi32, #tpu.memory_space<vmem>>) semaphore(%run_scoped3A_213 : memref<!tpu.dma_semaphore, #tpu.memory_space<semaphore_mem>>) {add = true}
        %dma_wait3A_223 = arith.constant 256 : i32
        %dma_wait3A_224 = arith.constant 0 : i32
        %dma_wait3A_225 = tpu.memref_slice %arg8[%dma_wait3A_223, %dma_wait3A_224] : memref<1024x16xf32, #tpu.memory_space<vmem>> -> memref<128x16xf32, #tpu.memory_space<vmem>>
        %dma_wait3A_226 = arith.constant 0 : i32
        %dma_wait3A_227 = tpu.memref_slice %arg7[%run_scoped3A_207, %dma_wait3A_226] : memref<8x128xi32, #tpu.memory_space<vmem>> -> memref<1x128xi32, #tpu.memory_space<vmem>>
        %dma_wait3A_228 = tpu.memref_squeeze %dma_wait3A_227 : memref<1x128xi32, #tpu.memory_space<vmem>> -> memref<128xi32, #tpu.memory_space<vmem>>
        %dma_wait3A_229 = arith.constant 0 : i32
        %dma_wait3A_230 = arith.constant 0 : i32
        %dma_wait3A_231 = tpu.memref_slice %arg9[%dma_wait3A_229, %dma_wait3A_230] : memref<102400x16xf32, #tpu.memory_space<vmem_shared>> -> memref<102400x16xf32, #tpu.memory_space<vmem_shared>>
        tpu.wait_indirect_dma semaphore(%run_scoped3A_213 : memref<!tpu.dma_semaphore, #tpu.memory_space<semaphore_mem>>) src(%dma_wait3A_225 : memref<128x16xf32, #tpu.memory_space<vmem>>) dst(%dma_wait3A_231 : memref<102400x16xf32, #tpu.memory_space<vmem_shared>>)
        tpu.yield
      }) : () -> ()
      %run_scoped3A_208 = arith.constant 3 : i32
      "tpu.region"() ({
        %run_scoped3A_213 = tpu.sem_alloc : memref<!tpu.dma_semaphore, #tpu.memory_space<semaphore_mem>>
        %dma_start3A_214 = arith.constant 384 : i32
        %dma_start3A_215 = arith.constant 0 : i32
        %dma_start3A_216 = tpu.memref_slice %arg8[%dma_start3A_214, %dma_start3A_215] : memref<1024x16xf32, #tpu.memory_space<vmem>> -> memref<128x16xf32, #tpu.memory_space<vmem>>
        %dma_start3A_217 = arith.constant 0 : i32
        %dma_start3A_218 = tpu.memref_slice %arg7[%run_scoped3A_208, %dma_start3A_217] : memref<8x128xi32, #tpu.memory_space<vmem>> -> memref<1x128xi32, #tpu.memory_space<vmem>>
        %dma_start3A_219 = tpu.memref_squeeze %dma_start3A_218 : memref<1x128xi32, #tpu.memory_space<vmem>> -> memref<128xi32, #tpu.memory_space<vmem>>
        %dma_start3A_220 = arith.constant 0 : i32
        %dma_start3A_221 = arith.constant 0 : i32
        %dma_start3A_222 = tpu.memref_slice %arg9[%dma_start3A_220, %dma_start3A_221] : memref<102400x16xf32, #tpu.memory_space<vmem_shared>> -> memref<102400x16xf32, #tpu.memory_space<vmem_shared>>
        tpu.enqueue_indirect_dma source(%dma_start3A_216 : memref<128x16xf32, #tpu.memory_space<vmem>>) target(%dma_start3A_222 : memref<102400x16xf32, #tpu.memory_space<vmem_shared>>) offsets(%dma_start3A_219 : memref<128xi32, #tpu.memory_space<vmem>>) semaphore(%run_scoped3A_213 : memref<!tpu.dma_semaphore, #tpu.memory_space<semaphore_mem>>) {add = true}
        %dma_wait3A_223 = arith.constant 384 : i32
        %dma_wait3A_224 = arith.constant 0 : i32
        %dma_wait3A_225 = tpu.memref_slice %arg8[%dma_wait3A_223, %dma_wait3A_224] : memref<1024x16xf32, #tpu.memory_space<vmem>> -> memref<128x16xf32, #tpu.memory_space<vmem>>
        %dma_wait3A_226 = arith.constant 0 : i32
        %dma_wait3A_227 = tpu.memref_slice %arg7[%run_scoped3A_208, %dma_wait3A_226] : memref<8x128xi32, #tpu.memory_space<vmem>> -> memref<1x128xi32, #tpu.memory_space<vmem>>
        %dma_wait3A_228 = tpu.memref_squeeze %dma_wait3A_227 : memref<1x128xi32, #tpu.memory_space<vmem>> -> memref<128xi32, #tpu.memory_space<vmem>>
        %dma_wait3A_229 = arith.constant 0 : i32
        %dma_wait3A_230 = arith.constant 0 : i32
        %dma_wait3A_231 = tpu.memref_slice %arg9[%dma_wait3A_229, %dma_wait3A_230] : memref<102400x16xf32, #tpu.memory_space<vmem_shared>> -> memref<102400x16xf32, #tpu.memory_space<vmem_shared>>
        tpu.wait_indirect_dma semaphore(%run_scoped3A_213 : memref<!tpu.dma_semaphore, #tpu.memory_space<semaphore_mem>>) src(%dma_wait3A_225 : memref<128x16xf32, #tpu.memory_space<vmem>>) dst(%dma_wait3A_231 : memref<102400x16xf32, #tpu.memory_space<vmem_shared>>)
        tpu.yield
      }) : () -> ()
      %run_scoped3A_209 = arith.constant 4 : i32
      "tpu.region"() ({
        %run_scoped3A_213 = tpu.sem_alloc : memref<!tpu.dma_semaphore, #tpu.memory_space<semaphore_mem>>
        %dma_start3A_214 = arith.constant 512 : i32
        %dma_start3A_215 = arith.constant 0 : i32
        %dma_start3A_216 = tpu.memref_slice %arg8[%dma_start3A_214, %dma_start3A_215] : memref<1024x16xf32, #tpu.memory_space<vmem>> -> memref<128x16xf32, #tpu.memory_space<vmem>>
        %dma_start3A_217 = arith.constant 0 : i32
        %dma_start3A_218 = tpu.memref_slice %arg7[%run_scoped3A_209, %dma_start3A_217] : memref<8x128xi32, #tpu.memory_space<vmem>> -> memref<1x128xi32, #tpu.memory_space<vmem>>
        %dma_start3A_219 = tpu.memref_squeeze %dma_start3A_218 : memref<1x128xi32, #tpu.memory_space<vmem>> -> memref<128xi32, #tpu.memory_space<vmem>>
        %dma_start3A_220 = arith.constant 0 : i32
        %dma_start3A_221 = arith.constant 0 : i32
        %dma_start3A_222 = tpu.memref_slice %arg9[%dma_start3A_220, %dma_start3A_221] : memref<102400x16xf32, #tpu.memory_space<vmem_shared>> -> memref<102400x16xf32, #tpu.memory_space<vmem_shared>>
        tpu.enqueue_indirect_dma source(%dma_start3A_216 : memref<128x16xf32, #tpu.memory_space<vmem>>) target(%dma_start3A_222 : memref<102400x16xf32, #tpu.memory_space<vmem_shared>>) offsets(%dma_start3A_219 : memref<128xi32, #tpu.memory_space<vmem>>) semaphore(%run_scoped3A_213 : memref<!tpu.dma_semaphore, #tpu.memory_space<semaphore_mem>>) {add = true}
        %dma_wait3A_223 = arith.constant 512 : i32
        %dma_wait3A_224 = arith.constant 0 : i32
        %dma_wait3A_225 = tpu.memref_slice %arg8[%dma_wait3A_223, %dma_wait3A_224] : memref<1024x16xf32, #tpu.memory_space<vmem>> -> memref<128x16xf32, #tpu.memory_space<vmem>>
        %dma_wait3A_226 = arith.constant 0 : i32
        %dma_wait3A_227 = tpu.memref_slice %arg7[%run_scoped3A_209, %dma_wait3A_226] : memref<8x128xi32, #tpu.memory_space<vmem>> -> memref<1x128xi32, #tpu.memory_space<vmem>>
        %dma_wait3A_228 = tpu.memref_squeeze %dma_wait3A_227 : memref<1x128xi32, #tpu.memory_space<vmem>> -> memref<128xi32, #tpu.memory_space<vmem>>
        %dma_wait3A_229 = arith.constant 0 : i32
        %dma_wait3A_230 = arith.constant 0 : i32
        %dma_wait3A_231 = tpu.memref_slice %arg9[%dma_wait3A_229, %dma_wait3A_230] : memref<102400x16xf32, #tpu.memory_space<vmem_shared>> -> memref<102400x16xf32, #tpu.memory_space<vmem_shared>>
        tpu.wait_indirect_dma semaphore(%run_scoped3A_213 : memref<!tpu.dma_semaphore, #tpu.memory_space<semaphore_mem>>) src(%dma_wait3A_225 : memref<128x16xf32, #tpu.memory_space<vmem>>) dst(%dma_wait3A_231 : memref<102400x16xf32, #tpu.memory_space<vmem_shared>>)
        tpu.yield
      }) : () -> ()
      %run_scoped3A_210 = arith.constant 5 : i32
      "tpu.region"() ({
        %run_scoped3A_213 = tpu.sem_alloc : memref<!tpu.dma_semaphore, #tpu.memory_space<semaphore_mem>>
        %dma_start3A_214 = arith.constant 640 : i32
        %dma_start3A_215 = arith.constant 0 : i32
        %dma_start3A_216 = tpu.memref_slice %arg8[%dma_start3A_214, %dma_start3A_215] : memref<1024x16xf32, #tpu.memory_space<vmem>> -> memref<128x16xf32, #tpu.memory_space<vmem>>
        %dma_start3A_217 = arith.constant 0 : i32
        %dma_start3A_218 = tpu.memref_slice %arg7[%run_scoped3A_210, %dma_start3A_217] : memref<8x128xi32, #tpu.memory_space<vmem>> -> memref<1x128xi32, #tpu.memory_space<vmem>>
        %dma_start3A_219 = tpu.memref_squeeze %dma_start3A_218 : memref<1x128xi32, #tpu.memory_space<vmem>> -> memref<128xi32, #tpu.memory_space<vmem>>
        %dma_start3A_220 = arith.constant 0 : i32
        %dma_start3A_221 = arith.constant 0 : i32
        %dma_start3A_222 = tpu.memref_slice %arg9[%dma_start3A_220, %dma_start3A_221] : memref<102400x16xf32, #tpu.memory_space<vmem_shared>> -> memref<102400x16xf32, #tpu.memory_space<vmem_shared>>
        tpu.enqueue_indirect_dma source(%dma_start3A_216 : memref<128x16xf32, #tpu.memory_space<vmem>>) target(%dma_start3A_222 : memref<102400x16xf32, #tpu.memory_space<vmem_shared>>) offsets(%dma_start3A_219 : memref<128xi32, #tpu.memory_space<vmem>>) semaphore(%run_scoped3A_213 : memref<!tpu.dma_semaphore, #tpu.memory_space<semaphore_mem>>) {add = true}
        %dma_wait3A_223 = arith.constant 640 : i32
        %dma_wait3A_224 = arith.constant 0 : i32
        %dma_wait3A_225 = tpu.memref_slice %arg8[%dma_wait3A_223, %dma_wait3A_224] : memref<1024x16xf32, #tpu.memory_space<vmem>> -> memref<128x16xf32, #tpu.memory_space<vmem>>
        %dma_wait3A_226 = arith.constant 0 : i32
        %dma_wait3A_227 = tpu.memref_slice %arg7[%run_scoped3A_210, %dma_wait3A_226] : memref<8x128xi32, #tpu.memory_space<vmem>> -> memref<1x128xi32, #tpu.memory_space<vmem>>
        %dma_wait3A_228 = tpu.memref_squeeze %dma_wait3A_227 : memref<1x128xi32, #tpu.memory_space<vmem>> -> memref<128xi32, #tpu.memory_space<vmem>>
        %dma_wait3A_229 = arith.constant 0 : i32
        %dma_wait3A_230 = arith.constant 0 : i32
        %dma_wait3A_231 = tpu.memref_slice %arg9[%dma_wait3A_229, %dma_wait3A_230] : memref<102400x16xf32, #tpu.memory_space<vmem_shared>> -> memref<102400x16xf32, #tpu.memory_space<vmem_shared>>
        tpu.wait_indirect_dma semaphore(%run_scoped3A_213 : memref<!tpu.dma_semaphore, #tpu.memory_space<semaphore_mem>>) src(%dma_wait3A_225 : memref<128x16xf32, #tpu.memory_space<vmem>>) dst(%dma_wait3A_231 : memref<102400x16xf32, #tpu.memory_space<vmem_shared>>)
        tpu.yield
      }) : () -> ()
      %run_scoped3A_211 = arith.constant 6 : i32
      "tpu.region"() ({
        %run_scoped3A_213 = tpu.sem_alloc : memref<!tpu.dma_semaphore, #tpu.memory_space<semaphore_mem>>
        %dma_start3A_214 = arith.constant 768 : i32
        %dma_start3A_215 = arith.constant 0 : i32
        %dma_start3A_216 = tpu.memref_slice %arg8[%dma_start3A_214, %dma_start3A_215] : memref<1024x16xf32, #tpu.memory_space<vmem>> -> memref<128x16xf32, #tpu.memory_space<vmem>>
        %dma_start3A_217 = arith.constant 0 : i32
        %dma_start3A_218 = tpu.memref_slice %arg7[%run_scoped3A_211, %dma_start3A_217] : memref<8x128xi32, #tpu.memory_space<vmem>> -> memref<1x128xi32, #tpu.memory_space<vmem>>
        %dma_start3A_219 = tpu.memref_squeeze %dma_start3A_218 : memref<1x128xi32, #tpu.memory_space<vmem>> -> memref<128xi32, #tpu.memory_space<vmem>>
        %dma_start3A_220 = arith.constant 0 : i32
        %dma_start3A_221 = arith.constant 0 : i32
        %dma_start3A_222 = tpu.memref_slice %arg9[%dma_start3A_220, %dma_start3A_221] : memref<102400x16xf32, #tpu.memory_space<vmem_shared>> -> memref<102400x16xf32, #tpu.memory_space<vmem_shared>>
        tpu.enqueue_indirect_dma source(%dma_start3A_216 : memref<128x16xf32, #tpu.memory_space<vmem>>) target(%dma_start3A_222 : memref<102400x16xf32, #tpu.memory_space<vmem_shared>>) offsets(%dma_start3A_219 : memref<128xi32, #tpu.memory_space<vmem>>) semaphore(%run_scoped3A_213 : memref<!tpu.dma_semaphore, #tpu.memory_space<semaphore_mem>>) {add = true}
        %dma_wait3A_223 = arith.constant 768 : i32
        %dma_wait3A_224 = arith.constant 0 : i32
        %dma_wait3A_225 = tpu.memref_slice %arg8[%dma_wait3A_223, %dma_wait3A_224] : memref<1024x16xf32, #tpu.memory_space<vmem>> -> memref<128x16xf32, #tpu.memory_space<vmem>>
        %dma_wait3A_226 = arith.constant 0 : i32
        %dma_wait3A_227 = tpu.memref_slice %arg7[%run_scoped3A_211, %dma_wait3A_226] : memref<8x128xi32, #tpu.memory_space<vmem>> -> memref<1x128xi32, #tpu.memory_space<vmem>>
        %dma_wait3A_228 = tpu.memref_squeeze %dma_wait3A_227 : memref<1x128xi32, #tpu.memory_space<vmem>> -> memref<128xi32, #tpu.memory_space<vmem>>
        %dma_wait3A_229 = arith.constant 0 : i32
        %dma_wait3A_230 = arith.constant 0 : i32
        %dma_wait3A_231 = tpu.memref_slice %arg9[%dma_wait3A_229, %dma_wait3A_230] : memref<102400x16xf32, #tpu.memory_space<vmem_shared>> -> memref<102400x16xf32, #tpu.memory_space<vmem_shared>>
        tpu.wait_indirect_dma semaphore(%run_scoped3A_213 : memref<!tpu.dma_semaphore, #tpu.memory_space<semaphore_mem>>) src(%dma_wait3A_225 : memref<128x16xf32, #tpu.memory_space<vmem>>) dst(%dma_wait3A_231 : memref<102400x16xf32, #tpu.memory_space<vmem_shared>>)
        tpu.yield
      }) : () -> ()
      %run_scoped3A_212 = arith.constant 7 : i32
      "tpu.region"() ({
        %run_scoped3A_213 = tpu.sem_alloc : memref<!tpu.dma_semaphore, #tpu.memory_space<semaphore_mem>>
        %dma_start3A_214 = arith.constant 896 : i32
        %dma_start3A_215 = arith.constant 0 : i32
        %dma_start3A_216 = tpu.memref_slice %arg8[%dma_start3A_214, %dma_start3A_215] : memref<1024x16xf32, #tpu.memory_space<vmem>> -> memref<128x16xf32, #tpu.memory_space<vmem>>
        %dma_start3A_217 = arith.constant 0 : i32
        %dma_start3A_218 = tpu.memref_slice %arg7[%run_scoped3A_212, %dma_start3A_217] : memref<8x128xi32, #tpu.memory_space<vmem>> -> memref<1x128xi32, #tpu.memory_space<vmem>>
        %dma_start3A_219 = tpu.memref_squeeze %dma_start3A_218 : memref<1x128xi32, #tpu.memory_space<vmem>> -> memref<128xi32, #tpu.memory_space<vmem>>
        %dma_start3A_220 = arith.constant 0 : i32
        %dma_start3A_221 = arith.constant 0 : i32
        %dma_start3A_222 = tpu.memref_slice %arg9[%dma_start3A_220, %dma_start3A_221] : memref<102400x16xf32, #tpu.memory_space<vmem_shared>> -> memref<102400x16xf32, #tpu.memory_space<vmem_shared>>
        tpu.enqueue_indirect_dma source(%dma_start3A_216 : memref<128x16xf32, #tpu.memory_space<vmem>>) target(%dma_start3A_222 : memref<102400x16xf32, #tpu.memory_space<vmem_shared>>) offsets(%dma_start3A_219 : memref<128xi32, #tpu.memory_space<vmem>>) semaphore(%run_scoped3A_213 : memref<!tpu.dma_semaphore, #tpu.memory_space<semaphore_mem>>) {add = true}
        %dma_wait3A_223 = arith.constant 896 : i32
        %dma_wait3A_224 = arith.constant 0 : i32
        %dma_wait3A_225 = tpu.memref_slice %arg8[%dma_wait3A_223, %dma_wait3A_224] : memref<1024x16xf32, #tpu.memory_space<vmem>> -> memref<128x16xf32, #tpu.memory_space<vmem>>
        %dma_wait3A_226 = arith.constant 0 : i32
        %dma_wait3A_227 = tpu.memref_slice %arg7[%run_scoped3A_212, %dma_wait3A_226] : memref<8x128xi32, #tpu.memory_space<vmem>> -> memref<1x128xi32, #tpu.memory_space<vmem>>
        %dma_wait3A_228 = tpu.memref_squeeze %dma_wait3A_227 : memref<1x128xi32, #tpu.memory_space<vmem>> -> memref<128xi32, #tpu.memory_space<vmem>>
        %dma_wait3A_229 = arith.constant 0 : i32
        %dma_wait3A_230 = arith.constant 0 : i32
        %dma_wait3A_231 = tpu.memref_slice %arg9[%dma_wait3A_229, %dma_wait3A_230] : memref<102400x16xf32, #tpu.memory_space<vmem_shared>> -> memref<102400x16xf32, #tpu.memory_space<vmem_shared>>
        tpu.wait_indirect_dma semaphore(%run_scoped3A_213 : memref<!tpu.dma_semaphore, #tpu.memory_space<semaphore_mem>>) src(%dma_wait3A_225 : memref<128x16xf32, #tpu.memory_space<vmem>>) dst(%dma_wait3A_231 : memref<102400x16xf32, #tpu.memory_space<vmem_shared>>)
        tpu.yield
      }) : () -> ()
    }
    %scan3A_28 = arith.constant 196 : i32
    %barrier3A_29 = arith.constant 0 : index
    tpu.barrier barrier_id(%barrier3A_29)
    %mul3A_30 = arith.constant 102400 : i32
    %mul3A_31 = arith.muli %add3A_3, %mul3A_30 : i32
    %add3A_32 = arith.addi %mul3A_31, %mul3A_0 : i32
    %add3A_33 = arith.constant 0 : i32
    %add3A_34 = arith.addi %mul3A_0, %add3A_33 : i32
    %add3A_35 = arith.constant 0 : i32
    %add3A_36 = arith.addi %add3A_32, %add3A_35 : i32
    "tpu.region"() ({
      %run_scoped3A = tpu.sem_alloc : memref<!tpu.dma_semaphore, #tpu.memory_space<semaphore_mem>>
      %dma_start3A = arith.constant 0 : i32
      %dma_start3A_61 = tpu.memref_slice %arg5[%add3A_36, %dma_start3A] : memref<204800x16xf32, #tpu.memory_space<hbm>> -> memref<1024x16xf32, #tpu.memory_space<hbm>>
      %dma_start3A_62 = arith.constant 0 : i32
      %dma_start3A_63 = tpu.memref_slice %arg9[%add3A_34, %dma_start3A_62] : memref<102400x16xf32, #tpu.memory_space<vmem_shared>> -> memref<1024x16xf32, #tpu.memory_space<vmem_shared>>
      tpu.enqueue_dma source(%dma_start3A_63 : memref<1024x16xf32, #tpu.memory_space<vmem_shared>>) target(%dma_start3A_61 : memref<1024x16xf32, #tpu.memory_space<hbm>>) target_semaphore(%run_scoped3A : memref<!tpu.dma_semaphore, #tpu.memory_space<semaphore_mem>>)
      %dma_wait3A = arith.constant 0 : i32
      %dma_wait3A_64 = tpu.memref_slice %arg5[%add3A_36, %dma_wait3A] : memref<204800x16xf32, #tpu.memory_space<hbm>> -> memref<1024x16xf32, #tpu.memory_space<hbm>>
      %dma_wait3A_65 = arith.constant 0 : i32
      %dma_wait3A_66 = tpu.memref_slice %arg9[%add3A_34, %dma_wait3A_65] : memref<102400x16xf32, #tpu.memory_space<vmem_shared>> -> memref<1024x16xf32, #tpu.memory_space<vmem_shared>>
      tpu.wait_dma2 semaphore(%run_scoped3A : memref<!tpu.dma_semaphore, #tpu.memory_space<semaphore_mem>>) src(%dma_wait3A_66 : memref<1024x16xf32, #tpu.memory_space<vmem_shared>>) dst(%dma_wait3A_64 : memref<1024x16xf32, #tpu.memory_space<hbm>>)
      tpu.yield
    }) : () -> ()
    %add3A_37 = arith.constant 1024 : i32
    %add3A_38 = arith.addi %mul3A_0, %add3A_37 : i32
    %add3A_39 = arith.constant 1024 : i32
    %add3A_40 = arith.addi %add3A_32, %add3A_39 : i32
    "tpu.region"() ({
      %run_scoped3A = tpu.sem_alloc : memref<!tpu.dma_semaphore, #tpu.memory_space<semaphore_mem>>
      %dma_start3A = arith.constant 0 : i32
      %dma_start3A_61 = tpu.memref_slice %arg5[%add3A_40, %dma_start3A] : memref<204800x16xf32, #tpu.memory_space<hbm>> -> memref<1024x16xf32, #tpu.memory_space<hbm>>
      %dma_start3A_62 = arith.constant 0 : i32
      %dma_start3A_63 = tpu.memref_slice %arg9[%add3A_38, %dma_start3A_62] : memref<102400x16xf32, #tpu.memory_space<vmem_shared>> -> memref<1024x16xf32, #tpu.memory_space<vmem_shared>>
      tpu.enqueue_dma source(%dma_start3A_63 : memref<1024x16xf32, #tpu.memory_space<vmem_shared>>) target(%dma_start3A_61 : memref<1024x16xf32, #tpu.memory_space<hbm>>) target_semaphore(%run_scoped3A : memref<!tpu.dma_semaphore, #tpu.memory_space<semaphore_mem>>)
      %dma_wait3A = arith.constant 0 : i32
      %dma_wait3A_64 = tpu.memref_slice %arg5[%add3A_40, %dma_wait3A] : memref<204800x16xf32, #tpu.memory_space<hbm>> -> memref<1024x16xf32, #tpu.memory_space<hbm>>
      %dma_wait3A_65 = arith.constant 0 : i32
      %dma_wait3A_66 = tpu.memref_slice %arg9[%add3A_38, %dma_wait3A_65] : memref<102400x16xf32, #tpu.memory_space<vmem_shared>> -> memref<1024x16xf32, #tpu.memory_space<vmem_shared>>
      tpu.wait_dma2 semaphore(%run_scoped3A : memref<!tpu.dma_semaphore, #tpu.memory_space<semaphore_mem>>) src(%dma_wait3A_66 : memref<1024x16xf32, #tpu.memory_space<vmem_shared>>) dst(%dma_wait3A_64 : memref<1024x16xf32, #tpu.memory_space<hbm>>)
      tpu.yield
    }) : () -> ()
    %add3A_41 = arith.constant 2048 : i32
    %add3A_42 = arith.addi %mul3A_0, %add3A_41 : i32
    %add3A_43 = arith.constant 2048 : i32
    %add3A_44 = arith.addi %add3A_32, %add3A_43 : i32
    "tpu.region"() ({
      %run_scoped3A = tpu.sem_alloc : memref<!tpu.dma_semaphore, #tpu.memory_space<semaphore_mem>>
      %dma_start3A = arith.constant 0 : i32
      %dma_start3A_61 = tpu.memref_slice %arg5[%add3A_44, %dma_start3A] : memref<204800x16xf32, #tpu.memory_space<hbm>> -> memref<1024x16xf32, #tpu.memory_space<hbm>>
      %dma_start3A_62 = arith.constant 0 : i32
      %dma_start3A_63 = tpu.memref_slice %arg9[%add3A_42, %dma_start3A_62] : memref<102400x16xf32, #tpu.memory_space<vmem_shared>> -> memref<1024x16xf32, #tpu.memory_space<vmem_shared>>
      tpu.enqueue_dma source(%dma_start3A_63 : memref<1024x16xf32, #tpu.memory_space<vmem_shared>>) target(%dma_start3A_61 : memref<1024x16xf32, #tpu.memory_space<hbm>>) target_semaphore(%run_scoped3A : memref<!tpu.dma_semaphore, #tpu.memory_space<semaphore_mem>>)
      %dma_wait3A = arith.constant 0 : i32
      %dma_wait3A_64 = tpu.memref_slice %arg5[%add3A_44, %dma_wait3A] : memref<204800x16xf32, #tpu.memory_space<hbm>> -> memref<1024x16xf32, #tpu.memory_space<hbm>>
      %dma_wait3A_65 = arith.constant 0 : i32
      %dma_wait3A_66 = tpu.memref_slice %arg9[%add3A_42, %dma_wait3A_65] : memref<102400x16xf32, #tpu.memory_space<vmem_shared>> -> memref<1024x16xf32, #tpu.memory_space<vmem_shared>>
      tpu.wait_dma2 semaphore(%run_scoped3A : memref<!tpu.dma_semaphore, #tpu.memory_space<semaphore_mem>>) src(%dma_wait3A_66 : memref<1024x16xf32, #tpu.memory_space<vmem_shared>>) dst(%dma_wait3A_64 : memref<1024x16xf32, #tpu.memory_space<hbm>>)
      tpu.yield
    }) : () -> ()
    %add3A_45 = arith.constant 3072 : i32
    %add3A_46 = arith.addi %mul3A_0, %add3A_45 : i32
    %add3A_47 = arith.constant 3072 : i32
    %add3A_48 = arith.addi %add3A_32, %add3A_47 : i32
    "tpu.region"() ({
      %run_scoped3A = tpu.sem_alloc : memref<!tpu.dma_semaphore, #tpu.memory_space<semaphore_mem>>
      %dma_start3A = arith.constant 0 : i32
      %dma_start3A_61 = tpu.memref_slice %arg5[%add3A_48, %dma_start3A] : memref<204800x16xf32, #tpu.memory_space<hbm>> -> memref<1024x16xf32, #tpu.memory_space<hbm>>
      %dma_start3A_62 = arith.constant 0 : i32
      %dma_start3A_63 = tpu.memref_slice %arg9[%add3A_46, %dma_start3A_62] : memref<102400x16xf32, #tpu.memory_space<vmem_shared>> -> memref<1024x16xf32, #tpu.memory_space<vmem_shared>>
      tpu.enqueue_dma source(%dma_start3A_63 : memref<1024x16xf32, #tpu.memory_space<vmem_shared>>) target(%dma_start3A_61 : memref<1024x16xf32, #tpu.memory_space<hbm>>) target_semaphore(%run_scoped3A : memref<!tpu.dma_semaphore, #tpu.memory_space<semaphore_mem>>)
      %dma_wait3A = arith.constant 0 : i32
      %dma_wait3A_64 = tpu.memref_slice %arg5[%add3A_48, %dma_wait3A] : memref<204800x16xf32, #tpu.memory_space<hbm>> -> memref<1024x16xf32, #tpu.memory_space<hbm>>
      %dma_wait3A_65 = arith.constant 0 : i32
      %dma_wait3A_66 = tpu.memref_slice %arg9[%add3A_46, %dma_wait3A_65] : memref<102400x16xf32, #tpu.memory_space<vmem_shared>> -> memref<1024x16xf32, #tpu.memory_space<vmem_shared>>
      tpu.wait_dma2 semaphore(%run_scoped3A : memref<!tpu.dma_semaphore, #tpu.memory_space<semaphore_mem>>) src(%dma_wait3A_66 : memref<1024x16xf32, #tpu.memory_space<vmem_shared>>) dst(%dma_wait3A_64 : memref<1024x16xf32, #tpu.memory_space<hbm>>)
      tpu.yield
    }) : () -> ()
    %add3A_49 = arith.constant 4096 : i32
    %add3A_50 = arith.addi %mul3A_0, %add3A_49 : i32
    %add3A_51 = arith.constant 4096 : i32
    %add3A_52 = arith.addi %add3A_32, %add3A_51 : i32
    "tpu.region"() ({
      %run_scoped3A = tpu.sem_alloc : memref<!tpu.dma_semaphore, #tpu.memory_space<semaphore_mem>>
      %dma_start3A = arith.constant 0 : i32
      %dma_start3A_61 = tpu.memref_slice %arg5[%add3A_52, %dma_start3A] : memref<204800x16xf32, #tpu.memory_space<hbm>> -> memref<1024x16xf32, #tpu.memory_space<hbm>>
      %dma_start3A_62 = arith.constant 0 : i32
      %dma_start3A_63 = tpu.memref_slice %arg9[%add3A_50, %dma_start3A_62] : memref<102400x16xf32, #tpu.memory_space<vmem_shared>> -> memref<1024x16xf32, #tpu.memory_space<vmem_shared>>
      tpu.enqueue_dma source(%dma_start3A_63 : memref<1024x16xf32, #tpu.memory_space<vmem_shared>>) target(%dma_start3A_61 : memref<1024x16xf32, #tpu.memory_space<hbm>>) target_semaphore(%run_scoped3A : memref<!tpu.dma_semaphore, #tpu.memory_space<semaphore_mem>>)
      %dma_wait3A = arith.constant 0 : i32
      %dma_wait3A_64 = tpu.memref_slice %arg5[%add3A_52, %dma_wait3A] : memref<204800x16xf32, #tpu.memory_space<hbm>> -> memref<1024x16xf32, #tpu.memory_space<hbm>>
      %dma_wait3A_65 = arith.constant 0 : i32
      %dma_wait3A_66 = tpu.memref_slice %arg9[%add3A_50, %dma_wait3A_65] : memref<102400x16xf32, #tpu.memory_space<vmem_shared>> -> memref<1024x16xf32, #tpu.memory_space<vmem_shared>>
      tpu.wait_dma2 semaphore(%run_scoped3A : memref<!tpu.dma_semaphore, #tpu.memory_space<semaphore_mem>>) src(%dma_wait3A_66 : memref<1024x16xf32, #tpu.memory_space<vmem_shared>>) dst(%dma_wait3A_64 : memref<1024x16xf32, #tpu.memory_space<hbm>>)
      tpu.yield
    }) : () -> ()
    %add3A_53 = arith.constant 5120 : i32
    %add3A_54 = arith.addi %mul3A_0, %add3A_53 : i32
    %add3A_55 = arith.constant 5120 : i32
    %add3A_56 = arith.addi %add3A_32, %add3A_55 : i32
    "tpu.region"() ({
      %run_scoped3A = tpu.sem_alloc : memref<!tpu.dma_semaphore, #tpu.memory_space<semaphore_mem>>
      %dma_start3A = arith.constant 0 : i32
      %dma_start3A_61 = tpu.memref_slice %arg5[%add3A_56, %dma_start3A] : memref<204800x16xf32, #tpu.memory_space<hbm>> -> memref<1024x16xf32, #tpu.memory_space<hbm>>
      %dma_start3A_62 = arith.constant 0 : i32
      %dma_start3A_63 = tpu.memref_slice %arg9[%add3A_54, %dma_start3A_62] : memref<102400x16xf32, #tpu.memory_space<vmem_shared>> -> memref<1024x16xf32, #tpu.memory_space<vmem_shared>>
      tpu.enqueue_dma source(%dma_start3A_63 : memref<1024x16xf32, #tpu.memory_space<vmem_shared>>) target(%dma_start3A_61 : memref<1024x16xf32, #tpu.memory_space<hbm>>) target_semaphore(%run_scoped3A : memref<!tpu.dma_semaphore, #tpu.memory_space<semaphore_mem>>)
      %dma_wait3A = arith.constant 0 : i32
      %dma_wait3A_64 = tpu.memref_slice %arg5[%add3A_56, %dma_wait3A] : memref<204800x16xf32, #tpu.memory_space<hbm>> -> memref<1024x16xf32, #tpu.memory_space<hbm>>
      %dma_wait3A_65 = arith.constant 0 : i32
      %dma_wait3A_66 = tpu.memref_slice %arg9[%add3A_54, %dma_wait3A_65] : memref<102400x16xf32, #tpu.memory_space<vmem_shared>> -> memref<1024x16xf32, #tpu.memory_space<vmem_shared>>
      tpu.wait_dma2 semaphore(%run_scoped3A : memref<!tpu.dma_semaphore, #tpu.memory_space<semaphore_mem>>) src(%dma_wait3A_66 : memref<1024x16xf32, #tpu.memory_space<vmem_shared>>) dst(%dma_wait3A_64 : memref<1024x16xf32, #tpu.memory_space<hbm>>)
      tpu.yield
    }) : () -> ()
    %add3A_57 = arith.constant 6144 : i32
    %add3A_58 = arith.addi %mul3A_0, %add3A_57 : i32
    %add3A_59 = arith.constant 6144 : i32
    %add3A_60 = arith.addi %add3A_32, %add3A_59 : i32
    "tpu.region"() ({
      %run_scoped3A = tpu.sem_alloc : memref<!tpu.dma_semaphore, #tpu.memory_space<semaphore_mem>>
      %dma_start3A = arith.constant 0 : i32
      %dma_start3A_61 = tpu.memref_slice %arg5[%add3A_60, %dma_start3A] : memref<204800x16xf32, #tpu.memory_space<hbm>> -> memref<256x16xf32, #tpu.memory_space<hbm>>
      %dma_start3A_62 = arith.constant 0 : i32
      %dma_start3A_63 = tpu.memref_slice %arg9[%add3A_58, %dma_start3A_62] : memref<102400x16xf32, #tpu.memory_space<vmem_shared>> -> memref<256x16xf32, #tpu.memory_space<vmem_shared>>
      tpu.enqueue_dma source(%dma_start3A_63 : memref<256x16xf32, #tpu.memory_space<vmem_shared>>) target(%dma_start3A_61 : memref<256x16xf32, #tpu.memory_space<hbm>>) target_semaphore(%run_scoped3A : memref<!tpu.dma_semaphore, #tpu.memory_space<semaphore_mem>>)
      %dma_wait3A = arith.constant 0 : i32
      %dma_wait3A_64 = tpu.memref_slice %arg5[%add3A_60, %dma_wait3A] : memref<204800x16xf32, #tpu.memory_space<hbm>> -> memref<256x16xf32, #tpu.memory_space<hbm>>
      %dma_wait3A_65 = arith.constant 0 : i32
      %dma_wait3A_66 = tpu.memref_slice %arg9[%add3A_58, %dma_wait3A_65] : memref<102400x16xf32, #tpu.memory_space<vmem_shared>> -> memref<256x16xf32, #tpu.memory_space<vmem_shared>>
      tpu.wait_dma2 semaphore(%run_scoped3A : memref<!tpu.dma_semaphore, #tpu.memory_space<semaphore_mem>>) src(%dma_wait3A_66 : memref<256x16xf32, #tpu.memory_space<vmem_shared>>) dst(%dma_wait3A_64 : memref<256x16xf32, #tpu.memory_space<hbm>>)
      tpu.yield
    }) : () -> ()
    return
  }
}

module attributes {stable_mosaic.version = 14 : i64} {
  func.func @_k2_body(%arg0: i32, %arg1: memref<800x18xf32, #tpu.memory_space<vmem>>, %arg2: memref<18x64xf32, #tpu.memory_space<vmem>>, %arg3: memref<800x1xf32, #tpu.memory_space<vmem>>, %arg4: memref<800x1xf32, #tpu.memory_space<vmem>>, %arg5: memref<800x64xf32, #tpu.memory_space<vmem>>, %arg6: memref<800x1xf32, #tpu.memory_space<vmem>>) attributes {dimension_semantics = [#tpu.dimension_semantics<arbitrary>], iteration_bounds = array<i64: 125>, scalar_prefetch = 0 : i64, scratch_operands = 0 : i64, tpu.core_type = #tpu.core_type<tc>, window_params = [{transform_indices = @transform_0, window_bounds = array<i64: 800, 18>}, {pipeline_mode = #tpu.pipeline_mode<synchronous>, transform_indices = @transform_1, window_bounds = array<i64: 18, 64>}, {transform_indices = @transform_2, window_bounds = array<i64: 800, 1>}, {transform_indices = @transform_3, window_bounds = array<i64: 800, 1>}, {transform_indices = @transform_4, window_bounds = array<i64: 800, 64>}, {transform_indices = @transform_5, window_bounds = array<i64: 800, 1>}]} {
    %get3A = arith.constant 0 : index
    %get3A_0 = arith.constant 0 : index
    %get3A_1 = vector.load %arg3[%get3A, %get3A_0] : memref<800x1xf32, #tpu.memory_space<vmem>>, vector<800x1xf32>
    %get3A_2 = arith.constant 0 : index
    %get3A_3 = arith.constant 0 : index
    %get3A_4 = vector.load %arg4[%get3A_2, %get3A_3] : memref<800x1xf32, #tpu.memory_space<vmem>>, vector<800x1xf32>
    %add3A = arith.addf %get3A_1, %get3A_4 : vector<800x1xf32>
    %add3A_5 = arith.constant 1.000000e+00 : f32
    %add3A_6 = vector.broadcast %add3A_5 : f32 to vector<800x1xf32>
    %add3A_7 = arith.addf %add3A, %add3A_6 : vector<800x1xf32>
    %rsqrt3A = math.rsqrt %add3A_7 : vector<800x1xf32>
    %get3A_8 = arith.constant 0 : index
    %get3A_9 = arith.constant 0 : index
    %get3A_10 = vector.load %arg1[%get3A_8, %get3A_9] : memref<800x18xf32, #tpu.memory_space<vmem>>, vector<800x18xf32>
    %get3A_11 = arith.constant 0 : index
    %get3A_12 = arith.constant 0 : index
    %get3A_13 = vector.load %arg2[%get3A_11, %get3A_12] : memref<18x64xf32, #tpu.memory_space<vmem>>, vector<18x64xf32>
    %dot_general3A = arith.constant dense<0.000000e+00> : vector<800x64xf32>
    %dot_general3A_14 = tpu.matmul %get3A_10, %get3A_13, %dot_general3A {dimension_numbers = #tpu.dot_dimension_numbers<[1], [0], [0], [1], [0, 0, 1, 1], [], []>, transpose_lhs_hint = false} : vector<800x18xf32>, vector<18x64xf32>, vector<800x64xf32> -> vector<800x64xf32>
    %mul3A = vector.broadcast %rsqrt3A : vector<800x1xf32> to vector<800x64xf32>
    %mul3A_15 = arith.mulf %dot_general3A_14, %mul3A : vector<800x64xf32>
    %swap3A = arith.constant 0 : index
    %swap3A_16 = arith.constant 0 : index
    %swap3A_17 = vector.load %arg5[%swap3A, %swap3A_16] : memref<800x64xf32, #tpu.memory_space<vmem>>, vector<800x64xf32>
    tpu.vector_store %arg5[%swap3A, %swap3A_16], %mul3A_15 {strides = array<i32>} : memref<800x64xf32, #tpu.memory_space<vmem>>, vector<800x64xf32>,
    %swap3A_18 = arith.constant 0 : index
    %swap3A_19 = arith.constant 0 : index
    %swap3A_20 = vector.load %arg6[%swap3A_18, %swap3A_19] : memref<800x1xf32, #tpu.memory_space<vmem>>, vector<800x1xf32>
    tpu.vector_store %arg6[%swap3A_18, %swap3A_19], %rsqrt3A {strides = array<i32>} : memref<800x1xf32, #tpu.memory_space<vmem>>, vector<800x1xf32>,
    return
  }
  func.func @transform_0(%arg0: i32) -> (i32, i32) {
    %c0_i32 = arith.constant 0 : i32
    %c0_i32_0 = arith.constant 0 : i32
    return %arg0, %c0_i32 : i32, i32
  }
  func.func @transform_1(%arg0: i32) -> (i32, i32) {
    %c0_i32 = arith.constant 0 : i32
    %c0_i32_0 = arith.constant 0 : i32
    %c0_i32_1 = arith.constant 0 : i32
    return %c0_i32, %c0_i32_0 : i32, i32
  }
  func.func @transform_2(%arg0: i32) -> (i32, i32) {
    %c0_i32 = arith.constant 0 : i32
    %c0_i32_0 = arith.constant 0 : i32
    return %arg0, %c0_i32 : i32, i32
  }
  func.func @transform_3(%arg0: i32) -> (i32, i32) {
    %add3A = arith.constant 128 : i32
    %add3A_0 = arith.addi %add3A, %arg0 : i32
    %c0_i32 = arith.constant 0 : i32
    %c0_i32_1 = arith.constant 0 : i32
    return %add3A_0, %c0_i32 : i32, i32
  }
  func.func @transform_4(%arg0: i32) -> (i32, i32) {
    %c0_i32 = arith.constant 0 : i32
    %c0_i32_0 = arith.constant 0 : i32
    return %arg0, %c0_i32 : i32, i32
  }
  func.func @transform_5(%arg0: i32) -> (i32, i32) {
    %c0_i32 = arith.constant 0 : i32
    %c0_i32_0 = arith.constant 0 : i32
    return %arg0, %c0_i32 : i32, i32
  }
}

module attributes {stable_mosaic.version = 14 : i64} {
  func.func @_k4_body(%arg0: i32, %arg1: memref<800x16xf32, #tpu.memory_space<vmem>>, %arg2: memref<800x16xf32, #tpu.memory_space<vmem>>, %arg3: memref<800x16xf32, #tpu.memory_space<vmem>>, %arg4: memref<800x16xf32, #tpu.memory_space<vmem>>, %arg5: memref<800x64xf32, #tpu.memory_space<vmem>>, %arg6: memref<800x1xf32, #tpu.memory_space<vmem>>, %arg7: memref<1x64xf32, #tpu.memory_space<vmem>>, %arg8: memref<64x32xf32, #tpu.memory_space<vmem>>, %arg9: memref<800x32xf32, #tpu.memory_space<vmem>>) attributes {dimension_semantics = [#tpu.dimension_semantics<arbitrary>], iteration_bounds = array<i64: 125>, scalar_prefetch = 0 : i64, scratch_operands = 0 : i64, tpu.core_type = #tpu.core_type<tc>, window_params = [{transform_indices = @transform_0, window_bounds = array<i64: 800, 16>}, {transform_indices = @transform_1, window_bounds = array<i64: 800, 16>}, {transform_indices = @transform_2, window_bounds = array<i64: 800, 16>}, {transform_indices = @transform_3, window_bounds = array<i64: 800, 16>}, {transform_indices = @transform_4, window_bounds = array<i64: 800, 64>}, {transform_indices = @transform_5, window_bounds = array<i64: 800, 1>}, {pipeline_mode = #tpu.pipeline_mode<synchronous>, transform_indices = @transform_6, window_bounds = array<i64: 1, 64>}, {pipeline_mode = #tpu.pipeline_mode<synchronous>, transform_indices = @transform_7, window_bounds = array<i64: 64, 32>}, {transform_indices = @transform_8, window_bounds = array<i64: 800, 32>}]} {
    %get3A = arith.constant 0 : index
    %get3A_0 = arith.constant 0 : index
    %get3A_1 = vector.load %arg6[%get3A, %get3A_0] : memref<800x1xf32, #tpu.memory_space<vmem>>, vector<800x1xf32>
    %get3A_2 = arith.constant 0 : index
    %get3A_3 = arith.constant 0 : index
    %get3A_4 = vector.load %arg1[%get3A_2, %get3A_3] : memref<800x16xf32, #tpu.memory_space<vmem>>, vector<800x16xf32>
    %get3A_5 = arith.constant 0 : index
    %get3A_6 = arith.constant 0 : index
    %get3A_7 = vector.load %arg2[%get3A_5, %get3A_6] : memref<800x16xf32, #tpu.memory_space<vmem>>, vector<800x16xf32>
    %get3A_8 = arith.constant 0 : index
    %get3A_9 = arith.constant 0 : index
    %get3A_10 = vector.load %arg3[%get3A_8, %get3A_9] : memref<800x16xf32, #tpu.memory_space<vmem>>, vector<800x16xf32>
    %get3A_11 = arith.constant 0 : index
    %get3A_12 = arith.constant 0 : index
    %get3A_13 = vector.load %arg4[%get3A_11, %get3A_12] : memref<800x16xf32, #tpu.memory_space<vmem>>, vector<800x16xf32>
    %concatenate3A = tpu.concatenate %get3A_4, %get3A_7, %get3A_10, %get3A_13 in 1 : vector<800x16xf32>, vector<800x16xf32>, vector<800x16xf32>, vector<800x16xf32> -> vector<800x64xf32>
    %get3A_14 = arith.constant 0 : index
    %get3A_15 = arith.constant 0 : index
    %get3A_16 = vector.load %arg5[%get3A_14, %get3A_15] : memref<800x64xf32, #tpu.memory_space<vmem>>, vector<800x64xf32>
    %add3A = arith.addf %concatenate3A, %get3A_16 : vector<800x64xf32>
    %mul3A = vector.broadcast %get3A_1 : vector<800x1xf32> to vector<800x64xf32>
    %mul3A_17 = arith.mulf %mul3A, %add3A : vector<800x64xf32>
    %get3A_18 = arith.constant 0 : index
    %get3A_19 = arith.constant 0 : index
    %get3A_20 = vector.load %arg7[%get3A_18, %get3A_19] : memref<1x64xf32, #tpu.memory_space<vmem>>, vector<1x64xf32>
    %add3A_21 = vector.broadcast %get3A_20 : vector<1x64xf32> to vector<800x64xf32>
    %add3A_22 = arith.addf %mul3A_17, %add3A_21 : vector<800x64xf32>
    %max3A = arith.constant 0.000000e+00 : f32
    %max3A_23 = vector.broadcast %max3A : f32 to vector<800x64xf32>
    %max3A_24 = arith.maximumf %add3A_22, %max3A_23 : vector<800x64xf32>
    %get3A_25 = arith.constant 0 : index
    %get3A_26 = arith.constant 0 : index
    %get3A_27 = vector.load %arg8[%get3A_25, %get3A_26] : memref<64x32xf32, #tpu.memory_space<vmem>>, vector<64x32xf32>
    %dot_general3A = arith.constant dense<0.000000e+00> : vector<800x32xf32>
    %dot_general3A_28 = tpu.matmul %max3A_24, %get3A_27, %dot_general3A {dimension_numbers = #tpu.dot_dimension_numbers<[1], [0], [0], [1], [0, 0, 1, 1], [], []>, transpose_lhs_hint = false} : vector<800x64xf32>, vector<64x32xf32>, vector<800x32xf32> -> vector<800x32xf32>
    %mul3A_29 = vector.broadcast %get3A_1 : vector<800x1xf32> to vector<800x32xf32>
    %mul3A_30 = arith.mulf %dot_general3A_28, %mul3A_29 : vector<800x32xf32>
    %swap3A = arith.constant 0 : index
    %swap3A_31 = arith.constant 0 : index
    %swap3A_32 = vector.load %arg9[%swap3A, %swap3A_31] : memref<800x32xf32, #tpu.memory_space<vmem>>, vector<800x32xf32>
    tpu.vector_store %arg9[%swap3A, %swap3A_31], %mul3A_30 {strides = array<i32>} : memref<800x32xf32, #tpu.memory_space<vmem>>, vector<800x32xf32>,
    return
  }
  func.func @transform_0(%arg0: i32) -> (i32, i32) {
    %add3A = arith.constant 0 : i32
    %add3A_0 = arith.addi %add3A, %arg0 : i32
    %c0_i32 = arith.constant 0 : i32
    %c0_i32_1 = arith.constant 0 : i32
    return %add3A_0, %c0_i32 : i32, i32
  }
  func.func @transform_1(%arg0: i32) -> (i32, i32) {
    %add3A = arith.constant 128 : i32
    %add3A_0 = arith.addi %add3A, %arg0 : i32
    %c0_i32 = arith.constant 0 : i32
    %c0_i32_1 = arith.constant 0 : i32
    return %add3A_0, %c0_i32 : i32, i32
  }
  func.func @transform_2(%arg0: i32) -> (i32, i32) {
    %add3A = arith.constant 256 : i32
    %add3A_0 = arith.addi %add3A, %arg0 : i32
    %c0_i32 = arith.constant 0 : i32
    %c0_i32_1 = arith.constant 0 : i32
    return %add3A_0, %c0_i32 : i32, i32
  }
  func.func @transform_3(%arg0: i32) -> (i32, i32) {
    %add3A = arith.constant 384 : i32
    %add3A_0 = arith.addi %add3A, %arg0 : i32
    %c0_i32 = arith.constant 0 : i32
    %c0_i32_1 = arith.constant 0 : i32
    return %add3A_0, %c0_i32 : i32, i32
  }
  func.func @transform_4(%arg0: i32) -> (i32, i32) {
    %c0_i32 = arith.constant 0 : i32
    %c0_i32_0 = arith.constant 0 : i32
    return %arg0, %c0_i32 : i32, i32
  }
  func.func @transform_5(%arg0: i32) -> (i32, i32) {
    %c0_i32 = arith.constant 0 : i32
    %c0_i32_0 = arith.constant 0 : i32
    return %arg0, %c0_i32 : i32, i32
  }
  func.func @transform_6(%arg0: i32) -> (i32, i32) {
    %c0_i32 = arith.constant 0 : i32
    %c0_i32_0 = arith.constant 0 : i32
    %c0_i32_1 = arith.constant 0 : i32
    return %c0_i32, %c0_i32_0 : i32, i32
  }
  func.func @transform_7(%arg0: i32) -> (i32, i32) {
    %c0_i32 = arith.constant 0 : i32
    %c0_i32_0 = arith.constant 0 : i32
    %c0_i32_1 = arith.constant 0 : i32
    return %c0_i32, %c0_i32_0 : i32, i32
  }
  func.func @transform_8(%arg0: i32) -> (i32, i32) {
    %c0_i32 = arith.constant 0 : i32
    %c0_i32_0 = arith.constant 0 : i32
    return %arg0, %c0_i32 : i32, i32
  }
}

module attributes {stable_mosaic.version = 14 : i64} {
  func.func @_k6_body(%arg0: i32, %arg1: memref<800x16xf32, #tpu.memory_space<vmem>>, %arg2: memref<800x16xf32, #tpu.memory_space<vmem>>, %arg3: memref<800x32xf32, #tpu.memory_space<vmem>>, %arg4: memref<800x1xf32, #tpu.memory_space<vmem>>, %arg5: memref<1x32xf32, #tpu.memory_space<vmem>>, %arg6: memref<800x32xf32, #tpu.memory_space<vmem>>) attributes {dimension_semantics = [#tpu.dimension_semantics<arbitrary>], iteration_bounds = array<i64: 125>, scalar_prefetch = 0 : i64, scratch_operands = 0 : i64, tpu.core_type = #tpu.core_type<tc>, window_params = [{transform_indices = @transform_0, window_bounds = array<i64: 800, 16>}, {transform_indices = @transform_1, window_bounds = array<i64: 800, 16>}, {transform_indices = @transform_2, window_bounds = array<i64: 800, 32>}, {transform_indices = @transform_3, window_bounds = array<i64: 800, 1>}, {pipeline_mode = #tpu.pipeline_mode<synchronous>, transform_indices = @transform_4, window_bounds = array<i64: 1, 32>}, {transform_indices = @transform_5, window_bounds = array<i64: 800, 32>}]} {
    %get3A = arith.constant 0 : index
    %get3A_0 = arith.constant 0 : index
    %get3A_1 = vector.load %arg4[%get3A, %get3A_0] : memref<800x1xf32, #tpu.memory_space<vmem>>, vector<800x1xf32>
    %get3A_2 = arith.constant 0 : index
    %get3A_3 = arith.constant 0 : index
    %get3A_4 = vector.load %arg1[%get3A_2, %get3A_3] : memref<800x16xf32, #tpu.memory_space<vmem>>, vector<800x16xf32>
    %get3A_5 = arith.constant 0 : index
    %get3A_6 = arith.constant 0 : index
    %get3A_7 = vector.load %arg2[%get3A_5, %get3A_6] : memref<800x16xf32, #tpu.memory_space<vmem>>, vector<800x16xf32>
    %concatenate3A = tpu.concatenate %get3A_4, %get3A_7 in 1 : vector<800x16xf32>, vector<800x16xf32> -> vector<800x32xf32>
    %get3A_8 = arith.constant 0 : index
    %get3A_9 = arith.constant 0 : index
    %get3A_10 = vector.load %arg3[%get3A_8, %get3A_9] : memref<800x32xf32, #tpu.memory_space<vmem>>, vector<800x32xf32>
    %add3A = arith.addf %concatenate3A, %get3A_10 : vector<800x32xf32>
    %mul3A = vector.broadcast %get3A_1 : vector<800x1xf32> to vector<800x32xf32>
    %mul3A_11 = arith.mulf %mul3A, %add3A : vector<800x32xf32>
    %get3A_12 = arith.constant 0 : index
    %get3A_13 = arith.constant 0 : index
    %get3A_14 = vector.load %arg5[%get3A_12, %get3A_13] : memref<1x32xf32, #tpu.memory_space<vmem>>, vector<1x32xf32>
    %add3A_15 = vector.broadcast %get3A_14 : vector<1x32xf32> to vector<800x32xf32>
    %add3A_16 = arith.addf %mul3A_11, %add3A_15 : vector<800x32xf32>
    %swap3A = arith.constant 0 : index
    %swap3A_17 = arith.constant 0 : index
    %swap3A_18 = vector.load %arg6[%swap3A, %swap3A_17] : memref<800x32xf32, #tpu.memory_space<vmem>>, vector<800x32xf32>
    tpu.vector_store %arg6[%swap3A, %swap3A_17], %add3A_16 {strides = array<i32>} : memref<800x32xf32, #tpu.memory_space<vmem>>, vector<800x32xf32>,
    return
  }
  func.func @transform_0(%arg0: i32) -> (i32, i32) {
    %add3A = arith.constant 0 : i32
    %add3A_0 = arith.addi %add3A, %arg0 : i32
    %c0_i32 = arith.constant 0 : i32
    %c0_i32_1 = arith.constant 0 : i32
    return %add3A_0, %c0_i32 : i32, i32
  }
  func.func @transform_1(%arg0: i32) -> (i32, i32) {
    %add3A = arith.constant 128 : i32
    %add3A_0 = arith.addi %add3A, %arg0 : i32
    %c0_i32 = arith.constant 0 : i32
    %c0_i32_1 = arith.constant 0 : i32
    return %add3A_0, %c0_i32 : i32, i32
  }
  func.func @transform_2(%arg0: i32) -> (i32, i32) {
    %c0_i32 = arith.constant 0 : i32
    %c0_i32_0 = arith.constant 0 : i32
    return %arg0, %c0_i32 : i32, i32
  }
  func.func @transform_3(%arg0: i32) -> (i32, i32) {
    %c0_i32 = arith.constant 0 : i32
    %c0_i32_0 = arith.constant 0 : i32
    return %arg0, %c0_i32 : i32, i32
  }
  func.func @transform_4(%arg0: i32) -> (i32, i32) {
    %c0_i32 = arith.constant 0 : i32
    %c0_i32_0 = arith.constant 0 : i32
    %c0_i32_1 = arith.constant 0 : i32
    return %c0_i32, %c0_i32_0 : i32, i32
  }
  func.func @transform_5(%arg0: i32) -> (i32, i32) {
    %c0_i32 = arith.constant 0 : i32
    %c0_i32_0 = arith.constant 0 : i32
    return %arg0, %c0_i32 : i32, i32
  }
}

module attributes {stable_mosaic.version = 14 : i64} {
  func.func @_k8_body(%arg0: i32, %arg1: memref<2048x32xf32, #tpu.memory_space<vmem>>, %arg2: memref<2048x32xf32, #tpu.memory_space<vmem>>, %arg3: memref<1x32xf32, #tpu.memory_space<vmem>>, %arg4: memref<1x1xf32, #tpu.memory_space<vmem>>, %arg5: memref<2048x1xf32, #tpu.memory_space<vmem>>) attributes {dimension_semantics = [#tpu.dimension_semantics<arbitrary>], iteration_bounds = array<i64: 8>, scalar_prefetch = 0 : i64, scratch_operands = 0 : i64, tpu.core_type = #tpu.core_type<tc>, window_params = [{transform_indices = @transform_0, window_bounds = array<i64: 2048, 32>}, {transform_indices = @transform_1, window_bounds = array<i64: 2048, 32>}, {pipeline_mode = #tpu.pipeline_mode<synchronous>, transform_indices = @transform_2, window_bounds = array<i64: 1, 32>}, {pipeline_mode = #tpu.pipeline_mode<synchronous>, transform_indices = @transform_3, window_bounds = array<i64: 1, 1>}, {transform_indices = @transform_4, window_bounds = array<i64: 2048, 1>}]} {
    %get3A = arith.constant 0 : index
    %get3A_0 = arith.constant 0 : index
    %get3A_1 = vector.load %arg1[%get3A, %get3A_0] : memref<2048x32xf32, #tpu.memory_space<vmem>>, vector<2048x32xf32>
    %get3A_2 = arith.constant 0 : index
    %get3A_3 = arith.constant 0 : index
    %get3A_4 = vector.load %arg2[%get3A_2, %get3A_3] : memref<2048x32xf32, #tpu.memory_space<vmem>>, vector<2048x32xf32>
    %mul3A = arith.mulf %get3A_1, %get3A_4 : vector<2048x32xf32>
    %get3A_5 = arith.constant 0 : index
    %get3A_6 = arith.constant 0 : index
    %get3A_7 = vector.load %arg3[%get3A_5, %get3A_6] : memref<1x32xf32, #tpu.memory_space<vmem>>, vector<1x32xf32>
    %mul3A_8 = vector.broadcast %get3A_7 : vector<1x32xf32> to vector<2048x32xf32>
    %mul3A_9 = arith.mulf %mul3A, %mul3A_8 : vector<2048x32xf32>
    %reduce_sum3A = arith.constant dense<0.000000e+00> : vector<2048xf32>
    %reduce_sum3A_10 = vector.multi_reduction <add>, %mul3A_9, %reduce_sum3A [1] : vector<2048x32xf32> to vector<2048xf32>
    %broadcast_in_dim3A = vector.shape_cast %reduce_sum3A_10 : vector<2048xf32> to vector<2048x1xf32>
    %get3A_11 = arith.constant 0 : index
    %get3A_12 = arith.constant 0 : index
    %get3A_13 = vector.load %arg4[%get3A_11, %get3A_12] : memref<1x1xf32, #tpu.memory_space<vmem>>, vector<1x1xf32>
    %add3A = vector.broadcast %get3A_13 : vector<1x1xf32> to vector<2048x1xf32>
    %add3A_14 = arith.addf %broadcast_in_dim3A, %add3A : vector<2048x1xf32>
    %swap3A = arith.constant 0 : index
    %swap3A_15 = arith.constant 0 : index
    %swap3A_16 = vector.load %arg5[%swap3A, %swap3A_15] : memref<2048x1xf32, #tpu.memory_space<vmem>>, vector<2048x1xf32>
    tpu.vector_store %arg5[%swap3A, %swap3A_15], %add3A_14 {strides = array<i32>} : memref<2048x1xf32, #tpu.memory_space<vmem>>, vector<2048x1xf32>,
    return
  }
  func.func @transform_0(%arg0: i32) -> (i32, i32) {
    %c0_i32 = arith.constant 0 : i32
    %c0_i32_0 = arith.constant 0 : i32
    return %arg0, %c0_i32 : i32, i32
  }
  func.func @transform_1(%arg0: i32) -> (i32, i32) {
    %add3A = arith.constant 8 : i32
    %add3A_0 = arith.addi %add3A, %arg0 : i32
    %c0_i32 = arith.constant 0 : i32
    %c0_i32_1 = arith.constant 0 : i32
    return %add3A_0, %c0_i32 : i32, i32
  }
  func.func @transform_2(%arg0: i32) -> (i32, i32) {
    %c0_i32 = arith.constant 0 : i32
    %c0_i32_0 = arith.constant 0 : i32
    %c0_i32_1 = arith.constant 0 : i32
    return %c0_i32, %c0_i32_0 : i32, i32
  }
  func.func @transform_3(%arg0: i32) -> (i32, i32) {
    %c0_i32 = arith.constant 0 : i32
    %c0_i32_0 = arith.constant 0 : i32
    %c0_i32_1 = arith.constant 0 : i32
    return %c0_i32, %c0_i32_0 : i32, i32
  }
  func.func @transform_4(%arg0: i32) -> (i32, i32) {
    %c0_i32 = arith.constant 0 : i32
    %c0_i32_0 = arith.constant 0 : i32
    return %arg0, %c0_i32 : i32, i32
  }
}

</mosaic_0001>

<sc_bundles>
// kernel: kernel.10.cloned.1.call-start
scs
__scs_entry_jumppad:
0x0: {  	(pc) =	sbr.rel $0x88, $3  }
0x1: {  	(tag) =	ssettag $0x0;
	lr =	simm.s32 $0x1  }
0x2: {  	[smem:$0x3F98] =	sst lr;
	_ =	strace $0xD0000000  }
0x3: {  	_ = 	snop  }
0x4: {  	_ = 	snop  }
0x5: {  	_ = 	snop  }
0x6: {  	_ = 	snop  }
0x7: {  	_ = 	snop  }
__scs_overlays_trampoline_lowered:
0x8: {  	[smem:$0x3FA7] =	sst s0  }
0x9: {  	[smem:$0x3FA8] =	sst s1  }
0xa: {  	[smem:$0x3FA9] =	sst s2  }
0xb: {  	[smem:$0x3FAA] =	sst s3  }
0xc: {  	[smem:$0x3FAB] =	sst s4  }
0xd: {  	[smem:$0x3FAC] =	sst s5  }
0xe: {  	[smem:$0x3FAD] =	sst s6  }
0xf: {  	[smem:$0x3FAE] =	sst s7  }
0x10: {  	[smem:$0x3FAF] =	sst s8  }
0x11: {  	[smem:$0x3FB0] =	sst s9;
	s0 =	simm.s32 @!p0 $0x0  }
0x12: {  	s1 =	sld [smem:$0x3F96];
	s0 =	simm.s32 @p0 $0x1  }
0x13: {  	[smem:$0x3FB1] =	sst s0;
	s0 =	simm.s32 @!p1 $0x0  }
0x14: {  	s2 =	sld [smem:$0x3F95];
	s0 =	simm.s32 @p1 $0x1  }
0x15: {  	[smem:$0x3FB2] =	sst s0;
	s0 =	simm.s32 @!p2 $0x0  }
0x16: {  	s3 =	sld [smem:$0x3FDB];
	s0 =	simm.s32 @p2 $0x1  }
0x17: {  	s4 =	simm.s32 $0x1BF5;
	[smem:$0x3FB4] =	sst s0  }
0x18: {  	s0 =	sld [smem:$0x3F97];
	_ =	swait.ge [sflag:s4], $0x0  }
0x19: {  	s7 =	sld [smem:$0x3F98]  }
0x1a: {  	s8 =	sadd.s32 $0xFFFFE003, lr  }
0x1b: {  	s9 =	sadd.s32 $0xFFFFFEF7, lr;
	s5 =	simm.s32 $0xFFFFFFFF;
	p2 =	slt.u32 s8, $0xFFFFF086  }
0x1c: {  	p1 =	slt.u32 s9, $0xF7A;
	s5 =	simm.s32 @!p2 $0x0  }
0x1d: {  	s5 =	simm.s32 @p1 $0x1;
	p0 =	seq.s32 s7, s2  }
0x1e: {  	s7 =	smul.u32 @!p0 $0xF7A, s2;
	p2 =	seq.s32 @!p0 s5, $0x0  }
0x1f: {  	s9 =	smul.u32 $0xF7A, s1;
	s8 =	simm.s32 @!p0 $0x1BF5;
	p2 =	por !p2, p0  }
0x20: {  	[sflag:s8] =	ssyncset.s32 @!p0 $0xFFFFF086;
	s6 =	sadd.s32 @!p0 s3, s7;
	s7 =	simm.s32 @!p0 $0x108  }
0x21: {  	s3 =	sadd.s32 s3, s9;
	s6 =	sadd.s32 @!p0 $0x88, s6;
	s7 =	simm.s32 @p2 $0x1082  }
0x22: {  	[simem:s7], [sflag:s8] =	dma.local @!p0 [hbm:s6], $0xF7A  }
0x23: {  	s9 =	sor.u32 $0xD0000000, s2;
	s6 =	simm.s32 $0x108;
	_ =	swait.ge @!p0 [sflag:s8], $0x0  }
0x24: {  	s3 =	sadd.s32 $0x88, s3;
	s6 =	simm.s32 @!p1 $0x1082;
	[sflag:s4] =	ssyncset.s32 $0xFFFFF086  }
0x25: {  	[simem:s6], [sflag:s4] =	dma.local [hbm:s3], $0xF7A  }
0x26: {  	[smem:$0x3F98] =	sst s1;
	(tag) =	ssettag s2;
	_ =	strace s9  }
0x27: {  	s1 =	sld [smem:$0x3FA8]  }
0x28: {  	s2 =	sld [smem:$0x3FA9]  }
0x29: {  	s4 =	sld [smem:$0x3FAB]  }
0x2a: {  	p0 =	seq.s32 s5, $0x0;
	s5 =	sld [smem:$0x3FAC]  }
0x2b: {  	s6 =	sld [smem:$0x3FAD]  }
0x2c: {  	s7 =	sld [smem:$0x3FAE]  }
0x2d: {  	s3 =	simm.s32 $0x108;
	s8 =	sld [smem:$0x3FAF]  }
0x2e: {  	s3 =	simm.s32 @!p0 $0x1082;
	s9 =	sld [smem:$0x3FB0]  }
0x2f: {  	lr =	sadd.s32 s0, s3;
	s0 =	sld [smem:$0x3FA7]  }
0x30: {  	s3 =	sld [smem:$0x3FAA]  }
0x31: {  	[smem:$0x3FB3] =	sst s10  }
0x32: {  	s10 =	sld [smem:$0x3FB1];
	_ =	sdelay $0x3  }
0x33: {  	p0 =	seq.s32 s10, $0x1;
	s10 =	sld [smem:$0x3FB3];
	_ =	sdelay $0x3  }
0x34: {  	[smem:$0x3FB3] =	sst s10  }
0x35: {  	s10 =	sld [smem:$0x3FB2];
	_ =	sdelay $0x3  }
0x36: {  	p1 =	seq.s32 s10, $0x1;
	s10 =	sld [smem:$0x3FB3];
	_ =	sdelay $0x3  }
0x37: {  	[smem:$0x3FB3] =	sst s10  }
0x38: {  	s10 =	sld [smem:$0x3FB4]  }
0x39: {  	_ = 	snop;
	(pc) =	sbr.ind lr, $3  }
0x3a: {  	_ = 	snop  }
0x3b: {  	_ = 	snop  }
0x3c: {  	p2 =	seq.s32 s10, $0x1;
	s10 =	sld [smem:$0x3FB3]  }
0x3d: {  	_ =	shalt  }
0x3e: {  	_ =	shalt  }
0x3f: {  	_ =	shalt  }
0x40: {  	_ =	shalt  }
0x41: {  	_ =	shalt  }
0x42: {  	_ =	shalt  }
0x43: {  	_ =	shalt  }
0x44: {  	_ =	shalt  }
0x45: {  	_ =	shalt  }
0x46: {  	_ =	shalt  }
0x47: {  	_ =	shalt  }
0x48: {  	_ =	shalt  }
0x49: {  	_ =	shalt  }
0x4a: {  	_ =	shalt  }
0x4b: {  	_ =	shalt  }
0x4c: {  	_ =	shalt  }
0x4d: {  	_ =	shalt  }
0x4e: {  	_ =	shalt  }
0x4f: {  	_ =	shalt  }
0x50: {  	_ =	shalt  }
0x51: {  	_ =	shalt  }
0x52: {  	_ =	shalt  }
0x53: {  	_ =	shalt  }
0x54: {  	_ =	shalt  }
0x55: {  	_ =	shalt  }
0x56: {  	_ =	shalt  }
0x57: {  	_ =	shalt  }
0x58: {  	_ =	shalt  }
0x59: {  	_ =	shalt  }
0x5a: {  	_ =	shalt  }
0x5b: {  	_ =	shalt  }
0x5c: {  	_ =	shalt  }
0x5d: {  	_ =	shalt  }
0x5e: {  	_ =	shalt  }
0x5f: {  	_ =	shalt  }
0x60: {  	_ =	shalt  }
0x61: {  	_ =	shalt  }
0x62: {  	_ =	shalt  }
0x63: {  	_ =	shalt  }
0x64: {  	_ =	shalt  }
0x65: {  	_ =	shalt  }
0x66: {  	_ =	shalt  }
0x67: {  	_ =	shalt  }
0x68: {  	_ =	shalt  }
0x69: {  	_ =	shalt  }
0x6a: {  	_ =	shalt  }
0x6b: {  	_ =	shalt  }
0x6c: {  	_ =	shalt  }
0x6d: {  	_ =	shalt  }
0x6e: {  	_ =	shalt  }
0x6f: {  	_ =	shalt  }
0x70: {  	_ =	shalt  }
0x71: {  	_ =	shalt  }
0x72: {  	_ =	shalt  }
0x73: {  	_ =	shalt  }
0x74: {  	_ =	shalt  }
0x75: {  	_ =	shalt  }
0x76: {  	_ =	shalt  }
0x77: {  	_ =	shalt  }
0x78: {  	_ =	shalt  }
0x79: {  	_ =	shalt  }
0x7a: {  	_ =	shalt  }
0x7b: {  	_ =	shalt  }
0x7c: {  	_ =	shalt  }
0x7d: {  	_ =	shalt  }
0x7e: {  	_ =	shalt  }
0x7f: {  	_ =	shalt  }
0x80: {  	_ =	shalt  }
0x81: {  	_ =	shalt  }
0x82: {  	_ =	shalt  }
0x83: {  	_ =	shalt  }
0x84: {  	_ =	shalt  }
0x85: {  	_ =	shalt  }
0x86: {  	_ =	shalt  }
0x87: {  	_ =	shalt  }
.Lfunc_end0:
.L_simem_size_0:
called_computation_lowered:
.L_overlay_start_0:
0x88: {  	s2 =	sld [smem:$0x3FD9]  }
0x89: {  	s3 =	sld [smem:$0x3FFE];
	_ =	sdelay $0x1  }
0x8a: {  	s1 =	srdreg.scid  }
0x8b: {  	s0 =	sand.u32 $0x1, s1  }
0x8c: {  	s16 =	sshll.u32 s0, $0xA;
	s2 =	sadd.s32 s3, s2  }
0x8d: {  	s2 =	sadd.s32 s2, s16  }
0x8e: {  	[smem:$0x3FBF] =	sst s2  }
0x8f: {  	_ = 	snop  }
0x90: {  	(tm) =	ssettm $0x1  }
0x91: {  	s17 =	sld [smem:$0x3FFB];
	_ =	sdelay $0x3  }
0x92: {  	_ =	strace s17  }
0x93: {  	s2 =	sld [smem:$0x3FFC];
	_ =	sdelay $0x3  }
0x94: {  	_ =	strace s2  }
0x95: {  	s2 =	sld [smem:$0x3FFD];
	_ =	sdelay $0x3  }
0x96: {  	_ =	strace s2  }
0x97: {  	_ =	strace $0x8FFFFFFF  }
0x98: {  	s18 =	sld [smem:$0x3FDB];
	_ =	sdelay $0x1  }
0x99: {  	s19 =	simm.s32 $_scs_section_size  }
0x9a: {  	s4 =	simm.s32 $_size__tile_overlayer_lowered;
	s5 =	simm.s32 $_tile_overlayer_lowered  }
0x9b: {  	s22 =	simm.s32 $0x1BFF;
	s21 =	sshll.u32 s5, $0x1;
	s2 =	sadd.s32 s19, s18  }
0x9c: {  	s6 =	simm.s32 $0x0;
	s20 =	sshll.u32 s4, $0x1;
	s4 =	sadd.s32 s21, s2  }
0x9d: {  	[timem:s6], [sflag:s22] =	dma.local [hbm:s4], s20  }
0x9e: {  	_ =	swait.ge [sflag:s22], s20  }
0x9f: {  	s3 =	ssub.s32 $0x0, s20;
	[sflag:s22] =	ssyncset.done $0x0  }
0xa0: {  	[sflag:s22] =	ssyncadd.s32 s3;
	_ =	sdelay $0x1  }
0xa1: {  	s23 =	simm.s32 $0x1B8B  }
0xa2: {  	_ =	swait.ge [sflag:s23], $0x1  }
0xa3: {  	[sflag:s23] =	ssyncset.done $0x0  }
0xa4: {  	s25 =	simm.s32 $0x1B8E;
	s24 =	sld [smem:$0x3FFE];
	[sflag:s23] =	ssyncadd.s32 $0xFFFFFFFF  }
0xa5: {  	s26 =	simm.s32 $execute0_lowered;
	[smem:$0x3FD2] =	sst s25  }
0xa6: {  	s4 =	sshll.u32 s26, $0x1;
	_ =	strace $0x80000046;
	[dreg:$0x1] =	wrdreg $0xFFFFFFFF  }
0xa7: {  	s28 =	simm.s32 $_size_execute0_lowered;
	s2 =	sadd.s32 s2, s4;
	[dreg:$0x0] =	wrdreg $0x0  }
0xa8: {  	s4 =	sshll.u32 s28, $0x1;
	[dreg:$0x2] =	wrdreg s2  }
0xa9: {  	[dreg:$0x3] =	wrdreg s4  }
0xaa: {  	[dreg:$0x4] =	wrdreg $0xC0  }
0xab: {  	_ =	task [dreg:s6], $0x5FFFF  }
0xac: {  	[dreg:$0x1] =	wrdreg $0xFFFFFFFF  }
0xad: {  	[dreg:$0x0] =	wrdreg $0x60  }
0xae: {  	[dreg:$0x2] =	wrdreg s24  }
0xaf: {  	[dreg:$0x3] =	wrdreg $0xC000  }
0xb0: {  	[dreg:$0x4] =	wrdreg $0x9  }
0xb1: {  	_ =	task.clear_ibuf [dreg:s6], $0x5FFFF;
	_ =	strace $0x90000046  }
0xb2: {  	s29 =	simm.s32 $0x9;
	_ =	strace $0x80000048  }
0xb3: {  	_ =	swait.ge [sflag:s29], $0x1  }
0xb4: {  	[sflag:s29] =	ssyncadd.s32 $0xFFFFFFFF  }
0xb5: {  	_ =	strace $0x90000048  }
0xb6: {  	_ =	sfence  }
0xb7: {  	s30 =	sld [smem:$0x0];
	_ =	sdelay $0x2  }
0xb8: {  	s31 =	sshll.u32 s1, $0xD;
	s1 =	sshrl.u32 s1, $0x2  }
0xb9: {  	s3 =	sand.u32 $0x4000, s31;
	s1 =	sadd.s32 s1, s30  }
0xba: {  	s0 =	sor.u32 s3, s0;
	s1 =	sshll.u32 s1, $0x11  }
0xbb: {  	s0 =	sor.u32 s1, s0  }
0xbc: {  	s0 =	sadd.s32 $0x8F2B, s0  }
0xbd: {  	[sflag:s0] =	ssyncadd.remote.s32 $0x1  }
0xbe: {  	_ =	sfence.sel $0xFFFF  }
0xbf: {  	[dreg:$0x0] =	wrdreg $0xFFFFFFFF;
	(pc) =	sbr.abs _section_cstart, $3  }
0xc0: {  	[dreg:$0x1] =	wrdreg $0xFFFFFFFF  }
0xc1: {  	_ =	task.clear_ibuf [dreg:s6], $0x2FFFF;
	_ =	strace $0x9FFFFFFF  }
0xc2: {  	(tm) =	ssettm $0x7FFFFFFF  }
0xc3: {  	_ =	shalt  }
tec
execute0_lowered:
.L_overlay_start_1:
0x0: {  	(tag) =	ssettag $0x1  }
0x1: {  	s0 =	srdreg.scid;
	s1 =	rddreg [dreg:$0x0]  }
0x2: {  	s6 =	stileid.u32;
	s2 =	rddreg [dreg:$0x1]  }
0x3: {  	s3 =	simm.s32 $0x0;
	s28 =	simm.s32 $0x980;
	s29 =	simm.s32 $0x180  }
0x4: {  	s30 =	simm.s32 $0xA00;
	s31 =	simm.s32 $0x200;
	s5 =	smul.u32 $0x18800, s6  }
0x5: {  	s12 =	simm.s32 $0x300;
	s0 =	sand.u32 $0x1, s0;
	s6 =	smul.u32 $0x1900, s6  }
0x6: {  	s13 =	simm.s32 $0xB80;
	s14 =	simm.s32 $0x380;
	s4 =	smul.u32 $0x188000, s0  }
0x7: {  	[smem:$0x7FF] =	sst s3;
	s7 =	smul.u32 $0x19000, s0;
	s0 =	ssub.s32 $0x2, s0  }
0x8: {  	s15 =	simm.s32 $0x0;
	_ =	strace $0x80000047;
	s19 =	sshrl.u32 s0, $0x1  }
0x9: {  	s4 =	sadd.s32 s5, s4;
	s17 =	sadd.s32 s6, s7;
	s0 =	ssub.s32 s0, s19  }
0xa: {  	s4 =	sshrl.u32 s4, $0x3;
	s18 =	sshrl.u32 s17, $0x3;
	s0 =	smax.u32 s0, $0x1  }
0xb: {  	s11 =	sadd.s32 s4, s1;
	s1 =	sadd.s32 s18, s1;
	s4 =	sadd.s32 s6, s2  }
0xc: {  	[dreg:$0xb] =	wrdreg s0;
	s0 =	simm.s32 $0x280;
	s20 =	sadd.s32 $0x400, s4  }
0xd: {  	s6 =	sadd.s32 $0x800, s4;
	s21 =	sadd.s32 $0x64C00, s1;
	[dreg:$0x3] =	wrdreg s20  }
0xe: {  	s7 =	sadd.s32 $0xC00, s4;
	s22 =	sadd.s32 $0x64C80, s1;
	[dreg:$0x4] =	wrdreg s21  }
0xf: {  	s8 =	sadd.s32 $0x1000, s4;
	s23 =	sadd.s32 $0x64D00, s1;
	[dreg:$0x5] =	wrdreg s22  }
0x10: {  	s9 =	sadd.s32 $0x1400, s4;
	s24 =	sadd.s32 $0x64D80, s1;
	[dreg:$0x6] =	wrdreg s23  }
0x11: {  	s10 =	sadd.s32 $0x1800, s4;
	s25 =	sadd.s32 $0x64E00, s1;
	[dreg:$0x7] =	wrdreg s24  }
0x12: {  	s26 =	sadd.s32 $0x64E80, s1;
	s1 =	sadd.s32 $0x64F00, s1;
	[dreg:$0x8] =	wrdreg s25  }
0x13: {  	s19 =	sadd.s32 $0x2C00, s11;
	s11 =	simm.s32 $0xB00;
	[dreg:$0x9] =	wrdreg s26  }
0x14: {  	[dreg:$0xa] =	wrdreg s1;
	s20 =	simm.s32 $0x400;
	s21 =	simm.s32 $0x1  }
0x15: {  	s22 =	simm.s32 $0x800;
	s23 =	simm.s32 $0x80;
	s24 =	simm.s32 $0x880  }
0x16: {  	v0 =	vimm.f32 $1.000000000e+00;
	v1 =	vimm.f32 $0.0e+00;
	s25 =	simm.s32 $0x900;
	s26 =	simm.s32 $0x100;
	s1 =	simm.s32 $0xA80  }
.LBB2_1:
0x17: {  	s16 =	simm.s32 $0x40;
	s17 =	simm.s32 $0x0  }
.LBB2_2:
0x18: {  	p0 =	sne.s32 s16, $0xFC0;
	[tilespmem:s17+$0x0] =	vst v0;
	s18 =	smov.u32 s16;
	s16 =	sadd.s32 $0x40, s16  }
.Ltmp0:
0x19: {  	[tilespmem:s17+$0x400] =	vst v1;
	(pc) =	sbr.rel @p0 .LBB2_2-.Ltmp0, $2  }
0x1a: {  	_ =	sdelay $0x2  }
0x1b: {  	s17 =	sshra.s32 s18, $0x2  }
0x1c: {  	[tilespmem:s17+$0x0] =	vst v0  }
0x1d: {  	[tilespmem:s17+$0x400] =	vst v1  }
0x1e: {  	[spmem:s4] =	stream.linear.scatter [tilespmem:s20], [sflag:$0x1], $0x400, $0x38;
	[tilespmem:$0x2500] =	vst v63  }
0x1f: {  	_ =	swait.ge [sflag:s21], $0x400  }
0x20: {  	[sflag:s21] =	ssyncset.done $0x0  }
0x21: {  	s5 =	rddreg [dreg:$0x3];
	[sflag:s21] =	ssyncadd.s32 $0xFFFFFC00  }
0x22: {  	[spmem:s5] =	stream.linear.scatter [tilespmem:s20], [sflag:$0x1], $0x400, $0x38;
	[tilespmem:$0x2500] =	vst v63  }
0x23: {  	_ =	swait.ge [sflag:s21], $0x400  }
0x24: {  	[sflag:s21] =	ssyncset.done $0x0  }
0x25: {  	[sflag:s21] =	ssyncadd.s32 $0xFFFFFC00  }
0x26: {  	[spmem:s6] =	stream.linear.scatter [tilespmem:s20], [sflag:$0x1], $0x400, $0x38;
	[tilespmem:$0x2500] =	vst v63  }
0x27: {  	_ =	swait.ge [sflag:s21], $0x400  }
0x28: {  	[sflag:s21] =	ssyncset.done $0x0  }
0x29: {  	[sflag:s21] =	ssyncadd.s32 $0xFFFFFC00  }
0x2a: {  	[spmem:s7] =	stream.linear.scatter [tilespmem:s20], [sflag:$0x1], $0x400, $0x38;
	[tilespmem:$0x2500] =	vst v63  }
0x2b: {  	_ =	swait.ge [sflag:s21], $0x400  }
0x2c: {  	[sflag:s21] =	ssyncset.done $0x0  }
0x2d: {  	[sflag:s21] =	ssyncadd.s32 $0xFFFFFC00  }
0x2e: {  	[spmem:s8] =	stream.linear.scatter [tilespmem:s20], [sflag:$0x1], $0x400, $0x38;
	[tilespmem:$0x2500] =	vst v63  }
0x2f: {  	_ =	swait.ge [sflag:s21], $0x400  }
0x30: {  	[sflag:s21] =	ssyncset.done $0x0  }
0x31: {  	[sflag:s21] =	ssyncadd.s32 $0xFFFFFC00  }
0x32: {  	[spmem:s9] =	stream.linear.scatter [tilespmem:s20], [sflag:$0x1], $0x400, $0x38;
	[tilespmem:$0x2500] =	vst v63  }
0x33: {  	_ =	swait.ge [sflag:s21], $0x400  }
0x34: {  	[sflag:s21] =	ssyncset.done $0x0  }
0x35: {  	[sflag:s21] =	ssyncadd.s32 $0xFFFFFC00  }
0x36: {  	[spmem:s10] =	stream.linear.scatter [tilespmem:s20], [sflag:$0x1], $0x100, $0x38;
	[tilespmem:$0x2500] =	vst v63  }
0x37: {  	_ =	swait.ge [sflag:s21], $0x100  }
0x38: {  	[sflag:s21] =	ssyncset.done $0x0  }
0x39: {  	[sflag:s21] =	ssyncadd.s32 $0xFFFFFF00  }
0x3a: {  	s16 =	sadd.s32 $0x0, s19;
	[bflag:$0x0] =	sbarrier.arrive $0xFFFF  }
0x3b: {  	[tilespmem:s22], [sflag:$0x1] =	stream.linear.gather [hbm4b:s16+s3], $0x400, $0x38;
	[tilespmem:$0x2500] =	vst v63  }
0x3c: {  	_ =	swait.ge [sflag:s21], $0x400  }
0x3d: {  	[sflag:s21] =	ssyncset.done $0x0  }
0x3e: {  	[sflag:s21] =	ssyncadd.s32 $0xFFFFFC00  }
0x3f: {  	[spmem:s2] =	stream.indirect.scatter.add.f32 [tilespmem:s3], [sflag:$0x1], $0x1, s22, s23, $0xb8;
	[tilespmem:$0x2500] =	vst v63  }
0x40: {  	_ =	swait.ge [sflag:s21], $0x80  }
0x41: {  	[sflag:s21] =	ssyncset.done $0x0  }
0x42: {  	[sflag:s21] =	ssyncadd.s32 $0xFFFFFF80  }
0x43: {  	[spmem:s2] =	stream.indirect.scatter.add.f32 [tilespmem:s23], [sflag:$0x1], $0x1, s24, s23, $0xb8;
	[tilespmem:$0x2500] =	vst v63  }
0x44: {  	_ =	swait.ge [sflag:s21], $0x80  }
0x45: {  	[sflag:s21] =	ssyncset.done $0x0  }
0x46: {  	[sflag:s21] =	ssyncadd.s32 $0xFFFFFF80  }
0x47: {  	[spmem:s2] =	stream.indirect.scatter.add.f32 [tilespmem:s26], [sflag:$0x1], $0x1, s25, s23, $0xb8;
	[tilespmem:$0x2500] =	vst v63  }
0x48: {  	_ =	swait.ge [sflag:s21], $0x80  }
0x49: {  	[sflag:s21] =	ssyncset.done $0x0  }
0x4a: {  	[sflag:s21] =	ssyncadd.s32 $0xFFFFFF80  }
0x4b: {  	[spmem:s2] =	stream.indirect.scatter.add.f32 [tilespmem:s29], [sflag:$0x1], $0x1, s28, s23, $0xb8;
	[tilespmem:$0x2500] =	vst v63  }
0x4c: {  	_ =	swait.ge [sflag:s21], $0x80  }
0x4d: {  	[sflag:s21] =	ssyncset.done $0x0  }
0x4e: {  	[sflag:s21] =	ssyncadd.s32 $0xFFFFFF80  }
0x4f: {  	[spmem:s2] =	stream.indirect.scatter.add.f32 [tilespmem:s31], [sflag:$0x1], $0x1, s30, s23, $0xb8;
	[tilespmem:$0x2500] =	vst v63  }
0x50: {  	_ =	swait.ge [sflag:s21], $0x80  }
0x51: {  	[sflag:s21] =	ssyncset.done $0x0  }
0x52: {  	[sflag:s21] =	ssyncadd.s32 $0xFFFFFF80  }
0x53: {  	[spmem:s2] =	stream.indirect.scatter.add.f32 [tilespmem:s0], [sflag:$0x1], $0x1, s1, s23, $0xb8;
	[tilespmem:$0x2500] =	vst v63  }
0x54: {  	_ =	swait.ge [sflag:s21], $0x80  }
0x55: {  	[sflag:s21] =	ssyncset.done $0x0  }
0x56: {  	[sflag:s21] =	ssyncadd.s32 $0xFFFFFF80  }
0x57: {  	[spmem:s2] =	stream.indirect.scatter.add.f32 [tilespmem:s12], [sflag:$0x1], $0x1, s11, s23, $0xb8;
	[tilespmem:$0x2500] =	vst v63  }
0x58: {  	_ =	swait.ge [sflag:s21], $0x80  }
0x59: {  	[sflag:s21] =	ssyncset.done $0x0  }
0x5a: {  	[sflag:s21] =	ssyncadd.s32 $0xFFFFFF80  }
0x5b: {  	[spmem:s2] =	stream.indirect.scatter.add.f32 [tilespmem:s14], [sflag:$0x1], $0x1, s13, s23, $0xb8;
	[tilespmem:$0x2500] =	vst v63  }
0x5c: {  	_ =	swait.ge [sflag:s21], $0x80  }
0x5d: {  	s17 =	simm.s32 $0x100;
	s16 =	simm.s32 $0x80;
	[sflag:s21] =	ssyncset.done $0x0  }
.LBB2_4:
0x5e: {  	s5 =	sadd.s32 s16, s19  }
0x5f: {  	[sflag:s21] =	ssyncadd.s32 $0xFFFFFF80;
	s16 =	smov.u32 s17;
	s18 =	sadd.s32 $0x80, s17  }
0x60: {  	[tilespmem:s22], [sflag:$0x1] =	stream.linear.gather [hbm4b:s5+s3], $0x400, $0x38;
	[tilespmem:$0x2500] =	vst v63  }
0x61: {  	p0 =	sne.s32 s17, $0x3080;
	_ =	swait.ge [sflag:s21], $0x400  }
0x62: {  	[sflag:s21] =	ssyncset.done $0x0  }
0x63: {  	[sflag:s21] =	ssyncadd.s32 $0xFFFFFC00  }
0x64: {  	[spmem:s2] =	stream.indirect.scatter.add.f32 [tilespmem:s3], [sflag:$0x1], $0x1, s22, s23, $0xb8;
	[tilespmem:$0x2500] =	vst v63  }
0x65: {  	_ =	swait.ge [sflag:s21], $0x80  }
0x66: {  	[sflag:s21] =	ssyncset.done $0x0  }
0x67: {  	[sflag:s21] =	ssyncadd.s32 $0xFFFFFF80  }
0x68: {  	[spmem:s2] =	stream.indirect.scatter.add.f32 [tilespmem:s23], [sflag:$0x1], $0x1, s24, s23, $0xb8;
	[tilespmem:$0x2500] =	vst v63  }
0x69: {  	_ =	swait.ge [sflag:s21], $0x80  }
0x6a: {  	[sflag:s21] =	ssyncset.done $0x0  }
0x6b: {  	[sflag:s21] =	ssyncadd.s32 $0xFFFFFF80  }
0x6c: {  	[spmem:s2] =	stream.indirect.scatter.add.f32 [tilespmem:s26], [sflag:$0x1], $0x1, s25, s23, $0xb8;
	[tilespmem:$0x2500] =	vst v63  }
0x6d: {  	_ =	swait.ge [sflag:s21], $0x80  }
0x6e: {  	[sflag:s21] =	ssyncset.done $0x0  }
0x6f: {  	[sflag:s21] =	ssyncadd.s32 $0xFFFFFF80  }
0x70: {  	[spmem:s2] =	stream.indirect.scatter.add.f32 [tilespmem:s29], [sflag:$0x1], $0x1, s28, s23, $0xb8;
	[tilespmem:$0x2500] =	vst v63  }
0x71: {  	_ =	swait.ge [sflag:s21], $0x80  }
0x72: {  	[sflag:s21] =	ssyncset.done $0x0  }
0x73: {  	[sflag:s21] =	ssyncadd.s32 $0xFFFFFF80  }
0x74: {  	[spmem:s2] =	stream.indirect.scatter.add.f32 [tilespmem:s31], [sflag:$0x1], $0x1, s30, s23, $0xb8;
	[tilespmem:$0x2500] =	vst v63  }
0x75: {  	_ =	swait.ge [sflag:s21], $0x80  }
0x76: {  	[sflag:s21] =	ssyncset.done $0x0  }
0x77: {  	[sflag:s21] =	ssyncadd.s32 $0xFFFFFF80  }
0x78: {  	[spmem:s2] =	stream.indirect.scatter.add.f32 [tilespmem:s0], [sflag:$0x1], $0x1, s1, s23, $0xb8;
	[tilespmem:$0x2500] =	vst v63  }
0x79: {  	_ =	swait.ge [sflag:s21], $0x80  }
0x7a: {  	[sflag:s21] =	ssyncset.done $0x0  }
0x7b: {  	[sflag:s21] =	ssyncadd.s32 $0xFFFFFF80  }
0x7c: {  	[spmem:s2] =	stream.indirect.scatter.add.f32 [tilespmem:s12], [sflag:$0x1], $0x1, s11, s23, $0xb8;
	[tilespmem:$0x2500] =	vst v63  }
0x7d: {  	_ =	swait.ge [sflag:s21], $0x80  }
.Ltmp1:
0x7e: {  	[sflag:s21] =	ssyncset.done $0x0;
	(pc) =	sbr.rel @p0 .LBB2_4-.Ltmp1, $4  }
0x7f: {  	[sflag:s21] =	ssyncadd.s32 $0xFFFFFF80  }
0x80: {  	[spmem:s2] =	stream.indirect.scatter.add.f32 [tilespmem:s14], [sflag:$0x1], $0x1, s13, s23, $0xb8;
	[tilespmem:$0x2500] =	vst v63  }
0x81: {  	_ =	swait.ge [sflag:s21], $0x80  }
0x82: {  	s17 =	smov.u32 s18;
	[sflag:s21] =	ssyncset.done $0x0  }
0x83: {  	s5 =	sadd.s32 s16, s19;
	[sflag:s21] =	ssyncadd.s32 $0xFFFFFF80  }
0x84: {  	[tilespmem:s22], [sflag:$0x1] =	stream.linear.gather [hbm4b:s5+s3], $0x400, $0x38;
	[tilespmem:$0x2500] =	vst v63  }
0x85: {  	_ =	swait.ge [sflag:s21], $0x400  }
0x86: {  	[sflag:s21] =	ssyncset.done $0x0  }
0x87: {  	[sflag:s21] =	ssyncadd.s32 $0xFFFFFC00  }
0x88: {  	[spmem:s2] =	stream.indirect.scatter.add.f32 [tilespmem:s3], [sflag:$0x1], $0x1, s22, s23, $0xb8;
	[tilespmem:$0x2500] =	vst v63  }
0x89: {  	_ =	swait.ge [sflag:s21], $0x80  }
0x8a: {  	[sflag:s21] =	ssyncset.done $0x0  }
0x8b: {  	[sflag:s21] =	ssyncadd.s32 $0xFFFFFF80  }
0x8c: {  	[spmem:s2] =	stream.indirect.scatter.add.f32 [tilespmem:s23], [sflag:$0x1], $0x1, s24, s23, $0xb8;
	[tilespmem:$0x2500] =	vst v63  }
0x8d: {  	_ =	swait.ge [sflag:s21], $0x80  }
0x8e: {  	[sflag:s21] =	ssyncset.done $0x0  }
0x8f: {  	[sflag:s21] =	ssyncadd.s32 $0xFFFFFF80  }
0x90: {  	[spmem:s2] =	stream.indirect.scatter.add.f32 [tilespmem:s26], [sflag:$0x1], $0x1, s25, s23, $0xb8;
	[tilespmem:$0x2500] =	vst v63  }
0x91: {  	_ =	swait.ge [sflag:s21], $0x80  }
0x92: {  	[sflag:s21] =	ssyncset.done $0x0  }
0x93: {  	[sflag:s21] =	ssyncadd.s32 $0xFFFFFF80  }
0x94: {  	[spmem:s2] =	stream.indirect.scatter.add.f32 [tilespmem:s29], [sflag:$0x1], $0x1, s28, s23, $0xb8;
	[tilespmem:$0x2500] =	vst v63  }
0x95: {  	_ =	swait.ge [sflag:s21], $0x80  }
0x96: {  	[sflag:s21] =	ssyncset.done $0x0  }
0x97: {  	[sflag:s21] =	ssyncadd.s32 $0xFFFFFF80  }
0x98: {  	[spmem:s2] =	stream.indirect.scatter.add.f32 [tilespmem:s31], [sflag:$0x1], $0x1, s30, s23, $0xb8;
	[tilespmem:$0x2500] =	vst v63  }
0x99: {  	_ =	swait.ge [sflag:s21], $0x80  }
0x9a: {  	[sflag:s21] =	ssyncset.done $0x0  }
0x9b: {  	[sflag:s21] =	ssyncadd.s32 $0xFFFFFF80  }
0x9c: {  	[spmem:s2] =	stream.indirect.scatter.add.f32 [tilespmem:s0], [sflag:$0x1], $0x1, s1, s23, $0xb8;
	[tilespmem:$0x2500] =	vst v63  }
0x9d: {  	_ =	swait.ge [sflag:s21], $0x80  }
0x9e: {  	[sflag:s21] =	ssyncset.done $0x0  }
0x9f: {  	[sflag:s21] =	ssyncadd.s32 $0xFFFFFF80  }
0xa0: {  	[spmem:s2] =	stream.indirect.scatter.add.f32 [tilespmem:s12], [sflag:$0x1], $0x1, s11, s23, $0xb8;
	[tilespmem:$0x2500] =	vst v63  }
0xa1: {  	_ =	swait.ge [sflag:s21], $0x80  }
0xa2: {  	[sflag:s21] =	ssyncset.done $0x0  }
0xa3: {  	[sflag:s21] =	ssyncadd.s32 $0xFFFFFF80  }
0xa4: {  	[spmem:s2] =	stream.indirect.scatter.add.f32 [tilespmem:s14], [sflag:$0x1], $0x1, s13, s23, $0xb8;
	[tilespmem:$0x2500] =	vst v63  }
0xa5: {  	_ =	swait.ge [sflag:s21], $0x80  }
0xa6: {  	[sflag:s21] =	ssyncset.done $0x0  }
0xa7: {  	s17 =	stileid.u32;
	[sflag:s21] =	ssyncadd.s32 $0xFFFFFF80  }
0xa8: {  	s5 =	sshll.u32 s17, $0x6;
	[bflag:$0x0] =	sbarrier.arrive $0xFFFF  }
0xa9: {  	s18 =	sshrl.u32 s4, $0x3;
	s5 =	sor.u32 $0x1C01, s5;
	s17 =	rddreg [dreg:$0x4]  }
0xaa: {  	[hbm:s17], [sflag:s5] =	dma.local [spmem:s18], $0x80  }
0xab: {  	_ =	swait.ge [sflag:s21], $0x80  }
0xac: {  	[sflag:s21] =	ssyncset.done $0x0;
	s17 =	rddreg [dreg:$0x3]  }
0xad: {  	s18 =	rddreg [dreg:$0x5];
	[sflag:s21] =	ssyncadd.s32 $0xFFFFFF80;
	s16 =	sshrl.u32 s17, $0x3  }
0xae: {  	[hbm:s18], [sflag:s5] =	dma.local [spmem:s16], $0x80  }
0xaf: {  	_ =	swait.ge [sflag:s21], $0x80  }
0xb0: {  	[sflag:s21] =	ssyncset.done $0x0  }
0xb1: {  	s17 =	sshrl.u32 s6, $0x3;
	s18 =	rddreg [dreg:$0x6];
	[sflag:s21] =	ssyncadd.s32 $0xFFFFFF80  }
0xb2: {  	[hbm:s18], [sflag:s5] =	dma.local [spmem:s17], $0x80  }
0xb3: {  	_ =	swait.ge [sflag:s21], $0x80  }
0xb4: {  	[sflag:s21] =	ssyncset.done $0x0  }
0xb5: {  	s17 =	sshrl.u32 s7, $0x3;
	s18 =	rddreg [dreg:$0x7];
	[sflag:s21] =	ssyncadd.s32 $0xFFFFFF80  }
0xb6: {  	[hbm:s18], [sflag:s5] =	dma.local [spmem:s17], $0x80  }
0xb7: {  	_ =	swait.ge [sflag:s21], $0x80  }
0xb8: {  	[sflag:s21] =	ssyncset.done $0x0  }
0xb9: {  	s17 =	sshrl.u32 s8, $0x3;
	s18 =	rddreg [dreg:$0x8];
	[sflag:s21] =	ssyncadd.s32 $0xFFFFFF80  }
0xba: {  	[hbm:s18], [sflag:s5] =	dma.local [spmem:s17], $0x80  }
0xbb: {  	_ =	swait.ge [sflag:s21], $0x80  }
0xbc: {  	[sflag:s21] =	ssyncset.done $0x0  }
0xbd: {  	s17 =	sshrl.u32 s9, $0x3;
	s18 =	rddreg [dreg:$0x9];
	[sflag:s21] =	ssyncadd.s32 $0xFFFFFF80  }
0xbe: {  	[hbm:s18], [sflag:s5] =	dma.local [spmem:s17], $0x80  }
0xbf: {  	_ =	swait.ge [sflag:s21], $0x80  }
0xc0: {  	[sflag:s21] =	ssyncset.done $0x0  }
0xc1: {  	s17 =	sshrl.u32 s10, $0x3;
	s18 =	rddreg [dreg:$0xa];
	[sflag:s21] =	ssyncadd.s32 $0xFFFFFF80  }
0xc2: {  	[hbm:s18], [sflag:s5] =	dma.local [spmem:s17], $0x20  }
0xc3: {  	_ =	swait.ge [sflag:s21], $0x20  }
0xc4: {  	s15 =	sadd.s32 $0x1, s15;
	s18 =	rddreg [dreg:$0xb]  }
0xc5: {  	p0 =	sne.s32 s15, s18  }
.Ltmp2:
0xc6: {  	_ = 	snop;
	(pc) =	sbr.rel @p0 .LBB2_1-.Ltmp2, $3  }
0xc7: {  	_ =	sdelay $0x1  }
0xc8: {  	[sflag:s21] =	ssyncset.done $0x0  }
0xc9: {  	[sflag:s21] =	ssyncadd.s32 $0xFFFFFFE0  }
0xca: {  	_ =	sfence.sel $0x180000  }
0xcb: {  	[bflag:$0x0] =	sbarrier.arrive $0xFFFF  }
0xcc: {  	_ =	strace $0x90000047  }
0xcd: {  	s0 =	stileid.u32;
	[bflag:$0x2] =	sbarrier.arrive $0xFFFF  }
0xce: {  	p0 =	sne.s32 s0, $0x0;
	s0 =	rddreg [dreg:$0x2]  }
0xcf: {  	s0 =	sadd.s32 @!p0 $0x100000, s0  }
0xd0: {  	[sflag:s0] =	ssyncadd.tile.s32 @!p0 $0x1;
	_ =	shalt  }
.Lfunc_end2:
_tile_overlayer_lowered:
.L_overlay_start_2:
0xd1: {  	(tag) =	ssettag $0x2  }
0xd2: {  	s0 =	rddreg [dreg:$0x0];
	s2 =	stileid.u32  }
0xd3: {  	s1 =	rddreg [dreg:$0x1];
	p0 =	sne.s32 s2, $0x0  }
0xd4: {  	s3 =	rddreg [dreg:$0x2];
	[bflag:$0x3] =	sbarrier.arrive $0xFFFF;
	s2 =	simm.s32 @!p0 $0x1C01  }
0xd5: {  	[timem:s3], [sflag:s2] =	dma.local @!p0 [hbm:s0], s1  }
0xd6: {  	s0 =	simm.s32 @!p0 $0x1  }
0xd7: {  	_ =	swait.ge @!p0 [sflag:s0], s1  }
0xd8: {  	s1 =	ssub.s32 @!p0 $0x0, s1;
	[sflag:s0] =	ssyncset.done @!p0 $0x0  }
0xd9: {  	[sflag:s0] =	ssyncadd.s32 @!p0 s1  }
0xda: {  	[bflag:$0x3] =	sbarrier.arrive $0xFFFF  }
0xdb: {  	_ =	shalt  }

// kernel: kernel.13.cloned.1.call-start
scs
__scs_entry_jumppad:
0x0: {  	(pc) =	sbr.rel $0x88, $3  }
0x1: {  	(tag) =	ssettag $0x0;
	lr =	simm.s32 $0x1  }
0x2: {  	[smem:$0x3F98] =	sst lr;
	_ =	strace $0xD0000000  }
0x3: {  	_ = 	snop  }
0x4: {  	_ = 	snop  }
0x5: {  	_ = 	snop  }
0x6: {  	_ = 	snop  }
0x7: {  	_ = 	snop  }
__scs_overlays_trampoline_lowered:
0x8: {  	[smem:$0x3FA7] =	sst s0  }
0x9: {  	[smem:$0x3FA8] =	sst s1  }
0xa: {  	[smem:$0x3FA9] =	sst s2  }
0xb: {  	[smem:$0x3FAA] =	sst s3  }
0xc: {  	[smem:$0x3FAB] =	sst s4  }
0xd: {  	[smem:$0x3FAC] =	sst s5  }
0xe: {  	[smem:$0x3FAD] =	sst s6  }
0xf: {  	[smem:$0x3FAE] =	sst s7  }
0x10: {  	[smem:$0x3FAF] =	sst s8  }
0x11: {  	[smem:$0x3FB0] =	sst s9;
	s0 =	simm.s32 @!p0 $0x0  }
0x12: {  	s1 =	sld [smem:$0x3F96];
	s0 =	simm.s32 @p0 $0x1  }
0x13: {  	[smem:$0x3FB1] =	sst s0;
	s0 =	simm.s32 @!p1 $0x0  }
0x14: {  	s2 =	sld [smem:$0x3F95];
	s0 =	simm.s32 @p1 $0x1  }
0x15: {  	[smem:$0x3FB2] =	sst s0;
	s0 =	simm.s32 @!p2 $0x0  }
0x16: {  	s3 =	sld [smem:$0x3FDB];
	s0 =	simm.s32 @p2 $0x1  }
0x17: {  	s4 =	simm.s32 $0x1BF5;
	[smem:$0x3FB4] =	sst s0  }
0x18: {  	s0 =	sld [smem:$0x3F97];
	_ =	swait.ge [sflag:s4], $0x0  }
0x19: {  	s7 =	sld [smem:$0x3F98]  }
0x1a: {  	s8 =	sadd.s32 $0xFFFFE003, lr  }
0x1b: {  	s9 =	sadd.s32 $0xFFFFFEF7, lr;
	s5 =	simm.s32 $0xFFFFFFFF;
	p2 =	slt.u32 s8, $0xFFFFF086  }
0x1c: {  	p1 =	slt.u32 s9, $0xF7A;
	s5 =	simm.s32 @!p2 $0x0  }
0x1d: {  	s5 =	simm.s32 @p1 $0x1;
	p0 =	seq.s32 s7, s2  }
0x1e: {  	s7 =	smul.u32 @!p0 $0xF7A, s2;
	p2 =	seq.s32 @!p0 s5, $0x0  }
0x1f: {  	s9 =	smul.u32 $0xF7A, s1;
	s8 =	simm.s32 @!p0 $0x1BF5;
	p2 =	por !p2, p0  }
0x20: {  	[sflag:s8] =	ssyncset.s32 @!p0 $0xFFFFF086;
	s6 =	sadd.s32 @!p0 s3, s7;
	s7 =	simm.s32 @!p0 $0x108  }
0x21: {  	s3 =	sadd.s32 s3, s9;
	s6 =	sadd.s32 @!p0 $0x88, s6;
	s7 =	simm.s32 @p2 $0x1082  }
0x22: {  	[simem:s7], [sflag:s8] =	dma.local @!p0 [hbm:s6], $0xF7A  }
0x23: {  	s9 =	sor.u32 $0xD0000000, s2;
	s6 =	simm.s32 $0x108;
	_ =	swait.ge @!p0 [sflag:s8], $0x0  }
0x24: {  	s3 =	sadd.s32 $0x88, s3;
	s6 =	simm.s32 @!p1 $0x1082;
	[sflag:s4] =	ssyncset.s32 $0xFFFFF086  }
0x25: {  	[simem:s6], [sflag:s4] =	dma.local [hbm:s3], $0xF7A  }
0x26: {  	[smem:$0x3F98] =	sst s1;
	(tag) =	ssettag s2;
	_ =	strace s9  }
0x27: {  	s1 =	sld [smem:$0x3FA8]  }
0x28: {  	s2 =	sld [smem:$0x3FA9]  }
0x29: {  	s4 =	sld [smem:$0x3FAB]  }
0x2a: {  	p0 =	seq.s32 s5, $0x0;
	s5 =	sld [smem:$0x3FAC]  }
0x2b: {  	s6 =	sld [smem:$0x3FAD]  }
0x2c: {  	s7 =	sld [smem:$0x3FAE]  }
0x2d: {  	s3 =	simm.s32 $0x108;
	s8 =	sld [smem:$0x3FAF]  }
0x2e: {  	s3 =	simm.s32 @!p0 $0x1082;
	s9 =	sld [smem:$0x3FB0]  }
0x2f: {  	lr =	sadd.s32 s0, s3;
	s0 =	sld [smem:$0x3FA7]  }
0x30: {  	s3 =	sld [smem:$0x3FAA]  }
0x31: {  	[smem:$0x3FB3] =	sst s10  }
0x32: {  	s10 =	sld [smem:$0x3FB1];
	_ =	sdelay $0x3  }
0x33: {  	p0 =	seq.s32 s10, $0x1;
	s10 =	sld [smem:$0x3FB3];
	_ =	sdelay $0x3  }
0x34: {  	[smem:$0x3FB3] =	sst s10  }
0x35: {  	s10 =	sld [smem:$0x3FB2];
	_ =	sdelay $0x3  }
0x36: {  	p1 =	seq.s32 s10, $0x1;
	s10 =	sld [smem:$0x3FB3];
	_ =	sdelay $0x3  }
0x37: {  	[smem:$0x3FB3] =	sst s10  }
0x38: {  	s10 =	sld [smem:$0x3FB4]  }
0x39: {  	_ = 	snop;
	(pc) =	sbr.ind lr, $3  }
0x3a: {  	_ = 	snop  }
0x3b: {  	_ = 	snop  }
0x3c: {  	p2 =	seq.s32 s10, $0x1;
	s10 =	sld [smem:$0x3FB3]  }
0x3d: {  	_ =	shalt  }
0x3e: {  	_ =	shalt  }
0x3f: {  	_ =	shalt  }
0x40: {  	_ =	shalt  }
0x41: {  	_ =	shalt  }
0x42: {  	_ =	shalt  }
0x43: {  	_ =	shalt  }
0x44: {  	_ =	shalt  }
0x45: {  	_ =	shalt  }
0x46: {  	_ =	shalt  }
0x47: {  	_ =	shalt  }
0x48: {  	_ =	shalt  }
0x49: {  	_ =	shalt  }
0x4a: {  	_ =	shalt  }
0x4b: {  	_ =	shalt  }
0x4c: {  	_ =	shalt  }
0x4d: {  	_ =	shalt  }
0x4e: {  	_ =	shalt  }
0x4f: {  	_ =	shalt  }
0x50: {  	_ =	shalt  }
0x51: {  	_ =	shalt  }
0x52: {  	_ =	shalt  }
0x53: {  	_ =	shalt  }
0x54: {  	_ =	shalt  }
0x55: {  	_ =	shalt  }
0x56: {  	_ =	shalt  }
0x57: {  	_ =	shalt  }
0x58: {  	_ =	shalt  }
0x59: {  	_ =	shalt  }
0x5a: {  	_ =	shalt  }
0x5b: {  	_ =	shalt  }
0x5c: {  	_ =	shalt  }
0x5d: {  	_ =	shalt  }
0x5e: {  	_ =	shalt  }
0x5f: {  	_ =	shalt  }
0x60: {  	_ =	shalt  }
0x61: {  	_ =	shalt  }
0x62: {  	_ =	shalt  }
0x63: {  	_ =	shalt  }
0x64: {  	_ =	shalt  }
0x65: {  	_ =	shalt  }
0x66: {  	_ =	shalt  }
0x67: {  	_ =	shalt  }
0x68: {  	_ =	shalt  }
0x69: {  	_ =	shalt  }
0x6a: {  	_ =	shalt  }
0x6b: {  	_ =	shalt  }
0x6c: {  	_ =	shalt  }
0x6d: {  	_ =	shalt  }
0x6e: {  	_ =	shalt  }
0x6f: {  	_ =	shalt  }
0x70: {  	_ =	shalt  }
0x71: {  	_ =	shalt  }
0x72: {  	_ =	shalt  }
0x73: {  	_ =	shalt  }
0x74: {  	_ =	shalt  }
0x75: {  	_ =	shalt  }
0x76: {  	_ =	shalt  }
0x77: {  	_ =	shalt  }
0x78: {  	_ =	shalt  }
0x79: {  	_ =	shalt  }
0x7a: {  	_ =	shalt  }
0x7b: {  	_ =	shalt  }
0x7c: {  	_ =	shalt  }
0x7d: {  	_ =	shalt  }
0x7e: {  	_ =	shalt  }
0x7f: {  	_ =	shalt  }
0x80: {  	_ =	shalt  }
0x81: {  	_ =	shalt  }
0x82: {  	_ =	shalt  }
0x83: {  	_ =	shalt  }
0x84: {  	_ =	shalt  }
0x85: {  	_ =	shalt  }
0x86: {  	_ =	shalt  }
0x87: {  	_ =	shalt  }
.Lfunc_end0:
.L_simem_size_0:
called_computation.1_lowered:
.L_overlay_start_0:
0x88: {  	s2 =	sld [smem:$0x3FD9]  }
0x89: {  	s3 =	sld [smem:$0x3FFE];
	_ =	sdelay $0x1  }
0x8a: {  	s1 =	srdreg.scid  }
0x8b: {  	s0 =	sand.u32 $0x1, s1  }
0x8c: {  	s16 =	sshll.u32 s0, $0xA;
	s2 =	sadd.s32 s3, s2  }
0x8d: {  	s2 =	sadd.s32 s2, s16  }
0x8e: {  	[smem:$0x3FBF] =	sst s2  }
0x8f: {  	_ = 	snop  }
0x90: {  	(tm) =	ssettm $0x1  }
0x91: {  	s17 =	sld [smem:$0x3FFB];
	_ =	sdelay $0x3  }
0x92: {  	_ =	strace s17  }
0x93: {  	s2 =	sld [smem:$0x3FFC];
	_ =	sdelay $0x3  }
0x94: {  	_ =	strace s2  }
0x95: {  	s2 =	sld [smem:$0x3FFD];
	_ =	sdelay $0x3  }
0x96: {  	_ =	strace s2  }
0x97: {  	_ =	strace $0x8FFFFFFF  }
0x98: {  	s18 =	sld [smem:$0x3FDB];
	_ =	sdelay $0x1  }
0x99: {  	s19 =	simm.s32 $_scs_section_size  }
0x9a: {  	s4 =	simm.s32 $_size__tile_overlayer_lowered;
	s5 =	simm.s32 $_tile_overlayer_lowered  }
0x9b: {  	s22 =	simm.s32 $0x1BFF;
	s21 =	sshll.u32 s5, $0x1;
	s2 =	sadd.s32 s19, s18  }
0x9c: {  	s6 =	simm.s32 $0x0;
	s20 =	sshll.u32 s4, $0x1;
	s4 =	sadd.s32 s21, s2  }
0x9d: {  	[timem:s6], [sflag:s22] =	dma.local [hbm:s4], s20  }
0x9e: {  	_ =	swait.ge [sflag:s22], s20  }
0x9f: {  	s3 =	ssub.s32 $0x0, s20;
	[sflag:s22] =	ssyncset.done $0x0  }
0xa0: {  	[sflag:s22] =	ssyncadd.s32 s3;
	_ =	sdelay $0x1  }
0xa1: {  	s23 =	simm.s32 $0x1B8B  }
0xa2: {  	_ =	swait.ge [sflag:s23], $0x1  }
0xa3: {  	[sflag:s23] =	ssyncset.done $0x0  }
0xa4: {  	s25 =	simm.s32 $0x1B8E;
	s24 =	sld [smem:$0x3FFE];
	[sflag:s23] =	ssyncadd.s32 $0xFFFFFFFF  }
0xa5: {  	s26 =	simm.s32 $execute0_lowered;
	[smem:$0x3FD2] =	sst s25  }
0xa6: {  	s4 =	sshll.u32 s26, $0x1;
	_ =	strace $0x80000049;
	[dreg:$0x1] =	wrdreg $0xFFFFFFFF  }
0xa7: {  	s28 =	simm.s32 $_size_execute0_lowered;
	s2 =	sadd.s32 s2, s4;
	[dreg:$0x0] =	wrdreg $0x0  }
0xa8: {  	s4 =	sshll.u32 s28, $0x1;
	[dreg:$0x2] =	wrdreg s2  }
0xa9: {  	[dreg:$0x3] =	wrdreg s4  }
0xaa: {  	[dreg:$0x4] =	wrdreg $0xC0  }
0xab: {  	_ =	task [dreg:s6], $0x5FFFF  }
0xac: {  	[dreg:$0x1] =	wrdreg $0xFFFFFFFF  }
0xad: {  	[dreg:$0x0] =	wrdreg $0x60  }
0xae: {  	[dreg:$0x2] =	wrdreg s24  }
0xaf: {  	[dreg:$0x3] =	wrdreg $0x48000  }
0xb0: {  	[dreg:$0x4] =	wrdreg $0x9  }
0xb1: {  	_ =	task.clear_ibuf [dreg:s6], $0x5FFFF;
	_ =	strace $0x90000049  }
0xb2: {  	s29 =	simm.s32 $0x9;
	_ =	strace $0x8000004B  }
0xb3: {  	_ =	swait.ge [sflag:s29], $0x1  }
0xb4: {  	[sflag:s29] =	ssyncadd.s32 $0xFFFFFFFF  }
0xb5: {  	_ =	strace $0x9000004B  }
0xb6: {  	_ =	sfence  }
0xb7: {  	s30 =	sld [smem:$0x0];
	_ =	sdelay $0x2  }
0xb8: {  	s31 =	sshll.u32 s1, $0xD;
	s1 =	sshrl.u32 s1, $0x2  }
0xb9: {  	s3 =	sand.u32 $0x4000, s31;
	s1 =	sadd.s32 s1, s30  }
0xba: {  	s0 =	sor.u32 s3, s0;
	s1 =	sshll.u32 s1, $0x11  }
0xbb: {  	s0 =	sor.u32 s1, s0  }
0xbc: {  	s0 =	sadd.s32 $0x8F2B, s0  }
0xbd: {  	[sflag:s0] =	ssyncadd.remote.s32 $0x1  }
0xbe: {  	_ =	sfence.sel $0xFFFF  }
0xbf: {  	[dreg:$0x0] =	wrdreg $0xFFFFFFFF;
	(pc) =	sbr.abs _section_cstart, $3  }
0xc0: {  	[dreg:$0x1] =	wrdreg $0xFFFFFFFF  }
0xc1: {  	_ =	task.clear_ibuf [dreg:s6], $0x2FFFF;
	_ =	strace $0x9FFFFFFF  }
0xc2: {  	(tm) =	ssettm $0x7FFFFFFF  }
0xc3: {  	_ =	shalt  }
tec
execute0_lowered:
.L_overlay_start_1:
0x0: {  	(tag) =	ssettag $0x1  }
0x1: {  	s0 =	rddreg [dreg:$0x0]  }
0x2: {  	s1 =	rddreg [dreg:$0x1];
	s2 =	simm.s32 $0x0;
	s20 =	srdreg.scid  }
0x3: {  	s10 =	stileid.u32;
	s31 =	simm.s32 $0x800;
	s28 =	simm.s32 $0x300  }
0x4: {  	s29 =	simm.s32 $0x3800;
	s30 =	simm.s32 $0x380;
	[smem:$0x7FF] =	sst s2  }
0x5: {  	s4 =	sadd.s32 $0x64C00, s0;
	s2 =	sand.u32 $0x1, s20;
	s7 =	smul.u32 $0x64000, s10  }
0x6: {  	s5 =	sadd.s32 $0x1F1A00, s0;
	s6 =	sadd.s32 $0x2C00, s0;
	s21 =	smul.u32 $0x1900, s10  }
0x7: {  	s0 =	sadd.s32 $0x128200, s0;
	s14 =	smul.u32 $0x31000, s10;
	s10 =	simm.s32 $0x580  }
0x8: {  	_ =	strace $0x8000004A;
	s3 =	ssub.s32 $0x2, s2;
	s7 =	sshrl.u32 s7, $0x2  }
0x9: {  	s13 =	sshll.u32 s2, $0x1;
	s22 =	smul.u32 $0x32000, s2;
	s11 =	sadd.s32 s7, s1  }
0xa: {  	s2 =	sshllo.u32 s2, $0x1;
	s9 =	sadd.s32 $0x4000, s11;
	[dreg:$0x3] =	wrdreg s11  }
0xb: {  	s8 =	sshrl.u32 s3, $0x1;
	s23 =	sadd.s32 $0x8000, s11;
	[dreg:$0x4] =	wrdreg s9  }
0xc: {  	s12 =	smul.u32 $0x19000, s2;
	s24 =	sadd.s32 $0xC000, s11;
	[dreg:$0x5] =	wrdreg s23  }
0xd: {  	v0 =	vmov s13;
	s13 =	simm.s32 $0x700;
	s25 =	sadd.s32 $0x10000, s11;
	[dreg:$0x6] =	wrdreg s24  }
0xe: {  	s3 =	ssub.s32 s3, s8;
	s26 =	sadd.s32 $0x14000, s11;
	[dreg:$0x7] =	wrdreg s25  }
0xf: {  	s7 =	sadd.s32 s21, s22;
	s11 =	sadd.s32 $0x18000, s11;
	[dreg:$0x8] =	wrdreg s26  }
0x10: {  	s7 =	sshll.u32 s7, $0x1;
	s3 =	smax.u32 s3, $0x1;
	[dreg:$0x9] =	wrdreg s11  }
0x11: {  	s8 =	simm.s32 $0x480;
	s15 =	sadd.s32 s0, s7;
	[dreg:$0x12] =	wrdreg s3  }
0x12: {  	s17 =	sadd.s32 s21, s12;
	s7 =	sadd.s32 $0x800, s15;
	[dreg:$0xa] =	wrdreg s15  }
0x13: {  	s12 =	simm.s32 $0x680;
	s16 =	sadd.s32 $0x1000, s15;
	[dreg:$0xb] =	wrdreg s7  }
0x14: {  	s3 =	simm.s32 $0x400;
	s18 =	sadd.s32 $0x1800, s15;
	[dreg:$0xc] =	wrdreg s16  }
0x15: {  	s9 =	simm.s32 $0x500;
	s19 =	sadd.s32 $0x2000, s15;
	[dreg:$0xd] =	wrdreg s18  }
0x16: {  	s11 =	simm.s32 $0x600;
	s20 =	sadd.s32 $0x2800, s15;
	[dreg:$0xe] =	wrdreg s19  }
0x17: {  	s21 =	sadd.s32 $0x3000, s15;
	s7 =	sshll.u32 s17, $0x1;
	[dreg:$0xf] =	wrdreg s20  }
0x18: {  	s15 =	simm.s32 $0x4000;
	[dreg:$0x11] =	wrdreg s21;
	s0 =	sadd.s32 s0, s7  }
0x19: {  	s16 =	simm.s32 $0x80;
	s22 =	sadd.s32 $0x800, s0;
	[dreg:$0x10] =	wrdreg s0  }
0x1a: {  	s17 =	simm.s32 $0x1000;
	s23 =	sadd.s32 $0x1000, s0;
	[dreg:$0x13] =	wrdreg s22  }
0x1b: {  	s19 =	simm.s32 $0x1800;
	s24 =	sadd.s32 $0x1800, s0;
	[dreg:$0x14] =	wrdreg s23  }
0x1c: {  	s21 =	simm.s32 $0x1;
	s25 =	sadd.s32 $0x2000, s0;
	[dreg:$0x15] =	wrdreg s24  }
0x1d: {  	s18 =	simm.s32 $0x0;
	s26 =	sadd.s32 $0x2800, s0;
	[dreg:$0x16] =	wrdreg s25  }
0x1e: {  	s7 =	simm.s32 $0x780;
	s0 =	sadd.s32 $0x3000, s0;
	[dreg:$0x17] =	wrdreg s26  }
0x1f: {  	[dreg:$0x18] =	wrdreg s0;
	s0 =	simm.s32 $0x2;
	s22 =	simm.s32 $0x2000  }
0x20: {  	v2 =	vimm.f32 $0.0e+00;
	v1 =	vmov s2;
	s24 =	simm.s32 $0x2800;
	s25 =	simm.s32 $0x280;
	s26 =	simm.s32 $0x3000  }
.LBB2_1:
0x21: {  	[dreg:$0x19] =	wrdreg s18;
	s2 =	simm.s32 $0x40;
	s18 =	simm.s32 $0x0  }
.LBB2_2:
0x22: {  	p0 =	sne.s32 s2, $0xFFC0;
	[tilespmem:s18+$0x800] =	vst v2;
	s18 =	smov.u32 s2;
	s2 =	sadd.s32 $0x40, s2  }
.Ltmp0:
0x23: {  	(pc) =	sbr.rel @p0 .LBB2_2-.Ltmp0, $2  }
0x24: {  	_ =	sdelay $0x2  }
0x25: {  	s18 =	sshra.s32 s18, $0x2  }
0x26: {  	[tilespmem:s18+$0x800] =	vst v2;
	s2 =	rddreg [dreg:$0x3]  }
0x27: {  	[spmem:s2] =	stream.linear.scatter [tilespmem:s31], [sflag:$0x2], $0x4000, $0x38;
	[tilespmem:$0x1D800] =	vst v63  }
0x28: {  	_ =	swait.ge [sflag:s0], $0x4000  }
0x29: {  	[sflag:s0] =	ssyncset.done $0x0  }
0x2a: {  	s18 =	rddreg [dreg:$0x4];
	[sflag:s0] =	ssyncadd.s32 $0xFFFFC000  }
0x2b: {  	[spmem:s18] =	stream.linear.scatter [tilespmem:s31], [sflag:$0x2], $0x4000, $0x38;
	[tilespmem:$0x1D800] =	vst v63  }
0x2c: {  	_ =	swait.ge [sflag:s0], $0x4000  }
0x2d: {  	[sflag:s0] =	ssyncset.done $0x0  }
0x2e: {  	s20 =	rddreg [dreg:$0x5];
	[sflag:s0] =	ssyncadd.s32 $0xFFFFC000  }
0x2f: {  	[spmem:s20] =	stream.linear.scatter [tilespmem:s31], [sflag:$0x2], $0x4000, $0x38;
	[tilespmem:$0x1D800] =	vst v63  }
0x30: {  	_ =	swait.ge [sflag:s0], $0x4000  }
0x31: {  	[sflag:s0] =	ssyncset.done $0x0  }
0x32: {  	s23 =	rddreg [dreg:$0x6];
	[sflag:s0] =	ssyncadd.s32 $0xFFFFC000  }
0x33: {  	[spmem:s23] =	stream.linear.scatter [tilespmem:s31], [sflag:$0x2], $0x4000, $0x38;
	[tilespmem:$0x1D800] =	vst v63  }
0x34: {  	_ =	swait.ge [sflag:s0], $0x4000  }
0x35: {  	[sflag:s0] =	ssyncset.done $0x0  }
0x36: {  	s18 =	rddreg [dreg:$0x7];
	[sflag:s0] =	ssyncadd.s32 $0xFFFFC000  }
0x37: {  	[spmem:s18] =	stream.linear.scatter [tilespmem:s31], [sflag:$0x2], $0x4000, $0x38;
	[tilespmem:$0x1D800] =	vst v63  }
0x38: {  	_ =	swait.ge [sflag:s0], $0x4000  }
0x39: {  	[sflag:s0] =	ssyncset.done $0x0  }
0x3a: {  	s20 =	rddreg [dreg:$0x8];
	[sflag:s0] =	ssyncadd.s32 $0xFFFFC000  }
0x3b: {  	[spmem:s20] =	stream.linear.scatter [tilespmem:s31], [sflag:$0x2], $0x4000, $0x38;
	[tilespmem:$0x1D800] =	vst v63  }
0x3c: {  	_ =	swait.ge [sflag:s0], $0x4000  }
0x3d: {  	[sflag:s0] =	ssyncset.done $0x0  }
0x3e: {  	s23 =	rddreg [dreg:$0x9];
	[sflag:s0] =	ssyncadd.s32 $0xFFFFC000  }
0x3f: {  	[spmem:s23] =	stream.linear.scatter [tilespmem:s31], [sflag:$0x2], $0x1000, $0x38;
	[tilespmem:$0x1D800] =	vst v63  }
0x40: {  	_ =	swait.ge [sflag:s0], $0x1000  }
0x41: {  	[sflag:s0] =	ssyncset.done $0x0  }
0x42: {  	[sflag:s0] =	ssyncadd.s32 $0xFFFFF000  }
0x43: {  	s2 =	simm.s32 $0x0;
	s18 =	simm.s32 $0x0;
	[bflag:$0x0] =	sbarrier.arrive $0xFFFF  }
.LBB2_4:
0x44: {  	s20 =	sshll.u32 s18, $0xA  }
0x45: {  	s20 =	sadd.s32 s14, s20  }
0x46: {  	s20 =	sshrl.u32 s20, $0x3  }
0x47: {  	s23 =	sadd.s32 s5, s20  }
0x48: {  	[tilespmem:s2], [sflag:$0x2] =	stream.linear.gather [hbm4b:s23+s2], $0x400, $0x38;
	[tilespmem:$0x1D800] =	vst v63  }
0x49: {  	_ =	swait.ge [sflag:s0], $0x400  }
0x4a: {  	[sflag:s0] =	ssyncset.done $0x0  }
0x4b: {  	s20 =	sadd.s32 s6, s20;
	[sflag:s0] =	ssyncadd.s32 $0xFFFFFC00  }
0x4c: {  	[tilespmem:s3], [sflag:$0x2] =	stream.linear.gather [hbm4b:s20+s2], $0x400, $0x38;
	[tilespmem:$0x1D800] =	vst v63  }
0x4d: {  	_ =	swait.ge [sflag:s0], $0x400  }
0x4e: {  	[sflag:s0] =	ssyncset.done $0x0  }
0x4f: {  	s23 =	simm.s32 $0x40;
	s20 =	simm.s32 $0x0;
	[sflag:s0] =	ssyncadd.s32 $0xFFFFFC00  }
.LBB2_5:
0x50: {  	p0 =	sne.s32 s23, $0xFC0;
	v3 =	vld [tilespmem:s20+$0x0];
	_ =	sdelay $0x2  }
.Ltmp1:
0x51: {  	(pc) =	sbr.rel @p0 .LBB2_5-.Ltmp1, $4  }
0x52: {  	_ = 	snop  }
0x53: {  	v3 =	vshll.u32 v3, $0x2  }
0x54: {  	v3 =	vor.u32 v0, v3  }
0x55: {  	[tilespmem:s20+$0x0] =	vst v3;
	s20 =	sshra.s32 s23, $0x2;
	s23 =	sadd.s32 $0x40, s23  }
0x56: {  	v3 =	vld [tilespmem:s20+$0x0];
	_ =	sdelay $0x4  }
0x57: {  	v3 =	vshll.u32 v3, $0x2  }
0x58: {  	v3 =	vor.u32 v0, v3  }
0x59: {  	s23 =	simm.s32 $0x0;
	[tilespmem:s20+$0x0] =	vst v3  }
0x5a: {  	[tilespmem:s31], [sflag:$0x1] =	stream.indirect.gather [hbm4b:s4+s16], $0x10, s23, s16, $0xb8;
	[tilespmem:$0x1D800] =	vst v63  }
0x5b: {  	_ = 	snop  }
0x5c: {  	[tilespmem:s17], [sflag:$0x1] =	stream.indirect.gather [hbm4b:s4+s16], $0x10, s16, s16, $0xb8;
	[tilespmem:$0x1D800] =	vst v63  }
0x5d: {  	s23 =	simm.s32 $0x100  }
0x5e: {  	[tilespmem:s19], [sflag:$0x1] =	stream.indirect.gather [hbm4b:s4+s16], $0x10, s23, s16, $0xb8;
	[tilespmem:$0x1D800] =	vst v63  }
0x5f: {  	s23 =	simm.s32 $0x180  }
0x60: {  	[tilespmem:s22], [sflag:$0x1] =	stream.indirect.gather [hbm4b:s4+s16], $0x10, s23, s16, $0xb8;
	[tilespmem:$0x1D800] =	vst v63  }
0x61: {  	s23 =	simm.s32 $0x200  }
0x62: {  	[tilespmem:s24], [sflag:$0x1] =	stream.indirect.gather [hbm4b:s4+s16], $0x10, s23, s16, $0xb8;
	[tilespmem:$0x1D800] =	vst v63  }
0x63: {  	_ = 	snop  }
0x64: {  	[tilespmem:s26], [sflag:$0x1] =	stream.indirect.gather [hbm4b:s4+s16], $0x10, s25, s16, $0xb8;
	[tilespmem:$0x1D800] =	vst v63  }
0x65: {  	_ = 	snop  }
0x66: {  	[tilespmem:s29], [sflag:$0x1] =	stream.indirect.gather [hbm4b:s4+s16], $0x10, s28, s16, $0xb8;
	[tilespmem:$0x1D800] =	vst v63  }
0x67: {  	_ = 	snop  }
0x68: {  	[tilespmem:s15], [sflag:$0x1] =	stream.indirect.gather [hbm4b:s4+s16], $0x10, s30, s16, $0xb8;
	[tilespmem:$0x1D800] =	vst v63  }
0x69: {  	_ =	swait.ge [sflag:s21], $0x800  }
0x6a: {  	[sflag:s21] =	ssyncset.done $0x0  }
0x6b: {  	[sflag:s21] =	ssyncadd.s32 $0xFFFFF800  }
0x6c: {  	_ =	swait.ge [sflag:s21], $0x800  }
0x6d: {  	[sflag:s21] =	ssyncset.done $0x0  }
0x6e: {  	[sflag:s21] =	ssyncadd.s32 $0xFFFFF800  }
0x6f: {  	_ =	swait.ge [sflag:s21], $0x800  }
0x70: {  	[sflag:s21] =	ssyncset.done $0x0  }
0x71: {  	[sflag:s21] =	ssyncadd.s32 $0xFFFFF800  }
0x72: {  	_ =	swait.ge [sflag:s21], $0x800  }
0x73: {  	[sflag:s21] =	ssyncset.done $0x0  }
0x74: {  	[sflag:s21] =	ssyncadd.s32 $0xFFFFF800  }
0x75: {  	_ =	swait.ge [sflag:s21], $0x800  }
0x76: {  	[sflag:s21] =	ssyncset.done $0x0  }
0x77: {  	[sflag:s21] =	ssyncadd.s32 $0xFFFFF800  }
0x78: {  	_ =	swait.ge [sflag:s21], $0x800  }
0x79: {  	[sflag:s21] =	ssyncset.done $0x0  }
0x7a: {  	[sflag:s21] =	ssyncadd.s32 $0xFFFFF800  }
0x7b: {  	_ =	swait.ge [sflag:s21], $0x800  }
0x7c: {  	[sflag:s21] =	ssyncset.done $0x0  }
0x7d: {  	[sflag:s21] =	ssyncadd.s32 $0xFFFFF800  }
0x7e: {  	_ =	swait.ge [sflag:s21], $0x800  }
0x7f: {  	[sflag:s21] =	ssyncset.done $0x0  }
0x80: {  	[sflag:s21] =	ssyncadd.s32 $0xFFFFF800  }
0x81: {  	[spmem:s1] =	stream.indirect.scatter.add.f32 [tilespmem:s31], [sflag:$0x2], $0x10, s3, s16, $0xb8;
	[tilespmem:$0x1D800] =	vst v63  }
0x82: {  	_ =	swait.ge [sflag:s0], $0x800  }
0x83: {  	[sflag:s0] =	ssyncset.done $0x0  }
0x84: {  	[sflag:s0] =	ssyncadd.s32 $0xFFFFF800  }
0x85: {  	[spmem:s1] =	stream.indirect.scatter.add.f32 [tilespmem:s17], [sflag:$0x2], $0x10, s8, s16, $0xb8;
	[tilespmem:$0x1D800] =	vst v63  }
0x86: {  	_ =	swait.ge [sflag:s0], $0x800  }
0x87: {  	[sflag:s0] =	ssyncset.done $0x0  }
0x88: {  	[sflag:s0] =	ssyncadd.s32 $0xFFFFF800  }
0x89: {  	[spmem:s1] =	stream.indirect.scatter.add.f32 [tilespmem:s19], [sflag:$0x2], $0x10, s9, s16, $0xb8;
	[tilespmem:$0x1D800] =	vst v63  }
0x8a: {  	_ =	swait.ge [sflag:s0], $0x800  }
0x8b: {  	[sflag:s0] =	ssyncset.done $0x0  }
0x8c: {  	[sflag:s0] =	ssyncadd.s32 $0xFFFFF800  }
0x8d: {  	[spmem:s1] =	stream.indirect.scatter.add.f32 [tilespmem:s22], [sflag:$0x2], $0x10, s10, s16, $0xb8;
	[tilespmem:$0x1D800] =	vst v63  }
0x8e: {  	_ =	swait.ge [sflag:s0], $0x800  }
0x8f: {  	[sflag:s0] =	ssyncset.done $0x0  }
0x90: {  	[sflag:s0] =	ssyncadd.s32 $0xFFFFF800  }
0x91: {  	[spmem:s1] =	stream.indirect.scatter.add.f32 [tilespmem:s24], [sflag:$0x2], $0x10, s11, s16, $0xb8;
	[tilespmem:$0x1D800] =	vst v63  }
0x92: {  	_ =	swait.ge [sflag:s0], $0x800  }
0x93: {  	[sflag:s0] =	ssyncset.done $0x0  }
0x94: {  	[sflag:s0] =	ssyncadd.s32 $0xFFFFF800  }
0x95: {  	[spmem:s1] =	stream.indirect.scatter.add.f32 [tilespmem:s26], [sflag:$0x2], $0x10, s12, s16, $0xb8;
	[tilespmem:$0x1D800] =	vst v63  }
0x96: {  	_ =	swait.ge [sflag:s0], $0x800  }
0x97: {  	[sflag:s0] =	ssyncset.done $0x0  }
0x98: {  	[sflag:s0] =	ssyncadd.s32 $0xFFFFF800  }
0x99: {  	[spmem:s1] =	stream.indirect.scatter.add.f32 [tilespmem:s29], [sflag:$0x2], $0x10, s13, s16, $0xb8;
	[tilespmem:$0x1D800] =	vst v63  }
0x9a: {  	s18 =	sadd.s32 $0x1, s18;
	_ =	swait.ge [sflag:s0], $0x800  }
0x9b: {  	p0 =	sne.s32 s18, $0xC4;
	[sflag:s0] =	ssyncset.done $0x0  }
.Ltmp2:
0x9c: {  	[sflag:s0] =	ssyncadd.s32 $0xFFFFF800;
	(pc) =	sbr.rel @p0 .LBB2_4-.Ltmp2, $4  }
0x9d: {  	[spmem:s1] =	stream.indirect.scatter.add.f32 [tilespmem:s15], [sflag:$0x2], $0x10, s7, s16, $0xb8;
	[tilespmem:$0x1D800] =	vst v63  }
0x9e: {  	_ =	swait.ge [sflag:s0], $0x800  }
0x9f: {  	[sflag:s0] =	ssyncset.done $0x0  }
0xa0: {  	[sflag:s0] =	ssyncadd.s32 $0xFFFFF800  }
0xa1: {  	[bflag:$0x0] =	sbarrier.arrive $0xFFFF  }
0xa2: {  	s2 =	stileid.u32;
	s20 =	rddreg [dreg:$0x3]  }
0xa3: {  	s2 =	sshll.u32 s2, $0x6;
	s23 =	rddreg [dreg:$0xa];
	s20 =	sshrl.u32 s20, $0x3  }
0xa4: {  	s18 =	sor.u32 $0x1C02, s2;
	[dreg:$0x1b] =	wrdreg s20  }
0xa5: {  	[hbm:s23], [sflag:s18] =	dma.local [spmem:s20], $0x800  }
0xa6: {  	_ =	swait.ge [sflag:s0], $0x800  }
0xa7: {  	s23 =	rddreg [dreg:$0x4]  }
0xa8: {  	[sflag:s0] =	ssyncset.done $0x0;
	s2 =	sshrl.u32 s23, $0x3;
	s23 =	rddreg [dreg:$0xb]  }
0xa9: {  	[sflag:s0] =	ssyncadd.s32 $0xFFFFF800;
	[dreg:$0x1c] =	wrdreg s2  }
0xaa: {  	[hbm:s23], [sflag:s18] =	dma.local [spmem:s2], $0x800  }
0xab: {  	_ =	swait.ge [sflag:s0], $0x800  }
0xac: {  	s23 =	rddreg [dreg:$0x5]  }
0xad: {  	[sflag:s0] =	ssyncset.done $0x0;
	s2 =	sshrl.u32 s23, $0x3;
	s23 =	rddreg [dreg:$0xc]  }
0xae: {  	[sflag:s0] =	ssyncadd.s32 $0xFFFFF800;
	[dreg:$0x1d] =	wrdreg s2  }
0xaf: {  	[hbm:s23], [sflag:s18] =	dma.local [spmem:s2], $0x800  }
0xb0: {  	_ =	swait.ge [sflag:s0], $0x800  }
0xb1: {  	s23 =	rddreg [dreg:$0x6]  }
0xb2: {  	[sflag:s0] =	ssyncset.done $0x0;
	s2 =	sshrl.u32 s23, $0x3;
	s23 =	rddreg [dreg:$0xd]  }
0xb3: {  	[sflag:s0] =	ssyncadd.s32 $0xFFFFF800;
	[dreg:$0x1e] =	wrdreg s2  }
0xb4: {  	[hbm:s23], [sflag:s18] =	dma.local [spmem:s2], $0x800  }
0xb5: {  	_ =	swait.ge [sflag:s0], $0x800  }
0xb6: {  	s23 =	rddreg [dreg:$0x7]  }
0xb7: {  	[sflag:s0] =	ssyncset.done $0x0;
	s2 =	sshrl.u32 s23, $0x3;
	s23 =	rddreg [dreg:$0xe]  }
0xb8: {  	[sflag:s0] =	ssyncadd.s32 $0xFFFFF800;
	[dreg:$0x1f] =	wrdreg s2  }
0xb9: {  	[hbm:s23], [sflag:s18] =	dma.local [spmem:s2], $0x800  }
0xba: {  	_ =	swait.ge [sflag:s0], $0x800  }
0xbb: {  	s23 =	rddreg [dreg:$0x8]  }
0xbc: {  	[sflag:s0] =	ssyncset.done $0x0;
	s2 =	sshrl.u32 s23, $0x3;
	s23 =	rddreg [dreg:$0xf]  }
0xbd: {  	[sflag:s0] =	ssyncadd.s32 $0xFFFFF800;
	[smem:$0x7FC] =	sst s2  }
0xbe: {  	[hbm:s23], [sflag:s18] =	dma.local [spmem:s2], $0x800  }
0xbf: {  	_ =	swait.ge [sflag:s0], $0x800;
	[dreg:$0x1a] =	wrdreg s18  }
0xc0: {  	s23 =	rddreg [dreg:$0x9]  }
0xc1: {  	[sflag:s0] =	ssyncset.done $0x0;
	s2 =	sshrl.u32 s23, $0x3;
	s23 =	rddreg [dreg:$0x11]  }
0xc2: {  	[sflag:s0] =	ssyncadd.s32 $0xFFFFF800;
	[smem:$0x7FD] =	sst s2  }
0xc3: {  	[hbm:s23], [sflag:s18] =	dma.local [spmem:s2], $0x200  }
0xc4: {  	_ =	swait.ge [sflag:s0], $0x200  }
0xc5: {  	[sflag:s0] =	ssyncset.done $0x0  }
0xc6: {  	[sflag:s0] =	ssyncadd.s32 $0xFFFFFE00  }
0xc7: {  	s2 =	simm.s32 $0x40;
	s18 =	simm.s32 $0x0;
	[bflag:$0x0] =	sbarrier.arrive $0xFFFF  }
.LBB2_8:
0xc8: {  	p0 =	sne.s32 s2, $0xFFC0;
	[tilespmem:s18+$0x800] =	vst v2;
	s18 =	smov.u32 s2;
	s2 =	sadd.s32 $0x40, s2  }
.Ltmp3:
0xc9: {  	(pc) =	sbr.rel @p0 .LBB2_8-.Ltmp3, $2  }
0xca: {  	_ =	sdelay $0x2  }
0xcb: {  	s18 =	sshra.s32 s18, $0x2  }
0xcc: {  	[tilespmem:s18+$0x800] =	vst v2;
	s2 =	rddreg [dreg:$0x3]  }
0xcd: {  	[spmem:s2] =	stream.linear.scatter [tilespmem:s31], [sflag:$0x2], $0x4000, $0x38;
	[tilespmem:$0x1D800] =	vst v63  }
0xce: {  	_ =	swait.ge [sflag:s0], $0x4000  }
0xcf: {  	[sflag:s0] =	ssyncset.done $0x0  }
0xd0: {  	s18 =	rddreg [dreg:$0x4];
	[sflag:s0] =	ssyncadd.s32 $0xFFFFC000  }
0xd1: {  	[spmem:s18] =	stream.linear.scatter [tilespmem:s31], [sflag:$0x2], $0x4000, $0x38;
	[tilespmem:$0x1D800] =	vst v63  }
0xd2: {  	_ =	swait.ge [sflag:s0], $0x4000  }
0xd3: {  	[sflag:s0] =	ssyncset.done $0x0  }
0xd4: {  	s20 =	rddreg [dreg:$0x5];
	[sflag:s0] =	ssyncadd.s32 $0xFFFFC000  }
0xd5: {  	[spmem:s20] =	stream.linear.scatter [tilespmem:s31], [sflag:$0x2], $0x4000, $0x38;
	[tilespmem:$0x1D800] =	vst v63  }
0xd6: {  	_ =	swait.ge [sflag:s0], $0x4000  }
0xd7: {  	[sflag:s0] =	ssyncset.done $0x0  }
0xd8: {  	s23 =	rddreg [dreg:$0x6];
	[sflag:s0] =	ssyncadd.s32 $0xFFFFC000  }
0xd9: {  	[spmem:s23] =	stream.linear.scatter [tilespmem:s31], [sflag:$0x2], $0x4000, $0x38;
	[tilespmem:$0x1D800] =	vst v63  }
0xda: {  	_ =	swait.ge [sflag:s0], $0x4000  }
0xdb: {  	[sflag:s0] =	ssyncset.done $0x0  }
0xdc: {  	s18 =	rddreg [dreg:$0x7];
	[sflag:s0] =	ssyncadd.s32 $0xFFFFC000  }
0xdd: {  	[spmem:s18] =	stream.linear.scatter [tilespmem:s31], [sflag:$0x2], $0x4000, $0x38;
	[tilespmem:$0x1D800] =	vst v63  }
0xde: {  	_ =	swait.ge [sflag:s0], $0x4000  }
0xdf: {  	[sflag:s0] =	ssyncset.done $0x0  }
0xe0: {  	s20 =	rddreg [dreg:$0x8];
	[sflag:s0] =	ssyncadd.s32 $0xFFFFC000  }
0xe1: {  	[spmem:s20] =	stream.linear.scatter [tilespmem:s31], [sflag:$0x2], $0x4000, $0x38;
	[tilespmem:$0x1D800] =	vst v63  }
0xe2: {  	_ =	swait.ge [sflag:s0], $0x4000  }
0xe3: {  	[sflag:s0] =	ssyncset.done $0x0  }
0xe4: {  	s23 =	rddreg [dreg:$0x9];
	[sflag:s0] =	ssyncadd.s32 $0xFFFFC000  }
0xe5: {  	[spmem:s23] =	stream.linear.scatter [tilespmem:s31], [sflag:$0x2], $0x1000, $0x38;
	[tilespmem:$0x1D800] =	vst v63  }
0xe6: {  	_ =	swait.ge [sflag:s0], $0x1000  }
0xe7: {  	[sflag:s0] =	ssyncset.done $0x0  }
0xe8: {  	[sflag:s0] =	ssyncadd.s32 $0xFFFFF000  }
0xe9: {  	s2 =	simm.s32 $0x0;
	s18 =	simm.s32 $0x0;
	[bflag:$0x0] =	sbarrier.arrive $0xFFFF  }
.LBB2_10:
0xea: {  	s20 =	sshll.u32 s18, $0xA  }
0xeb: {  	s20 =	sadd.s32 s14, s20  }
0xec: {  	s20 =	sshrl.u32 s20, $0x3  }
0xed: {  	s23 =	sadd.s32 s5, s20  }
0xee: {  	[tilespmem:s2], [sflag:$0x2] =	stream.linear.gather [hbm4b:s23+s2], $0x400, $0x38;
	[tilespmem:$0x1D800] =	vst v63  }
0xef: {  	_ =	swait.ge [sflag:s0], $0x400  }
0xf0: {  	[sflag:s0] =	ssyncset.done $0x0  }
0xf1: {  	s20 =	sadd.s32 s6, s20;
	[sflag:s0] =	ssyncadd.s32 $0xFFFFFC00  }
0xf2: {  	[tilespmem:s3], [sflag:$0x2] =	stream.linear.gather [hbm4b:s20+s2], $0x400, $0x38;
	[tilespmem:$0x1D800] =	vst v63  }
0xf3: {  	_ =	swait.ge [sflag:s0], $0x400  }
0xf4: {  	[sflag:s0] =	ssyncset.done $0x0  }
0xf5: {  	s23 =	simm.s32 $0x40;
	s20 =	simm.s32 $0x0;
	[sflag:s0] =	ssyncadd.s32 $0xFFFFFC00  }
.LBB2_11:
0xf6: {  	p0 =	sne.s32 s23, $0xFC0;
	v3 =	vld [tilespmem:s20+$0x0];
	_ =	sdelay $0x2  }
.Ltmp4:
0xf7: {  	(pc) =	sbr.rel @p0 .LBB2_11-.Ltmp4, $4  }
0xf8: {  	_ = 	snop  }
0xf9: {  	v3 =	vshll.u32 v3, $0x2  }
0xfa: {  	v3 =	vor.u32 v1, v3  }
0xfb: {  	[tilespmem:s20+$0x0] =	vst v3;
	s20 =	sshra.s32 s23, $0x2;
	s23 =	sadd.s32 $0x40, s23  }
0xfc: {  	v3 =	vld [tilespmem:s20+$0x0];
	_ =	sdelay $0x4  }
0xfd: {  	v3 =	vshll.u32 v3, $0x2  }
0xfe: {  	v3 =	vor.u32 v1, v3  }
0xff: {  	s23 =	simm.s32 $0x0;
	[tilespmem:s20+$0x0] =	vst v3  }
0x100: {  	[tilespmem:s31], [sflag:$0x1] =	stream.indirect.gather [hbm4b:s4+s16], $0x10, s23, s16, $0xb8;
	[tilespmem:$0x1D800] =	vst v63  }
0x101: {  	_ = 	snop  }
0x102: {  	[tilespmem:s17], [sflag:$0x1] =	stream.indirect.gather [hbm4b:s4+s16], $0x10, s16, s16, $0xb8;
	[tilespmem:$0x1D800] =	vst v63  }
0x103: {  	s23 =	simm.s32 $0x100  }
0x104: {  	[tilespmem:s19], [sflag:$0x1] =	stream.indirect.gather [hbm4b:s4+s16], $0x10, s23, s16, $0xb8;
	[tilespmem:$0x1D800] =	vst v63  }
0x105: {  	s23 =	simm.s32 $0x180  }
0x106: {  	[tilespmem:s22], [sflag:$0x1] =	stream.indirect.gather [hbm4b:s4+s16], $0x10, s23, s16, $0xb8;
	[tilespmem:$0x1D800] =	vst v63  }
0x107: {  	s23 =	simm.s32 $0x200  }
0x108: {  	[tilespmem:s24], [sflag:$0x1] =	stream.indirect.gather [hbm4b:s4+s16], $0x10, s23, s16, $0xb8;
	[tilespmem:$0x1D800] =	vst v63  }
0x109: {  	_ = 	snop  }
0x10a: {  	[tilespmem:s26], [sflag:$0x1] =	stream.indirect.gather [hbm4b:s4+s16], $0x10, s25, s16, $0xb8;
	[tilespmem:$0x1D800] =	vst v63  }
0x10b: {  	_ = 	snop  }
0x10c: {  	[tilespmem:s29], [sflag:$0x1] =	stream.indirect.gather [hbm4b:s4+s16], $0x10, s28, s16, $0xb8;
	[tilespmem:$0x1D800] =	vst v63  }
0x10d: {  	_ = 	snop  }
0x10e: {  	[tilespmem:s15], [sflag:$0x1] =	stream.indirect.gather [hbm4b:s4+s16], $0x10, s30, s16, $0xb8;
	[tilespmem:$0x1D800] =	vst v63  }
0x10f: {  	_ =	swait.ge [sflag:s21], $0x800  }
0x110: {  	[sflag:s21] =	ssyncset.done $0x0  }
0x111: {  	[sflag:s21] =	ssyncadd.s32 $0xFFFFF800  }
0x112: {  	_ =	swait.ge [sflag:s21], $0x800  }
0x113: {  	[sflag:s21] =	ssyncset.done $0x0  }
0x114: {  	[sflag:s21] =	ssyncadd.s32 $0xFFFFF800  }
0x115: {  	_ =	swait.ge [sflag:s21], $0x800  }
0x116: {  	[sflag:s21] =	ssyncset.done $0x0  }
0x117: {  	[sflag:s21] =	ssyncadd.s32 $0xFFFFF800  }
0x118: {  	_ =	swait.ge [sflag:s21], $0x800  }
0x119: {  	[sflag:s21] =	ssyncset.done $0x0  }
0x11a: {  	[sflag:s21] =	ssyncadd.s32 $0xFFFFF800  }
0x11b: {  	_ =	swait.ge [sflag:s21], $0x800  }
0x11c: {  	[sflag:s21] =	ssyncset.done $0x0  }
0x11d: {  	[sflag:s21] =	ssyncadd.s32 $0xFFFFF800  }
0x11e: {  	_ =	swait.ge [sflag:s21], $0x800  }
0x11f: {  	[sflag:s21] =	ssyncset.done $0x0  }
0x120: {  	[sflag:s21] =	ssyncadd.s32 $0xFFFFF800  }
0x121: {  	_ =	swait.ge [sflag:s21], $0x800  }
0x122: {  	[sflag:s21] =	ssyncset.done $0x0  }
0x123: {  	[sflag:s21] =	ssyncadd.s32 $0xFFFFF800  }
0x124: {  	_ =	swait.ge [sflag:s21], $0x800  }
0x125: {  	[sflag:s21] =	ssyncset.done $0x0  }
0x126: {  	[sflag:s21] =	ssyncadd.s32 $0xFFFFF800  }
0x127: {  	[spmem:s1] =	stream.indirect.scatter.add.f32 [tilespmem:s31], [sflag:$0x2], $0x10, s3, s16, $0xb8;
	[tilespmem:$0x1D800] =	vst v63  }
0x128: {  	_ =	swait.ge [sflag:s0], $0x800  }
0x129: {  	[sflag:s0] =	ssyncset.done $0x0  }
0x12a: {  	[sflag:s0] =	ssyncadd.s32 $0xFFFFF800  }
0x12b: {  	[spmem:s1] =	stream.indirect.scatter.add.f32 [tilespmem:s17], [sflag:$0x2], $0x10, s8, s16, $0xb8;
	[tilespmem:$0x1D800] =	vst v63  }
0x12c: {  	_ =	swait.ge [sflag:s0], $0x800  }
0x12d: {  	[sflag:s0] =	ssyncset.done $0x0  }
0x12e: {  	[sflag:s0] =	ssyncadd.s32 $0xFFFFF800  }
0x12f: {  	[spmem:s1] =	stream.indirect.scatter.add.f32 [tilespmem:s19], [sflag:$0x2], $0x10, s9, s16, $0xb8;
	[tilespmem:$0x1D800] =	vst v63  }
0x130: {  	_ =	swait.ge [sflag:s0], $0x800  }
0x131: {  	[sflag:s0] =	ssyncset.done $0x0  }
0x132: {  	[sflag:s0] =	ssyncadd.s32 $0xFFFFF800  }
0x133: {  	[spmem:s1] =	stream.indirect.scatter.add.f32 [tilespmem:s22], [sflag:$0x2], $0x10, s10, s16, $0xb8;
	[tilespmem:$0x1D800] =	vst v63  }
0x134: {  	_ =	swait.ge [sflag:s0], $0x800  }
0x135: {  	[sflag:s0] =	ssyncset.done $0x0  }
0x136: {  	[sflag:s0] =	ssyncadd.s32 $0xFFFFF800  }
0x137: {  	[spmem:s1] =	stream.indirect.scatter.add.f32 [tilespmem:s24], [sflag:$0x2], $0x10, s11, s16, $0xb8;
	[tilespmem:$0x1D800] =	vst v63  }
0x138: {  	_ =	swait.ge [sflag:s0], $0x800  }
0x139: {  	[sflag:s0] =	ssyncset.done $0x0  }
0x13a: {  	[sflag:s0] =	ssyncadd.s32 $0xFFFFF800  }
0x13b: {  	[spmem:s1] =	stream.indirect.scatter.add.f32 [tilespmem:s26], [sflag:$0x2], $0x10, s12, s16, $0xb8;
	[tilespmem:$0x1D800] =	vst v63  }
0x13c: {  	_ =	swait.ge [sflag:s0], $0x800  }
0x13d: {  	[sflag:s0] =	ssyncset.done $0x0  }
0x13e: {  	[sflag:s0] =	ssyncadd.s32 $0xFFFFF800  }
0x13f: {  	[spmem:s1] =	stream.indirect.scatter.add.f32 [tilespmem:s29], [sflag:$0x2], $0x10, s13, s16, $0xb8;
	[tilespmem:$0x1D800] =	vst v63  }
0x140: {  	s18 =	sadd.s32 $0x1, s18;
	_ =	swait.ge [sflag:s0], $0x800  }
0x141: {  	p0 =	sne.s32 s18, $0xC4;
	[sflag:s0] =	ssyncset.done $0x0  }
.Ltmp5:
0x142: {  	[sflag:s0] =	ssyncadd.s32 $0xFFFFF800;
	(pc) =	sbr.rel @p0 .LBB2_10-.Ltmp5, $4  }
0x143: {  	[spmem:s1] =	stream.indirect.scatter.add.f32 [tilespmem:s15], [sflag:$0x2], $0x10, s7, s16, $0xb8;
	[tilespmem:$0x1D800] =	vst v63  }
0x144: {  	_ =	swait.ge [sflag:s0], $0x800  }
0x145: {  	[sflag:s0] =	ssyncset.done $0x0  }
0x146: {  	[sflag:s0] =	ssyncadd.s32 $0xFFFFF800  }
0x147: {  	[bflag:$0x0] =	sbarrier.arrive $0xFFFF  }
0x148: {  	s2 =	rddreg [dreg:$0x10]  }
0x149: {  	s18 =	rddreg [dreg:$0x1a]  }
0x14a: {  	s20 =	rddreg [dreg:$0x1b]  }
0x14b: {  	[hbm:s2], [sflag:s18] =	dma.local [spmem:s20], $0x800  }
0x14c: {  	_ =	swait.ge [sflag:s0], $0x800  }
0x14d: {  	[sflag:s0] =	ssyncset.done $0x0;
	s20 =	rddreg [dreg:$0x13]  }
0x14e: {  	s23 =	rddreg [dreg:$0x1c];
	[sflag:s0] =	ssyncadd.s32 $0xFFFFF800  }
0x14f: {  	[hbm:s20], [sflag:s18] =	dma.local [spmem:s23], $0x800  }
0x150: {  	_ =	swait.ge [sflag:s0], $0x800  }
0x151: {  	[sflag:s0] =	ssyncset.done $0x0;
	s20 =	rddreg [dreg:$0x14]  }
0x152: {  	s23 =	rddreg [dreg:$0x1d];
	[sflag:s0] =	ssyncadd.s32 $0xFFFFF800  }
0x153: {  	[hbm:s20], [sflag:s18] =	dma.local [spmem:s23], $0x800  }
0x154: {  	_ =	swait.ge [sflag:s0], $0x800  }
0x155: {  	[sflag:s0] =	ssyncset.done $0x0;
	s20 =	rddreg [dreg:$0x15]  }
0x156: {  	s23 =	rddreg [dreg:$0x1e];
	[sflag:s0] =	ssyncadd.s32 $0xFFFFF800  }
0x157: {  	[hbm:s20], [sflag:s18] =	dma.local [spmem:s23], $0x800  }
0x158: {  	_ =	swait.ge [sflag:s0], $0x800  }
0x159: {  	[sflag:s0] =	ssyncset.done $0x0;
	s20 =	rddreg [dreg:$0x16]  }
0x15a: {  	s23 =	rddreg [dreg:$0x1f];
	[sflag:s0] =	ssyncadd.s32 $0xFFFFF800  }
0x15b: {  	[hbm:s20], [sflag:s18] =	dma.local [spmem:s23], $0x800  }
0x15c: {  	_ =	swait.ge [sflag:s0], $0x800  }
0x15d: {  	s23 =	sld [smem:$0x7FC]  }
0x15e: {  	[sflag:s0] =	ssyncset.done $0x0  }
0x15f: {  	s20 =	rddreg [dreg:$0x17];
	[sflag:s0] =	ssyncadd.s32 $0xFFFFF800  }
0x160: {  	[hbm:s20], [sflag:s18] =	dma.local [spmem:s23], $0x800  }
0x161: {  	_ =	swait.ge [sflag:s0], $0x800  }
0x162: {  	s23 =	sld [smem:$0x7FD]  }
0x163: {  	[sflag:s0] =	ssyncset.done $0x0  }
0x164: {  	s20 =	rddreg [dreg:$0x18];
	[sflag:s0] =	ssyncadd.s32 $0xFFFFF800  }
0x165: {  	[hbm:s20], [sflag:s18] =	dma.local [spmem:s23], $0x200  }
0x166: {  	_ =	swait.ge [sflag:s0], $0x200  }
0x167: {  	s20 =	rddreg [dreg:$0x19]  }
0x168: {  	s23 =	rddreg [dreg:$0x12];
	s18 =	sadd.s32 $0x1, s20  }
0x169: {  	p0 =	sne.s32 s18, s23  }
.Ltmp6:
0x16a: {  	_ = 	snop;
	(pc) =	sbr.rel @p0 .LBB2_1-.Ltmp6, $3  }
0x16b: {  	_ =	sdelay $0x1  }
0x16c: {  	[sflag:s0] =	ssyncset.done $0x0  }
0x16d: {  	[sflag:s0] =	ssyncadd.s32 $0xFFFFFE00  }
0x16e: {  	_ =	sfence.sel $0x180000  }
0x16f: {  	[bflag:$0x0] =	sbarrier.arrive $0xFFFF  }
0x170: {  	_ =	strace $0x9000004A  }
0x171: {  	s0 =	stileid.u32;
	[bflag:$0x2] =	sbarrier.arrive $0xFFFF  }
0x172: {  	p0 =	sne.s32 s0, $0x0;
	s0 =	rddreg [dreg:$0x2]  }
0x173: {  	s0 =	sadd.s32 @!p0 $0x100000, s0  }
0x174: {  	[sflag:s0] =	ssyncadd.tile.s32 @!p0 $0x1;
	_ =	shalt  }
.Lfunc_end2:
_tile_overlayer_lowered:
.L_overlay_start_2:
0x175: {  	(tag) =	ssettag $0x2  }
0x176: {  	s0 =	rddreg [dreg:$0x0];
	s2 =	stileid.u32  }
0x177: {  	s1 =	rddreg [dreg:$0x1];
	p0 =	sne.s32 s2, $0x0  }
0x178: {  	s3 =	rddreg [dreg:$0x2];
	[bflag:$0x3] =	sbarrier.arrive $0xFFFF;
	s2 =	simm.s32 @!p0 $0x1C02  }
0x179: {  	[timem:s3], [sflag:s2] =	dma.local @!p0 [hbm:s0], s1  }
0x17a: {  	s0 =	simm.s32 @!p0 $0x2  }
0x17b: {  	_ =	swait.ge @!p0 [sflag:s0], s1  }
0x17c: {  	s1 =	ssub.s32 @!p0 $0x0, s1;
	[sflag:s0] =	ssyncset.done @!p0 $0x0  }
0x17d: {  	[sflag:s0] =	ssyncadd.s32 @!p0 s1  }
0x17e: {  	[bflag:$0x3] =	sbarrier.arrive $0xFFFF  }
0x17f: {  	_ =	shalt  }

// kernel: kernel.16.cloned.1.call-start
scs
__scs_entry_jumppad:
0x0: {  	(pc) =	sbr.rel $0x88, $3  }
0x1: {  	(tag) =	ssettag $0x0;
	lr =	simm.s32 $0x1  }
0x2: {  	[smem:$0x3F98] =	sst lr;
	_ =	strace $0xD0000000  }
0x3: {  	_ = 	snop  }
0x4: {  	_ = 	snop  }
0x5: {  	_ = 	snop  }
0x6: {  	_ = 	snop  }
0x7: {  	_ = 	snop  }
__scs_overlays_trampoline_lowered:
0x8: {  	[smem:$0x3FA7] =	sst s0  }
0x9: {  	[smem:$0x3FA8] =	sst s1  }
0xa: {  	[smem:$0x3FA9] =	sst s2  }
0xb: {  	[smem:$0x3FAA] =	sst s3  }
0xc: {  	[smem:$0x3FAB] =	sst s4  }
0xd: {  	[smem:$0x3FAC] =	sst s5  }
0xe: {  	[smem:$0x3FAD] =	sst s6  }
0xf: {  	[smem:$0x3FAE] =	sst s7  }
0x10: {  	[smem:$0x3FAF] =	sst s8  }
0x11: {  	[smem:$0x3FB0] =	sst s9;
	s0 =	simm.s32 @!p0 $0x0  }
0x12: {  	s1 =	sld [smem:$0x3F96];
	s0 =	simm.s32 @p0 $0x1  }
0x13: {  	[smem:$0x3FB1] =	sst s0;
	s0 =	simm.s32 @!p1 $0x0  }
0x14: {  	s2 =	sld [smem:$0x3F95];
	s0 =	simm.s32 @p1 $0x1  }
0x15: {  	[smem:$0x3FB2] =	sst s0;
	s0 =	simm.s32 @!p2 $0x0  }
0x16: {  	s3 =	sld [smem:$0x3FDB];
	s0 =	simm.s32 @p2 $0x1  }
0x17: {  	s4 =	simm.s32 $0x1BF5;
	[smem:$0x3FB4] =	sst s0  }
0x18: {  	s0 =	sld [smem:$0x3F97];
	_ =	swait.ge [sflag:s4], $0x0  }
0x19: {  	s7 =	sld [smem:$0x3F98]  }
0x1a: {  	s8 =	sadd.s32 $0xFFFFE003, lr  }
0x1b: {  	s9 =	sadd.s32 $0xFFFFFEF7, lr;
	s5 =	simm.s32 $0xFFFFFFFF;
	p2 =	slt.u32 s8, $0xFFFFF086  }
0x1c: {  	p1 =	slt.u32 s9, $0xF7A;
	s5 =	simm.s32 @!p2 $0x0  }
0x1d: {  	s5 =	simm.s32 @p1 $0x1;
	p0 =	seq.s32 s7, s2  }
0x1e: {  	s7 =	smul.u32 @!p0 $0xF7A, s2;
	p2 =	seq.s32 @!p0 s5, $0x0  }
0x1f: {  	s9 =	smul.u32 $0xF7A, s1;
	s8 =	simm.s32 @!p0 $0x1BF5;
	p2 =	por !p2, p0  }
0x20: {  	[sflag:s8] =	ssyncset.s32 @!p0 $0xFFFFF086;
	s6 =	sadd.s32 @!p0 s3, s7;
	s7 =	simm.s32 @!p0 $0x108  }
0x21: {  	s3 =	sadd.s32 s3, s9;
	s6 =	sadd.s32 @!p0 $0x88, s6;
	s7 =	simm.s32 @p2 $0x1082  }
0x22: {  	[simem:s7], [sflag:s8] =	dma.local @!p0 [hbm:s6], $0xF7A  }
0x23: {  	s9 =	sor.u32 $0xD0000000, s2;
	s6 =	simm.s32 $0x108;
	_ =	swait.ge @!p0 [sflag:s8], $0x0  }
0x24: {  	s3 =	sadd.s32 $0x88, s3;
	s6 =	simm.s32 @!p1 $0x1082;
	[sflag:s4] =	ssyncset.s32 $0xFFFFF086  }
0x25: {  	[simem:s6], [sflag:s4] =	dma.local [hbm:s3], $0xF7A  }
0x26: {  	[smem:$0x3F98] =	sst s1;
	(tag) =	ssettag s2;
	_ =	strace s9  }
0x27: {  	s1 =	sld [smem:$0x3FA8]  }
0x28: {  	s2 =	sld [smem:$0x3FA9]  }
0x29: {  	s4 =	sld [smem:$0x3FAB]  }
0x2a: {  	p0 =	seq.s32 s5, $0x0;
	s5 =	sld [smem:$0x3FAC]  }
0x2b: {  	s6 =	sld [smem:$0x3FAD]  }
0x2c: {  	s7 =	sld [smem:$0x3FAE]  }
0x2d: {  	s3 =	simm.s32 $0x108;
	s8 =	sld [smem:$0x3FAF]  }
0x2e: {  	s3 =	simm.s32 @!p0 $0x1082;
	s9 =	sld [smem:$0x3FB0]  }
0x2f: {  	lr =	sadd.s32 s0, s3;
	s0 =	sld [smem:$0x3FA7]  }
0x30: {  	s3 =	sld [smem:$0x3FAA]  }
0x31: {  	[smem:$0x3FB3] =	sst s10  }
0x32: {  	s10 =	sld [smem:$0x3FB1];
	_ =	sdelay $0x3  }
0x33: {  	p0 =	seq.s32 s10, $0x1;
	s10 =	sld [smem:$0x3FB3];
	_ =	sdelay $0x3  }
0x34: {  	[smem:$0x3FB3] =	sst s10  }
0x35: {  	s10 =	sld [smem:$0x3FB2];
	_ =	sdelay $0x3  }
0x36: {  	p1 =	seq.s32 s10, $0x1;
	s10 =	sld [smem:$0x3FB3];
	_ =	sdelay $0x3  }
0x37: {  	[smem:$0x3FB3] =	sst s10  }
0x38: {  	s10 =	sld [smem:$0x3FB4]  }
0x39: {  	_ = 	snop;
	(pc) =	sbr.ind lr, $3  }
0x3a: {  	_ = 	snop  }
0x3b: {  	_ = 	snop  }
0x3c: {  	p2 =	seq.s32 s10, $0x1;
	s10 =	sld [smem:$0x3FB3]  }
0x3d: {  	_ =	shalt  }
0x3e: {  	_ =	shalt  }
0x3f: {  	_ =	shalt  }
0x40: {  	_ =	shalt  }
0x41: {  	_ =	shalt  }
0x42: {  	_ =	shalt  }
0x43: {  	_ =	shalt  }
0x44: {  	_ =	shalt  }
0x45: {  	_ =	shalt  }
0x46: {  	_ =	shalt  }
0x47: {  	_ =	shalt  }
0x48: {  	_ =	shalt  }
0x49: {  	_ =	shalt  }
0x4a: {  	_ =	shalt  }
0x4b: {  	_ =	shalt  }
0x4c: {  	_ =	shalt  }
0x4d: {  	_ =	shalt  }
0x4e: {  	_ =	shalt  }
0x4f: {  	_ =	shalt  }
0x50: {  	_ =	shalt  }
0x51: {  	_ =	shalt  }
0x52: {  	_ =	shalt  }
0x53: {  	_ =	shalt  }
0x54: {  	_ =	shalt  }
0x55: {  	_ =	shalt  }
0x56: {  	_ =	shalt  }
0x57: {  	_ =	shalt  }
0x58: {  	_ =	shalt  }
0x59: {  	_ =	shalt  }
0x5a: {  	_ =	shalt  }
0x5b: {  	_ =	shalt  }
0x5c: {  	_ =	shalt  }
0x5d: {  	_ =	shalt  }
0x5e: {  	_ =	shalt  }
0x5f: {  	_ =	shalt  }
0x60: {  	_ =	shalt  }
0x61: {  	_ =	shalt  }
0x62: {  	_ =	shalt  }
0x63: {  	_ =	shalt  }
0x64: {  	_ =	shalt  }
0x65: {  	_ =	shalt  }
0x66: {  	_ =	shalt  }
0x67: {  	_ =	shalt  }
0x68: {  	_ =	shalt  }
0x69: {  	_ =	shalt  }
0x6a: {  	_ =	shalt  }
0x6b: {  	_ =	shalt  }
0x6c: {  	_ =	shalt  }
0x6d: {  	_ =	shalt  }
0x6e: {  	_ =	shalt  }
0x6f: {  	_ =	shalt  }
0x70: {  	_ =	shalt  }
0x71: {  	_ =	shalt  }
0x72: {  	_ =	shalt  }
0x73: {  	_ =	shalt  }
0x74: {  	_ =	shalt  }
0x75: {  	_ =	shalt  }
0x76: {  	_ =	shalt  }
0x77: {  	_ =	shalt  }
0x78: {  	_ =	shalt  }
0x79: {  	_ =	shalt  }
0x7a: {  	_ =	shalt  }
0x7b: {  	_ =	shalt  }
0x7c: {  	_ =	shalt  }
0x7d: {  	_ =	shalt  }
0x7e: {  	_ =	shalt  }
0x7f: {  	_ =	shalt  }
0x80: {  	_ =	shalt  }
0x81: {  	_ =	shalt  }
0x82: {  	_ =	shalt  }
0x83: {  	_ =	shalt  }
0x84: {  	_ =	shalt  }
0x85: {  	_ =	shalt  }
0x86: {  	_ =	shalt  }
0x87: {  	_ =	shalt  }
.Lfunc_end0:
.L_simem_size_0:
called_computation.2_lowered:
.L_overlay_start_0:
0x88: {  	s2 =	sld [smem:$0x3FD9]  }
0x89: {  	s3 =	sld [smem:$0x3FFE];
	_ =	sdelay $0x1  }
0x8a: {  	s1 =	srdreg.scid  }
0x8b: {  	s0 =	sand.u32 $0x1, s1  }
0x8c: {  	s16 =	sshll.u32 s0, $0xA;
	s2 =	sadd.s32 s3, s2  }
0x8d: {  	s2 =	sadd.s32 s2, s16  }
0x8e: {  	[smem:$0x3FBF] =	sst s2  }
0x8f: {  	_ = 	snop  }
0x90: {  	(tm) =	ssettm $0x1  }
0x91: {  	s17 =	sld [smem:$0x3FFB];
	_ =	sdelay $0x3  }
0x92: {  	_ =	strace s17  }
0x93: {  	s2 =	sld [smem:$0x3FFC];
	_ =	sdelay $0x3  }
0x94: {  	_ =	strace s2  }
0x95: {  	s2 =	sld [smem:$0x3FFD];
	_ =	sdelay $0x3  }
0x96: {  	_ =	strace s2  }
0x97: {  	_ =	strace $0x8FFFFFFF  }
0x98: {  	s18 =	sld [smem:$0x3FDB];
	_ =	sdelay $0x1  }
0x99: {  	s19 =	simm.s32 $_scs_section_size  }
0x9a: {  	s4 =	simm.s32 $_size__tile_overlayer_lowered;
	s5 =	simm.s32 $_tile_overlayer_lowered  }
0x9b: {  	s22 =	simm.s32 $0x1BFF;
	s21 =	sshll.u32 s5, $0x1;
	s2 =	sadd.s32 s19, s18  }
0x9c: {  	s6 =	simm.s32 $0x0;
	s20 =	sshll.u32 s4, $0x1;
	s4 =	sadd.s32 s21, s2  }
0x9d: {  	[timem:s6], [sflag:s22] =	dma.local [hbm:s4], s20  }
0x9e: {  	_ =	swait.ge [sflag:s22], s20  }
0x9f: {  	s3 =	ssub.s32 $0x0, s20;
	[sflag:s22] =	ssyncset.done $0x0  }
0xa0: {  	[sflag:s22] =	ssyncadd.s32 s3;
	_ =	sdelay $0x1  }
0xa1: {  	s23 =	simm.s32 $0x1B8B  }
0xa2: {  	_ =	swait.ge [sflag:s23], $0x1  }
0xa3: {  	[sflag:s23] =	ssyncset.done $0x0  }
0xa4: {  	s25 =	simm.s32 $0x1B8E;
	s24 =	sld [smem:$0x3FFE];
	[sflag:s23] =	ssyncadd.s32 $0xFFFFFFFF  }
0xa5: {  	s26 =	simm.s32 $execute0_lowered;
	[smem:$0x3FD2] =	sst s25  }
0xa6: {  	s4 =	sshll.u32 s26, $0x1;
	_ =	strace $0x8000004C;
	[dreg:$0x1] =	wrdreg $0xFFFFFFFF  }
0xa7: {  	s28 =	simm.s32 $_size_execute0_lowered;
	s2 =	sadd.s32 s2, s4;
	[dreg:$0x0] =	wrdreg $0x0  }
0xa8: {  	s4 =	sshll.u32 s28, $0x1;
	[dreg:$0x2] =	wrdreg s2  }
0xa9: {  	[dreg:$0x3] =	wrdreg s4  }
0xaa: {  	[dreg:$0x4] =	wrdreg $0xC0  }
0xab: {  	_ =	task [dreg:s6], $0x5FFFF  }
0xac: {  	[dreg:$0x1] =	wrdreg $0xFFFFFFFF  }
0xad: {  	[dreg:$0x0] =	wrdreg $0x60  }
0xae: {  	[dreg:$0x2] =	wrdreg s24  }
0xaf: {  	[dreg:$0x3] =	wrdreg $0x48000  }
0xb0: {  	[dreg:$0x4] =	wrdreg $0x9  }
0xb1: {  	_ =	task.clear_ibuf [dreg:s6], $0x5FFFF;
	_ =	strace $0x9000004C  }
0xb2: {  	s29 =	simm.s32 $0x9;
	_ =	strace $0x8000004E  }
0xb3: {  	_ =	swait.ge [sflag:s29], $0x1  }
0xb4: {  	[sflag:s29] =	ssyncadd.s32 $0xFFFFFFFF  }
0xb5: {  	_ =	strace $0x9000004E  }
0xb6: {  	_ =	sfence  }
0xb7: {  	s30 =	sld [smem:$0x0];
	_ =	sdelay $0x2  }
0xb8: {  	s31 =	sshll.u32 s1, $0xD;
	s1 =	sshrl.u32 s1, $0x2  }
0xb9: {  	s3 =	sand.u32 $0x4000, s31;
	s1 =	sadd.s32 s1, s30  }
0xba: {  	s0 =	sor.u32 s3, s0;
	s1 =	sshll.u32 s1, $0x11  }
0xbb: {  	s0 =	sor.u32 s1, s0  }
0xbc: {  	s0 =	sadd.s32 $0x8F2B, s0  }
0xbd: {  	[sflag:s0] =	ssyncadd.remote.s32 $0x1  }
0xbe: {  	_ =	sfence.sel $0xFFFF  }
0xbf: {  	[dreg:$0x0] =	wrdreg $0xFFFFFFFF;
	(pc) =	sbr.abs _section_cstart, $3  }
0xc0: {  	[dreg:$0x1] =	wrdreg $0xFFFFFFFF  }
0xc1: {  	_ =	task.clear_ibuf [dreg:s6], $0x2FFFF;
	_ =	strace $0x9FFFFFFF  }
0xc2: {  	(tm) =	ssettm $0x7FFFFFFF  }
0xc3: {  	_ =	shalt  }
tec
execute0_lowered:
.L_overlay_start_1:
0x0: {  	(tag) =	ssettag $0x1  }
0x1: {  	s0 =	rddreg [dreg:$0x0]  }
0x2: {  	s1 =	srdreg.scid;
	s8 =	stileid.u32  }
0x3: {  	s2 =	rddreg [dreg:$0x1];
	s4 =	simm.s32 $0x0;
	s28 =	simm.s32 $0x1000  }
0x4: {  	s30 =	simm.s32 $0x1800;
	s9 =	simm.s32 $0x500;
	s10 =	simm.s32 $0x580  }
0x5: {  	s11 =	simm.s32 $0x600;
	s3 =	sand.u32 $0x1, s1;
	s7 =	smul.u32 $0x64000, s8  }
0x6: {  	s12 =	smul.u32 $0x1900, s8;
	[smem:$0x7FF] =	sst s4;
	s4 =	sadd.s32 $0x253A00, s0  }
0x7: {  	s5 =	sadd.s32 $0x1F1A00, s0;
	s6 =	smul.u32 $0x19000, s3;
	s7 =	sshrl.u32 s7, $0x2  }
0x8: {  	_ =	strace $0x8000004D;
	s20 =	ssub.s32 $0x2, s3;
	s29 =	sadd.s32 s7, s2  }
0x9: {  	v0 =	vmov s3;
	s3 =	simm.s32 $0x0;
	s13 =	sadd.s32 $0x4000, s29;
	[dreg:$0x3] =	wrdreg s29  }
0xa: {  	s23 =	sshrl.u32 s20, $0x1;
	s14 =	sadd.s32 $0x8000, s29;
	[dreg:$0x4] =	wrdreg s13  }
0xb: {  	s1 =	sadd.s32 s12, s6;
	s15 =	sadd.s32 $0xC000, s29;
	[dreg:$0x5] =	wrdreg s14  }
0xc: {  	s6 =	sadd.s32 $0x2C00, s0;
	s16 =	sadd.s32 $0x10000, s29;
	[dreg:$0x6] =	wrdreg s15  }
0xd: {  	s12 =	simm.s32 $0x680;
	s17 =	sadd.s32 $0x14000, s29;
	[dreg:$0x7] =	wrdreg s16  }
0xe: {  	s1 =	sshll.u32 s1, $0x1;
	s18 =	sadd.s32 $0x18000, s29;
	[dreg:$0x8] =	wrdreg s17  }
0xf: {  	s7 =	simm.s32 $0x780;
	s0 =	sadd.s32 s1, s0;
	[dreg:$0x9] =	wrdreg s18  }
0x10: {  	s14 =	smul.u32 $0x31000, s8;
	s1 =	ssub.s32 s20, s23;
	s19 =	sadd.s32 $0x2B5600, s0  }
0x11: {  	s23 =	simm.s32 $0x800;
	s21 =	sadd.s32 $0x2B5E00, s0;
	[dreg:$0xa] =	wrdreg s19  }
0x12: {  	s15 =	simm.s32 $0x2800;
	s22 =	sadd.s32 $0x2B6600, s0;
	[dreg:$0xb] =	wrdreg s21  }
0x13: {  	s16 =	simm.s32 $0x280;
	s24 =	sadd.s32 $0x2B6E00, s0;
	[dreg:$0xc] =	wrdreg s22  }
0x14: {  	s17 =	simm.s32 $0x3000;
	s25 =	sadd.s32 $0x2B7600, s0;
	[dreg:$0xd] =	wrdreg s24  }
0x15: {  	s18 =	simm.s32 $0x300;
	s26 =	sadd.s32 $0x2B7E00, s0;
	[dreg:$0xe] =	wrdreg s25  }
0x16: {  	s20 =	simm.s32 $0x380;
	s0 =	sadd.s32 $0x2B8600, s0;
	[dreg:$0xf] =	wrdreg s26  }
0x17: {  	s8 =	simm.s32 $0x480;
	s31 =	smax.u32 s1, $0x1;
	[dreg:$0x10] =	wrdreg s0  }
0x18: {  	s13 =	simm.s32 $0x700;
	s1 =	simm.s32 $0x2000;
	[dreg:$0x11] =	wrdreg s31  }
0x19: {  	s24 =	simm.s32 $0x2;
	s25 =	simm.s32 $0x400;
	s26 =	simm.s32 $0x80  }
0x1a: {  	v1 =	vimm.f32 $0.0e+00;
	s19 =	simm.s32 $0x3800;
	s21 =	simm.s32 $0x4000;
	s22 =	simm.s32 $0x1  }
.LBB2_1:
0x1b: {  	[dreg:$0x12] =	wrdreg s3;
	s0 =	simm.s32 $0x40;
	s3 =	simm.s32 $0x0  }
.LBB2_2:
0x1c: {  	p0 =	sne.s32 s0, $0xFFC0;
	[tilespmem:s3+$0x800] =	vst v1;
	s3 =	smov.u32 s0;
	s0 =	sadd.s32 $0x40, s0  }
.Ltmp0:
0x1d: {  	(pc) =	sbr.rel @p0 .LBB2_2-.Ltmp0, $2  }
0x1e: {  	_ =	sdelay $0x2  }
0x1f: {  	s3 =	sshra.s32 s3, $0x2  }
0x20: {  	[tilespmem:s3+$0x800] =	vst v1  }
0x21: {  	[spmem:s29] =	stream.linear.scatter [tilespmem:s23], [sflag:$0x2], $0x4000, $0x38;
	[tilespmem:$0x1D800] =	vst v63  }
0x22: {  	_ =	swait.ge [sflag:s24], $0x4000  }
0x23: {  	[sflag:s24] =	ssyncset.done $0x0  }
0x24: {  	s0 =	rddreg [dreg:$0x4];
	[sflag:s24] =	ssyncadd.s32 $0xFFFFC000  }
0x25: {  	[spmem:s0] =	stream.linear.scatter [tilespmem:s23], [sflag:$0x2], $0x4000, $0x38;
	[tilespmem:$0x1D800] =	vst v63  }
0x26: {  	_ =	swait.ge [sflag:s24], $0x4000  }
0x27: {  	[sflag:s24] =	ssyncset.done $0x0  }
0x28: {  	s31 =	rddreg [dreg:$0x5];
	[sflag:s24] =	ssyncadd.s32 $0xFFFFC000  }
0x29: {  	[spmem:s31] =	stream.linear.scatter [tilespmem:s23], [sflag:$0x2], $0x4000, $0x38;
	[tilespmem:$0x1D800] =	vst v63  }
0x2a: {  	_ =	swait.ge [sflag:s24], $0x4000  }
0x2b: {  	[sflag:s24] =	ssyncset.done $0x0  }
0x2c: {  	s3 =	rddreg [dreg:$0x6];
	[sflag:s24] =	ssyncadd.s32 $0xFFFFC000  }
0x2d: {  	[spmem:s3] =	stream.linear.scatter [tilespmem:s23], [sflag:$0x2], $0x4000, $0x38;
	[tilespmem:$0x1D800] =	vst v63  }
0x2e: {  	_ =	swait.ge [sflag:s24], $0x4000  }
0x2f: {  	[sflag:s24] =	ssyncset.done $0x0  }
0x30: {  	s31 =	rddreg [dreg:$0x7];
	[sflag:s24] =	ssyncadd.s32 $0xFFFFC000  }
0x31: {  	[spmem:s31] =	stream.linear.scatter [tilespmem:s23], [sflag:$0x2], $0x4000, $0x38;
	[tilespmem:$0x1D800] =	vst v63  }
0x32: {  	_ =	swait.ge [sflag:s24], $0x4000  }
0x33: {  	[sflag:s24] =	ssyncset.done $0x0  }
0x34: {  	s3 =	rddreg [dreg:$0x8];
	[sflag:s24] =	ssyncadd.s32 $0xFFFFC000  }
0x35: {  	[spmem:s3] =	stream.linear.scatter [tilespmem:s23], [sflag:$0x2], $0x4000, $0x38;
	[tilespmem:$0x1D800] =	vst v63  }
0x36: {  	_ =	swait.ge [sflag:s24], $0x4000  }
0x37: {  	[sflag:s24] =	ssyncset.done $0x0  }
0x38: {  	s31 =	rddreg [dreg:$0x9];
	[sflag:s24] =	ssyncadd.s32 $0xFFFFC000  }
0x39: {  	[spmem:s31] =	stream.linear.scatter [tilespmem:s23], [sflag:$0x2], $0x1000, $0x38;
	[tilespmem:$0x1D800] =	vst v63  }
0x3a: {  	_ =	swait.ge [sflag:s24], $0x1000  }
0x3b: {  	[sflag:s24] =	ssyncset.done $0x0  }
0x3c: {  	[sflag:s24] =	ssyncadd.s32 $0xFFFFF000  }
0x3d: {  	s29 =	simm.s32 $0x0;
	s3 =	simm.s32 $0x0;
	[bflag:$0x0] =	sbarrier.arrive $0xFFFF  }
.LBB2_4:
0x3e: {  	s0 =	sshll.u32 s29, $0xA  }
0x3f: {  	s0 =	sadd.s32 s14, s0  }
0x40: {  	s0 =	sshrl.u32 s0, $0x3  }
0x41: {  	s31 =	sadd.s32 s5, s0  }
0x42: {  	[tilespmem:s3], [sflag:$0x2] =	stream.linear.gather [hbm4b:s31+s3], $0x400, $0x38;
	[tilespmem:$0x1D800] =	vst v63  }
0x43: {  	_ =	swait.ge [sflag:s24], $0x400  }
0x44: {  	[sflag:s24] =	ssyncset.done $0x0  }
0x45: {  	s0 =	sadd.s32 s6, s0;
	[sflag:s24] =	ssyncadd.s32 $0xFFFFFC00  }
0x46: {  	[tilespmem:s25], [sflag:$0x2] =	stream.linear.gather [hbm4b:s0+s3], $0x400, $0x38;
	[tilespmem:$0x1D800] =	vst v63  }
0x47: {  	_ =	swait.ge [sflag:s24], $0x400  }
0x48: {  	[sflag:s24] =	ssyncset.done $0x0  }
0x49: {  	s31 =	simm.s32 $0x0;
	s0 =	simm.s32 $0x40;
	[sflag:s24] =	ssyncadd.s32 $0xFFFFFC00  }
.LBB2_5:
0x4a: {  	p0 =	sne.s32 s0, $0xFC0;
	v2 =	vld [tilespmem:s31+$0x0];
	_ =	sdelay $0x2  }
.Ltmp1:
0x4b: {  	(pc) =	sbr.rel @p0 .LBB2_5-.Ltmp1, $4  }
0x4c: {  	_ = 	snop  }
0x4d: {  	v2 =	vshll.u32 v2, $0x1  }
0x4e: {  	v2 =	vor.u32 v0, v2  }
0x4f: {  	[tilespmem:s31+$0x0] =	vst v2;
	s31 =	sshra.s32 s0, $0x2;
	s0 =	sadd.s32 $0x40, s0  }
0x50: {  	v2 =	vld [tilespmem:s31+$0x0];
	_ =	sdelay $0x4  }
0x51: {  	v2 =	vshll.u32 v2, $0x1  }
0x52: {  	v2 =	vor.u32 v0, v2  }
0x53: {  	s0 =	simm.s32 $0x0;
	[tilespmem:s31+$0x0] =	vst v2  }
0x54: {  	[tilespmem:s23], [sflag:$0x1] =	stream.indirect.gather [hbm4b:s4+s26], $0x10, s0, s26, $0xb8;
	[tilespmem:$0x1D800] =	vst v63  }
0x55: {  	_ = 	snop  }
0x56: {  	[tilespmem:s28], [sflag:$0x1] =	stream.indirect.gather [hbm4b:s4+s26], $0x10, s26, s26, $0xb8;
	[tilespmem:$0x1D800] =	vst v63  }
0x57: {  	s31 =	simm.s32 $0x100  }
0x58: {  	[tilespmem:s30], [sflag:$0x1] =	stream.indirect.gather [hbm4b:s4+s26], $0x10, s31, s26, $0xb8;
	[tilespmem:$0x1D800] =	vst v63  }
0x59: {  	s31 =	simm.s32 $0x180  }
0x5a: {  	[tilespmem:s1], [sflag:$0x1] =	stream.indirect.gather [hbm4b:s4+s26], $0x10, s31, s26, $0xb8;
	[tilespmem:$0x1D800] =	vst v63  }
0x5b: {  	s31 =	simm.s32 $0x200  }
0x5c: {  	[tilespmem:s15], [sflag:$0x1] =	stream.indirect.gather [hbm4b:s4+s26], $0x10, s31, s26, $0xb8;
	[tilespmem:$0x1D800] =	vst v63  }
0x5d: {  	_ = 	snop  }
0x5e: {  	[tilespmem:s17], [sflag:$0x1] =	stream.indirect.gather [hbm4b:s4+s26], $0x10, s16, s26, $0xb8;
	[tilespmem:$0x1D800] =	vst v63  }
0x5f: {  	_ = 	snop  }
0x60: {  	[tilespmem:s19], [sflag:$0x1] =	stream.indirect.gather [hbm4b:s4+s26], $0x10, s18, s26, $0xb8;
	[tilespmem:$0x1D800] =	vst v63  }
0x61: {  	_ = 	snop  }
0x62: {  	[tilespmem:s21], [sflag:$0x1] =	stream.indirect.gather [hbm4b:s4+s26], $0x10, s20, s26, $0xb8;
	[tilespmem:$0x1D800] =	vst v63  }
0x63: {  	_ =	swait.ge [sflag:s22], $0x800  }
0x64: {  	[sflag:s22] =	ssyncset.done $0x0  }
0x65: {  	[sflag:s22] =	ssyncadd.s32 $0xFFFFF800  }
0x66: {  	_ =	swait.ge [sflag:s22], $0x800  }
0x67: {  	[sflag:s22] =	ssyncset.done $0x0  }
0x68: {  	[sflag:s22] =	ssyncadd.s32 $0xFFFFF800  }
0x69: {  	_ =	swait.ge [sflag:s22], $0x800  }
0x6a: {  	[sflag:s22] =	ssyncset.done $0x0  }
0x6b: {  	[sflag:s22] =	ssyncadd.s32 $0xFFFFF800  }
0x6c: {  	_ =	swait.ge [sflag:s22], $0x800  }
0x6d: {  	[sflag:s22] =	ssyncset.done $0x0  }
0x6e: {  	[sflag:s22] =	ssyncadd.s32 $0xFFFFF800  }
0x6f: {  	_ =	swait.ge [sflag:s22], $0x800  }
0x70: {  	[sflag:s22] =	ssyncset.done $0x0  }
0x71: {  	[sflag:s22] =	ssyncadd.s32 $0xFFFFF800  }
0x72: {  	_ =	swait.ge [sflag:s22], $0x800  }
0x73: {  	[sflag:s22] =	ssyncset.done $0x0  }
0x74: {  	[sflag:s22] =	ssyncadd.s32 $0xFFFFF800  }
0x75: {  	_ =	swait.ge [sflag:s22], $0x800  }
0x76: {  	[sflag:s22] =	ssyncset.done $0x0  }
0x77: {  	[sflag:s22] =	ssyncadd.s32 $0xFFFFF800  }
0x78: {  	_ =	swait.ge [sflag:s22], $0x800  }
0x79: {  	[sflag:s22] =	ssyncset.done $0x0  }
0x7a: {  	[sflag:s22] =	ssyncadd.s32 $0xFFFFF800  }
0x7b: {  	[spmem:s2] =	stream.indirect.scatter.add.f32 [tilespmem:s23], [sflag:$0x2], $0x10, s25, s26, $0xb8;
	[tilespmem:$0x1D800] =	vst v63  }
0x7c: {  	_ =	swait.ge [sflag:s24], $0x800  }
0x7d: {  	[sflag:s24] =	ssyncset.done $0x0  }
0x7e: {  	[sflag:s24] =	ssyncadd.s32 $0xFFFFF800  }
0x7f: {  	[spmem:s2] =	stream.indirect.scatter.add.f32 [tilespmem:s28], [sflag:$0x2], $0x10, s8, s26, $0xb8;
	[tilespmem:$0x1D800] =	vst v63  }
0x80: {  	_ =	swait.ge [sflag:s24], $0x800  }
0x81: {  	[sflag:s24] =	ssyncset.done $0x0  }
0x82: {  	[sflag:s24] =	ssyncadd.s32 $0xFFFFF800  }
0x83: {  	[spmem:s2] =	stream.indirect.scatter.add.f32 [tilespmem:s30], [sflag:$0x2], $0x10, s9, s26, $0xb8;
	[tilespmem:$0x1D800] =	vst v63  }
0x84: {  	_ =	swait.ge [sflag:s24], $0x800  }
0x85: {  	[sflag:s24] =	ssyncset.done $0x0  }
0x86: {  	[sflag:s24] =	ssyncadd.s32 $0xFFFFF800  }
0x87: {  	[spmem:s2] =	stream.indirect.scatter.add.f32 [tilespmem:s1], [sflag:$0x2], $0x10, s10, s26, $0xb8;
	[tilespmem:$0x1D800] =	vst v63  }
0x88: {  	_ =	swait.ge [sflag:s24], $0x800  }
0x89: {  	[sflag:s24] =	ssyncset.done $0x0  }
0x8a: {  	[sflag:s24] =	ssyncadd.s32 $0xFFFFF800  }
0x8b: {  	[spmem:s2] =	stream.indirect.scatter.add.f32 [tilespmem:s15], [sflag:$0x2], $0x10, s11, s26, $0xb8;
	[tilespmem:$0x1D800] =	vst v63  }
0x8c: {  	_ =	swait.ge [sflag:s24], $0x800  }
0x8d: {  	[sflag:s24] =	ssyncset.done $0x0  }
0x8e: {  	[sflag:s24] =	ssyncadd.s32 $0xFFFFF800  }
0x8f: {  	[spmem:s2] =	stream.indirect.scatter.add.f32 [tilespmem:s17], [sflag:$0x2], $0x10, s12, s26, $0xb8;
	[tilespmem:$0x1D800] =	vst v63  }
0x90: {  	_ =	swait.ge [sflag:s24], $0x800  }
0x91: {  	[sflag:s24] =	ssyncset.done $0x0  }
0x92: {  	[sflag:s24] =	ssyncadd.s32 $0xFFFFF800  }
0x93: {  	[spmem:s2] =	stream.indirect.scatter.add.f32 [tilespmem:s19], [sflag:$0x2], $0x10, s13, s26, $0xb8;
	[tilespmem:$0x1D800] =	vst v63  }
0x94: {  	s29 =	sadd.s32 $0x1, s29;
	_ =	swait.ge [sflag:s24], $0x800  }
0x95: {  	p0 =	sne.s32 s29, $0xC4;
	[sflag:s24] =	ssyncset.done $0x0  }
.Ltmp2:
0x96: {  	[sflag:s24] =	ssyncadd.s32 $0xFFFFF800;
	(pc) =	sbr.rel @p0 .LBB2_4-.Ltmp2, $4  }
0x97: {  	[spmem:s2] =	stream.indirect.scatter.add.f32 [tilespmem:s21], [sflag:$0x2], $0x10, s7, s26, $0xb8;
	[tilespmem:$0x1D800] =	vst v63  }
0x98: {  	_ =	swait.ge [sflag:s24], $0x800  }
0x99: {  	[sflag:s24] =	ssyncset.done $0x0  }
0x9a: {  	[sflag:s24] =	ssyncadd.s32 $0xFFFFF800  }
0x9b: {  	s0 =	stileid.u32;
	[bflag:$0x0] =	sbarrier.arrive $0xFFFF  }
0x9c: {  	s0 =	sshll.u32 s0, $0x6;
	s29 =	rddreg [dreg:$0x3]  }
0x9d: {  	s31 =	rddreg [dreg:$0xa];
	s0 =	sor.u32 $0x1C02, s0;
	s3 =	sshrl.u32 s29, $0x3  }
0x9e: {  	[hbm:s31], [sflag:s0] =	dma.local [spmem:s3], $0x800  }
0x9f: {  	_ =	swait.ge [sflag:s24], $0x800  }
0xa0: {  	[sflag:s24] =	ssyncset.done $0x0;
	s31 =	rddreg [dreg:$0x4]  }
0xa1: {  	[sflag:s24] =	ssyncadd.s32 $0xFFFFF800;
	s3 =	sshrl.u32 s31, $0x3;
	s31 =	rddreg [dreg:$0xb]  }
0xa2: {  	[hbm:s31], [sflag:s0] =	dma.local [spmem:s3], $0x800  }
0xa3: {  	_ =	swait.ge [sflag:s24], $0x800  }
0xa4: {  	[sflag:s24] =	ssyncset.done $0x0;
	s31 =	rddreg [dreg:$0x5]  }
0xa5: {  	[sflag:s24] =	ssyncadd.s32 $0xFFFFF800;
	s3 =	sshrl.u32 s31, $0x3;
	s31 =	rddreg [dreg:$0xc]  }
0xa6: {  	[hbm:s31], [sflag:s0] =	dma.local [spmem:s3], $0x800  }
0xa7: {  	_ =	swait.ge [sflag:s24], $0x800  }
0xa8: {  	[sflag:s24] =	ssyncset.done $0x0;
	s31 =	rddreg [dreg:$0x6]  }
0xa9: {  	[sflag:s24] =	ssyncadd.s32 $0xFFFFF800;
	s3 =	sshrl.u32 s31, $0x3;
	s31 =	rddreg [dreg:$0xd]  }
0xaa: {  	[hbm:s31], [sflag:s0] =	dma.local [spmem:s3], $0x800  }
0xab: {  	_ =	swait.ge [sflag:s24], $0x800  }
0xac: {  	[sflag:s24] =	ssyncset.done $0x0;
	s31 =	rddreg [dreg:$0x7]  }
0xad: {  	[sflag:s24] =	ssyncadd.s32 $0xFFFFF800;
	s3 =	sshrl.u32 s31, $0x3;
	s31 =	rddreg [dreg:$0xe]  }
0xae: {  	[hbm:s31], [sflag:s0] =	dma.local [spmem:s3], $0x800  }
0xaf: {  	_ =	swait.ge [sflag:s24], $0x800  }
0xb0: {  	[sflag:s24] =	ssyncset.done $0x0;
	s31 =	rddreg [dreg:$0x8]  }
0xb1: {  	[sflag:s24] =	ssyncadd.s32 $0xFFFFF800;
	s3 =	sshrl.u32 s31, $0x3;
	s31 =	rddreg [dreg:$0xf]  }
0xb2: {  	[hbm:s31], [sflag:s0] =	dma.local [spmem:s3], $0x800  }
0xb3: {  	_ =	swait.ge [sflag:s24], $0x800  }
0xb4: {  	[sflag:s24] =	ssyncset.done $0x0;
	s31 =	rddreg [dreg:$0x9]  }
0xb5: {  	[sflag:s24] =	ssyncadd.s32 $0xFFFFF800;
	s3 =	sshrl.u32 s31, $0x3;
	s31 =	rddreg [dreg:$0x10]  }
0xb6: {  	[hbm:s31], [sflag:s0] =	dma.local [spmem:s3], $0x200  }
0xb7: {  	_ =	swait.ge [sflag:s24], $0x200  }
0xb8: {  	s0 =	rddreg [dreg:$0x12]  }
0xb9: {  	s31 =	rddreg [dreg:$0x11];
	s3 =	sadd.s32 $0x1, s0  }
0xba: {  	p0 =	sne.s32 s3, s31  }
.Ltmp3:
0xbb: {  	_ = 	snop;
	(pc) =	sbr.rel @p0 .LBB2_1-.Ltmp3, $3  }
0xbc: {  	_ =	sdelay $0x1  }
0xbd: {  	[sflag:s24] =	ssyncset.done $0x0  }
0xbe: {  	[sflag:s24] =	ssyncadd.s32 $0xFFFFFE00  }
0xbf: {  	_ =	sfence.sel $0x180000  }
0xc0: {  	[bflag:$0x0] =	sbarrier.arrive $0xFFFF  }
0xc1: {  	_ =	strace $0x9000004D  }
0xc2: {  	s0 =	stileid.u32;
	[bflag:$0x2] =	sbarrier.arrive $0xFFFF  }
0xc3: {  	p0 =	sne.s32 s0, $0x0;
	s0 =	rddreg [dreg:$0x2]  }
0xc4: {  	s0 =	sadd.s32 @!p0 $0x100000, s0  }
0xc5: {  	[sflag:s0] =	ssyncadd.tile.s32 @!p0 $0x1;
	_ =	shalt  }
.Lfunc_end2:
_tile_overlayer_lowered:
.L_overlay_start_2:
0xc6: {  	(tag) =	ssettag $0x2  }
0xc7: {  	s0 =	rddreg [dreg:$0x0];
	s2 =	stileid.u32  }
0xc8: {  	s1 =	rddreg [dreg:$0x1];
	p0 =	sne.s32 s2, $0x0  }
0xc9: {  	s3 =	rddreg [dreg:$0x2];
	[bflag:$0x3] =	sbarrier.arrive $0xFFFF;
	s2 =	simm.s32 @!p0 $0x1C02  }
0xca: {  	[timem:s3], [sflag:s2] =	dma.local @!p0 [hbm:s0], s1  }
0xcb: {  	s0 =	simm.s32 @!p0 $0x2  }
0xcc: {  	_ =	swait.ge @!p0 [sflag:s0], s1  }
0xcd: {  	s1 =	ssub.s32 @!p0 $0x0, s1;
	[sflag:s0] =	ssyncset.done @!p0 $0x0  }
0xce: {  	[sflag:s0] =	ssyncadd.s32 @!p0 s1  }
0xcf: {  	[bflag:$0x3] =	sbarrier.arrive $0xFFFF  }
0xd0: {  	_ =	shalt  }

// kernel: kernel.19.cloned.1.call-start
scs
__scs_entry_jumppad:
0x0: {  	(pc) =	sbr.rel $0x88, $3  }
0x1: {  	(tag) =	ssettag $0x0;
	lr =	simm.s32 $0x1  }
0x2: {  	[smem:$0x3F98] =	sst lr;
	_ =	strace $0xD0000000  }
0x3: {  	_ = 	snop  }
0x4: {  	_ = 	snop  }
0x5: {  	_ = 	snop  }
0x6: {  	_ = 	snop  }
0x7: {  	_ = 	snop  }
__scs_overlays_trampoline_lowered:
0x8: {  	[smem:$0x3FA7] =	sst s0  }
0x9: {  	[smem:$0x3FA8] =	sst s1  }
0xa: {  	[smem:$0x3FA9] =	sst s2  }
0xb: {  	[smem:$0x3FAA] =	sst s3  }
0xc: {  	[smem:$0x3FAB] =	sst s4  }
0xd: {  	[smem:$0x3FAC] =	sst s5  }
0xe: {  	[smem:$0x3FAD] =	sst s6  }
0xf: {  	[smem:$0x3FAE] =	sst s7  }
0x10: {  	[smem:$0x3FAF] =	sst s8  }
0x11: {  	[smem:$0x3FB0] =	sst s9;
	s0 =	simm.s32 @!p0 $0x0  }
0x12: {  	s1 =	sld [smem:$0x3F96];
	s0 =	simm.s32 @p0 $0x1  }
0x13: {  	[smem:$0x3FB1] =	sst s0;
	s0 =	simm.s32 @!p1 $0x0  }
0x14: {  	s2 =	sld [smem:$0x3F95];
	s0 =	simm.s32 @p1 $0x1  }
0x15: {  	[smem:$0x3FB2] =	sst s0;
	s0 =	simm.s32 @!p2 $0x0  }
0x16: {  	s3 =	sld [smem:$0x3FDB];
	s0 =	simm.s32 @p2 $0x1  }
0x17: {  	s4 =	simm.s32 $0x1BF5;
	[smem:$0x3FB4] =	sst s0  }
0x18: {  	s0 =	sld [smem:$0x3F97];
	_ =	swait.ge [sflag:s4], $0x0  }
0x19: {  	s7 =	sld [smem:$0x3F98]  }
0x1a: {  	s8 =	sadd.s32 $0xFFFFE003, lr  }
0x1b: {  	s9 =	sadd.s32 $0xFFFFFEF7, lr;
	s5 =	simm.s32 $0xFFFFFFFF;
	p2 =	slt.u32 s8, $0xFFFFF086  }
0x1c: {  	p1 =	slt.u32 s9, $0xF7A;
	s5 =	simm.s32 @!p2 $0x0  }
0x1d: {  	s5 =	simm.s32 @p1 $0x1;
	p0 =	seq.s32 s7, s2  }
0x1e: {  	s7 =	smul.u32 @!p0 $0xF7A, s2;
	p2 =	seq.s32 @!p0 s5, $0x0  }
0x1f: {  	s9 =	smul.u32 $0xF7A, s1;
	s8 =	simm.s32 @!p0 $0x1BF5;
	p2 =	por !p2, p0  }
0x20: {  	[sflag:s8] =	ssyncset.s32 @!p0 $0xFFFFF086;
	s6 =	sadd.s32 @!p0 s3, s7;
	s7 =	simm.s32 @!p0 $0x108  }
0x21: {  	s3 =	sadd.s32 s3, s9;
	s6 =	sadd.s32 @!p0 $0x88, s6;
	s7 =	simm.s32 @p2 $0x1082  }
0x22: {  	[simem:s7], [sflag:s8] =	dma.local @!p0 [hbm:s6], $0xF7A  }
0x23: {  	s9 =	sor.u32 $0xD0000000, s2;
	s6 =	simm.s32 $0x108;
	_ =	swait.ge @!p0 [sflag:s8], $0x0  }
0x24: {  	s3 =	sadd.s32 $0x88, s3;
	s6 =	simm.s32 @!p1 $0x1082;
	[sflag:s4] =	ssyncset.s32 $0xFFFFF086  }
0x25: {  	[simem:s6], [sflag:s4] =	dma.local [hbm:s3], $0xF7A  }
0x26: {  	[smem:$0x3F98] =	sst s1;
	(tag) =	ssettag s2;
	_ =	strace s9  }
0x27: {  	s1 =	sld [smem:$0x3FA8]  }
0x28: {  	s2 =	sld [smem:$0x3FA9]  }
0x29: {  	s4 =	sld [smem:$0x3FAB]  }
0x2a: {  	p0 =	seq.s32 s5, $0x0;
	s5 =	sld [smem:$0x3FAC]  }
0x2b: {  	s6 =	sld [smem:$0x3FAD]  }
0x2c: {  	s7 =	sld [smem:$0x3FAE]  }
0x2d: {  	s3 =	simm.s32 $0x108;
	s8 =	sld [smem:$0x3FAF]  }
0x2e: {  	s3 =	simm.s32 @!p0 $0x1082;
	s9 =	sld [smem:$0x3FB0]  }
0x2f: {  	lr =	sadd.s32 s0, s3;
	s0 =	sld [smem:$0x3FA7]  }
0x30: {  	s3 =	sld [smem:$0x3FAA]  }
0x31: {  	[smem:$0x3FB3] =	sst s10  }
0x32: {  	s10 =	sld [smem:$0x3FB1];
	_ =	sdelay $0x3  }
0x33: {  	p0 =	seq.s32 s10, $0x1;
	s10 =	sld [smem:$0x3FB3];
	_ =	sdelay $0x3  }
0x34: {  	[smem:$0x3FB3] =	sst s10  }
0x35: {  	s10 =	sld [smem:$0x3FB2];
	_ =	sdelay $0x3  }
0x36: {  	p1 =	seq.s32 s10, $0x1;
	s10 =	sld [smem:$0x3FB3];
	_ =	sdelay $0x3  }
0x37: {  	[smem:$0x3FB3] =	sst s10  }
0x38: {  	s10 =	sld [smem:$0x3FB4]  }
0x39: {  	_ = 	snop;
	(pc) =	sbr.ind lr, $3  }
0x3a: {  	_ = 	snop  }
0x3b: {  	_ = 	snop  }
0x3c: {  	p2 =	seq.s32 s10, $0x1;
	s10 =	sld [smem:$0x3FB3]  }
0x3d: {  	_ =	shalt  }
0x3e: {  	_ =	shalt  }
0x3f: {  	_ =	shalt  }
0x40: {  	_ =	shalt  }
0x41: {  	_ =	shalt  }
0x42: {  	_ =	shalt  }
0x43: {  	_ =	shalt  }
0x44: {  	_ =	shalt  }
0x45: {  	_ =	shalt  }
0x46: {  	_ =	shalt  }
0x47: {  	_ =	shalt  }
0x48: {  	_ =	shalt  }
0x49: {  	_ =	shalt  }
0x4a: {  	_ =	shalt  }
0x4b: {  	_ =	shalt  }
0x4c: {  	_ =	shalt  }
0x4d: {  	_ =	shalt  }
0x4e: {  	_ =	shalt  }
0x4f: {  	_ =	shalt  }
0x50: {  	_ =	shalt  }
0x51: {  	_ =	shalt  }
0x52: {  	_ =	shalt  }
0x53: {  	_ =	shalt  }
0x54: {  	_ =	shalt  }
0x55: {  	_ =	shalt  }
0x56: {  	_ =	shalt  }
0x57: {  	_ =	shalt  }
0x58: {  	_ =	shalt  }
0x59: {  	_ =	shalt  }
0x5a: {  	_ =	shalt  }
0x5b: {  	_ =	shalt  }
0x5c: {  	_ =	shalt  }
0x5d: {  	_ =	shalt  }
0x5e: {  	_ =	shalt  }
0x5f: {  	_ =	shalt  }
0x60: {  	_ =	shalt  }
0x61: {  	_ =	shalt  }
0x62: {  	_ =	shalt  }
0x63: {  	_ =	shalt  }
0x64: {  	_ =	shalt  }
0x65: {  	_ =	shalt  }
0x66: {  	_ =	shalt  }
0x67: {  	_ =	shalt  }
0x68: {  	_ =	shalt  }
0x69: {  	_ =	shalt  }
0x6a: {  	_ =	shalt  }
0x6b: {  	_ =	shalt  }
0x6c: {  	_ =	shalt  }
0x6d: {  	_ =	shalt  }
0x6e: {  	_ =	shalt  }
0x6f: {  	_ =	shalt  }
0x70: {  	_ =	shalt  }
0x71: {  	_ =	shalt  }
0x72: {  	_ =	shalt  }
0x73: {  	_ =	shalt  }
0x74: {  	_ =	shalt  }
0x75: {  	_ =	shalt  }
0x76: {  	_ =	shalt  }
0x77: {  	_ =	shalt  }
0x78: {  	_ =	shalt  }
0x79: {  	_ =	shalt  }
0x7a: {  	_ =	shalt  }
0x7b: {  	_ =	shalt  }
0x7c: {  	_ =	shalt  }
0x7d: {  	_ =	shalt  }
0x7e: {  	_ =	shalt  }
0x7f: {  	_ =	shalt  }
0x80: {  	_ =	shalt  }
0x81: {  	_ =	shalt  }
0x82: {  	_ =	shalt  }
0x83: {  	_ =	shalt  }
0x84: {  	_ =	shalt  }
0x85: {  	_ =	shalt  }
0x86: {  	_ =	shalt  }
0x87: {  	_ =	shalt  }
.Lfunc_end0:
.L_simem_size_0:
called_computation.3_lowered:
.L_overlay_start_0:
0x88: {  	s2 =	sld [smem:$0x3FD9]  }
0x89: {  	s3 =	sld [smem:$0x3FFE];
	_ =	sdelay $0x1  }
0x8a: {  	s1 =	srdreg.scid  }
0x8b: {  	s0 =	sand.u32 $0x1, s1  }
0x8c: {  	s16 =	sshll.u32 s0, $0xA;
	s2 =	sadd.s32 s3, s2  }
0x8d: {  	s2 =	sadd.s32 s2, s16  }
0x8e: {  	[smem:$0x3FBF] =	sst s2  }
0x8f: {  	_ = 	snop  }
0x90: {  	(tm) =	ssettm $0x1  }
0x91: {  	s17 =	sld [smem:$0x3FFB];
	_ =	sdelay $0x3  }
0x92: {  	_ =	strace s17  }
0x93: {  	s2 =	sld [smem:$0x3FFC];
	_ =	sdelay $0x3  }
0x94: {  	_ =	strace s2  }
0x95: {  	s2 =	sld [smem:$0x3FFD];
	_ =	sdelay $0x3  }
0x96: {  	_ =	strace s2  }
0x97: {  	_ =	strace $0x8FFFFFFF  }
0x98: {  	s18 =	sld [smem:$0x3FDB];
	_ =	sdelay $0x1  }
0x99: {  	s19 =	simm.s32 $_scs_section_size  }
0x9a: {  	s4 =	simm.s32 $_size__tile_overlayer_lowered;
	s5 =	simm.s32 $_tile_overlayer_lowered  }
0x9b: {  	s22 =	simm.s32 $0x1BFF;
	s21 =	sshll.u32 s5, $0x1;
	s2 =	sadd.s32 s19, s18  }
0x9c: {  	s6 =	simm.s32 $0x0;
	s20 =	sshll.u32 s4, $0x1;
	s4 =	sadd.s32 s21, s2  }
0x9d: {  	[timem:s6], [sflag:s22] =	dma.local [hbm:s4], s20  }
0x9e: {  	_ =	swait.ge [sflag:s22], s20  }
0x9f: {  	s3 =	ssub.s32 $0x0, s20;
	[sflag:s22] =	ssyncset.done $0x0  }
0xa0: {  	[sflag:s22] =	ssyncadd.s32 s3;
	_ =	sdelay $0x1  }
0xa1: {  	s23 =	simm.s32 $0x1B8B  }
0xa2: {  	_ =	swait.ge [sflag:s23], $0x1  }
0xa3: {  	[sflag:s23] =	ssyncset.done $0x0  }
0xa4: {  	s25 =	simm.s32 $0x1B8E;
	s24 =	sld [smem:$0x3FFE];
	[sflag:s23] =	ssyncadd.s32 $0xFFFFFFFF  }
0xa5: {  	s26 =	simm.s32 $execute0_lowered;
	[smem:$0x3FD2] =	sst s25  }
0xa6: {  	s4 =	sshll.u32 s26, $0x1;
	_ =	strace $0x8000004F;
	[dreg:$0x1] =	wrdreg $0xFFFFFFFF  }
0xa7: {  	s28 =	simm.s32 $_size_execute0_lowered;
	s2 =	sadd.s32 s2, s4;
	[dreg:$0x0] =	wrdreg $0x0  }
0xa8: {  	s4 =	sshll.u32 s28, $0x1;
	[dreg:$0x2] =	wrdreg s2  }
0xa9: {  	[dreg:$0x3] =	wrdreg s4  }
0xaa: {  	[dreg:$0x4] =	wrdreg $0xC0  }
0xab: {  	_ =	task [dreg:s6], $0x5FFFF  }
0xac: {  	[dreg:$0x1] =	wrdreg $0xFFFFFFFF  }
0xad: {  	[dreg:$0x0] =	wrdreg $0x60  }
0xae: {  	[dreg:$0x2] =	wrdreg s24  }
0xaf: {  	[dreg:$0x3] =	wrdreg $0x9  }
0xb0: {  	_ =	task.clear_ibuf [dreg:s6], $0x4FFFF;
	_ =	strace $0x9000004F  }
0xb1: {  	s29 =	simm.s32 $0x9;
	_ =	strace $0x80000051  }
0xb2: {  	_ =	swait.ge [sflag:s29], $0x1  }
0xb3: {  	[sflag:s29] =	ssyncadd.s32 $0xFFFFFFFF  }
0xb4: {  	_ =	strace $0x90000051  }
0xb5: {  	_ =	sfence  }
0xb6: {  	s30 =	sld [smem:$0x0];
	_ =	sdelay $0x2  }
0xb7: {  	s31 =	sshll.u32 s1, $0xD;
	s1 =	sshrl.u32 s1, $0x2  }
0xb8: {  	s3 =	sand.u32 $0x4000, s31;
	s1 =	sadd.s32 s1, s30  }
0xb9: {  	s0 =	sor.u32 s3, s0;
	s1 =	sshll.u32 s1, $0x11  }
0xba: {  	s0 =	sor.u32 s1, s0  }
0xbb: {  	s0 =	sadd.s32 $0x8F2B, s0  }
0xbc: {  	[sflag:s0] =	ssyncadd.remote.s32 $0x1  }
0xbd: {  	_ =	sfence.sel $0xFFFF  }
0xbe: {  	[dreg:$0x0] =	wrdreg $0xFFFFFFFF;
	(pc) =	sbr.abs _section_cstart, $3  }
0xbf: {  	[dreg:$0x1] =	wrdreg $0xFFFFFFFF  }
0xc0: {  	_ =	task.clear_ibuf [dreg:s6], $0x2FFFF;
	_ =	strace $0x9FFFFFFF  }
0xc1: {  	(tm) =	ssettm $0x7FFFFFFF  }
tec
execute0_lowered:
.L_overlay_start_1:
0x0: {  	(tag) =	ssettag $0x1  }
0x1: {  	s1 =	srdreg.scid  }
0x2: {  	s0 =	stileid.u32;
	s23 =	sand.u32 $0x1, s1  }
0x3: {  	s2 =	sshll.u32 s0, $0xA;
	s1 =	sshll.u32 s23, $0xE  }
0x4: {  	s22 =	rddreg [dreg:$0x0];
	s24 =	sor.u32 s2, s1  }
0x5: {  	s1 =	rddreg [dreg:$0x1];
	s2 =	simm.s32 $0x0;
	s3 =	sshrl.u32 s24, $0x3  }
0x6: {  	[smem:$0x7FF] =	sst s2;
	s3 =	sadd.s32 s3, s22  }
0x7: {  	_ =	strace $0x80000050;
	s4 =	sadd.s32 $0x1EB600, s3;
	s3 =	simm.s32 $0x2  }
0x8: {  	[tilespmem:s2], [sflag:$0x2] =	stream.linear.gather [hbm4b:s4+s2], $0x400, $0x38;
	[tilespmem:$0x8400] =	vst v63  }
0x9: {  	_ =	swait.ge [sflag:s3], $0x400  }
0xa: {  	s6 =	simm.s32 $0x80;
	[sflag:s3] =	ssyncset.done $0x0  }
0xb: {  	s7 =	simm.s32 $0x400;
	s5 =	sadd.s32 $0x2C00, s22;
	[sflag:s3] =	ssyncadd.s32 $0xFFFFFC00  }
0xc: {  	[tilespmem:s7], [sflag:$0x1] =	stream.indirect.gather [hbm4b:s5+s6], $0x20, s2, s6, $0xb8;
	[tilespmem:$0x8400] =	vst v63  }
0xd: {  	s8 =	simm.s32 $0x1400  }
0xe: {  	[tilespmem:s8], [sflag:$0x1] =	stream.indirect.gather [hbm4b:s5+s6], $0x20, s6, s6, $0xb8;
	[tilespmem:$0x8400] =	vst v63  }
0xf: {  	s9 =	simm.s32 $0x100;
	s10 =	simm.s32 $0x2400  }
0x10: {  	[tilespmem:s10], [sflag:$0x1] =	stream.indirect.gather [hbm4b:s5+s6], $0x20, s9, s6, $0xb8;
	[tilespmem:$0x8400] =	vst v63  }
0x11: {  	s11 =	simm.s32 $0x180;
	s12 =	simm.s32 $0x3400  }
0x12: {  	[tilespmem:s12], [sflag:$0x1] =	stream.indirect.gather [hbm4b:s5+s6], $0x20, s11, s6, $0xb8;
	[tilespmem:$0x8400] =	vst v63  }
0x13: {  	s13 =	simm.s32 $0x200;
	s14 =	simm.s32 $0x4400  }
0x14: {  	[tilespmem:s14], [sflag:$0x1] =	stream.indirect.gather [hbm4b:s5+s6], $0x20, s13, s6, $0xb8;
	[tilespmem:$0x8400] =	vst v63  }
0x15: {  	s15 =	simm.s32 $0x280;
	s16 =	simm.s32 $0x5400  }
0x16: {  	[tilespmem:s16], [sflag:$0x1] =	stream.indirect.gather [hbm4b:s5+s6], $0x20, s15, s6, $0xb8;
	[tilespmem:$0x8400] =	vst v63  }
0x17: {  	s17 =	simm.s32 $0x300;
	s18 =	simm.s32 $0x6400  }
0x18: {  	[tilespmem:s18], [sflag:$0x1] =	stream.indirect.gather [hbm4b:s5+s6], $0x20, s17, s6, $0xb8;
	[tilespmem:$0x8400] =	vst v63  }
0x19: {  	s19 =	simm.s32 $0x380;
	s20 =	simm.s32 $0x7400;
	s21 =	simm.s32 $0x1  }
0x1a: {  	[tilespmem:s20], [sflag:$0x1] =	stream.indirect.gather [hbm4b:s5+s6], $0x20, s19, s6, $0xb8;
	[tilespmem:$0x8400] =	vst v63  }
0x1b: {  	_ =	swait.ge [sflag:s21], $0x1000  }
0x1c: {  	[sflag:s21] =	ssyncset.done $0x0  }
0x1d: {  	[sflag:s21] =	ssyncadd.s32 $0xFFFFF000  }
0x1e: {  	_ =	swait.ge [sflag:s21], $0x1000  }
0x1f: {  	[sflag:s21] =	ssyncset.done $0x0  }
0x20: {  	[sflag:s21] =	ssyncadd.s32 $0xFFFFF000  }
0x21: {  	_ =	swait.ge [sflag:s21], $0x1000  }
0x22: {  	[sflag:s21] =	ssyncset.done $0x0  }
0x23: {  	[sflag:s21] =	ssyncadd.s32 $0xFFFFF000  }
0x24: {  	_ =	swait.ge [sflag:s21], $0x1000  }
0x25: {  	[sflag:s21] =	ssyncset.done $0x0  }
0x26: {  	[sflag:s21] =	ssyncadd.s32 $0xFFFFF000  }
0x27: {  	_ =	swait.ge [sflag:s21], $0x1000  }
0x28: {  	[sflag:s21] =	ssyncset.done $0x0  }
0x29: {  	[sflag:s21] =	ssyncadd.s32 $0xFFFFF000  }
0x2a: {  	_ =	swait.ge [sflag:s21], $0x1000  }
0x2b: {  	[sflag:s21] =	ssyncset.done $0x0  }
0x2c: {  	s23 =	ssub.s32 $0x2, s23;
	[sflag:s21] =	ssyncadd.s32 $0xFFFFF000  }
0x2d: {  	s25 =	sshrl.u32 s23, $0x1;
	_ =	swait.ge [sflag:s21], $0x1000  }
0x2e: {  	s23 =	ssub.s32 s23, s25;
	[sflag:s21] =	ssyncset.done $0x0  }
0x2f: {  	s23 =	smax.u32 s23, $0x1;
	[sflag:s21] =	ssyncadd.s32 $0xFFFFF000  }
0x30: {  	s24 =	sshll.u32 s24, $0x2;
	p0 =	sne.s32 s23, $0x1;
	_ =	swait.ge [sflag:s21], $0x1000  }
.Ltmp0:
0x31: {  	s22 =	sadd.s32 s24, s22;
	[sflag:s21] =	ssyncset.done $0x0;
	(pc) =	sbr.rel @!p0 .LBB2_2-.Ltmp0, $4  }
0x32: {  	s22 =	sadd.s32 $0x64800, s22;
	[sflag:s21] =	ssyncadd.s32 $0xFFFFF000  }
0x33: {  	[hbm4b:s22+s2] =	stream.linear.scatter [tilespmem:s7], [sflag:$0x2], $0x8000, $0x38;
	[tilespmem:$0x8400] =	vst v63  }
0x34: {  	_ =	swait.ge [sflag:s3], $0x8000  }
0x35: {  	s23 =	sadd.s32 $0xFFFFFFFF, s23;
	[sflag:s3] =	ssyncset.done $0x0  }
.LBB2_1:
0x36: {  	p0 =	sne.s32 s23, $0x1;
	s23 =	sadd.s32 $0xFFFFFFFF, s23;
	[sflag:s3] =	ssyncadd.s32 $0xFFFF8000  }
0x37: {  	[tilespmem:s2], [sflag:$0x2] =	stream.linear.gather [hbm4b:s4+s2], $0x400, $0x38;
	[tilespmem:$0x8400] =	vst v63  }
0x38: {  	_ =	swait.ge [sflag:s3], $0x400  }
0x39: {  	[sflag:s3] =	ssyncset.done $0x0  }
0x3a: {  	[sflag:s3] =	ssyncadd.s32 $0xFFFFFC00  }
0x3b: {  	[tilespmem:s7], [sflag:$0x1] =	stream.indirect.gather [hbm4b:s5+s6], $0x20, s2, s6, $0xb8;
	[tilespmem:$0x8400] =	vst v63  }
0x3c: {  	_ = 	snop  }
0x3d: {  	[tilespmem:s8], [sflag:$0x1] =	stream.indirect.gather [hbm4b:s5+s6], $0x20, s6, s6, $0xb8;
	[tilespmem:$0x8400] =	vst v63  }
0x3e: {  	_ = 	snop  }
0x3f: {  	[tilespmem:s10], [sflag:$0x1] =	stream.indirect.gather [hbm4b:s5+s6], $0x20, s9, s6, $0xb8;
	[tilespmem:$0x8400] =	vst v63  }
0x40: {  	_ = 	snop  }
0x41: {  	[tilespmem:s12], [sflag:$0x1] =	stream.indirect.gather [hbm4b:s5+s6], $0x20, s11, s6, $0xb8;
	[tilespmem:$0x8400] =	vst v63  }
0x42: {  	_ = 	snop  }
0x43: {  	[tilespmem:s14], [sflag:$0x1] =	stream.indirect.gather [hbm4b:s5+s6], $0x20, s13, s6, $0xb8;
	[tilespmem:$0x8400] =	vst v63  }
0x44: {  	_ = 	snop  }
0x45: {  	[tilespmem:s16], [sflag:$0x1] =	stream.indirect.gather [hbm4b:s5+s6], $0x20, s15, s6, $0xb8;
	[tilespmem:$0x8400] =	vst v63  }
0x46: {  	_ = 	snop  }
0x47: {  	[tilespmem:s18], [sflag:$0x1] =	stream.indirect.gather [hbm4b:s5+s6], $0x20, s17, s6, $0xb8;
	[tilespmem:$0x8400] =	vst v63  }
0x48: {  	_ = 	snop  }
0x49: {  	[tilespmem:s20], [sflag:$0x1] =	stream.indirect.gather [hbm4b:s5+s6], $0x20, s19, s6, $0xb8;
	[tilespmem:$0x8400] =	vst v63  }
0x4a: {  	_ =	swait.ge [sflag:s21], $0x1000  }
0x4b: {  	[sflag:s21] =	ssyncset.done $0x0  }
0x4c: {  	[sflag:s21] =	ssyncadd.s32 $0xFFFFF000  }
0x4d: {  	_ =	swait.ge [sflag:s21], $0x1000  }
0x4e: {  	[sflag:s21] =	ssyncset.done $0x0  }
0x4f: {  	[sflag:s21] =	ssyncadd.s32 $0xFFFFF000  }
0x50: {  	_ =	swait.ge [sflag:s21], $0x1000  }
0x51: {  	[sflag:s21] =	ssyncset.done $0x0  }
0x52: {  	[sflag:s21] =	ssyncadd.s32 $0xFFFFF000  }
0x53: {  	_ =	swait.ge [sflag:s21], $0x1000  }
0x54: {  	[sflag:s21] =	ssyncset.done $0x0  }
0x55: {  	[sflag:s21] =	ssyncadd.s32 $0xFFFFF000  }
0x56: {  	_ =	swait.ge [sflag:s21], $0x1000  }
0x57: {  	[sflag:s21] =	ssyncset.done $0x0  }
0x58: {  	[sflag:s21] =	ssyncadd.s32 $0xFFFFF000  }
0x59: {  	_ =	swait.ge [sflag:s21], $0x1000  }
0x5a: {  	[sflag:s21] =	ssyncset.done $0x0  }
0x5b: {  	[sflag:s21] =	ssyncadd.s32 $0xFFFFF000  }
0x5c: {  	_ =	swait.ge [sflag:s21], $0x1000  }
0x5d: {  	[sflag:s21] =	ssyncset.done $0x0  }
0x5e: {  	[sflag:s21] =	ssyncadd.s32 $0xFFFFF000  }
0x5f: {  	_ =	swait.ge [sflag:s21], $0x1000  }
.Ltmp1:
0x60: {  	[sflag:s21] =	ssyncset.done $0x0;
	(pc) =	sbr.rel @p0 .LBB2_1-.Ltmp1, $4  }
0x61: {  	[sflag:s21] =	ssyncadd.s32 $0xFFFFF000  }
0x62: {  	[hbm4b:s22+s2] =	stream.linear.scatter [tilespmem:s7], [sflag:$0x2], $0x8000, $0x38;
	[tilespmem:$0x8400] =	vst v63  }
0x63: {  	_ =	swait.ge [sflag:s3], $0x8000  }
0x64: {  	[sflag:s3] =	ssyncset.done $0x0  }
.LBB2_2:
0x65: {  	[sflag:s3] =	ssyncadd.s32 $0xFFFF8000  }
0x66: {  	_ =	sfence.sel $0x180000  }
0x67: {  	[bflag:$0x0] =	sbarrier.arrive $0xFFFF  }
0x68: {  	p0 =	sne.s32 s0, $0x0;
	_ =	strace $0x90000050  }
0x69: {  	s0 =	sadd.s32 @!p0 $0x100000, s1;
	[bflag:$0x2] =	sbarrier.arrive $0xFFFF  }
0x6a: {  	[sflag:s0] =	ssyncadd.tile.s32 @!p0 $0x1;
	_ =	shalt  }
.Lfunc_end2:
_tile_overlayer_lowered:
.L_overlay_start_2:
0x6b: {  	(tag) =	ssettag $0x2  }
0x6c: {  	s0 =	rddreg [dreg:$0x0];
	s2 =	stileid.u32  }
0x6d: {  	s1 =	rddreg [dreg:$0x1];
	p0 =	sne.s32 s2, $0x0  }
0x6e: {  	s3 =	rddreg [dreg:$0x2];
	[bflag:$0x3] =	sbarrier.arrive $0xFFFF;
	s2 =	simm.s32 @!p0 $0x1C02  }
0x6f: {  	[timem:s3], [sflag:s2] =	dma.local @!p0 [hbm:s0], s1  }
0x70: {  	s0 =	simm.s32 @!p0 $0x2  }
0x71: {  	_ =	swait.ge @!p0 [sflag:s0], s1  }
0x72: {  	s1 =	ssub.s32 @!p0 $0x0, s1;
	[sflag:s0] =	ssyncset.done @!p0 $0x0  }
0x73: {  	[sflag:s0] =	ssyncadd.s32 @!p0 s1  }
0x74: {  	[bflag:$0x3] =	sbarrier.arrive $0xFFFF  }
0x75: {  	_ =	shalt  }

</sc_bundles>
